<compile_context>
chip_gen: v7x
topology: tpu7x:2x2x1
jax: 0.10.2.dev20260603
libtpu: 0.0.44.dev20260713+nightly
codegen_flags: <defaults>
</compile_context>

<pallas_src>
import dataclasses
import functools

import jax
import jax.numpy as jnp
from jax import lax
from jax.experimental import pallas as pl
from jax.experimental.pallas import tpu as pltpu
from jax.experimental.pallas import tpu_sc as plsc

NC = 2
NS = 16
LANES = 16
CH = 128
GB = 16
ZR = 128


def _round_up(v, m):
    return (v + m - 1) // m * m


def _mesh():
    return plsc.VectorSubcoreMesh(core_axis_name="c", subcore_axis_name="s")


def _zero_rows(zbuf, ncols):
    zr = zbuf.shape[0]

    @pl.loop(0, zr)
    def _(r):
        @pl.loop(0, ncols // LANES)
        def _(cc):
            zbuf[r, pl.ds(cc * LANES, LANES)] = jnp.zeros((LANES,), jnp.float32)


def _zero_acc_slice(zbuf, acc, row0, nrows):
    zr = zbuf.shape[0]

    @pl.loop(0, nrows // zr)
    def _(k):
        pltpu.sync_copy(zbuf, acc.at[pl.ds(row0 + k * zr, zr)])


def _sc_deg(dst2, n, nchp, nch):
    npad = _round_up(n, 128)
    cpt = nchp // (NC * NS)
    ngroups = cpt // GB

    @functools.partial(
        pl.kernel,
        out_type=jax.ShapeDtypeStruct((NC * NS, npad), jnp.float32),
        mesh=_mesh(),
        scratch_types=[
            pltpu.VMEM((GB, CH), jnp.int32),
            pltpu.VMEM((npad,), jnp.float32),
        ],
        compiler_params=dataclasses.replace(
            pltpu.CompilerParams(), needs_layout_passes=False),
    )
    def k(dst_hbm, out_hbm, dstB, acc):
        c = lax.axis_index("c")
        s = lax.axis_index("s")
        wid = c * NS + s

        @pl.loop(0, npad // LANES)
        def _(r):
            acc[pl.ds(r * LANES, LANES)] = jnp.zeros((LANES,), jnp.float32)

        first_c = wid * cpt
        ones = jnp.ones((LANES,), jnp.float32)

        @pl.loop(0, ngroups)
        def _(g):
            base = first_c + g * GB

            @pl.when(base < nch)
            def _():
                pltpu.sync_copy(dst_hbm.at[pl.ds(base, GB)], dstB)
                for b in range(GB):
                    @pl.when(base + b < nch)
                    def _(b=b):
                        @pl.loop(0, CH // LANES)
                        def _(k2):
                            iv = dstB[b, pl.ds(k2 * LANES, LANES)]
                            plsc.addupdate_scatter(acc, [iv], ones)

        pltpu.sync_copy(acc, out_hbm.at[wid])

    return k(dst2)


def _sc_agg(table, srca, srcb, dst2, n, nchp, nch, feature_split):
    d = table.shape[1]
    npad = _round_up(n + CH, NS * ZR)
    rpt = npad // NS
    workers = NS if feature_split else NC * NS
    cpt = nchp // workers
    ngroups = cpt // GB

    @functools.partial(
        pl.kernel,
        out_type=jax.ShapeDtypeStruct((NC * npad, d), jnp.float32),
        mesh=_mesh(),
        scratch_types=[
            pltpu.VMEM((GB, CH), jnp.int32),
            pltpu.VMEM((GB, CH), jnp.int32),
            pltpu.VMEM((CH, d), jnp.float32),
            pltpu.VMEM((CH, d), jnp.float32),
            pltpu.VMEM_SHARED((npad, d), jnp.float32),
            pltpu.SemaphoreType.DMA,
            pltpu.SemaphoreType.DMA,
            pltpu.SemaphoreType.DMA,
            pltpu.SemaphoreType.DMA,
        ],
        compiler_params=dataclasses.replace(
            pltpu.CompilerParams(), needs_layout_passes=False),
    )
    def k(tab_hbm, srca_hbm, srcb_hbm, dst_hbm, out_hbm, srcB, dstB,
          rows0, rows1, acc, g0, g1, s0, s1):
        c = lax.axis_index("c")
        s = lax.axis_index("s")
        rows = (rows0, rows1)
        gsem = (g0, g1)
        ssem = (s0, s1)

        _zero_rows(rows0, d)
        _zero_acc_slice(rows0, acc, s * rpt, rpt)
        plsc.subcore_barrier()

        first_c = (s if feature_split else c * NS + s) * cpt

        def g_issue(base, b):
            @pl.when(base + b < nch)
            def _():
                pltpu.async_copy(tab_hbm.at[srcB.at[b]], rows[b % 2],
                                 gsem[b % 2])

        def g_wait_s_issue(base, b):
            @pl.when(base + b < nch)
            def _():
                pltpu.make_async_copy(tab_hbm.at[srcB.at[b]], rows[b % 2],
                                      gsem[b % 2]).wait()
                pltpu.async_copy(rows[b % 2], acc.at[dstB.at[b]],
                                 ssem[b % 2], add=True)

        def s_wait(base, b):
            @pl.when(base + b < nch)
            def _():
                pltpu.make_async_copy(rows[b % 2], acc.at[dstB.at[b]],
                                      ssem[b % 2]).wait()

        @pl.loop(0, ngroups)
        def _(g):
            base = first_c + g * GB

            @pl.when(base < nch)
            def _():
                @pl.when(c == 0)
                def _():
                    pltpu.sync_copy(srca_hbm.at[pl.ds(base, GB)], srcB)

                @pl.when(c == 1)
                def _():
                    pltpu.sync_copy(srcb_hbm.at[pl.ds(base, GB)], srcB)

                pltpu.sync_copy(dst_hbm.at[pl.ds(base, GB)], dstB)
                for b in range(GB):
                    if b >= 2:
                        s_wait(base, b - 2)
                    g_issue(base, b)
                    if b >= 1:
                        g_wait_s_issue(base, b - 1)
                g_wait_s_issue(base, GB - 1)
                s_wait(base, GB - 2)
                s_wait(base, GB - 1)

        plsc.subcore_barrier()
        pltpu.sync_copy(acc.at[pl.ds(s * rpt, rpt)],
                        out_hbm.at[pl.ds(c * npad + s * rpt, rpt)])

    return k(table, srca, srcb, dst2).reshape(NC, npad, d)


def _tc_z1(x, w, n, blk):
    grid = (n // blk,)

    def body(x_ref, w_ref, o_ref):
        o_ref[...] = jnp.dot(x_ref[...], w_ref[...],
                             preferred_element_type=jnp.float32)

    return pl.pallas_call(
        body,
        grid=grid,
        in_specs=[
            pl.BlockSpec((blk, x.shape[1]), lambda i: (i, 0)),
            pl.BlockSpec(w.shape, lambda i: (0, 0)),
        ],
        out_specs=pl.BlockSpec((blk, w.shape[1]), lambda i: (i, 0)),
        out_shape=jax.ShapeDtypeStruct((n, w.shape[1]), jnp.float32),
    )(x, w)


def _tc_dinv(hist, n):
    def body(h_ref, o_ref):
        deg = jnp.sum(h_ref[...], axis=0, keepdims=True) + 1.0
        dv = lax.transpose(lax.rsqrt(deg), (1, 0))
        o_ref[...] = dv[:n, :]

    return pl.pallas_call(
        body,
        out_shape=jax.ShapeDtypeStruct((n, 1), jnp.float32),
    )(hist)


def _tc_scale_split(z, dinv, n, blk):
    dh = z.shape[1]
    hd = dh // 2
    grid = (n // blk,)

    def body(z_ref, dv_ref, o_ref):
        zz = z_ref[...] * dv_ref[...]
        o_ref[0] = zz[:, :hd]
        o_ref[1] = zz[:, hd:]

    return pl.pallas_call(
        body,
        grid=grid,
        in_specs=[
            pl.BlockSpec((blk, dh), lambda i: (i, 0)),
            pl.BlockSpec((blk, 1), lambda i: (i, 0)),
        ],
        out_specs=pl.BlockSpec((2, blk, hd), lambda i: (0, i, 0)),
        out_shape=jax.ShapeDtypeStruct((2, n, hd), jnp.float32),
    )(z, dinv)


def _tc_mid(agg1, hsp1, dinv, b1, w2, n, blk):
    grid = (n // blk,)
    hd = agg1.shape[2]

    def body(a_ref, h_ref, dv_ref, b_ref, w_ref, h1_ref, h2p_ref):
        lo = a_ref[0] + h_ref[0]
        hi = a_ref[1] + h_ref[1]
        pre = jnp.concatenate([lo, hi], axis=1)
        h1 = jax.nn.relu(pre * dv_ref[...] + b_ref[...])
        h1_ref[...] = h1
        z2 = jnp.dot(h1, w_ref[...], preferred_element_type=jnp.float32)
        h2p_ref[...] = z2 * dv_ref[...]

    return pl.pallas_call(
        body,
        grid=grid,
        in_specs=[
            pl.BlockSpec((2, blk, hd), lambda i: (0, i, 0)),
            pl.BlockSpec((2, blk, hd), lambda i: (0, i, 0)),
            pl.BlockSpec((blk, 1), lambda i: (i, 0)),
            pl.BlockSpec((1, 2 * hd), lambda i: (0, 0)),
            pl.BlockSpec(w2.shape, lambda i: (0, 0)),
        ],
        out_specs=[
            pl.BlockSpec((blk, 2 * hd), lambda i: (i, 0)),
            pl.BlockSpec((blk, w2.shape[1]), lambda i: (i, 0)),
        ],
        out_shape=[
            jax.ShapeDtypeStruct((n, 2 * hd), jnp.float32),
            jax.ShapeDtypeStruct((n, w2.shape[1]), jnp.float32),
        ],
    )(agg1, hsp1, dinv, b1, w2)


def _tc_out(parts, h2p, dinv, b2, n, blk):
    grid = (n // blk,)
    do = h2p.shape[1]

    def body(p_ref, h_ref, dv_ref, b_ref, o_ref):
        agg = p_ref[0] + p_ref[1] + h_ref[...]
        o_ref[...] = agg * dv_ref[...] + b_ref[...]

    return pl.pallas_call(
        body,
        grid=grid,
        in_specs=[
            pl.BlockSpec((2, blk, do), lambda i: (0, i, 0)),
            pl.BlockSpec((blk, do), lambda i: (i, 0)),
            pl.BlockSpec((blk, 1), lambda i: (i, 0)),
            pl.BlockSpec((1, do), lambda i: (0, 0)),
        ],
        out_specs=pl.BlockSpec((blk, do), lambda i: (i, 0)),
        out_shape=jax.ShapeDtypeStruct((n, do), jnp.float32),
    )(parts, h2p, dinv, b2)


def kernel(x, edge_index, W1, b1, W2, b2):
    n = x.shape[0]
    e = edge_index.shape[1]
    blk = 1000

    nch = -(-e // CH)
    cpt_fs = _round_up(-(-nch // NS), GB)
    cpt_es = _round_up(-(-nch // (NC * NS)), GB)
    nchp = max(NS * cpt_fs, NC * NS * cpt_es)
    pad = nchp * CH - e
    src2 = jnp.pad(edge_index[0], (0, pad)).reshape(nchp, CH)
    dst2 = jnp.pad(edge_index[1], (0, pad)).reshape(nchp, CH)

    hist = _sc_deg(dst2, n, nchp, nch)
    z1 = _tc_z1(x, W1, n, blk)
    dinv = _tc_dinv(hist, n)
    hsp1 = _tc_scale_split(z1, dinv, n, blk)
    src2n = src2 + n
    agg1 = _sc_agg(hsp1.reshape(NC * n, -1), src2, src2n, dst2,
                   n, nchp, nch, True)
    h1, h2p = _tc_mid(agg1, hsp1, dinv, b1.reshape(1, -1), W2, n, blk)
    parts = _sc_agg(h2p, src2, src2, dst2, n, nchp, nch, False)
    h2 = _tc_out(parts, h2p, dinv, b2.reshape(1, -1), n, blk)
    return (h2, h1)

# --- scband reference (transcript-rebuilt; emitter-appended) ---
"""Pipeline reference for scband-simple-gcn-7095285973567 (READ-ONLY COPY).

The authoritative reference and input builder live on the scoring server;
editing this copy changes nothing except your own understanding.
"""

import jax, jax.numpy as jnp
import numpy as np

N = 10000
E = 320000
D_IN, D_H, D_OUT = 128, 256, 128


def gcn_conv(x, src, dst, W, b):
    # PyG GCNConv: add self-loops, symmetric normalization, sum aggregation, bias
    n = x.shape[0]
    loop = jnp.arange(n, dtype=src.dtype)
    s = jnp.concatenate([src, loop])
    d = jnp.concatenate([dst, loop])
    deg = jax.ops.segment_sum(jnp.ones_like(d, dtype=x.dtype), d, num_segments=n)
    dinv = jnp.where(deg > 0, 1.0 / jnp.sqrt(deg), 0.0)
    norm = dinv[s] * dinv[d]
    h = x @ W
    msg = h[s] * norm[:, None]
    out = jax.ops.segment_sum(msg, d, num_segments=n)
    return out + b


def setup_inputs(seed: int = 0) -> dict:
    key = jax.random.key(seed)
    ks = jax.random.split(key, 6)
    x = jax.random.normal(ks[0], (N, D_IN), dtype=jnp.float32)
    edge_index = jax.random.randint(ks[1], (2, E), 0, N, dtype=jnp.int32)
    W1 = jax.random.normal(ks[2], (D_IN, D_H), dtype=jnp.float32) * (1.0 / np.sqrt(D_IN))
    b1 = jnp.zeros((D_H,), dtype=jnp.float32)
    W2 = jax.random.normal(ks[3], (D_H, D_OUT), dtype=jnp.float32) * (1.0 / np.sqrt(D_H))
    b2 = jnp.zeros((D_OUT,), dtype=jnp.float32)
    return {"x": x, "edge_index": edge_index, "W1": W1, "b1": b1, "W2": W2, "b2": b2}


def reference(x, edge_index, W1, b1, W2, b2):
    src, dst = edge_index[0], edge_index[1]
    h1 = gcn_conv(x, src, dst, W1, b1)
    h1 = jax.nn.relu(h1)
    h2 = gcn_conv(h1, src, dst, W2, b2)
    return (h2, h1)

if __name__ == "__main__":
    import jax
    _d = setup_inputs()
    print(jax.jit(kernel)(*tuple(_d.values())))

</pallas_src>

<mosaic_0001>
#map = affine_map<(d0, d1) -> (0, 0)>
module attributes {stable_mosaic.version = 14 : i64} {
  func.func @k(%arg0: i32, %arg1: i32, %arg2: memref<2560x128xi32, #tpu.memory_space<hbm>>, %arg3: memref<32x10112xf32, #tpu.memory_space<hbm>>, %arg4: memref<16x128xi32, #tpu.memory_space<vmem>>, %arg5: memref<10112xf32, #tpu.memory_space<vmem>>) attributes {dimension_semantics = [#tpu.dimension_semantics<core_parallel>, #tpu.dimension_semantics<subcore_parallel>], iteration_bounds = array<i64: 2, 16>, scalar_prefetch = 0 : i64, scratch_operands = 2 : i64, tpu.core_type = #tpu.core_type<sc_vector_subcore>, window_params = [{transform_indices = #map}, {transform_indices = #map}]} {
    %mul3A = arith.constant 16 : i32
    %mul3A_0 = arith.muli %arg0, %mul3A : i32
    %add3A = arith.addi %mul3A_0, %arg1 : i32
    %scan3A = arith.constant 0 : i32
    %scan3A_1 = arith.constant 632 : i32
    %scan3A_2 = arith.addi %scan3A, %scan3A_1 : i32
    %scan3A_3 = arith.constant 1 : i32
    scf.for %scan3A_13 = %scan3A to %scan3A_2 step %scan3A_3  : i32 {
      %mul3A_14 = arith.constant 1 : i32
      %mul3A_15 = arith.muli %scan3A_13, %mul3A_14 : i32
      %add3A_16 = arith.constant 0 : i32
      %add3A_17 = arith.addi %add3A_16, %mul3A_15 : i32
      %broadcast_in_dim3A_18 = arith.constant 0.000000e+00 : f32
      %broadcast_in_dim3A_19 = vector.broadcast %broadcast_in_dim3A_18 : f32 to vector<16xf32>
      %mul3A_20 = arith.constant 16 : i32
      %mul3A_21 = arith.muli %add3A_17, %mul3A_20 : i32
      %swap3A = arith.index_cast %mul3A_21 : i32 to index
      %swap3A_22 = tpu.vector_load %arg5[%swap3A] {strides = array<i32>} : memref<10112xf32, #tpu.memory_space<vmem>>, vector<16xf32>,
      tpu.vector_store %arg5[%swap3A], %broadcast_in_dim3A_19 {strides = array<i32>} : memref<10112xf32, #tpu.memory_space<vmem>>, vector<16xf32>,
    }
    %scan3A_4 = arith.constant 632 : i32
    %mul3A_5 = arith.constant 80 : i32
    %mul3A_6 = arith.muli %add3A, %mul3A_5 : i32
    %broadcast_in_dim3A = arith.constant 1.000000e+00 : f32
    %broadcast_in_dim3A_7 = vector.broadcast %broadcast_in_dim3A : f32 to vector<16xf32>
    %scan3A_8 = arith.constant 0 : i32
    %scan3A_9 = arith.constant 5 : i32
    %scan3A_10 = arith.addi %scan3A_8, %scan3A_9 : i32
    %scan3A_11 = arith.constant 1 : i32
    scf.for %scan3A_13 = %scan3A_8 to %scan3A_10 step %scan3A_11  : i32 {
      %mul3A_14 = arith.constant 1 : i32
      %mul3A_15 = arith.muli %scan3A_13, %mul3A_14 : i32
      %add3A_16 = arith.constant 0 : i32
      %add3A_17 = arith.addi %add3A_16, %mul3A_15 : i32
      %mul3A_18 = arith.constant 16 : i32
      %mul3A_19 = arith.muli %add3A_17, %mul3A_18 : i32
      %add3A_20 = arith.addi %mul3A_6, %mul3A_19 : i32
      %lt3A = arith.constant 2500 : i32
      %lt3A_21 = arith.cmpi slt, %add3A_20, %lt3A : i32
      %convert_element_type3A = arith.extui %lt3A_21 : i1 to i32
      %cond3A = arith.constant 0 : i32
      %cond3A_22 = arith.cmpi ne, %convert_element_type3A, %cond3A : i32
      scf.if %cond3A_22 {
        "tpu.region"() ({
          %run_scoped3A = tpu.sem_alloc : memref<!tpu.dma_semaphore, #tpu.memory_space<semaphore_mem>>
          %dma_start3A = arith.constant 0 : i32
          %dma_start3A_135 = tpu.memref_slice %arg2[%add3A_20, %dma_start3A] : memref<2560x128xi32, #tpu.memory_space<hbm>> -> memref<16x128xi32, #tpu.memory_space<hbm>>
          %dma_start3A_136 = arith.constant 0 : i32
          %dma_start3A_137 = tpu.memref_slice %arg2[%add3A_20, %dma_start3A_136] : memref<2560x128xi32, #tpu.memory_space<hbm>> -> memref<16x128xi32, #tpu.memory_space<hbm>>
          tpu.enqueue_dma source(%dma_start3A_137 : memref<16x128xi32, #tpu.memory_space<hbm>>) target(%arg4 : memref<16x128xi32, #tpu.memory_space<vmem>>) target_semaphore(%run_scoped3A : memref<!tpu.dma_semaphore, #tpu.memory_space<semaphore_mem>>)
          %dma_wait3A = arith.constant 0 : i32
          %dma_wait3A_138 = tpu.memref_slice %arg2[%add3A_20, %dma_wait3A] : memref<2560x128xi32, #tpu.memory_space<hbm>> -> memref<16x128xi32, #tpu.memory_space<hbm>>
          %dma_wait3A_139 = arith.constant 0 : i32
          %dma_wait3A_140 = tpu.memref_slice %arg2[%add3A_20, %dma_wait3A_139] : memref<2560x128xi32, #tpu.memory_space<hbm>> -> memref<16x128xi32, #tpu.memory_space<hbm>>
          tpu.wait_dma2 semaphore(%run_scoped3A : memref<!tpu.dma_semaphore, #tpu.memory_space<semaphore_mem>>) src(%dma_wait3A_140 : memref<16x128xi32, #tpu.memory_space<hbm>>) dst(%arg4 : memref<16x128xi32, #tpu.memory_space<vmem>>)
          tpu.yield
        }) : () -> ()
        %add3A_23 = arith.constant 0 : i32
        %add3A_24 = arith.addi %add3A_20, %add3A_23 : i32
        %lt3A_25 = arith.constant 2500 : i32
        %lt3A_26 = arith.cmpi slt, %add3A_24, %lt3A_25 : i32
        %convert_element_type3A_27 = arith.extui %lt3A_26 : i1 to i32
        %cond3A_28 = arith.constant 0 : i32
        %cond3A_29 = arith.cmpi ne, %convert_element_type3A_27, %cond3A_28 : i32
        scf.if %cond3A_29 {
          %scan3A_135 = arith.constant 0 : i32
          %scan3A_136 = arith.constant 8 : i32
          %scan3A_137 = arith.addi %scan3A_135, %scan3A_136 : i32
          %scan3A_138 = arith.constant 1 : i32
          scf.for %scan3A_140 = %scan3A_135 to %scan3A_137 step %scan3A_138  : i32 {
            %mul3A_141 = arith.constant 1 : i32
            %mul3A_142 = arith.muli %scan3A_140, %mul3A_141 : i32
            %add3A_143 = arith.constant 0 : i32
            %add3A_144 = arith.addi %add3A_143, %mul3A_142 : i32
            %mul3A_145 = arith.constant 16 : i32
            %mul3A_146 = arith.muli %add3A_144, %mul3A_145 : i32
            %get3A = arith.constant 0 : i32
            %get3A_147 = arith.index_cast %get3A : i32 to index
            %get3A_148 = arith.index_cast %mul3A_146 : i32 to index
            %get3A_149 = tpu.vector_load %arg4[%get3A_147, %get3A_148] {strides = array<i32>} : memref<16x128xi32, #tpu.memory_space<vmem>>, vector<16xi32>,
            tpu.vector_store_idx %arg5[%get3A_149], %broadcast_in_dim3A_7 {add = true} : memref<10112xf32, #tpu.memory_space<vmem>>[vector<16xi32>], vector<16xf32>,
          }
          %scan3A_139 = arith.constant 8 : i32
        } else {
        }
        %add3A_30 = arith.constant 1 : i32
        %add3A_31 = arith.addi %add3A_20, %add3A_30 : i32
        %lt3A_32 = arith.constant 2500 : i32
        %lt3A_33 = arith.cmpi slt, %add3A_31, %lt3A_32 : i32
        %convert_element_type3A_34 = arith.extui %lt3A_33 : i1 to i32
        %cond3A_35 = arith.constant 0 : i32
        %cond3A_36 = arith.cmpi ne, %convert_element_type3A_34, %cond3A_35 : i32
        scf.if %cond3A_36 {
          %scan3A_135 = arith.constant 0 : i32
          %scan3A_136 = arith.constant 8 : i32
          %scan3A_137 = arith.addi %scan3A_135, %scan3A_136 : i32
          %scan3A_138 = arith.constant 1 : i32
          scf.for %scan3A_140 = %scan3A_135 to %scan3A_137 step %scan3A_138  : i32 {
            %mul3A_141 = arith.constant 1 : i32
            %mul3A_142 = arith.muli %scan3A_140, %mul3A_141 : i32
            %add3A_143 = arith.constant 0 : i32
            %add3A_144 = arith.addi %add3A_143, %mul3A_142 : i32
            %mul3A_145 = arith.constant 16 : i32
            %mul3A_146 = arith.muli %add3A_144, %mul3A_145 : i32
            %get3A = arith.constant 1 : i32
            %get3A_147 = arith.index_cast %get3A : i32 to index
            %get3A_148 = arith.index_cast %mul3A_146 : i32 to index
            %get3A_149 = tpu.vector_load %arg4[%get3A_147, %get3A_148] {strides = array<i32>} : memref<16x128xi32, #tpu.memory_space<vmem>>, vector<16xi32>,
            tpu.vector_store_idx %arg5[%get3A_149], %broadcast_in_dim3A_7 {add = true} : memref<10112xf32, #tpu.memory_space<vmem>>[vector<16xi32>], vector<16xf32>,
          }
          %scan3A_139 = arith.constant 8 : i32
        } else {
        }
        %add3A_37 = arith.constant 2 : i32
        %add3A_38 = arith.addi %add3A_20, %add3A_37 : i32
        %lt3A_39 = arith.constant 2500 : i32
        %lt3A_40 = arith.cmpi slt, %add3A_38, %lt3A_39 : i32
        %convert_element_type3A_41 = arith.extui %lt3A_40 : i1 to i32
        %cond3A_42 = arith.constant 0 : i32
        %cond3A_43 = arith.cmpi ne, %convert_element_type3A_41, %cond3A_42 : i32
        scf.if %cond3A_43 {
          %scan3A_135 = arith.constant 0 : i32
          %scan3A_136 = arith.constant 8 : i32
          %scan3A_137 = arith.addi %scan3A_135, %scan3A_136 : i32
          %scan3A_138 = arith.constant 1 : i32
          scf.for %scan3A_140 = %scan3A_135 to %scan3A_137 step %scan3A_138  : i32 {
            %mul3A_141 = arith.constant 1 : i32
            %mul3A_142 = arith.muli %scan3A_140, %mul3A_141 : i32
            %add3A_143 = arith.constant 0 : i32
            %add3A_144 = arith.addi %add3A_143, %mul3A_142 : i32
            %mul3A_145 = arith.constant 16 : i32
            %mul3A_146 = arith.muli %add3A_144, %mul3A_145 : i32
            %get3A = arith.constant 2 : i32
            %get3A_147 = arith.index_cast %get3A : i32 to index
            %get3A_148 = arith.index_cast %mul3A_146 : i32 to index
            %get3A_149 = tpu.vector_load %arg4[%get3A_147, %get3A_148] {strides = array<i32>} : memref<16x128xi32, #tpu.memory_space<vmem>>, vector<16xi32>,
            tpu.vector_store_idx %arg5[%get3A_149], %broadcast_in_dim3A_7 {add = true} : memref<10112xf32, #tpu.memory_space<vmem>>[vector<16xi32>], vector<16xf32>,
          }
          %scan3A_139 = arith.constant 8 : i32
        } else {
        }
        %add3A_44 = arith.constant 3 : i32
        %add3A_45 = arith.addi %add3A_20, %add3A_44 : i32
        %lt3A_46 = arith.constant 2500 : i32
        %lt3A_47 = arith.cmpi slt, %add3A_45, %lt3A_46 : i32
        %convert_element_type3A_48 = arith.extui %lt3A_47 : i1 to i32
        %cond3A_49 = arith.constant 0 : i32
        %cond3A_50 = arith.cmpi ne, %convert_element_type3A_48, %cond3A_49 : i32
        scf.if %cond3A_50 {
          %scan3A_135 = arith.constant 0 : i32
          %scan3A_136 = arith.constant 8 : i32
          %scan3A_137 = arith.addi %scan3A_135, %scan3A_136 : i32
          %scan3A_138 = arith.constant 1 : i32
          scf.for %scan3A_140 = %scan3A_135 to %scan3A_137 step %scan3A_138  : i32 {
            %mul3A_141 = arith.constant 1 : i32
            %mul3A_142 = arith.muli %scan3A_140, %mul3A_141 : i32
            %add3A_143 = arith.constant 0 : i32
            %add3A_144 = arith.addi %add3A_143, %mul3A_142 : i32
            %mul3A_145 = arith.constant 16 : i32
            %mul3A_146 = arith.muli %add3A_144, %mul3A_145 : i32
            %get3A = arith.constant 3 : i32
            %get3A_147 = arith.index_cast %get3A : i32 to index
            %get3A_148 = arith.index_cast %mul3A_146 : i32 to index
            %get3A_149 = tpu.vector_load %arg4[%get3A_147, %get3A_148] {strides = array<i32>} : memref<16x128xi32, #tpu.memory_space<vmem>>, vector<16xi32>,
            tpu.vector_store_idx %arg5[%get3A_149], %broadcast_in_dim3A_7 {add = true} : memref<10112xf32, #tpu.memory_space<vmem>>[vector<16xi32>], vector<16xf32>,
          }
          %scan3A_139 = arith.constant 8 : i32
        } else {
        }
        %add3A_51 = arith.constant 4 : i32
        %add3A_52 = arith.addi %add3A_20, %add3A_51 : i32
        %lt3A_53 = arith.constant 2500 : i32
        %lt3A_54 = arith.cmpi slt, %add3A_52, %lt3A_53 : i32
        %convert_element_type3A_55 = arith.extui %lt3A_54 : i1 to i32
        %cond3A_56 = arith.constant 0 : i32
        %cond3A_57 = arith.cmpi ne, %convert_element_type3A_55, %cond3A_56 : i32
        scf.if %cond3A_57 {
          %scan3A_135 = arith.constant 0 : i32
          %scan3A_136 = arith.constant 8 : i32
          %scan3A_137 = arith.addi %scan3A_135, %scan3A_136 : i32
          %scan3A_138 = arith.constant 1 : i32
          scf.for %scan3A_140 = %scan3A_135 to %scan3A_137 step %scan3A_138  : i32 {
            %mul3A_141 = arith.constant 1 : i32
            %mul3A_142 = arith.muli %scan3A_140, %mul3A_141 : i32
            %add3A_143 = arith.constant 0 : i32
            %add3A_144 = arith.addi %add3A_143, %mul3A_142 : i32
            %mul3A_145 = arith.constant 16 : i32
            %mul3A_146 = arith.muli %add3A_144, %mul3A_145 : i32
            %get3A = arith.constant 4 : i32
            %get3A_147 = arith.index_cast %get3A : i32 to index
            %get3A_148 = arith.index_cast %mul3A_146 : i32 to index
            %get3A_149 = tpu.vector_load %arg4[%get3A_147, %get3A_148] {strides = array<i32>} : memref<16x128xi32, #tpu.memory_space<vmem>>, vector<16xi32>,
            tpu.vector_store_idx %arg5[%get3A_149], %broadcast_in_dim3A_7 {add = true} : memref<10112xf32, #tpu.memory_space<vmem>>[vector<16xi32>], vector<16xf32>,
          }
          %scan3A_139 = arith.constant 8 : i32
        } else {
        }
        %add3A_58 = arith.constant 5 : i32
        %add3A_59 = arith.addi %add3A_20, %add3A_58 : i32
        %lt3A_60 = arith.constant 2500 : i32
        %lt3A_61 = arith.cmpi slt, %add3A_59, %lt3A_60 : i32
        %convert_element_type3A_62 = arith.extui %lt3A_61 : i1 to i32
        %cond3A_63 = arith.constant 0 : i32
        %cond3A_64 = arith.cmpi ne, %convert_element_type3A_62, %cond3A_63 : i32
        scf.if %cond3A_64 {
          %scan3A_135 = arith.constant 0 : i32
          %scan3A_136 = arith.constant 8 : i32
          %scan3A_137 = arith.addi %scan3A_135, %scan3A_136 : i32
          %scan3A_138 = arith.constant 1 : i32
          scf.for %scan3A_140 = %scan3A_135 to %scan3A_137 step %scan3A_138  : i32 {
            %mul3A_141 = arith.constant 1 : i32
            %mul3A_142 = arith.muli %scan3A_140, %mul3A_141 : i32
            %add3A_143 = arith.constant 0 : i32
            %add3A_144 = arith.addi %add3A_143, %mul3A_142 : i32
            %mul3A_145 = arith.constant 16 : i32
            %mul3A_146 = arith.muli %add3A_144, %mul3A_145 : i32
            %get3A = arith.constant 5 : i32
            %get3A_147 = arith.index_cast %get3A : i32 to index
            %get3A_148 = arith.index_cast %mul3A_146 : i32 to index
            %get3A_149 = tpu.vector_load %arg4[%get3A_147, %get3A_148] {strides = array<i32>} : memref<16x128xi32, #tpu.memory_space<vmem>>, vector<16xi32>,
            tpu.vector_store_idx %arg5[%get3A_149], %broadcast_in_dim3A_7 {add = true} : memref<10112xf32, #tpu.memory_space<vmem>>[vector<16xi32>], vector<16xf32>,
          }
          %scan3A_139 = arith.constant 8 : i32
        } else {
        }
        %add3A_65 = arith.constant 6 : i32
        %add3A_66 = arith.addi %add3A_20, %add3A_65 : i32
        %lt3A_67 = arith.constant 2500 : i32
        %lt3A_68 = arith.cmpi slt, %add3A_66, %lt3A_67 : i32
        %convert_element_type3A_69 = arith.extui %lt3A_68 : i1 to i32
        %cond3A_70 = arith.constant 0 : i32
        %cond3A_71 = arith.cmpi ne, %convert_element_type3A_69, %cond3A_70 : i32
        scf.if %cond3A_71 {
          %scan3A_135 = arith.constant 0 : i32
          %scan3A_136 = arith.constant 8 : i32
          %scan3A_137 = arith.addi %scan3A_135, %scan3A_136 : i32
          %scan3A_138 = arith.constant 1 : i32
          scf.for %scan3A_140 = %scan3A_135 to %scan3A_137 step %scan3A_138  : i32 {
            %mul3A_141 = arith.constant 1 : i32
            %mul3A_142 = arith.muli %scan3A_140, %mul3A_141 : i32
            %add3A_143 = arith.constant 0 : i32
            %add3A_144 = arith.addi %add3A_143, %mul3A_142 : i32
            %mul3A_145 = arith.constant 16 : i32
            %mul3A_146 = arith.muli %add3A_144, %mul3A_145 : i32
            %get3A = arith.constant 6 : i32
            %get3A_147 = arith.index_cast %get3A : i32 to index
            %get3A_148 = arith.index_cast %mul3A_146 : i32 to index
            %get3A_149 = tpu.vector_load %arg4[%get3A_147, %get3A_148] {strides = array<i32>} : memref<16x128xi32, #tpu.memory_space<vmem>>, vector<16xi32>,
            tpu.vector_store_idx %arg5[%get3A_149], %broadcast_in_dim3A_7 {add = true} : memref<10112xf32, #tpu.memory_space<vmem>>[vector<16xi32>], vector<16xf32>,
          }
          %scan3A_139 = arith.constant 8 : i32
        } else {
        }
        %add3A_72 = arith.constant 7 : i32
        %add3A_73 = arith.addi %add3A_20, %add3A_72 : i32
        %lt3A_74 = arith.constant 2500 : i32
        %lt3A_75 = arith.cmpi slt, %add3A_73, %lt3A_74 : i32
        %convert_element_type3A_76 = arith.extui %lt3A_75 : i1 to i32
        %cond3A_77 = arith.constant 0 : i32
        %cond3A_78 = arith.cmpi ne, %convert_element_type3A_76, %cond3A_77 : i32
        scf.if %cond3A_78 {
          %scan3A_135 = arith.constant 0 : i32
          %scan3A_136 = arith.constant 8 : i32
          %scan3A_137 = arith.addi %scan3A_135, %scan3A_136 : i32
          %scan3A_138 = arith.constant 1 : i32
          scf.for %scan3A_140 = %scan3A_135 to %scan3A_137 step %scan3A_138  : i32 {
            %mul3A_141 = arith.constant 1 : i32
            %mul3A_142 = arith.muli %scan3A_140, %mul3A_141 : i32
            %add3A_143 = arith.constant 0 : i32
            %add3A_144 = arith.addi %add3A_143, %mul3A_142 : i32
            %mul3A_145 = arith.constant 16 : i32
            %mul3A_146 = arith.muli %add3A_144, %mul3A_145 : i32
            %get3A = arith.constant 7 : i32
            %get3A_147 = arith.index_cast %get3A : i32 to index
            %get3A_148 = arith.index_cast %mul3A_146 : i32 to index
            %get3A_149 = tpu.vector_load %arg4[%get3A_147, %get3A_148] {strides = array<i32>} : memref<16x128xi32, #tpu.memory_space<vmem>>, vector<16xi32>,
            tpu.vector_store_idx %arg5[%get3A_149], %broadcast_in_dim3A_7 {add = true} : memref<10112xf32, #tpu.memory_space<vmem>>[vector<16xi32>], vector<16xf32>,
          }
          %scan3A_139 = arith.constant 8 : i32
        } else {
        }
        %add3A_79 = arith.constant 8 : i32
        %add3A_80 = arith.addi %add3A_20, %add3A_79 : i32
        %lt3A_81 = arith.constant 2500 : i32
        %lt3A_82 = arith.cmpi slt, %add3A_80, %lt3A_81 : i32
        %convert_element_type3A_83 = arith.extui %lt3A_82 : i1 to i32
        %cond3A_84 = arith.constant 0 : i32
        %cond3A_85 = arith.cmpi ne, %convert_element_type3A_83, %cond3A_84 : i32
        scf.if %cond3A_85 {
          %scan3A_135 = arith.constant 0 : i32
          %scan3A_136 = arith.constant 8 : i32
          %scan3A_137 = arith.addi %scan3A_135, %scan3A_136 : i32
          %scan3A_138 = arith.constant 1 : i32
          scf.for %scan3A_140 = %scan3A_135 to %scan3A_137 step %scan3A_138  : i32 {
            %mul3A_141 = arith.constant 1 : i32
            %mul3A_142 = arith.muli %scan3A_140, %mul3A_141 : i32
            %add3A_143 = arith.constant 0 : i32
            %add3A_144 = arith.addi %add3A_143, %mul3A_142 : i32
            %mul3A_145 = arith.constant 16 : i32
            %mul3A_146 = arith.muli %add3A_144, %mul3A_145 : i32
            %get3A = arith.constant 8 : i32
            %get3A_147 = arith.index_cast %get3A : i32 to index
            %get3A_148 = arith.index_cast %mul3A_146 : i32 to index
            %get3A_149 = tpu.vector_load %arg4[%get3A_147, %get3A_148] {strides = array<i32>} : memref<16x128xi32, #tpu.memory_space<vmem>>, vector<16xi32>,
            tpu.vector_store_idx %arg5[%get3A_149], %broadcast_in_dim3A_7 {add = true} : memref<10112xf32, #tpu.memory_space<vmem>>[vector<16xi32>], vector<16xf32>,
          }
          %scan3A_139 = arith.constant 8 : i32
        } else {
        }
        %add3A_86 = arith.constant 9 : i32
        %add3A_87 = arith.addi %add3A_20, %add3A_86 : i32
        %lt3A_88 = arith.constant 2500 : i32
        %lt3A_89 = arith.cmpi slt, %add3A_87, %lt3A_88 : i32
        %convert_element_type3A_90 = arith.extui %lt3A_89 : i1 to i32
        %cond3A_91 = arith.constant 0 : i32
        %cond3A_92 = arith.cmpi ne, %convert_element_type3A_90, %cond3A_91 : i32
        scf.if %cond3A_92 {
          %scan3A_135 = arith.constant 0 : i32
          %scan3A_136 = arith.constant 8 : i32
          %scan3A_137 = arith.addi %scan3A_135, %scan3A_136 : i32
          %scan3A_138 = arith.constant 1 : i32
          scf.for %scan3A_140 = %scan3A_135 to %scan3A_137 step %scan3A_138  : i32 {
            %mul3A_141 = arith.constant 1 : i32
            %mul3A_142 = arith.muli %scan3A_140, %mul3A_141 : i32
            %add3A_143 = arith.constant 0 : i32
            %add3A_144 = arith.addi %add3A_143, %mul3A_142 : i32
            %mul3A_145 = arith.constant 16 : i32
            %mul3A_146 = arith.muli %add3A_144, %mul3A_145 : i32
            %get3A = arith.constant 9 : i32
            %get3A_147 = arith.index_cast %get3A : i32 to index
            %get3A_148 = arith.index_cast %mul3A_146 : i32 to index
            %get3A_149 = tpu.vector_load %arg4[%get3A_147, %get3A_148] {strides = array<i32>} : memref<16x128xi32, #tpu.memory_space<vmem>>, vector<16xi32>,
            tpu.vector_store_idx %arg5[%get3A_149], %broadcast_in_dim3A_7 {add = true} : memref<10112xf32, #tpu.memory_space<vmem>>[vector<16xi32>], vector<16xf32>,
          }
          %scan3A_139 = arith.constant 8 : i32
        } else {
        }
        %add3A_93 = arith.constant 10 : i32
        %add3A_94 = arith.addi %add3A_20, %add3A_93 : i32
        %lt3A_95 = arith.constant 2500 : i32
        %lt3A_96 = arith.cmpi slt, %add3A_94, %lt3A_95 : i32
        %convert_element_type3A_97 = arith.extui %lt3A_96 : i1 to i32
        %cond3A_98 = arith.constant 0 : i32
        %cond3A_99 = arith.cmpi ne, %convert_element_type3A_97, %cond3A_98 : i32
        scf.if %cond3A_99 {
          %scan3A_135 = arith.constant 0 : i32
          %scan3A_136 = arith.constant 8 : i32
          %scan3A_137 = arith.addi %scan3A_135, %scan3A_136 : i32
          %scan3A_138 = arith.constant 1 : i32
          scf.for %scan3A_140 = %scan3A_135 to %scan3A_137 step %scan3A_138  : i32 {
            %mul3A_141 = arith.constant 1 : i32
            %mul3A_142 = arith.muli %scan3A_140, %mul3A_141 : i32
            %add3A_143 = arith.constant 0 : i32
            %add3A_144 = arith.addi %add3A_143, %mul3A_142 : i32
            %mul3A_145 = arith.constant 16 : i32
            %mul3A_146 = arith.muli %add3A_144, %mul3A_145 : i32
            %get3A = arith.constant 10 : i32
            %get3A_147 = arith.index_cast %get3A : i32 to index
            %get3A_148 = arith.index_cast %mul3A_146 : i32 to index
            %get3A_149 = tpu.vector_load %arg4[%get3A_147, %get3A_148] {strides = array<i32>} : memref<16x128xi32, #tpu.memory_space<vmem>>, vector<16xi32>,
            tpu.vector_store_idx %arg5[%get3A_149], %broadcast_in_dim3A_7 {add = true} : memref<10112xf32, #tpu.memory_space<vmem>>[vector<16xi32>], vector<16xf32>,
          }
          %scan3A_139 = arith.constant 8 : i32
        } else {
        }
        %add3A_100 = arith.constant 11 : i32
        %add3A_101 = arith.addi %add3A_20, %add3A_100 : i32
        %lt3A_102 = arith.constant 2500 : i32
        %lt3A_103 = arith.cmpi slt, %add3A_101, %lt3A_102 : i32
        %convert_element_type3A_104 = arith.extui %lt3A_103 : i1 to i32
        %cond3A_105 = arith.constant 0 : i32
        %cond3A_106 = arith.cmpi ne, %convert_element_type3A_104, %cond3A_105 : i32
        scf.if %cond3A_106 {
          %scan3A_135 = arith.constant 0 : i32
          %scan3A_136 = arith.constant 8 : i32
          %scan3A_137 = arith.addi %scan3A_135, %scan3A_136 : i32
          %scan3A_138 = arith.constant 1 : i32
          scf.for %scan3A_140 = %scan3A_135 to %scan3A_137 step %scan3A_138  : i32 {
            %mul3A_141 = arith.constant 1 : i32
            %mul3A_142 = arith.muli %scan3A_140, %mul3A_141 : i32
            %add3A_143 = arith.constant 0 : i32
            %add3A_144 = arith.addi %add3A_143, %mul3A_142 : i32
            %mul3A_145 = arith.constant 16 : i32
            %mul3A_146 = arith.muli %add3A_144, %mul3A_145 : i32
            %get3A = arith.constant 11 : i32
            %get3A_147 = arith.index_cast %get3A : i32 to index
            %get3A_148 = arith.index_cast %mul3A_146 : i32 to index
            %get3A_149 = tpu.vector_load %arg4[%get3A_147, %get3A_148] {strides = array<i32>} : memref<16x128xi32, #tpu.memory_space<vmem>>, vector<16xi32>,
            tpu.vector_store_idx %arg5[%get3A_149], %broadcast_in_dim3A_7 {add = true} : memref<10112xf32, #tpu.memory_space<vmem>>[vector<16xi32>], vector<16xf32>,
          }
          %scan3A_139 = arith.constant 8 : i32
        } else {
        }
        %add3A_107 = arith.constant 12 : i32
        %add3A_108 = arith.addi %add3A_20, %add3A_107 : i32
        %lt3A_109 = arith.constant 2500 : i32
        %lt3A_110 = arith.cmpi slt, %add3A_108, %lt3A_109 : i32
        %convert_element_type3A_111 = arith.extui %lt3A_110 : i1 to i32
        %cond3A_112 = arith.constant 0 : i32
        %cond3A_113 = arith.cmpi ne, %convert_element_type3A_111, %cond3A_112 : i32
        scf.if %cond3A_113 {
          %scan3A_135 = arith.constant 0 : i32
          %scan3A_136 = arith.constant 8 : i32
          %scan3A_137 = arith.addi %scan3A_135, %scan3A_136 : i32
          %scan3A_138 = arith.constant 1 : i32
          scf.for %scan3A_140 = %scan3A_135 to %scan3A_137 step %scan3A_138  : i32 {
            %mul3A_141 = arith.constant 1 : i32
            %mul3A_142 = arith.muli %scan3A_140, %mul3A_141 : i32
            %add3A_143 = arith.constant 0 : i32
            %add3A_144 = arith.addi %add3A_143, %mul3A_142 : i32
            %mul3A_145 = arith.constant 16 : i32
            %mul3A_146 = arith.muli %add3A_144, %mul3A_145 : i32
            %get3A = arith.constant 12 : i32
            %get3A_147 = arith.index_cast %get3A : i32 to index
            %get3A_148 = arith.index_cast %mul3A_146 : i32 to index
            %get3A_149 = tpu.vector_load %arg4[%get3A_147, %get3A_148] {strides = array<i32>} : memref<16x128xi32, #tpu.memory_space<vmem>>, vector<16xi32>,
            tpu.vector_store_idx %arg5[%get3A_149], %broadcast_in_dim3A_7 {add = true} : memref<10112xf32, #tpu.memory_space<vmem>>[vector<16xi32>], vector<16xf32>,
          }
          %scan3A_139 = arith.constant 8 : i32
        } else {
        }
        %add3A_114 = arith.constant 13 : i32
        %add3A_115 = arith.addi %add3A_20, %add3A_114 : i32
        %lt3A_116 = arith.constant 2500 : i32
        %lt3A_117 = arith.cmpi slt, %add3A_115, %lt3A_116 : i32
        %convert_element_type3A_118 = arith.extui %lt3A_117 : i1 to i32
        %cond3A_119 = arith.constant 0 : i32
        %cond3A_120 = arith.cmpi ne, %convert_element_type3A_118, %cond3A_119 : i32
        scf.if %cond3A_120 {
          %scan3A_135 = arith.constant 0 : i32
          %scan3A_136 = arith.constant 8 : i32
          %scan3A_137 = arith.addi %scan3A_135, %scan3A_136 : i32
          %scan3A_138 = arith.constant 1 : i32
          scf.for %scan3A_140 = %scan3A_135 to %scan3A_137 step %scan3A_138  : i32 {
            %mul3A_141 = arith.constant 1 : i32
            %mul3A_142 = arith.muli %scan3A_140, %mul3A_141 : i32
            %add3A_143 = arith.constant 0 : i32
            %add3A_144 = arith.addi %add3A_143, %mul3A_142 : i32
            %mul3A_145 = arith.constant 16 : i32
            %mul3A_146 = arith.muli %add3A_144, %mul3A_145 : i32
            %get3A = arith.constant 13 : i32
            %get3A_147 = arith.index_cast %get3A : i32 to index
            %get3A_148 = arith.index_cast %mul3A_146 : i32 to index
            %get3A_149 = tpu.vector_load %arg4[%get3A_147, %get3A_148] {strides = array<i32>} : memref<16x128xi32, #tpu.memory_space<vmem>>, vector<16xi32>,
            tpu.vector_store_idx %arg5[%get3A_149], %broadcast_in_dim3A_7 {add = true} : memref<10112xf32, #tpu.memory_space<vmem>>[vector<16xi32>], vector<16xf32>,
          }
          %scan3A_139 = arith.constant 8 : i32
        } else {
        }
        %add3A_121 = arith.constant 14 : i32
        %add3A_122 = arith.addi %add3A_20, %add3A_121 : i32
        %lt3A_123 = arith.constant 2500 : i32
        %lt3A_124 = arith.cmpi slt, %add3A_122, %lt3A_123 : i32
        %convert_element_type3A_125 = arith.extui %lt3A_124 : i1 to i32
        %cond3A_126 = arith.constant 0 : i32
        %cond3A_127 = arith.cmpi ne, %convert_element_type3A_125, %cond3A_126 : i32
        scf.if %cond3A_127 {
          %scan3A_135 = arith.constant 0 : i32
          %scan3A_136 = arith.constant 8 : i32
          %scan3A_137 = arith.addi %scan3A_135, %scan3A_136 : i32
          %scan3A_138 = arith.constant 1 : i32
          scf.for %scan3A_140 = %scan3A_135 to %scan3A_137 step %scan3A_138  : i32 {
            %mul3A_141 = arith.constant 1 : i32
            %mul3A_142 = arith.muli %scan3A_140, %mul3A_141 : i32
            %add3A_143 = arith.constant 0 : i32
            %add3A_144 = arith.addi %add3A_143, %mul3A_142 : i32
            %mul3A_145 = arith.constant 16 : i32
            %mul3A_146 = arith.muli %add3A_144, %mul3A_145 : i32
            %get3A = arith.constant 14 : i32
            %get3A_147 = arith.index_cast %get3A : i32 to index
            %get3A_148 = arith.index_cast %mul3A_146 : i32 to index
            %get3A_149 = tpu.vector_load %arg4[%get3A_147, %get3A_148] {strides = array<i32>} : memref<16x128xi32, #tpu.memory_space<vmem>>, vector<16xi32>,
            tpu.vector_store_idx %arg5[%get3A_149], %broadcast_in_dim3A_7 {add = true} : memref<10112xf32, #tpu.memory_space<vmem>>[vector<16xi32>], vector<16xf32>,
          }
          %scan3A_139 = arith.constant 8 : i32
        } else {
        }
        %add3A_128 = arith.constant 15 : i32
        %add3A_129 = arith.addi %add3A_20, %add3A_128 : i32
        %lt3A_130 = arith.constant 2500 : i32
        %lt3A_131 = arith.cmpi slt, %add3A_129, %lt3A_130 : i32
        %convert_element_type3A_132 = arith.extui %lt3A_131 : i1 to i32
        %cond3A_133 = arith.constant 0 : i32
        %cond3A_134 = arith.cmpi ne, %convert_element_type3A_132, %cond3A_133 : i32
        scf.if %cond3A_134 {
          %scan3A_135 = arith.constant 0 : i32
          %scan3A_136 = arith.constant 8 : i32
          %scan3A_137 = arith.addi %scan3A_135, %scan3A_136 : i32
          %scan3A_138 = arith.constant 1 : i32
          scf.for %scan3A_140 = %scan3A_135 to %scan3A_137 step %scan3A_138  : i32 {
            %mul3A_141 = arith.constant 1 : i32
            %mul3A_142 = arith.muli %scan3A_140, %mul3A_141 : i32
            %add3A_143 = arith.constant 0 : i32
            %add3A_144 = arith.addi %add3A_143, %mul3A_142 : i32
            %mul3A_145 = arith.constant 16 : i32
            %mul3A_146 = arith.muli %add3A_144, %mul3A_145 : i32
            %get3A = arith.constant 15 : i32
            %get3A_147 = arith.index_cast %get3A : i32 to index
            %get3A_148 = arith.index_cast %mul3A_146 : i32 to index
            %get3A_149 = tpu.vector_load %arg4[%get3A_147, %get3A_148] {strides = array<i32>} : memref<16x128xi32, #tpu.memory_space<vmem>>, vector<16xi32>,
            tpu.vector_store_idx %arg5[%get3A_149], %broadcast_in_dim3A_7 {add = true} : memref<10112xf32, #tpu.memory_space<vmem>>[vector<16xi32>], vector<16xf32>,
          }
          %scan3A_139 = arith.constant 8 : i32
        } else {
        }
      } else {
      }
    }
    %scan3A_12 = arith.constant 5 : i32
    "tpu.region"() ({
      %run_scoped3A = tpu.sem_alloc : memref<!tpu.dma_semaphore, #tpu.memory_space<semaphore_mem>>
      %dma_start3A = arith.constant 0 : i32
      %dma_start3A_13 = tpu.memref_slice %arg3[%add3A, %dma_start3A] : memref<32x10112xf32, #tpu.memory_space<hbm>> -> memref<1x10112xf32, #tpu.memory_space<hbm>>
      %dma_start3A_14 = tpu.memref_squeeze %dma_start3A_13 : memref<1x10112xf32, #tpu.memory_space<hbm>> -> memref<10112xf32, #tpu.memory_space<hbm>>
      %dma_start3A_15 = arith.constant 0 : i32
      %dma_start3A_16 = tpu.memref_slice %arg3[%add3A, %dma_start3A_15] : memref<32x10112xf32, #tpu.memory_space<hbm>> -> memref<1x10112xf32, #tpu.memory_space<hbm>>
      %dma_start3A_17 = tpu.memref_squeeze %dma_start3A_16 : memref<1x10112xf32, #tpu.memory_space<hbm>> -> memref<10112xf32, #tpu.memory_space<hbm>>
      tpu.enqueue_dma source(%arg5 : memref<10112xf32, #tpu.memory_space<vmem>>) target(%dma_start3A_17 : memref<10112xf32, #tpu.memory_space<hbm>>) target_semaphore(%run_scoped3A : memref<!tpu.dma_semaphore, #tpu.memory_space<semaphore_mem>>)
      %dma_wait3A = arith.constant 0 : i32
      %dma_wait3A_18 = tpu.memref_slice %arg3[%add3A, %dma_wait3A] : memref<32x10112xf32, #tpu.memory_space<hbm>> -> memref<1x10112xf32, #tpu.memory_space<hbm>>
      %dma_wait3A_19 = tpu.memref_squeeze %dma_wait3A_18 : memref<1x10112xf32, #tpu.memory_space<hbm>> -> memref<10112xf32, #tpu.memory_space<hbm>>
      %dma_wait3A_20 = arith.constant 0 : i32
      %dma_wait3A_21 = tpu.memref_slice %arg3[%add3A, %dma_wait3A_20] : memref<32x10112xf32, #tpu.memory_space<hbm>> -> memref<1x10112xf32, #tpu.memory_space<hbm>>
      %dma_wait3A_22 = tpu.memref_squeeze %dma_wait3A_21 : memref<1x10112xf32, #tpu.memory_space<hbm>> -> memref<10112xf32, #tpu.memory_space<hbm>>
      tpu.wait_dma2 semaphore(%run_scoped3A : memref<!tpu.dma_semaphore, #tpu.memory_space<semaphore_mem>>) src(%arg5 : memref<10112xf32, #tpu.memory_space<vmem>>) dst(%dma_wait3A_22 : memref<10112xf32, #tpu.memory_space<hbm>>)
      tpu.yield
    }) : () -> ()
    return
  }
}

#map = affine_map<(d0, d1) -> (0, 0)>
module attributes {stable_mosaic.version = 14 : i64} {
  func.func @k(%arg0: i32, %arg1: i32, %arg2: memref<20000x128xf32, #tpu.memory_space<hbm>>, %arg3: memref<2560x128xi32, #tpu.memory_space<hbm>>, %arg4: memref<2560x128xi32, #tpu.memory_space<hbm>>, %arg5: memref<2560x128xi32, #tpu.memory_space<hbm>>, %arg6: memref<20480x128xf32, #tpu.memory_space<hbm>>, %arg7: memref<16x128xi32, #tpu.memory_space<vmem>>, %arg8: memref<16x128xi32, #tpu.memory_space<vmem>>, %arg9: memref<128x128xf32, #tpu.memory_space<vmem>>, %arg10: memref<128x128xf32, #tpu.memory_space<vmem>>, %arg11: memref<10240x128xf32, #tpu.memory_space<vmem_shared>>, %arg12: memref<!tpu.dma_semaphore, #tpu.memory_space<semaphore_mem>>, %arg13: memref<!tpu.dma_semaphore, #tpu.memory_space<semaphore_mem>>, %arg14: memref<!tpu.dma_semaphore, #tpu.memory_space<semaphore_mem>>, %arg15: memref<!tpu.dma_semaphore, #tpu.memory_space<semaphore_mem>>) attributes {dimension_semantics = [#tpu.dimension_semantics<core_parallel>, #tpu.dimension_semantics<subcore_parallel>], iteration_bounds = array<i64: 2, 16>, scalar_prefetch = 0 : i64, scratch_operands = 9 : i64, tpu.core_type = #tpu.core_type<sc_vector_subcore>, window_params = [{transform_indices = #map}, {transform_indices = #map}, {transform_indices = #map}, {transform_indices = #map}, {transform_indices = #map}]} {
    %scan3A = arith.constant 0 : i32
    %scan3A_0 = arith.constant 128 : i32
    %scan3A_1 = arith.addi %scan3A, %scan3A_0 : i32
    %scan3A_2 = arith.constant 1 : i32
    scf.for %scan3A_24 = %scan3A to %scan3A_1 step %scan3A_2  : i32 {
      %mul3A_25 = arith.constant 1 : i32
      %mul3A_26 = arith.muli %scan3A_24, %mul3A_25 : i32
      %add3A_27 = arith.constant 0 : i32
      %add3A_28 = arith.addi %add3A_27, %mul3A_26 : i32
      %scan3A_29 = arith.constant 0 : i32
      %scan3A_30 = arith.constant 8 : i32
      %scan3A_31 = arith.addi %scan3A_29, %scan3A_30 : i32
      %scan3A_32 = arith.constant 1 : i32
      scf.for %scan3A_34 = %scan3A_29 to %scan3A_31 step %scan3A_32  : i32 {
        %mul3A_35 = arith.constant 1 : i32
        %mul3A_36 = arith.muli %scan3A_34, %mul3A_35 : i32
        %add3A_37 = arith.constant 0 : i32
        %add3A_38 = arith.addi %add3A_37, %mul3A_36 : i32
        %broadcast_in_dim3A = arith.constant 0.000000e+00 : f32
        %broadcast_in_dim3A_39 = vector.broadcast %broadcast_in_dim3A : f32 to vector<16xf32>
        %mul3A_40 = arith.constant 16 : i32
        %mul3A_41 = arith.muli %add3A_38, %mul3A_40 : i32
        %swap3A = arith.index_cast %add3A_28 : i32 to index
        %swap3A_42 = arith.index_cast %mul3A_41 : i32 to index
        %swap3A_43 = tpu.vector_load %arg9[%swap3A, %swap3A_42] {strides = array<i32>} : memref<128x128xf32, #tpu.memory_space<vmem>>, vector<16xf32>,
        tpu.vector_store %arg9[%swap3A, %swap3A_42], %broadcast_in_dim3A_39 {strides = array<i32>} : memref<128x128xf32, #tpu.memory_space<vmem>>, vector<16xf32>,
      }
      %scan3A_33 = arith.constant 8 : i32
    }
    %scan3A_3 = arith.constant 128 : i32
    %mul3A = arith.constant 640 : i32
    %mul3A_4 = arith.muli %arg1, %mul3A : i32
    %scan3A_5 = arith.constant 0 : i32
    %scan3A_6 = arith.constant 5 : i32
    %scan3A_7 = arith.addi %scan3A_5, %scan3A_6 : i32
    %scan3A_8 = arith.constant 1 : i32
    scf.for %scan3A_24 = %scan3A_5 to %scan3A_7 step %scan3A_8  : i32 {
      %mul3A_25 = arith.constant 1 : i32
      %mul3A_26 = arith.muli %scan3A_24, %mul3A_25 : i32
      %add3A_27 = arith.constant 0 : i32
      %add3A_28 = arith.addi %add3A_27, %mul3A_26 : i32
      %mul3A_29 = arith.constant 128 : i32
      %mul3A_30 = arith.muli %add3A_28, %mul3A_29 : i32
      %add3A_31 = arith.addi %mul3A_4, %mul3A_30 : i32
      "tpu.region"() ({
        %run_scoped3A = tpu.sem_alloc : memref<!tpu.dma_semaphore, #tpu.memory_space<semaphore_mem>>
        %dma_start3A = arith.constant 0 : i32
        %dma_start3A_32 = tpu.memref_slice %arg11[%add3A_31, %dma_start3A] : memref<10240x128xf32, #tpu.memory_space<vmem_shared>> -> memref<128x128xf32, #tpu.memory_space<vmem_shared>>
        %dma_start3A_33 = arith.constant 0 : i32
        %dma_start3A_34 = tpu.memref_slice %arg11[%add3A_31, %dma_start3A_33] : memref<10240x128xf32, #tpu.memory_space<vmem_shared>> -> memref<128x128xf32, #tpu.memory_space<vmem_shared>>
        tpu.enqueue_dma source(%arg9 : memref<128x128xf32, #tpu.memory_space<vmem>>) target(%dma_start3A_34 : memref<128x128xf32, #tpu.memory_space<vmem_shared>>) target_semaphore(%run_scoped3A : memref<!tpu.dma_semaphore, #tpu.memory_space<semaphore_mem>>)
        %dma_wait3A = arith.constant 0 : i32
        %dma_wait3A_35 = tpu.memref_slice %arg11[%add3A_31, %dma_wait3A] : memref<10240x128xf32, #tpu.memory_space<vmem_shared>> -> memref<128x128xf32, #tpu.memory_space<vmem_shared>>
        %dma_wait3A_36 = arith.constant 0 : i32
        %dma_wait3A_37 = tpu.memref_slice %arg11[%add3A_31, %dma_wait3A_36] : memref<10240x128xf32, #tpu.memory_space<vmem_shared>> -> memref<128x128xf32, #tpu.memory_space<vmem_shared>>
        tpu.wait_dma2 semaphore(%run_scoped3A : memref<!tpu.dma_semaphore, #tpu.memory_space<semaphore_mem>>) src(%arg9 : memref<128x128xf32, #tpu.memory_space<vmem>>) dst(%dma_wait3A_37 : memref<128x128xf32, #tpu.memory_space<vmem_shared>>)
        tpu.yield
      }) : () -> ()
    }
    %scan3A_9 = arith.constant 5 : i32
    %barrier3A = arith.constant 0 : index
    tpu.barrier barrier_id(%barrier3A)
    %mul3A_10 = arith.constant 160 : i32
    %mul3A_11 = arith.muli %arg1, %mul3A_10 : i32
    %scan3A_12 = arith.constant 0 : i32
    %scan3A_13 = arith.constant 10 : i32
    %scan3A_14 = arith.addi %scan3A_12, %scan3A_13 : i32
    %scan3A_15 = arith.constant 1 : i32
    scf.for %scan3A_24 = %scan3A_12 to %scan3A_14 step %scan3A_15  : i32 {
      %mul3A_25 = arith.constant 1 : i32
      %mul3A_26 = arith.muli %scan3A_24, %mul3A_25 : i32
      %add3A_27 = arith.constant 0 : i32
      %add3A_28 = arith.addi %add3A_27, %mul3A_26 : i32
      %mul3A_29 = arith.constant 16 : i32
      %mul3A_30 = arith.muli %add3A_28, %mul3A_29 : i32
      %add3A_31 = arith.addi %mul3A_11, %mul3A_30 : i32
      %lt3A = arith.constant 2500 : i32
      %lt3A_32 = arith.cmpi slt, %add3A_31, %lt3A : i32
      %convert_element_type3A = arith.extui %lt3A_32 : i1 to i32
      %cond3A = arith.constant 0 : i32
      %cond3A_33 = arith.cmpi ne, %convert_element_type3A, %cond3A : i32
      scf.if %cond3A_33 {
        %eq3A = arith.constant 0 : i32
        %eq3A_34 = arith.cmpi eq, %arg0, %eq3A : i32
        %convert_element_type3A_35 = arith.extui %eq3A_34 : i1 to i32
        %cond3A_36 = arith.constant 0 : i32
        %cond3A_37 = arith.cmpi ne, %convert_element_type3A_35, %cond3A_36 : i32
        scf.if %cond3A_37 {
          "tpu.region"() ({
            %run_scoped3A = tpu.sem_alloc : memref<!tpu.dma_semaphore, #tpu.memory_space<semaphore_mem>>
            %dma_start3A = arith.constant 0 : i32
            %dma_start3A_379 = tpu.memref_slice %arg3[%add3A_31, %dma_start3A] : memref<2560x128xi32, #tpu.memory_space<hbm>> -> memref<16x128xi32, #tpu.memory_space<hbm>>
            %dma_start3A_380 = arith.constant 0 : i32
            %dma_start3A_381 = tpu.memref_slice %arg3[%add3A_31, %dma_start3A_380] : memref<2560x128xi32, #tpu.memory_space<hbm>> -> memref<16x128xi32, #tpu.memory_space<hbm>>
            tpu.enqueue_dma source(%dma_start3A_381 : memref<16x128xi32, #tpu.memory_space<hbm>>) target(%arg7 : memref<16x128xi32, #tpu.memory_space<vmem>>) target_semaphore(%run_scoped3A : memref<!tpu.dma_semaphore, #tpu.memory_space<semaphore_mem>>)
            %dma_wait3A = arith.constant 0 : i32
            %dma_wait3A_382 = tpu.memref_slice %arg3[%add3A_31, %dma_wait3A] : memref<2560x128xi32, #tpu.memory_space<hbm>> -> memref<16x128xi32, #tpu.memory_space<hbm>>
            %dma_wait3A_383 = arith.constant 0 : i32
            %dma_wait3A_384 = tpu.memref_slice %arg3[%add3A_31, %dma_wait3A_383] : memref<2560x128xi32, #tpu.memory_space<hbm>> -> memref<16x128xi32, #tpu.memory_space<hbm>>
            tpu.wait_dma2 semaphore(%run_scoped3A : memref<!tpu.dma_semaphore, #tpu.memory_space<semaphore_mem>>) src(%dma_wait3A_384 : memref<16x128xi32, #tpu.memory_space<hbm>>) dst(%arg7 : memref<16x128xi32, #tpu.memory_space<vmem>>)
            tpu.yield
          }) : () -> ()
        } else {
        }
        %eq3A_38 = arith.constant 1 : i32
        %eq3A_39 = arith.cmpi eq, %arg0, %eq3A_38 : i32
        %convert_element_type3A_40 = arith.extui %eq3A_39 : i1 to i32
        %cond3A_41 = arith.constant 0 : i32
        %cond3A_42 = arith.cmpi ne, %convert_element_type3A_40, %cond3A_41 : i32
        scf.if %cond3A_42 {
          "tpu.region"() ({
            %run_scoped3A = tpu.sem_alloc : memref<!tpu.dma_semaphore, #tpu.memory_space<semaphore_mem>>
            %dma_start3A = arith.constant 0 : i32
            %dma_start3A_379 = tpu.memref_slice %arg4[%add3A_31, %dma_start3A] : memref<2560x128xi32, #tpu.memory_space<hbm>> -> memref<16x128xi32, #tpu.memory_space<hbm>>
            %dma_start3A_380 = arith.constant 0 : i32
            %dma_start3A_381 = tpu.memref_slice %arg4[%add3A_31, %dma_start3A_380] : memref<2560x128xi32, #tpu.memory_space<hbm>> -> memref<16x128xi32, #tpu.memory_space<hbm>>
            tpu.enqueue_dma source(%dma_start3A_381 : memref<16x128xi32, #tpu.memory_space<hbm>>) target(%arg7 : memref<16x128xi32, #tpu.memory_space<vmem>>) target_semaphore(%run_scoped3A : memref<!tpu.dma_semaphore, #tpu.memory_space<semaphore_mem>>)
            %dma_wait3A = arith.constant 0 : i32
            %dma_wait3A_382 = tpu.memref_slice %arg4[%add3A_31, %dma_wait3A] : memref<2560x128xi32, #tpu.memory_space<hbm>> -> memref<16x128xi32, #tpu.memory_space<hbm>>
            %dma_wait3A_383 = arith.constant 0 : i32
            %dma_wait3A_384 = tpu.memref_slice %arg4[%add3A_31, %dma_wait3A_383] : memref<2560x128xi32, #tpu.memory_space<hbm>> -> memref<16x128xi32, #tpu.memory_space<hbm>>
            tpu.wait_dma2 semaphore(%run_scoped3A : memref<!tpu.dma_semaphore, #tpu.memory_space<semaphore_mem>>) src(%dma_wait3A_384 : memref<16x128xi32, #tpu.memory_space<hbm>>) dst(%arg7 : memref<16x128xi32, #tpu.memory_space<vmem>>)
            tpu.yield
          }) : () -> ()
        } else {
        }
        "tpu.region"() ({
          %run_scoped3A = tpu.sem_alloc : memref<!tpu.dma_semaphore, #tpu.memory_space<semaphore_mem>>
          %dma_start3A = arith.constant 0 : i32
          %dma_start3A_379 = tpu.memref_slice %arg5[%add3A_31, %dma_start3A] : memref<2560x128xi32, #tpu.memory_space<hbm>> -> memref<16x128xi32, #tpu.memory_space<hbm>>
          %dma_start3A_380 = arith.constant 0 : i32
          %dma_start3A_381 = tpu.memref_slice %arg5[%add3A_31, %dma_start3A_380] : memref<2560x128xi32, #tpu.memory_space<hbm>> -> memref<16x128xi32, #tpu.memory_space<hbm>>
          tpu.enqueue_dma source(%dma_start3A_381 : memref<16x128xi32, #tpu.memory_space<hbm>>) target(%arg8 : memref<16x128xi32, #tpu.memory_space<vmem>>) target_semaphore(%run_scoped3A : memref<!tpu.dma_semaphore, #tpu.memory_space<semaphore_mem>>)
          %dma_wait3A = arith.constant 0 : i32
          %dma_wait3A_382 = tpu.memref_slice %arg5[%add3A_31, %dma_wait3A] : memref<2560x128xi32, #tpu.memory_space<hbm>> -> memref<16x128xi32, #tpu.memory_space<hbm>>
          %dma_wait3A_383 = arith.constant 0 : i32
          %dma_wait3A_384 = tpu.memref_slice %arg5[%add3A_31, %dma_wait3A_383] : memref<2560x128xi32, #tpu.memory_space<hbm>> -> memref<16x128xi32, #tpu.memory_space<hbm>>
          tpu.wait_dma2 semaphore(%run_scoped3A : memref<!tpu.dma_semaphore, #tpu.memory_space<semaphore_mem>>) src(%dma_wait3A_384 : memref<16x128xi32, #tpu.memory_space<hbm>>) dst(%arg8 : memref<16x128xi32, #tpu.memory_space<vmem>>)
          tpu.yield
        }) : () -> ()
        %add3A_43 = arith.constant 0 : i32
        %add3A_44 = arith.addi %add3A_31, %add3A_43 : i32
        %lt3A_45 = arith.constant 2500 : i32
        %lt3A_46 = arith.cmpi slt, %add3A_44, %lt3A_45 : i32
        %convert_element_type3A_47 = arith.extui %lt3A_46 : i1 to i32
        %cond3A_48 = arith.constant 0 : i32
        %cond3A_49 = arith.cmpi ne, %convert_element_type3A_47, %cond3A_48 : i32
        scf.if %cond3A_49 {
          %dma_start3A = arith.constant 0 : i32
          %dma_start3A_379 = arith.constant 0 : i32
          %dma_start3A_380 = tpu.memref_slice %arg7[%dma_start3A, %dma_start3A_379] : memref<16x128xi32, #tpu.memory_space<vmem>> -> memref<1x128xi32, #tpu.memory_space<vmem>>
          %dma_start3A_381 = tpu.memref_squeeze %dma_start3A_380 : memref<1x128xi32, #tpu.memory_space<vmem>> -> memref<128xi32, #tpu.memory_space<vmem>>
          %dma_start3A_382 = arith.constant 0 : i32
          %dma_start3A_383 = arith.constant 0 : i32
          %dma_start3A_384 = tpu.memref_slice %arg2[%dma_start3A_382, %dma_start3A_383] : memref<20000x128xf32, #tpu.memory_space<hbm>> -> memref<20000x128xf32, #tpu.memory_space<hbm>>
          tpu.enqueue_indirect_dma source(%dma_start3A_384 : memref<20000x128xf32, #tpu.memory_space<hbm>>) target(%arg9 : memref<128x128xf32, #tpu.memory_space<vmem>>) offsets(%dma_start3A_381 : memref<128xi32, #tpu.memory_space<vmem>>) semaphore(%arg12 : memref<!tpu.dma_semaphore, #tpu.memory_space<semaphore_mem>>)
        } else {
        }
        %add3A_50 = arith.constant 1 : i32
        %add3A_51 = arith.addi %add3A_31, %add3A_50 : i32
        %lt3A_52 = arith.constant 2500 : i32
        %lt3A_53 = arith.cmpi slt, %add3A_51, %lt3A_52 : i32
        %convert_element_type3A_54 = arith.extui %lt3A_53 : i1 to i32
        %cond3A_55 = arith.constant 0 : i32
        %cond3A_56 = arith.cmpi ne, %convert_element_type3A_54, %cond3A_55 : i32
        scf.if %cond3A_56 {
          %dma_start3A = arith.constant 1 : i32
          %dma_start3A_379 = arith.constant 0 : i32
          %dma_start3A_380 = tpu.memref_slice %arg7[%dma_start3A, %dma_start3A_379] : memref<16x128xi32, #tpu.memory_space<vmem>> -> memref<1x128xi32, #tpu.memory_space<vmem>>
          %dma_start3A_381 = tpu.memref_squeeze %dma_start3A_380 : memref<1x128xi32, #tpu.memory_space<vmem>> -> memref<128xi32, #tpu.memory_space<vmem>>
          %dma_start3A_382 = arith.constant 0 : i32
          %dma_start3A_383 = arith.constant 0 : i32
          %dma_start3A_384 = tpu.memref_slice %arg2[%dma_start3A_382, %dma_start3A_383] : memref<20000x128xf32, #tpu.memory_space<hbm>> -> memref<20000x128xf32, #tpu.memory_space<hbm>>
          tpu.enqueue_indirect_dma source(%dma_start3A_384 : memref<20000x128xf32, #tpu.memory_space<hbm>>) target(%arg10 : memref<128x128xf32, #tpu.memory_space<vmem>>) offsets(%dma_start3A_381 : memref<128xi32, #tpu.memory_space<vmem>>) semaphore(%arg13 : memref<!tpu.dma_semaphore, #tpu.memory_space<semaphore_mem>>)
        } else {
        }
        %add3A_57 = arith.constant 0 : i32
        %add3A_58 = arith.addi %add3A_31, %add3A_57 : i32
        %lt3A_59 = arith.constant 2500 : i32
        %lt3A_60 = arith.cmpi slt, %add3A_58, %lt3A_59 : i32
        %convert_element_type3A_61 = arith.extui %lt3A_60 : i1 to i32
        %cond3A_62 = arith.constant 0 : i32
        %cond3A_63 = arith.cmpi ne, %convert_element_type3A_61, %cond3A_62 : i32
        scf.if %cond3A_63 {
          %dma_wait3A = arith.constant 0 : i32
          %dma_wait3A_379 = arith.constant 0 : i32
          %dma_wait3A_380 = tpu.memref_slice %arg7[%dma_wait3A, %dma_wait3A_379] : memref<16x128xi32, #tpu.memory_space<vmem>> -> memref<1x128xi32, #tpu.memory_space<vmem>>
          %dma_wait3A_381 = tpu.memref_squeeze %dma_wait3A_380 : memref<1x128xi32, #tpu.memory_space<vmem>> -> memref<128xi32, #tpu.memory_space<vmem>>
          %dma_wait3A_382 = arith.constant 0 : i32
          %dma_wait3A_383 = arith.constant 0 : i32
          %dma_wait3A_384 = tpu.memref_slice %arg2[%dma_wait3A_382, %dma_wait3A_383] : memref<20000x128xf32, #tpu.memory_space<hbm>> -> memref<20000x128xf32, #tpu.memory_space<hbm>>
          tpu.wait_indirect_dma semaphore(%arg12 : memref<!tpu.dma_semaphore, #tpu.memory_space<semaphore_mem>>) src(%dma_wait3A_384 : memref<20000x128xf32, #tpu.memory_space<hbm>>) dst(%arg9 : memref<128x128xf32, #tpu.memory_space<vmem>>)
          %dma_start3A = arith.constant 0 : i32
          %dma_start3A_385 = arith.constant 0 : i32
          %dma_start3A_386 = tpu.memref_slice %arg8[%dma_start3A, %dma_start3A_385] : memref<16x128xi32, #tpu.memory_space<vmem>> -> memref<1x128xi32, #tpu.memory_space<vmem>>
          %dma_start3A_387 = tpu.memref_squeeze %dma_start3A_386 : memref<1x128xi32, #tpu.memory_space<vmem>> -> memref<128xi32, #tpu.memory_space<vmem>>
          %dma_start3A_388 = arith.constant 0 : i32
          %dma_start3A_389 = arith.constant 0 : i32
          %dma_start3A_390 = tpu.memref_slice %arg11[%dma_start3A_388, %dma_start3A_389] : memref<10240x128xf32, #tpu.memory_space<vmem_shared>> -> memref<10240x128xf32, #tpu.memory_space<vmem_shared>>
          tpu.enqueue_indirect_dma source(%arg9 : memref<128x128xf32, #tpu.memory_space<vmem>>) target(%dma_start3A_390 : memref<10240x128xf32, #tpu.memory_space<vmem_shared>>) offsets(%dma_start3A_387 : memref<128xi32, #tpu.memory_space<vmem>>) semaphore(%arg14 : memref<!tpu.dma_semaphore, #tpu.memory_space<semaphore_mem>>) {add = true}
        } else {
        }
        %add3A_64 = arith.constant 0 : i32
        %add3A_65 = arith.addi %add3A_31, %add3A_64 : i32
        %lt3A_66 = arith.constant 2500 : i32
        %lt3A_67 = arith.cmpi slt, %add3A_65, %lt3A_66 : i32
        %convert_element_type3A_68 = arith.extui %lt3A_67 : i1 to i32
        %cond3A_69 = arith.constant 0 : i32
        %cond3A_70 = arith.cmpi ne, %convert_element_type3A_68, %cond3A_69 : i32
        scf.if %cond3A_70 {
          %dma_wait3A = arith.constant 0 : i32
          %dma_wait3A_379 = arith.constant 0 : i32
          %dma_wait3A_380 = tpu.memref_slice %arg8[%dma_wait3A, %dma_wait3A_379] : memref<16x128xi32, #tpu.memory_space<vmem>> -> memref<1x128xi32, #tpu.memory_space<vmem>>
          %dma_wait3A_381 = tpu.memref_squeeze %dma_wait3A_380 : memref<1x128xi32, #tpu.memory_space<vmem>> -> memref<128xi32, #tpu.memory_space<vmem>>
          %dma_wait3A_382 = arith.constant 0 : i32
          %dma_wait3A_383 = arith.constant 0 : i32
          %dma_wait3A_384 = tpu.memref_slice %arg11[%dma_wait3A_382, %dma_wait3A_383] : memref<10240x128xf32, #tpu.memory_space<vmem_shared>> -> memref<10240x128xf32, #tpu.memory_space<vmem_shared>>
          tpu.wait_indirect_dma semaphore(%arg14 : memref<!tpu.dma_semaphore, #tpu.memory_space<semaphore_mem>>) src(%arg9 : memref<128x128xf32, #tpu.memory_space<vmem>>) dst(%dma_wait3A_384 : memref<10240x128xf32, #tpu.memory_space<vmem_shared>>)
        } else {
        }
        %add3A_71 = arith.constant 2 : i32
        %add3A_72 = arith.addi %add3A_31, %add3A_71 : i32
        %lt3A_73 = arith.constant 2500 : i32
        %lt3A_74 = arith.cmpi slt, %add3A_72, %lt3A_73 : i32
        %convert_element_type3A_75 = arith.extui %lt3A_74 : i1 to i32
        %cond3A_76 = arith.constant 0 : i32
        %cond3A_77 = arith.cmpi ne, %convert_element_type3A_75, %cond3A_76 : i32
        scf.if %cond3A_77 {
          %dma_start3A = arith.constant 2 : i32
          %dma_start3A_379 = arith.constant 0 : i32
          %dma_start3A_380 = tpu.memref_slice %arg7[%dma_start3A, %dma_start3A_379] : memref<16x128xi32, #tpu.memory_space<vmem>> -> memref<1x128xi32, #tpu.memory_space<vmem>>
          %dma_start3A_381 = tpu.memref_squeeze %dma_start3A_380 : memref<1x128xi32, #tpu.memory_space<vmem>> -> memref<128xi32, #tpu.memory_space<vmem>>
          %dma_start3A_382 = arith.constant 0 : i32
          %dma_start3A_383 = arith.constant 0 : i32
          %dma_start3A_384 = tpu.memref_slice %arg2[%dma_start3A_382, %dma_start3A_383] : memref<20000x128xf32, #tpu.memory_space<hbm>> -> memref<20000x128xf32, #tpu.memory_space<hbm>>
          tpu.enqueue_indirect_dma source(%dma_start3A_384 : memref<20000x128xf32, #tpu.memory_space<hbm>>) target(%arg9 : memref<128x128xf32, #tpu.memory_space<vmem>>) offsets(%dma_start3A_381 : memref<128xi32, #tpu.memory_space<vmem>>) semaphore(%arg12 : memref<!tpu.dma_semaphore, #tpu.memory_space<semaphore_mem>>)
        } else {
        }
        %add3A_78 = arith.constant 1 : i32
        %add3A_79 = arith.addi %add3A_31, %add3A_78 : i32
        %lt3A_80 = arith.constant 2500 : i32
        %lt3A_81 = arith.cmpi slt, %add3A_79, %lt3A_80 : i32
        %convert_element_type3A_82 = arith.extui %lt3A_81 : i1 to i32
        %cond3A_83 = arith.constant 0 : i32
        %cond3A_84 = arith.cmpi ne, %convert_element_type3A_82, %cond3A_83 : i32
        scf.if %cond3A_84 {
          %dma_wait3A = arith.constant 1 : i32
          %dma_wait3A_379 = arith.constant 0 : i32
          %dma_wait3A_380 = tpu.memref_slice %arg7[%dma_wait3A, %dma_wait3A_379] : memref<16x128xi32, #tpu.memory_space<vmem>> -> memref<1x128xi32, #tpu.memory_space<vmem>>
          %dma_wait3A_381 = tpu.memref_squeeze %dma_wait3A_380 : memref<1x128xi32, #tpu.memory_space<vmem>> -> memref<128xi32, #tpu.memory_space<vmem>>
          %dma_wait3A_382 = arith.constant 0 : i32
          %dma_wait3A_383 = arith.constant 0 : i32
          %dma_wait3A_384 = tpu.memref_slice %arg2[%dma_wait3A_382, %dma_wait3A_383] : memref<20000x128xf32, #tpu.memory_space<hbm>> -> memref<20000x128xf32, #tpu.memory_space<hbm>>
          tpu.wait_indirect_dma semaphore(%arg13 : memref<!tpu.dma_semaphore, #tpu.memory_space<semaphore_mem>>) src(%dma_wait3A_384 : memref<20000x128xf32, #tpu.memory_space<hbm>>) dst(%arg10 : memref<128x128xf32, #tpu.memory_space<vmem>>)
          %dma_start3A = arith.constant 1 : i32
          %dma_start3A_385 = arith.constant 0 : i32
          %dma_start3A_386 = tpu.memref_slice %arg8[%dma_start3A, %dma_start3A_385] : memref<16x128xi32, #tpu.memory_space<vmem>> -> memref<1x128xi32, #tpu.memory_space<vmem>>
          %dma_start3A_387 = tpu.memref_squeeze %dma_start3A_386 : memref<1x128xi32, #tpu.memory_space<vmem>> -> memref<128xi32, #tpu.memory_space<vmem>>
          %dma_start3A_388 = arith.constant 0 : i32
          %dma_start3A_389 = arith.constant 0 : i32
          %dma_start3A_390 = tpu.memref_slice %arg11[%dma_start3A_388, %dma_start3A_389] : memref<10240x128xf32, #tpu.memory_space<vmem_shared>> -> memref<10240x128xf32, #tpu.memory_space<vmem_shared>>
          tpu.enqueue_indirect_dma source(%arg10 : memref<128x128xf32, #tpu.memory_space<vmem>>) target(%dma_start3A_390 : memref<10240x128xf32, #tpu.memory_space<vmem_shared>>) offsets(%dma_start3A_387 : memref<128xi32, #tpu.memory_space<vmem>>) semaphore(%arg15 : memref<!tpu.dma_semaphore, #tpu.memory_space<semaphore_mem>>) {add = true}
        } else {
        }
        %add3A_85 = arith.constant 1 : i32
        %add3A_86 = arith.addi %add3A_31, %add3A_85 : i32
        %lt3A_87 = arith.constant 2500 : i32
        %lt3A_88 = arith.cmpi slt, %add3A_86, %lt3A_87 : i32
        %convert_element_type3A_89 = arith.extui %lt3A_88 : i1 to i32
        %cond3A_90 = arith.constant 0 : i32
        %cond3A_91 = arith.cmpi ne, %convert_element_type3A_89, %cond3A_90 : i32
        scf.if %cond3A_91 {
          %dma_wait3A = arith.constant 1 : i32
          %dma_wait3A_379 = arith.constant 0 : i32
          %dma_wait3A_380 = tpu.memref_slice %arg8[%dma_wait3A, %dma_wait3A_379] : memref<16x128xi32, #tpu.memory_space<vmem>> -> memref<1x128xi32, #tpu.memory_space<vmem>>
          %dma_wait3A_381 = tpu.memref_squeeze %dma_wait3A_380 : memref<1x128xi32, #tpu.memory_space<vmem>> -> memref<128xi32, #tpu.memory_space<vmem>>
          %dma_wait3A_382 = arith.constant 0 : i32
          %dma_wait3A_383 = arith.constant 0 : i32
          %dma_wait3A_384 = tpu.memref_slice %arg11[%dma_wait3A_382, %dma_wait3A_383] : memref<10240x128xf32, #tpu.memory_space<vmem_shared>> -> memref<10240x128xf32, #tpu.memory_space<vmem_shared>>
          tpu.wait_indirect_dma semaphore(%arg15 : memref<!tpu.dma_semaphore, #tpu.memory_space<semaphore_mem>>) src(%arg10 : memref<128x128xf32, #tpu.memory_space<vmem>>) dst(%dma_wait3A_384 : memref<10240x128xf32, #tpu.memory_space<vmem_shared>>)
        } else {
        }
        %add3A_92 = arith.constant 3 : i32
        %add3A_93 = arith.addi %add3A_31, %add3A_92 : i32
        %lt3A_94 = arith.constant 2500 : i32
        %lt3A_95 = arith.cmpi slt, %add3A_93, %lt3A_94 : i32
        %convert_element_type3A_96 = arith.extui %lt3A_95 : i1 to i32
        %cond3A_97 = arith.constant 0 : i32
        %cond3A_98 = arith.cmpi ne, %convert_element_type3A_96, %cond3A_97 : i32
        scf.if %cond3A_98 {
          %dma_start3A = arith.constant 3 : i32
          %dma_start3A_379 = arith.constant 0 : i32
          %dma_start3A_380 = tpu.memref_slice %arg7[%dma_start3A, %dma_start3A_379] : memref<16x128xi32, #tpu.memory_space<vmem>> -> memref<1x128xi32, #tpu.memory_space<vmem>>
          %dma_start3A_381 = tpu.memref_squeeze %dma_start3A_380 : memref<1x128xi32, #tpu.memory_space<vmem>> -> memref<128xi32, #tpu.memory_space<vmem>>
          %dma_start3A_382 = arith.constant 0 : i32
          %dma_start3A_383 = arith.constant 0 : i32
          %dma_start3A_384 = tpu.memref_slice %arg2[%dma_start3A_382, %dma_start3A_383] : memref<20000x128xf32, #tpu.memory_space<hbm>> -> memref<20000x128xf32, #tpu.memory_space<hbm>>
          tpu.enqueue_indirect_dma source(%dma_start3A_384 : memref<20000x128xf32, #tpu.memory_space<hbm>>) target(%arg10 : memref<128x128xf32, #tpu.memory_space<vmem>>) offsets(%dma_start3A_381 : memref<128xi32, #tpu.memory_space<vmem>>) semaphore(%arg13 : memref<!tpu.dma_semaphore, #tpu.memory_space<semaphore_mem>>)
        } else {
        }
        %add3A_99 = arith.constant 2 : i32
        %add3A_100 = arith.addi %add3A_31, %add3A_99 : i32
        %lt3A_101 = arith.constant 2500 : i32
        %lt3A_102 = arith.cmpi slt, %add3A_100, %lt3A_101 : i32
        %convert_element_type3A_103 = arith.extui %lt3A_102 : i1 to i32
        %cond3A_104 = arith.constant 0 : i32
        %cond3A_105 = arith.cmpi ne, %convert_element_type3A_103, %cond3A_104 : i32
        scf.if %cond3A_105 {
          %dma_wait3A = arith.constant 2 : i32
          %dma_wait3A_379 = arith.constant 0 : i32
          %dma_wait3A_380 = tpu.memref_slice %arg7[%dma_wait3A, %dma_wait3A_379] : memref<16x128xi32, #tpu.memory_space<vmem>> -> memref<1x128xi32, #tpu.memory_space<vmem>>
          %dma_wait3A_381 = tpu.memref_squeeze %dma_wait3A_380 : memref<1x128xi32, #tpu.memory_space<vmem>> -> memref<128xi32, #tpu.memory_space<vmem>>
          %dma_wait3A_382 = arith.constant 0 : i32
          %dma_wait3A_383 = arith.constant 0 : i32
          %dma_wait3A_384 = tpu.memref_slice %arg2[%dma_wait3A_382, %dma_wait3A_383] : memref<20000x128xf32, #tpu.memory_space<hbm>> -> memref<20000x128xf32, #tpu.memory_space<hbm>>
          tpu.wait_indirect_dma semaphore(%arg12 : memref<!tpu.dma_semaphore, #tpu.memory_space<semaphore_mem>>) src(%dma_wait3A_384 : memref<20000x128xf32, #tpu.memory_space<hbm>>) dst(%arg9 : memref<128x128xf32, #tpu.memory_space<vmem>>)
          %dma_start3A = arith.constant 2 : i32
          %dma_start3A_385 = arith.constant 0 : i32
          %dma_start3A_386 = tpu.memref_slice %arg8[%dma_start3A, %dma_start3A_385] : memref<16x128xi32, #tpu.memory_space<vmem>> -> memref<1x128xi32, #tpu.memory_space<vmem>>
          %dma_start3A_387 = tpu.memref_squeeze %dma_start3A_386 : memref<1x128xi32, #tpu.memory_space<vmem>> -> memref<128xi32, #tpu.memory_space<vmem>>
          %dma_start3A_388 = arith.constant 0 : i32
          %dma_start3A_389 = arith.constant 0 : i32
          %dma_start3A_390 = tpu.memref_slice %arg11[%dma_start3A_388, %dma_start3A_389] : memref<10240x128xf32, #tpu.memory_space<vmem_shared>> -> memref<10240x128xf32, #tpu.memory_space<vmem_shared>>
          tpu.enqueue_indirect_dma source(%arg9 : memref<128x128xf32, #tpu.memory_space<vmem>>) target(%dma_start3A_390 : memref<10240x128xf32, #tpu.memory_space<vmem_shared>>) offsets(%dma_start3A_387 : memref<128xi32, #tpu.memory_space<vmem>>) semaphore(%arg14 : memref<!tpu.dma_semaphore, #tpu.memory_space<semaphore_mem>>) {add = true}
        } else {
        }
        %add3A_106 = arith.constant 2 : i32
        %add3A_107 = arith.addi %add3A_31, %add3A_106 : i32
        %lt3A_108 = arith.constant 2500 : i32
        %lt3A_109 = arith.cmpi slt, %add3A_107, %lt3A_108 : i32
        %convert_element_type3A_110 = arith.extui %lt3A_109 : i1 to i32
        %cond3A_111 = arith.constant 0 : i32
        %cond3A_112 = arith.cmpi ne, %convert_element_type3A_110, %cond3A_111 : i32
        scf.if %cond3A_112 {
          %dma_wait3A = arith.constant 2 : i32
          %dma_wait3A_379 = arith.constant 0 : i32
          %dma_wait3A_380 = tpu.memref_slice %arg8[%dma_wait3A, %dma_wait3A_379] : memref<16x128xi32, #tpu.memory_space<vmem>> -> memref<1x128xi32, #tpu.memory_space<vmem>>
          %dma_wait3A_381 = tpu.memref_squeeze %dma_wait3A_380 : memref<1x128xi32, #tpu.memory_space<vmem>> -> memref<128xi32, #tpu.memory_space<vmem>>
          %dma_wait3A_382 = arith.constant 0 : i32
          %dma_wait3A_383 = arith.constant 0 : i32
          %dma_wait3A_384 = tpu.memref_slice %arg11[%dma_wait3A_382, %dma_wait3A_383] : memref<10240x128xf32, #tpu.memory_space<vmem_shared>> -> memref<10240x128xf32, #tpu.memory_space<vmem_shared>>
          tpu.wait_indirect_dma semaphore(%arg14 : memref<!tpu.dma_semaphore, #tpu.memory_space<semaphore_mem>>) src(%arg9 : memref<128x128xf32, #tpu.memory_space<vmem>>) dst(%dma_wait3A_384 : memref<10240x128xf32, #tpu.memory_space<vmem_shared>>)
        } else {
        }
        %add3A_113 = arith.constant 4 : i32
        %add3A_114 = arith.addi %add3A_31, %add3A_113 : i32
        %lt3A_115 = arith.constant 2500 : i32
        %lt3A_116 = arith.cmpi slt, %add3A_114, %lt3A_115 : i32
        %convert_element_type3A_117 = arith.extui %lt3A_116 : i1 to i32
        %cond3A_118 = arith.constant 0 : i32
        %cond3A_119 = arith.cmpi ne, %convert_element_type3A_117, %cond3A_118 : i32
        scf.if %cond3A_119 {
          %dma_start3A = arith.constant 4 : i32
          %dma_start3A_379 = arith.constant 0 : i32
          %dma_start3A_380 = tpu.memref_slice %arg7[%dma_start3A, %dma_start3A_379] : memref<16x128xi32, #tpu.memory_space<vmem>> -> memref<1x128xi32, #tpu.memory_space<vmem>>
          %dma_start3A_381 = tpu.memref_squeeze %dma_start3A_380 : memref<1x128xi32, #tpu.memory_space<vmem>> -> memref<128xi32, #tpu.memory_space<vmem>>
          %dma_start3A_382 = arith.constant 0 : i32
          %dma_start3A_383 = arith.constant 0 : i32
          %dma_start3A_384 = tpu.memref_slice %arg2[%dma_start3A_382, %dma_start3A_383] : memref<20000x128xf32, #tpu.memory_space<hbm>> -> memref<20000x128xf32, #tpu.memory_space<hbm>>
          tpu.enqueue_indirect_dma source(%dma_start3A_384 : memref<20000x128xf32, #tpu.memory_space<hbm>>) target(%arg9 : memref<128x128xf32, #tpu.memory_space<vmem>>) offsets(%dma_start3A_381 : memref<128xi32, #tpu.memory_space<vmem>>) semaphore(%arg12 : memref<!tpu.dma_semaphore, #tpu.memory_space<semaphore_mem>>)
        } else {
        }
        %add3A_120 = arith.constant 3 : i32
        %add3A_121 = arith.addi %add3A_31, %add3A_120 : i32
        %lt3A_122 = arith.constant 2500 : i32
        %lt3A_123 = arith.cmpi slt, %add3A_121, %lt3A_122 : i32
        %convert_element_type3A_124 = arith.extui %lt3A_123 : i1 to i32
        %cond3A_125 = arith.constant 0 : i32
        %cond3A_126 = arith.cmpi ne, %convert_element_type3A_124, %cond3A_125 : i32
        scf.if %cond3A_126 {
          %dma_wait3A = arith.constant 3 : i32
          %dma_wait3A_379 = arith.constant 0 : i32
          %dma_wait3A_380 = tpu.memref_slice %arg7[%dma_wait3A, %dma_wait3A_379] : memref<16x128xi32, #tpu.memory_space<vmem>> -> memref<1x128xi32, #tpu.memory_space<vmem>>
          %dma_wait3A_381 = tpu.memref_squeeze %dma_wait3A_380 : memref<1x128xi32, #tpu.memory_space<vmem>> -> memref<128xi32, #tpu.memory_space<vmem>>
          %dma_wait3A_382 = arith.constant 0 : i32
          %dma_wait3A_383 = arith.constant 0 : i32
          %dma_wait3A_384 = tpu.memref_slice %arg2[%dma_wait3A_382, %dma_wait3A_383] : memref<20000x128xf32, #tpu.memory_space<hbm>> -> memref<20000x128xf32, #tpu.memory_space<hbm>>
          tpu.wait_indirect_dma semaphore(%arg13 : memref<!tpu.dma_semaphore, #tpu.memory_space<semaphore_mem>>) src(%dma_wait3A_384 : memref<20000x128xf32, #tpu.memory_space<hbm>>) dst(%arg10 : memref<128x128xf32, #tpu.memory_space<vmem>>)
          %dma_start3A = arith.constant 3 : i32
          %dma_start3A_385 = arith.constant 0 : i32
          %dma_start3A_386 = tpu.memref_slice %arg8[%dma_start3A, %dma_start3A_385] : memref<16x128xi32, #tpu.memory_space<vmem>> -> memref<1x128xi32, #tpu.memory_space<vmem>>
          %dma_start3A_387 = tpu.memref_squeeze %dma_start3A_386 : memref<1x128xi32, #tpu.memory_space<vmem>> -> memref<128xi32, #tpu.memory_space<vmem>>
          %dma_start3A_388 = arith.constant 0 : i32
          %dma_start3A_389 = arith.constant 0 : i32
          %dma_start3A_390 = tpu.memref_slice %arg11[%dma_start3A_388, %dma_start3A_389] : memref<10240x128xf32, #tpu.memory_space<vmem_shared>> -> memref<10240x128xf32, #tpu.memory_space<vmem_shared>>
          tpu.enqueue_indirect_dma source(%arg10 : memref<128x128xf32, #tpu.memory_space<vmem>>) target(%dma_start3A_390 : memref<10240x128xf32, #tpu.memory_space<vmem_shared>>) offsets(%dma_start3A_387 : memref<128xi32, #tpu.memory_space<vmem>>) semaphore(%arg15 : memref<!tpu.dma_semaphore, #tpu.memory_space<semaphore_mem>>) {add = true}
        } else {
        }
        %add3A_127 = arith.constant 3 : i32
        %add3A_128 = arith.addi %add3A_31, %add3A_127 : i32
        %lt3A_129 = arith.constant 2500 : i32
        %lt3A_130 = arith.cmpi slt, %add3A_128, %lt3A_129 : i32
        %convert_element_type3A_131 = arith.extui %lt3A_130 : i1 to i32
        %cond3A_132 = arith.constant 0 : i32
        %cond3A_133 = arith.cmpi ne, %convert_element_type3A_131, %cond3A_132 : i32
        scf.if %cond3A_133 {
          %dma_wait3A = arith.constant 3 : i32
          %dma_wait3A_379 = arith.constant 0 : i32
          %dma_wait3A_380 = tpu.memref_slice %arg8[%dma_wait3A, %dma_wait3A_379] : memref<16x128xi32, #tpu.memory_space<vmem>> -> memref<1x128xi32, #tpu.memory_space<vmem>>
          %dma_wait3A_381 = tpu.memref_squeeze %dma_wait3A_380 : memref<1x128xi32, #tpu.memory_space<vmem>> -> memref<128xi32, #tpu.memory_space<vmem>>
          %dma_wait3A_382 = arith.constant 0 : i32
          %dma_wait3A_383 = arith.constant 0 : i32
          %dma_wait3A_384 = tpu.memref_slice %arg11[%dma_wait3A_382, %dma_wait3A_383] : memref<10240x128xf32, #tpu.memory_space<vmem_shared>> -> memref<10240x128xf32, #tpu.memory_space<vmem_shared>>
          tpu.wait_indirect_dma semaphore(%arg15 : memref<!tpu.dma_semaphore, #tpu.memory_space<semaphore_mem>>) src(%arg10 : memref<128x128xf32, #tpu.memory_space<vmem>>) dst(%dma_wait3A_384 : memref<10240x128xf32, #tpu.memory_space<vmem_shared>>)
        } else {
        }
        %add3A_134 = arith.constant 5 : i32
        %add3A_135 = arith.addi %add3A_31, %add3A_134 : i32
        %lt3A_136 = arith.constant 2500 : i32
        %lt3A_137 = arith.cmpi slt, %add3A_135, %lt3A_136 : i32
        %convert_element_type3A_138 = arith.extui %lt3A_137 : i1 to i32
        %cond3A_139 = arith.constant 0 : i32
        %cond3A_140 = arith.cmpi ne, %convert_element_type3A_138, %cond3A_139 : i32
        scf.if %cond3A_140 {
          %dma_start3A = arith.constant 5 : i32
          %dma_start3A_379 = arith.constant 0 : i32
          %dma_start3A_380 = tpu.memref_slice %arg7[%dma_start3A, %dma_start3A_379] : memref<16x128xi32, #tpu.memory_space<vmem>> -> memref<1x128xi32, #tpu.memory_space<vmem>>
          %dma_start3A_381 = tpu.memref_squeeze %dma_start3A_380 : memref<1x128xi32, #tpu.memory_space<vmem>> -> memref<128xi32, #tpu.memory_space<vmem>>
          %dma_start3A_382 = arith.constant 0 : i32
          %dma_start3A_383 = arith.constant 0 : i32
          %dma_start3A_384 = tpu.memref_slice %arg2[%dma_start3A_382, %dma_start3A_383] : memref<20000x128xf32, #tpu.memory_space<hbm>> -> memref<20000x128xf32, #tpu.memory_space<hbm>>
          tpu.enqueue_indirect_dma source(%dma_start3A_384 : memref<20000x128xf32, #tpu.memory_space<hbm>>) target(%arg10 : memref<128x128xf32, #tpu.memory_space<vmem>>) offsets(%dma_start3A_381 : memref<128xi32, #tpu.memory_space<vmem>>) semaphore(%arg13 : memref<!tpu.dma_semaphore, #tpu.memory_space<semaphore_mem>>)
        } else {
        }
        %add3A_141 = arith.constant 4 : i32
        %add3A_142 = arith.addi %add3A_31, %add3A_141 : i32
        %lt3A_143 = arith.constant 2500 : i32
        %lt3A_144 = arith.cmpi slt, %add3A_142, %lt3A_143 : i32
        %convert_element_type3A_145 = arith.extui %lt3A_144 : i1 to i32
        %cond3A_146 = arith.constant 0 : i32
        %cond3A_147 = arith.cmpi ne, %convert_element_type3A_145, %cond3A_146 : i32
        scf.if %cond3A_147 {
          %dma_wait3A = arith.constant 4 : i32
          %dma_wait3A_379 = arith.constant 0 : i32
          %dma_wait3A_380 = tpu.memref_slice %arg7[%dma_wait3A, %dma_wait3A_379] : memref<16x128xi32, #tpu.memory_space<vmem>> -> memref<1x128xi32, #tpu.memory_space<vmem>>
          %dma_wait3A_381 = tpu.memref_squeeze %dma_wait3A_380 : memref<1x128xi32, #tpu.memory_space<vmem>> -> memref<128xi32, #tpu.memory_space<vmem>>
          %dma_wait3A_382 = arith.constant 0 : i32
          %dma_wait3A_383 = arith.constant 0 : i32
          %dma_wait3A_384 = tpu.memref_slice %arg2[%dma_wait3A_382, %dma_wait3A_383] : memref<20000x128xf32, #tpu.memory_space<hbm>> -> memref<20000x128xf32, #tpu.memory_space<hbm>>
          tpu.wait_indirect_dma semaphore(%arg12 : memref<!tpu.dma_semaphore, #tpu.memory_space<semaphore_mem>>) src(%dma_wait3A_384 : memref<20000x128xf32, #tpu.memory_space<hbm>>) dst(%arg9 : memref<128x128xf32, #tpu.memory_space<vmem>>)
          %dma_start3A = arith.constant 4 : i32
          %dma_start3A_385 = arith.constant 0 : i32
          %dma_start3A_386 = tpu.memref_slice %arg8[%dma_start3A, %dma_start3A_385] : memref<16x128xi32, #tpu.memory_space<vmem>> -> memref<1x128xi32, #tpu.memory_space<vmem>>
          %dma_start3A_387 = tpu.memref_squeeze %dma_start3A_386 : memref<1x128xi32, #tpu.memory_space<vmem>> -> memref<128xi32, #tpu.memory_space<vmem>>
          %dma_start3A_388 = arith.constant 0 : i32
          %dma_start3A_389 = arith.constant 0 : i32
          %dma_start3A_390 = tpu.memref_slice %arg11[%dma_start3A_388, %dma_start3A_389] : memref<10240x128xf32, #tpu.memory_space<vmem_shared>> -> memref<10240x128xf32, #tpu.memory_space<vmem_shared>>
          tpu.enqueue_indirect_dma source(%arg9 : memref<128x128xf32, #tpu.memory_space<vmem>>) target(%dma_start3A_390 : memref<10240x128xf32, #tpu.memory_space<vmem_shared>>) offsets(%dma_start3A_387 : memref<128xi32, #tpu.memory_space<vmem>>) semaphore(%arg14 : memref<!tpu.dma_semaphore, #tpu.memory_space<semaphore_mem>>) {add = true}
        } else {
        }
        %add3A_148 = arith.constant 4 : i32
        %add3A_149 = arith.addi %add3A_31, %add3A_148 : i32
        %lt3A_150 = arith.constant 2500 : i32
        %lt3A_151 = arith.cmpi slt, %add3A_149, %lt3A_150 : i32
        %convert_element_type3A_152 = arith.extui %lt3A_151 : i1 to i32
        %cond3A_153 = arith.constant 0 : i32
        %cond3A_154 = arith.cmpi ne, %convert_element_type3A_152, %cond3A_153 : i32
        scf.if %cond3A_154 {
          %dma_wait3A = arith.constant 4 : i32
          %dma_wait3A_379 = arith.constant 0 : i32
          %dma_wait3A_380 = tpu.memref_slice %arg8[%dma_wait3A, %dma_wait3A_379] : memref<16x128xi32, #tpu.memory_space<vmem>> -> memref<1x128xi32, #tpu.memory_space<vmem>>
          %dma_wait3A_381 = tpu.memref_squeeze %dma_wait3A_380 : memref<1x128xi32, #tpu.memory_space<vmem>> -> memref<128xi32, #tpu.memory_space<vmem>>
          %dma_wait3A_382 = arith.constant 0 : i32
          %dma_wait3A_383 = arith.constant 0 : i32
          %dma_wait3A_384 = tpu.memref_slice %arg11[%dma_wait3A_382, %dma_wait3A_383] : memref<10240x128xf32, #tpu.memory_space<vmem_shared>> -> memref<10240x128xf32, #tpu.memory_space<vmem_shared>>
          tpu.wait_indirect_dma semaphore(%arg14 : memref<!tpu.dma_semaphore, #tpu.memory_space<semaphore_mem>>) src(%arg9 : memref<128x128xf32, #tpu.memory_space<vmem>>) dst(%dma_wait3A_384 : memref<10240x128xf32, #tpu.memory_space<vmem_shared>>)
        } else {
        }
        %add3A_155 = arith.constant 6 : i32
        %add3A_156 = arith.addi %add3A_31, %add3A_155 : i32
        %lt3A_157 = arith.constant 2500 : i32
        %lt3A_158 = arith.cmpi slt, %add3A_156, %lt3A_157 : i32
        %convert_element_type3A_159 = arith.extui %lt3A_158 : i1 to i32
        %cond3A_160 = arith.constant 0 : i32
        %cond3A_161 = arith.cmpi ne, %convert_element_type3A_159, %cond3A_160 : i32
        scf.if %cond3A_161 {
          %dma_start3A = arith.constant 6 : i32
          %dma_start3A_379 = arith.constant 0 : i32
          %dma_start3A_380 = tpu.memref_slice %arg7[%dma_start3A, %dma_start3A_379] : memref<16x128xi32, #tpu.memory_space<vmem>> -> memref<1x128xi32, #tpu.memory_space<vmem>>
          %dma_start3A_381 = tpu.memref_squeeze %dma_start3A_380 : memref<1x128xi32, #tpu.memory_space<vmem>> -> memref<128xi32, #tpu.memory_space<vmem>>
          %dma_start3A_382 = arith.constant 0 : i32
          %dma_start3A_383 = arith.constant 0 : i32
          %dma_start3A_384 = tpu.memref_slice %arg2[%dma_start3A_382, %dma_start3A_383] : memref<20000x128xf32, #tpu.memory_space<hbm>> -> memref<20000x128xf32, #tpu.memory_space<hbm>>
          tpu.enqueue_indirect_dma source(%dma_start3A_384 : memref<20000x128xf32, #tpu.memory_space<hbm>>) target(%arg9 : memref<128x128xf32, #tpu.memory_space<vmem>>) offsets(%dma_start3A_381 : memref<128xi32, #tpu.memory_space<vmem>>) semaphore(%arg12 : memref<!tpu.dma_semaphore, #tpu.memory_space<semaphore_mem>>)
        } else {
        }
        %add3A_162 = arith.constant 5 : i32
        %add3A_163 = arith.addi %add3A_31, %add3A_162 : i32
        %lt3A_164 = arith.constant 2500 : i32
        %lt3A_165 = arith.cmpi slt, %add3A_163, %lt3A_164 : i32
        %convert_element_type3A_166 = arith.extui %lt3A_165 : i1 to i32
        %cond3A_167 = arith.constant 0 : i32
        %cond3A_168 = arith.cmpi ne, %convert_element_type3A_166, %cond3A_167 : i32
        scf.if %cond3A_168 {
          %dma_wait3A = arith.constant 5 : i32
          %dma_wait3A_379 = arith.constant 0 : i32
          %dma_wait3A_380 = tpu.memref_slice %arg7[%dma_wait3A, %dma_wait3A_379] : memref<16x128xi32, #tpu.memory_space<vmem>> -> memref<1x128xi32, #tpu.memory_space<vmem>>
          %dma_wait3A_381 = tpu.memref_squeeze %dma_wait3A_380 : memref<1x128xi32, #tpu.memory_space<vmem>> -> memref<128xi32, #tpu.memory_space<vmem>>
          %dma_wait3A_382 = arith.constant 0 : i32
          %dma_wait3A_383 = arith.constant 0 : i32
          %dma_wait3A_384 = tpu.memref_slice %arg2[%dma_wait3A_382, %dma_wait3A_383] : memref<20000x128xf32, #tpu.memory_space<hbm>> -> memref<20000x128xf32, #tpu.memory_space<hbm>>
          tpu.wait_indirect_dma semaphore(%arg13 : memref<!tpu.dma_semaphore, #tpu.memory_space<semaphore_mem>>) src(%dma_wait3A_384 : memref<20000x128xf32, #tpu.memory_space<hbm>>) dst(%arg10 : memref<128x128xf32, #tpu.memory_space<vmem>>)
          %dma_start3A = arith.constant 5 : i32
          %dma_start3A_385 = arith.constant 0 : i32
          %dma_start3A_386 = tpu.memref_slice %arg8[%dma_start3A, %dma_start3A_385] : memref<16x128xi32, #tpu.memory_space<vmem>> -> memref<1x128xi32, #tpu.memory_space<vmem>>
          %dma_start3A_387 = tpu.memref_squeeze %dma_start3A_386 : memref<1x128xi32, #tpu.memory_space<vmem>> -> memref<128xi32, #tpu.memory_space<vmem>>
          %dma_start3A_388 = arith.constant 0 : i32
          %dma_start3A_389 = arith.constant 0 : i32
          %dma_start3A_390 = tpu.memref_slice %arg11[%dma_start3A_388, %dma_start3A_389] : memref<10240x128xf32, #tpu.memory_space<vmem_shared>> -> memref<10240x128xf32, #tpu.memory_space<vmem_shared>>
          tpu.enqueue_indirect_dma source(%arg10 : memref<128x128xf32, #tpu.memory_space<vmem>>) target(%dma_start3A_390 : memref<10240x128xf32, #tpu.memory_space<vmem_shared>>) offsets(%dma_start3A_387 : memref<128xi32, #tpu.memory_space<vmem>>) semaphore(%arg15 : memref<!tpu.dma_semaphore, #tpu.memory_space<semaphore_mem>>) {add = true}
        } else {
        }
        %add3A_169 = arith.constant 5 : i32
        %add3A_170 = arith.addi %add3A_31, %add3A_169 : i32
        %lt3A_171 = arith.constant 2500 : i32
        %lt3A_172 = arith.cmpi slt, %add3A_170, %lt3A_171 : i32
        %convert_element_type3A_173 = arith.extui %lt3A_172 : i1 to i32
        %cond3A_174 = arith.constant 0 : i32
        %cond3A_175 = arith.cmpi ne, %convert_element_type3A_173, %cond3A_174 : i32
        scf.if %cond3A_175 {
          %dma_wait3A = arith.constant 5 : i32
          %dma_wait3A_379 = arith.constant 0 : i32
          %dma_wait3A_380 = tpu.memref_slice %arg8[%dma_wait3A, %dma_wait3A_379] : memref<16x128xi32, #tpu.memory_space<vmem>> -> memref<1x128xi32, #tpu.memory_space<vmem>>
          %dma_wait3A_381 = tpu.memref_squeeze %dma_wait3A_380 : memref<1x128xi32, #tpu.memory_space<vmem>> -> memref<128xi32, #tpu.memory_space<vmem>>
          %dma_wait3A_382 = arith.constant 0 : i32
          %dma_wait3A_383 = arith.constant 0 : i32
          %dma_wait3A_384 = tpu.memref_slice %arg11[%dma_wait3A_382, %dma_wait3A_383] : memref<10240x128xf32, #tpu.memory_space<vmem_shared>> -> memref<10240x128xf32, #tpu.memory_space<vmem_shared>>
          tpu.wait_indirect_dma semaphore(%arg15 : memref<!tpu.dma_semaphore, #tpu.memory_space<semaphore_mem>>) src(%arg10 : memref<128x128xf32, #tpu.memory_space<vmem>>) dst(%dma_wait3A_384 : memref<10240x128xf32, #tpu.memory_space<vmem_shared>>)
        } else {
        }
        %add3A_176 = arith.constant 7 : i32
        %add3A_177 = arith.addi %add3A_31, %add3A_176 : i32
        %lt3A_178 = arith.constant 2500 : i32
        %lt3A_179 = arith.cmpi slt, %add3A_177, %lt3A_178 : i32
        %convert_element_type3A_180 = arith.extui %lt3A_179 : i1 to i32
        %cond3A_181 = arith.constant 0 : i32
        %cond3A_182 = arith.cmpi ne, %convert_element_type3A_180, %cond3A_181 : i32
        scf.if %cond3A_182 {
          %dma_start3A = arith.constant 7 : i32
          %dma_start3A_379 = arith.constant 0 : i32
          %dma_start3A_380 = tpu.memref_slice %arg7[%dma_start3A, %dma_start3A_379] : memref<16x128xi32, #tpu.memory_space<vmem>> -> memref<1x128xi32, #tpu.memory_space<vmem>>
          %dma_start3A_381 = tpu.memref_squeeze %dma_start3A_380 : memref<1x128xi32, #tpu.memory_space<vmem>> -> memref<128xi32, #tpu.memory_space<vmem>>
          %dma_start3A_382 = arith.constant 0 : i32
          %dma_start3A_383 = arith.constant 0 : i32
          %dma_start3A_384 = tpu.memref_slice %arg2[%dma_start3A_382, %dma_start3A_383] : memref<20000x128xf32, #tpu.memory_space<hbm>> -> memref<20000x128xf32, #tpu.memory_space<hbm>>
          tpu.enqueue_indirect_dma source(%dma_start3A_384 : memref<20000x128xf32, #tpu.memory_space<hbm>>) target(%arg10 : memref<128x128xf32, #tpu.memory_space<vmem>>) offsets(%dma_start3A_381 : memref<128xi32, #tpu.memory_space<vmem>>) semaphore(%arg13 : memref<!tpu.dma_semaphore, #tpu.memory_space<semaphore_mem>>)
        } else {
        }
        %add3A_183 = arith.constant 6 : i32
        %add3A_184 = arith.addi %add3A_31, %add3A_183 : i32
        %lt3A_185 = arith.constant 2500 : i32
        %lt3A_186 = arith.cmpi slt, %add3A_184, %lt3A_185 : i32
        %convert_element_type3A_187 = arith.extui %lt3A_186 : i1 to i32
        %cond3A_188 = arith.constant 0 : i32
        %cond3A_189 = arith.cmpi ne, %convert_element_type3A_187, %cond3A_188 : i32
        scf.if %cond3A_189 {
          %dma_wait3A = arith.constant 6 : i32
          %dma_wait3A_379 = arith.constant 0 : i32
          %dma_wait3A_380 = tpu.memref_slice %arg7[%dma_wait3A, %dma_wait3A_379] : memref<16x128xi32, #tpu.memory_space<vmem>> -> memref<1x128xi32, #tpu.memory_space<vmem>>
          %dma_wait3A_381 = tpu.memref_squeeze %dma_wait3A_380 : memref<1x128xi32, #tpu.memory_space<vmem>> -> memref<128xi32, #tpu.memory_space<vmem>>
          %dma_wait3A_382 = arith.constant 0 : i32
          %dma_wait3A_383 = arith.constant 0 : i32
          %dma_wait3A_384 = tpu.memref_slice %arg2[%dma_wait3A_382, %dma_wait3A_383] : memref<20000x128xf32, #tpu.memory_space<hbm>> -> memref<20000x128xf32, #tpu.memory_space<hbm>>
          tpu.wait_indirect_dma semaphore(%arg12 : memref<!tpu.dma_semaphore, #tpu.memory_space<semaphore_mem>>) src(%dma_wait3A_384 : memref<20000x128xf32, #tpu.memory_space<hbm>>) dst(%arg9 : memref<128x128xf32, #tpu.memory_space<vmem>>)
          %dma_start3A = arith.constant 6 : i32
          %dma_start3A_385 = arith.constant 0 : i32
          %dma_start3A_386 = tpu.memref_slice %arg8[%dma_start3A, %dma_start3A_385] : memref<16x128xi32, #tpu.memory_space<vmem>> -> memref<1x128xi32, #tpu.memory_space<vmem>>
          %dma_start3A_387 = tpu.memref_squeeze %dma_start3A_386 : memref<1x128xi32, #tpu.memory_space<vmem>> -> memref<128xi32, #tpu.memory_space<vmem>>
          %dma_start3A_388 = arith.constant 0 : i32
          %dma_start3A_389 = arith.constant 0 : i32
          %dma_start3A_390 = tpu.memref_slice %arg11[%dma_start3A_388, %dma_start3A_389] : memref<10240x128xf32, #tpu.memory_space<vmem_shared>> -> memref<10240x128xf32, #tpu.memory_space<vmem_shared>>
          tpu.enqueue_indirect_dma source(%arg9 : memref<128x128xf32, #tpu.memory_space<vmem>>) target(%dma_start3A_390 : memref<10240x128xf32, #tpu.memory_space<vmem_shared>>) offsets(%dma_start3A_387 : memref<128xi32, #tpu.memory_space<vmem>>) semaphore(%arg14 : memref<!tpu.dma_semaphore, #tpu.memory_space<semaphore_mem>>) {add = true}
        } else {
        }
        %add3A_190 = arith.constant 6 : i32
        %add3A_191 = arith.addi %add3A_31, %add3A_190 : i32
        %lt3A_192 = arith.constant 2500 : i32
        %lt3A_193 = arith.cmpi slt, %add3A_191, %lt3A_192 : i32
        %convert_element_type3A_194 = arith.extui %lt3A_193 : i1 to i32
        %cond3A_195 = arith.constant 0 : i32
        %cond3A_196 = arith.cmpi ne, %convert_element_type3A_194, %cond3A_195 : i32
        scf.if %cond3A_196 {
          %dma_wait3A = arith.constant 6 : i32
          %dma_wait3A_379 = arith.constant 0 : i32
          %dma_wait3A_380 = tpu.memref_slice %arg8[%dma_wait3A, %dma_wait3A_379] : memref<16x128xi32, #tpu.memory_space<vmem>> -> memref<1x128xi32, #tpu.memory_space<vmem>>
          %dma_wait3A_381 = tpu.memref_squeeze %dma_wait3A_380 : memref<1x128xi32, #tpu.memory_space<vmem>> -> memref<128xi32, #tpu.memory_space<vmem>>
          %dma_wait3A_382 = arith.constant 0 : i32
          %dma_wait3A_383 = arith.constant 0 : i32
          %dma_wait3A_384 = tpu.memref_slice %arg11[%dma_wait3A_382, %dma_wait3A_383] : memref<10240x128xf32, #tpu.memory_space<vmem_shared>> -> memref<10240x128xf32, #tpu.memory_space<vmem_shared>>
          tpu.wait_indirect_dma semaphore(%arg14 : memref<!tpu.dma_semaphore, #tpu.memory_space<semaphore_mem>>) src(%arg9 : memref<128x128xf32, #tpu.memory_space<vmem>>) dst(%dma_wait3A_384 : memref<10240x128xf32, #tpu.memory_space<vmem_shared>>)
        } else {
        }
        %add3A_197 = arith.constant 8 : i32
        %add3A_198 = arith.addi %add3A_31, %add3A_197 : i32
        %lt3A_199 = arith.constant 2500 : i32
        %lt3A_200 = arith.cmpi slt, %add3A_198, %lt3A_199 : i32
        %convert_element_type3A_201 = arith.extui %lt3A_200 : i1 to i32
        %cond3A_202 = arith.constant 0 : i32
        %cond3A_203 = arith.cmpi ne, %convert_element_type3A_201, %cond3A_202 : i32
        scf.if %cond3A_203 {
          %dma_start3A = arith.constant 8 : i32
          %dma_start3A_379 = arith.constant 0 : i32
          %dma_start3A_380 = tpu.memref_slice %arg7[%dma_start3A, %dma_start3A_379] : memref<16x128xi32, #tpu.memory_space<vmem>> -> memref<1x128xi32, #tpu.memory_space<vmem>>
          %dma_start3A_381 = tpu.memref_squeeze %dma_start3A_380 : memref<1x128xi32, #tpu.memory_space<vmem>> -> memref<128xi32, #tpu.memory_space<vmem>>
          %dma_start3A_382 = arith.constant 0 : i32
          %dma_start3A_383 = arith.constant 0 : i32
          %dma_start3A_384 = tpu.memref_slice %arg2[%dma_start3A_382, %dma_start3A_383] : memref<20000x128xf32, #tpu.memory_space<hbm>> -> memref<20000x128xf32, #tpu.memory_space<hbm>>
          tpu.enqueue_indirect_dma source(%dma_start3A_384 : memref<20000x128xf32, #tpu.memory_space<hbm>>) target(%arg9 : memref<128x128xf32, #tpu.memory_space<vmem>>) offsets(%dma_start3A_381 : memref<128xi32, #tpu.memory_space<vmem>>) semaphore(%arg12 : memref<!tpu.dma_semaphore, #tpu.memory_space<semaphore_mem>>)
        } else {
        }
        %add3A_204 = arith.constant 7 : i32
        %add3A_205 = arith.addi %add3A_31, %add3A_204 : i32
        %lt3A_206 = arith.constant 2500 : i32
        %lt3A_207 = arith.cmpi slt, %add3A_205, %lt3A_206 : i32
        %convert_element_type3A_208 = arith.extui %lt3A_207 : i1 to i32
        %cond3A_209 = arith.constant 0 : i32
        %cond3A_210 = arith.cmpi ne, %convert_element_type3A_208, %cond3A_209 : i32
        scf.if %cond3A_210 {
          %dma_wait3A = arith.constant 7 : i32
          %dma_wait3A_379 = arith.constant 0 : i32
          %dma_wait3A_380 = tpu.memref_slice %arg7[%dma_wait3A, %dma_wait3A_379] : memref<16x128xi32, #tpu.memory_space<vmem>> -> memref<1x128xi32, #tpu.memory_space<vmem>>
          %dma_wait3A_381 = tpu.memref_squeeze %dma_wait3A_380 : memref<1x128xi32, #tpu.memory_space<vmem>> -> memref<128xi32, #tpu.memory_space<vmem>>
          %dma_wait3A_382 = arith.constant 0 : i32
          %dma_wait3A_383 = arith.constant 0 : i32
          %dma_wait3A_384 = tpu.memref_slice %arg2[%dma_wait3A_382, %dma_wait3A_383] : memref<20000x128xf32, #tpu.memory_space<hbm>> -> memref<20000x128xf32, #tpu.memory_space<hbm>>
          tpu.wait_indirect_dma semaphore(%arg13 : memref<!tpu.dma_semaphore, #tpu.memory_space<semaphore_mem>>) src(%dma_wait3A_384 : memref<20000x128xf32, #tpu.memory_space<hbm>>) dst(%arg10 : memref<128x128xf32, #tpu.memory_space<vmem>>)
          %dma_start3A = arith.constant 7 : i32
          %dma_start3A_385 = arith.constant 0 : i32
          %dma_start3A_386 = tpu.memref_slice %arg8[%dma_start3A, %dma_start3A_385] : memref<16x128xi32, #tpu.memory_space<vmem>> -> memref<1x128xi32, #tpu.memory_space<vmem>>
          %dma_start3A_387 = tpu.memref_squeeze %dma_start3A_386 : memref<1x128xi32, #tpu.memory_space<vmem>> -> memref<128xi32, #tpu.memory_space<vmem>>
          %dma_start3A_388 = arith.constant 0 : i32
          %dma_start3A_389 = arith.constant 0 : i32
          %dma_start3A_390 = tpu.memref_slice %arg11[%dma_start3A_388, %dma_start3A_389] : memref<10240x128xf32, #tpu.memory_space<vmem_shared>> -> memref<10240x128xf32, #tpu.memory_space<vmem_shared>>
          tpu.enqueue_indirect_dma source(%arg10 : memref<128x128xf32, #tpu.memory_space<vmem>>) target(%dma_start3A_390 : memref<10240x128xf32, #tpu.memory_space<vmem_shared>>) offsets(%dma_start3A_387 : memref<128xi32, #tpu.memory_space<vmem>>) semaphore(%arg15 : memref<!tpu.dma_semaphore, #tpu.memory_space<semaphore_mem>>) {add = true}
        } else {
        }
        %add3A_211 = arith.constant 7 : i32
        %add3A_212 = arith.addi %add3A_31, %add3A_211 : i32
        %lt3A_213 = arith.constant 2500 : i32
        %lt3A_214 = arith.cmpi slt, %add3A_212, %lt3A_213 : i32
        %convert_element_type3A_215 = arith.extui %lt3A_214 : i1 to i32
        %cond3A_216 = arith.constant 0 : i32
        %cond3A_217 = arith.cmpi ne, %convert_element_type3A_215, %cond3A_216 : i32
        scf.if %cond3A_217 {
          %dma_wait3A = arith.constant 7 : i32
          %dma_wait3A_379 = arith.constant 0 : i32
          %dma_wait3A_380 = tpu.memref_slice %arg8[%dma_wait3A, %dma_wait3A_379] : memref<16x128xi32, #tpu.memory_space<vmem>> -> memref<1x128xi32, #tpu.memory_space<vmem>>
          %dma_wait3A_381 = tpu.memref_squeeze %dma_wait3A_380 : memref<1x128xi32, #tpu.memory_space<vmem>> -> memref<128xi32, #tpu.memory_space<vmem>>
          %dma_wait3A_382 = arith.constant 0 : i32
          %dma_wait3A_383 = arith.constant 0 : i32
          %dma_wait3A_384 = tpu.memref_slice %arg11[%dma_wait3A_382, %dma_wait3A_383] : memref<10240x128xf32, #tpu.memory_space<vmem_shared>> -> memref<10240x128xf32, #tpu.memory_space<vmem_shared>>
          tpu.wait_indirect_dma semaphore(%arg15 : memref<!tpu.dma_semaphore, #tpu.memory_space<semaphore_mem>>) src(%arg10 : memref<128x128xf32, #tpu.memory_space<vmem>>) dst(%dma_wait3A_384 : memref<10240x128xf32, #tpu.memory_space<vmem_shared>>)
        } else {
        }
        %add3A_218 = arith.constant 9 : i32
        %add3A_219 = arith.addi %add3A_31, %add3A_218 : i32
        %lt3A_220 = arith.constant 2500 : i32
        %lt3A_221 = arith.cmpi slt, %add3A_219, %lt3A_220 : i32
        %convert_element_type3A_222 = arith.extui %lt3A_221 : i1 to i32
        %cond3A_223 = arith.constant 0 : i32
        %cond3A_224 = arith.cmpi ne, %convert_element_type3A_222, %cond3A_223 : i32
        scf.if %cond3A_224 {
          %dma_start3A = arith.constant 9 : i32
          %dma_start3A_379 = arith.constant 0 : i32
          %dma_start3A_380 = tpu.memref_slice %arg7[%dma_start3A, %dma_start3A_379] : memref<16x128xi32, #tpu.memory_space<vmem>> -> memref<1x128xi32, #tpu.memory_space<vmem>>
          %dma_start3A_381 = tpu.memref_squeeze %dma_start3A_380 : memref<1x128xi32, #tpu.memory_space<vmem>> -> memref<128xi32, #tpu.memory_space<vmem>>
          %dma_start3A_382 = arith.constant 0 : i32
          %dma_start3A_383 = arith.constant 0 : i32
          %dma_start3A_384 = tpu.memref_slice %arg2[%dma_start3A_382, %dma_start3A_383] : memref<20000x128xf32, #tpu.memory_space<hbm>> -> memref<20000x128xf32, #tpu.memory_space<hbm>>
          tpu.enqueue_indirect_dma source(%dma_start3A_384 : memref<20000x128xf32, #tpu.memory_space<hbm>>) target(%arg10 : memref<128x128xf32, #tpu.memory_space<vmem>>) offsets(%dma_start3A_381 : memref<128xi32, #tpu.memory_space<vmem>>) semaphore(%arg13 : memref<!tpu.dma_semaphore, #tpu.memory_space<semaphore_mem>>)
        } else {
        }
        %add3A_225 = arith.constant 8 : i32
        %add3A_226 = arith.addi %add3A_31, %add3A_225 : i32
        %lt3A_227 = arith.constant 2500 : i32
        %lt3A_228 = arith.cmpi slt, %add3A_226, %lt3A_227 : i32
        %convert_element_type3A_229 = arith.extui %lt3A_228 : i1 to i32
        %cond3A_230 = arith.constant 0 : i32
        %cond3A_231 = arith.cmpi ne, %convert_element_type3A_229, %cond3A_230 : i32
        scf.if %cond3A_231 {
          %dma_wait3A = arith.constant 8 : i32
          %dma_wait3A_379 = arith.constant 0 : i32
          %dma_wait3A_380 = tpu.memref_slice %arg7[%dma_wait3A, %dma_wait3A_379] : memref<16x128xi32, #tpu.memory_space<vmem>> -> memref<1x128xi32, #tpu.memory_space<vmem>>
          %dma_wait3A_381 = tpu.memref_squeeze %dma_wait3A_380 : memref<1x128xi32, #tpu.memory_space<vmem>> -> memref<128xi32, #tpu.memory_space<vmem>>
          %dma_wait3A_382 = arith.constant 0 : i32
          %dma_wait3A_383 = arith.constant 0 : i32
          %dma_wait3A_384 = tpu.memref_slice %arg2[%dma_wait3A_382, %dma_wait3A_383] : memref<20000x128xf32, #tpu.memory_space<hbm>> -> memref<20000x128xf32, #tpu.memory_space<hbm>>
          tpu.wait_indirect_dma semaphore(%arg12 : memref<!tpu.dma_semaphore, #tpu.memory_space<semaphore_mem>>) src(%dma_wait3A_384 : memref<20000x128xf32, #tpu.memory_space<hbm>>) dst(%arg9 : memref<128x128xf32, #tpu.memory_space<vmem>>)
          %dma_start3A = arith.constant 8 : i32
          %dma_start3A_385 = arith.constant 0 : i32
          %dma_start3A_386 = tpu.memref_slice %arg8[%dma_start3A, %dma_start3A_385] : memref<16x128xi32, #tpu.memory_space<vmem>> -> memref<1x128xi32, #tpu.memory_space<vmem>>
          %dma_start3A_387 = tpu.memref_squeeze %dma_start3A_386 : memref<1x128xi32, #tpu.memory_space<vmem>> -> memref<128xi32, #tpu.memory_space<vmem>>
          %dma_start3A_388 = arith.constant 0 : i32
          %dma_start3A_389 = arith.constant 0 : i32
          %dma_start3A_390 = tpu.memref_slice %arg11[%dma_start3A_388, %dma_start3A_389] : memref<10240x128xf32, #tpu.memory_space<vmem_shared>> -> memref<10240x128xf32, #tpu.memory_space<vmem_shared>>
          tpu.enqueue_indirect_dma source(%arg9 : memref<128x128xf32, #tpu.memory_space<vmem>>) target(%dma_start3A_390 : memref<10240x128xf32, #tpu.memory_space<vmem_shared>>) offsets(%dma_start3A_387 : memref<128xi32, #tpu.memory_space<vmem>>) semaphore(%arg14 : memref<!tpu.dma_semaphore, #tpu.memory_space<semaphore_mem>>) {add = true}
        } else {
        }
        %add3A_232 = arith.constant 8 : i32
        %add3A_233 = arith.addi %add3A_31, %add3A_232 : i32
        %lt3A_234 = arith.constant 2500 : i32
        %lt3A_235 = arith.cmpi slt, %add3A_233, %lt3A_234 : i32
        %convert_element_type3A_236 = arith.extui %lt3A_235 : i1 to i32
        %cond3A_237 = arith.constant 0 : i32
        %cond3A_238 = arith.cmpi ne, %convert_element_type3A_236, %cond3A_237 : i32
        scf.if %cond3A_238 {
          %dma_wait3A = arith.constant 8 : i32
          %dma_wait3A_379 = arith.constant 0 : i32
          %dma_wait3A_380 = tpu.memref_slice %arg8[%dma_wait3A, %dma_wait3A_379] : memref<16x128xi32, #tpu.memory_space<vmem>> -> memref<1x128xi32, #tpu.memory_space<vmem>>
          %dma_wait3A_381 = tpu.memref_squeeze %dma_wait3A_380 : memref<1x128xi32, #tpu.memory_space<vmem>> -> memref<128xi32, #tpu.memory_space<vmem>>
          %dma_wait3A_382 = arith.constant 0 : i32
          %dma_wait3A_383 = arith.constant 0 : i32
          %dma_wait3A_384 = tpu.memref_slice %arg11[%dma_wait3A_382, %dma_wait3A_383] : memref<10240x128xf32, #tpu.memory_space<vmem_shared>> -> memref<10240x128xf32, #tpu.memory_space<vmem_shared>>
          tpu.wait_indirect_dma semaphore(%arg14 : memref<!tpu.dma_semaphore, #tpu.memory_space<semaphore_mem>>) src(%arg9 : memref<128x128xf32, #tpu.memory_space<vmem>>) dst(%dma_wait3A_384 : memref<10240x128xf32, #tpu.memory_space<vmem_shared>>)
        } else {
        }
        %add3A_239 = arith.constant 10 : i32
        %add3A_240 = arith.addi %add3A_31, %add3A_239 : i32
        %lt3A_241 = arith.constant 2500 : i32
        %lt3A_242 = arith.cmpi slt, %add3A_240, %lt3A_241 : i32
        %convert_element_type3A_243 = arith.extui %lt3A_242 : i1 to i32
        %cond3A_244 = arith.constant 0 : i32
        %cond3A_245 = arith.cmpi ne, %convert_element_type3A_243, %cond3A_244 : i32
        scf.if %cond3A_245 {
          %dma_start3A = arith.constant 10 : i32
          %dma_start3A_379 = arith.constant 0 : i32
          %dma_start3A_380 = tpu.memref_slice %arg7[%dma_start3A, %dma_start3A_379] : memref<16x128xi32, #tpu.memory_space<vmem>> -> memref<1x128xi32, #tpu.memory_space<vmem>>
          %dma_start3A_381 = tpu.memref_squeeze %dma_start3A_380 : memref<1x128xi32, #tpu.memory_space<vmem>> -> memref<128xi32, #tpu.memory_space<vmem>>
          %dma_start3A_382 = arith.constant 0 : i32
          %dma_start3A_383 = arith.constant 0 : i32
          %dma_start3A_384 = tpu.memref_slice %arg2[%dma_start3A_382, %dma_start3A_383] : memref<20000x128xf32, #tpu.memory_space<hbm>> -> memref<20000x128xf32, #tpu.memory_space<hbm>>
          tpu.enqueue_indirect_dma source(%dma_start3A_384 : memref<20000x128xf32, #tpu.memory_space<hbm>>) target(%arg9 : memref<128x128xf32, #tpu.memory_space<vmem>>) offsets(%dma_start3A_381 : memref<128xi32, #tpu.memory_space<vmem>>) semaphore(%arg12 : memref<!tpu.dma_semaphore, #tpu.memory_space<semaphore_mem>>)
        } else {
        }
        %add3A_246 = arith.constant 9 : i32
        %add3A_247 = arith.addi %add3A_31, %add3A_246 : i32
        %lt3A_248 = arith.constant 2500 : i32
        %lt3A_249 = arith.cmpi slt, %add3A_247, %lt3A_248 : i32
        %convert_element_type3A_250 = arith.extui %lt3A_249 : i1 to i32
        %cond3A_251 = arith.constant 0 : i32
        %cond3A_252 = arith.cmpi ne, %convert_element_type3A_250, %cond3A_251 : i32
        scf.if %cond3A_252 {
          %dma_wait3A = arith.constant 9 : i32
          %dma_wait3A_379 = arith.constant 0 : i32
          %dma_wait3A_380 = tpu.memref_slice %arg7[%dma_wait3A, %dma_wait3A_379] : memref<16x128xi32, #tpu.memory_space<vmem>> -> memref<1x128xi32, #tpu.memory_space<vmem>>
          %dma_wait3A_381 = tpu.memref_squeeze %dma_wait3A_380 : memref<1x128xi32, #tpu.memory_space<vmem>> -> memref<128xi32, #tpu.memory_space<vmem>>
          %dma_wait3A_382 = arith.constant 0 : i32
          %dma_wait3A_383 = arith.constant 0 : i32
          %dma_wait3A_384 = tpu.memref_slice %arg2[%dma_wait3A_382, %dma_wait3A_383] : memref<20000x128xf32, #tpu.memory_space<hbm>> -> memref<20000x128xf32, #tpu.memory_space<hbm>>
          tpu.wait_indirect_dma semaphore(%arg13 : memref<!tpu.dma_semaphore, #tpu.memory_space<semaphore_mem>>) src(%dma_wait3A_384 : memref<20000x128xf32, #tpu.memory_space<hbm>>) dst(%arg10 : memref<128x128xf32, #tpu.memory_space<vmem>>)
          %dma_start3A = arith.constant 9 : i32
          %dma_start3A_385 = arith.constant 0 : i32
          %dma_start3A_386 = tpu.memref_slice %arg8[%dma_start3A, %dma_start3A_385] : memref<16x128xi32, #tpu.memory_space<vmem>> -> memref<1x128xi32, #tpu.memory_space<vmem>>
          %dma_start3A_387 = tpu.memref_squeeze %dma_start3A_386 : memref<1x128xi32, #tpu.memory_space<vmem>> -> memref<128xi32, #tpu.memory_space<vmem>>
          %dma_start3A_388 = arith.constant 0 : i32
          %dma_start3A_389 = arith.constant 0 : i32
          %dma_start3A_390 = tpu.memref_slice %arg11[%dma_start3A_388, %dma_start3A_389] : memref<10240x128xf32, #tpu.memory_space<vmem_shared>> -> memref<10240x128xf32, #tpu.memory_space<vmem_shared>>
          tpu.enqueue_indirect_dma source(%arg10 : memref<128x128xf32, #tpu.memory_space<vmem>>) target(%dma_start3A_390 : memref<10240x128xf32, #tpu.memory_space<vmem_shared>>) offsets(%dma_start3A_387 : memref<128xi32, #tpu.memory_space<vmem>>) semaphore(%arg15 : memref<!tpu.dma_semaphore, #tpu.memory_space<semaphore_mem>>) {add = true}
        } else {
        }
        %add3A_253 = arith.constant 9 : i32
        %add3A_254 = arith.addi %add3A_31, %add3A_253 : i32
        %lt3A_255 = arith.constant 2500 : i32
        %lt3A_256 = arith.cmpi slt, %add3A_254, %lt3A_255 : i32
        %convert_element_type3A_257 = arith.extui %lt3A_256 : i1 to i32
        %cond3A_258 = arith.constant 0 : i32
        %cond3A_259 = arith.cmpi ne, %convert_element_type3A_257, %cond3A_258 : i32
        scf.if %cond3A_259 {
          %dma_wait3A = arith.constant 9 : i32
          %dma_wait3A_379 = arith.constant 0 : i32
          %dma_wait3A_380 = tpu.memref_slice %arg8[%dma_wait3A, %dma_wait3A_379] : memref<16x128xi32, #tpu.memory_space<vmem>> -> memref<1x128xi32, #tpu.memory_space<vmem>>
          %dma_wait3A_381 = tpu.memref_squeeze %dma_wait3A_380 : memref<1x128xi32, #tpu.memory_space<vmem>> -> memref<128xi32, #tpu.memory_space<vmem>>
          %dma_wait3A_382 = arith.constant 0 : i32
          %dma_wait3A_383 = arith.constant 0 : i32
          %dma_wait3A_384 = tpu.memref_slice %arg11[%dma_wait3A_382, %dma_wait3A_383] : memref<10240x128xf32, #tpu.memory_space<vmem_shared>> -> memref<10240x128xf32, #tpu.memory_space<vmem_shared>>
          tpu.wait_indirect_dma semaphore(%arg15 : memref<!tpu.dma_semaphore, #tpu.memory_space<semaphore_mem>>) src(%arg10 : memref<128x128xf32, #tpu.memory_space<vmem>>) dst(%dma_wait3A_384 : memref<10240x128xf32, #tpu.memory_space<vmem_shared>>)
        } else {
        }
        %add3A_260 = arith.constant 11 : i32
        %add3A_261 = arith.addi %add3A_31, %add3A_260 : i32
        %lt3A_262 = arith.constant 2500 : i32
        %lt3A_263 = arith.cmpi slt, %add3A_261, %lt3A_262 : i32
        %convert_element_type3A_264 = arith.extui %lt3A_263 : i1 to i32
        %cond3A_265 = arith.constant 0 : i32
        %cond3A_266 = arith.cmpi ne, %convert_element_type3A_264, %cond3A_265 : i32
        scf.if %cond3A_266 {
          %dma_start3A = arith.constant 11 : i32
          %dma_start3A_379 = arith.constant 0 : i32
          %dma_start3A_380 = tpu.memref_slice %arg7[%dma_start3A, %dma_start3A_379] : memref<16x128xi32, #tpu.memory_space<vmem>> -> memref<1x128xi32, #tpu.memory_space<vmem>>
          %dma_start3A_381 = tpu.memref_squeeze %dma_start3A_380 : memref<1x128xi32, #tpu.memory_space<vmem>> -> memref<128xi32, #tpu.memory_space<vmem>>
          %dma_start3A_382 = arith.constant 0 : i32
          %dma_start3A_383 = arith.constant 0 : i32
          %dma_start3A_384 = tpu.memref_slice %arg2[%dma_start3A_382, %dma_start3A_383] : memref<20000x128xf32, #tpu.memory_space<hbm>> -> memref<20000x128xf32, #tpu.memory_space<hbm>>
          tpu.enqueue_indirect_dma source(%dma_start3A_384 : memref<20000x128xf32, #tpu.memory_space<hbm>>) target(%arg10 : memref<128x128xf32, #tpu.memory_space<vmem>>) offsets(%dma_start3A_381 : memref<128xi32, #tpu.memory_space<vmem>>) semaphore(%arg13 : memref<!tpu.dma_semaphore, #tpu.memory_space<semaphore_mem>>)
        } else {
        }
        %add3A_267 = arith.constant 10 : i32
        %add3A_268 = arith.addi %add3A_31, %add3A_267 : i32
        %lt3A_269 = arith.constant 2500 : i32
        %lt3A_270 = arith.cmpi slt, %add3A_268, %lt3A_269 : i32
        %convert_element_type3A_271 = arith.extui %lt3A_270 : i1 to i32
        %cond3A_272 = arith.constant 0 : i32
        %cond3A_273 = arith.cmpi ne, %convert_element_type3A_271, %cond3A_272 : i32
        scf.if %cond3A_273 {
          %dma_wait3A = arith.constant 10 : i32
          %dma_wait3A_379 = arith.constant 0 : i32
          %dma_wait3A_380 = tpu.memref_slice %arg7[%dma_wait3A, %dma_wait3A_379] : memref<16x128xi32, #tpu.memory_space<vmem>> -> memref<1x128xi32, #tpu.memory_space<vmem>>
          %dma_wait3A_381 = tpu.memref_squeeze %dma_wait3A_380 : memref<1x128xi32, #tpu.memory_space<vmem>> -> memref<128xi32, #tpu.memory_space<vmem>>
          %dma_wait3A_382 = arith.constant 0 : i32
          %dma_wait3A_383 = arith.constant 0 : i32
          %dma_wait3A_384 = tpu.memref_slice %arg2[%dma_wait3A_382, %dma_wait3A_383] : memref<20000x128xf32, #tpu.memory_space<hbm>> -> memref<20000x128xf32, #tpu.memory_space<hbm>>
          tpu.wait_indirect_dma semaphore(%arg12 : memref<!tpu.dma_semaphore, #tpu.memory_space<semaphore_mem>>) src(%dma_wait3A_384 : memref<20000x128xf32, #tpu.memory_space<hbm>>) dst(%arg9 : memref<128x128xf32, #tpu.memory_space<vmem>>)
          %dma_start3A = arith.constant 10 : i32
          %dma_start3A_385 = arith.constant 0 : i32
          %dma_start3A_386 = tpu.memref_slice %arg8[%dma_start3A, %dma_start3A_385] : memref<16x128xi32, #tpu.memory_space<vmem>> -> memref<1x128xi32, #tpu.memory_space<vmem>>
          %dma_start3A_387 = tpu.memref_squeeze %dma_start3A_386 : memref<1x128xi32, #tpu.memory_space<vmem>> -> memref<128xi32, #tpu.memory_space<vmem>>
          %dma_start3A_388 = arith.constant 0 : i32
          %dma_start3A_389 = arith.constant 0 : i32
          %dma_start3A_390 = tpu.memref_slice %arg11[%dma_start3A_388, %dma_start3A_389] : memref<10240x128xf32, #tpu.memory_space<vmem_shared>> -> memref<10240x128xf32, #tpu.memory_space<vmem_shared>>
          tpu.enqueue_indirect_dma source(%arg9 : memref<128x128xf32, #tpu.memory_space<vmem>>) target(%dma_start3A_390 : memref<10240x128xf32, #tpu.memory_space<vmem_shared>>) offsets(%dma_start3A_387 : memref<128xi32, #tpu.memory_space<vmem>>) semaphore(%arg14 : memref<!tpu.dma_semaphore, #tpu.memory_space<semaphore_mem>>) {add = true}
        } else {
        }
        %add3A_274 = arith.constant 10 : i32
        %add3A_275 = arith.addi %add3A_31, %add3A_274 : i32
        %lt3A_276 = arith.constant 2500 : i32
        %lt3A_277 = arith.cmpi slt, %add3A_275, %lt3A_276 : i32
        %convert_element_type3A_278 = arith.extui %lt3A_277 : i1 to i32
        %cond3A_279 = arith.constant 0 : i32
        %cond3A_280 = arith.cmpi ne, %convert_element_type3A_278, %cond3A_279 : i32
        scf.if %cond3A_280 {
          %dma_wait3A = arith.constant 10 : i32
          %dma_wait3A_379 = arith.constant 0 : i32
          %dma_wait3A_380 = tpu.memref_slice %arg8[%dma_wait3A, %dma_wait3A_379] : memref<16x128xi32, #tpu.memory_space<vmem>> -> memref<1x128xi32, #tpu.memory_space<vmem>>
          %dma_wait3A_381 = tpu.memref_squeeze %dma_wait3A_380 : memref<1x128xi32, #tpu.memory_space<vmem>> -> memref<128xi32, #tpu.memory_space<vmem>>
          %dma_wait3A_382 = arith.constant 0 : i32
          %dma_wait3A_383 = arith.constant 0 : i32
          %dma_wait3A_384 = tpu.memref_slice %arg11[%dma_wait3A_382, %dma_wait3A_383] : memref<10240x128xf32, #tpu.memory_space<vmem_shared>> -> memref<10240x128xf32, #tpu.memory_space<vmem_shared>>
          tpu.wait_indirect_dma semaphore(%arg14 : memref<!tpu.dma_semaphore, #tpu.memory_space<semaphore_mem>>) src(%arg9 : memref<128x128xf32, #tpu.memory_space<vmem>>) dst(%dma_wait3A_384 : memref<10240x128xf32, #tpu.memory_space<vmem_shared>>)
        } else {
        }
        %add3A_281 = arith.constant 12 : i32
        %add3A_282 = arith.addi %add3A_31, %add3A_281 : i32
        %lt3A_283 = arith.constant 2500 : i32
        %lt3A_284 = arith.cmpi slt, %add3A_282, %lt3A_283 : i32
        %convert_element_type3A_285 = arith.extui %lt3A_284 : i1 to i32
        %cond3A_286 = arith.constant 0 : i32
        %cond3A_287 = arith.cmpi ne, %convert_element_type3A_285, %cond3A_286 : i32
        scf.if %cond3A_287 {
          %dma_start3A = arith.constant 12 : i32
          %dma_start3A_379 = arith.constant 0 : i32
          %dma_start3A_380 = tpu.memref_slice %arg7[%dma_start3A, %dma_start3A_379] : memref<16x128xi32, #tpu.memory_space<vmem>> -> memref<1x128xi32, #tpu.memory_space<vmem>>
          %dma_start3A_381 = tpu.memref_squeeze %dma_start3A_380 : memref<1x128xi32, #tpu.memory_space<vmem>> -> memref<128xi32, #tpu.memory_space<vmem>>
          %dma_start3A_382 = arith.constant 0 : i32
          %dma_start3A_383 = arith.constant 0 : i32
          %dma_start3A_384 = tpu.memref_slice %arg2[%dma_start3A_382, %dma_start3A_383] : memref<20000x128xf32, #tpu.memory_space<hbm>> -> memref<20000x128xf32, #tpu.memory_space<hbm>>
          tpu.enqueue_indirect_dma source(%dma_start3A_384 : memref<20000x128xf32, #tpu.memory_space<hbm>>) target(%arg9 : memref<128x128xf32, #tpu.memory_space<vmem>>) offsets(%dma_start3A_381 : memref<128xi32, #tpu.memory_space<vmem>>) semaphore(%arg12 : memref<!tpu.dma_semaphore, #tpu.memory_space<semaphore_mem>>)
        } else {
        }
        %add3A_288 = arith.constant 11 : i32
        %add3A_289 = arith.addi %add3A_31, %add3A_288 : i32
        %lt3A_290 = arith.constant 2500 : i32
        %lt3A_291 = arith.cmpi slt, %add3A_289, %lt3A_290 : i32
        %convert_element_type3A_292 = arith.extui %lt3A_291 : i1 to i32
        %cond3A_293 = arith.constant 0 : i32
        %cond3A_294 = arith.cmpi ne, %convert_element_type3A_292, %cond3A_293 : i32
        scf.if %cond3A_294 {
          %dma_wait3A = arith.constant 11 : i32
          %dma_wait3A_379 = arith.constant 0 : i32
          %dma_wait3A_380 = tpu.memref_slice %arg7[%dma_wait3A, %dma_wait3A_379] : memref<16x128xi32, #tpu.memory_space<vmem>> -> memref<1x128xi32, #tpu.memory_space<vmem>>
          %dma_wait3A_381 = tpu.memref_squeeze %dma_wait3A_380 : memref<1x128xi32, #tpu.memory_space<vmem>> -> memref<128xi32, #tpu.memory_space<vmem>>
          %dma_wait3A_382 = arith.constant 0 : i32
          %dma_wait3A_383 = arith.constant 0 : i32
          %dma_wait3A_384 = tpu.memref_slice %arg2[%dma_wait3A_382, %dma_wait3A_383] : memref<20000x128xf32, #tpu.memory_space<hbm>> -> memref<20000x128xf32, #tpu.memory_space<hbm>>
          tpu.wait_indirect_dma semaphore(%arg13 : memref<!tpu.dma_semaphore, #tpu.memory_space<semaphore_mem>>) src(%dma_wait3A_384 : memref<20000x128xf32, #tpu.memory_space<hbm>>) dst(%arg10 : memref<128x128xf32, #tpu.memory_space<vmem>>)
          %dma_start3A = arith.constant 11 : i32
          %dma_start3A_385 = arith.constant 0 : i32
          %dma_start3A_386 = tpu.memref_slice %arg8[%dma_start3A, %dma_start3A_385] : memref<16x128xi32, #tpu.memory_space<vmem>> -> memref<1x128xi32, #tpu.memory_space<vmem>>
          %dma_start3A_387 = tpu.memref_squeeze %dma_start3A_386 : memref<1x128xi32, #tpu.memory_space<vmem>> -> memref<128xi32, #tpu.memory_space<vmem>>
          %dma_start3A_388 = arith.constant 0 : i32
          %dma_start3A_389 = arith.constant 0 : i32
          %dma_start3A_390 = tpu.memref_slice %arg11[%dma_start3A_388, %dma_start3A_389] : memref<10240x128xf32, #tpu.memory_space<vmem_shared>> -> memref<10240x128xf32, #tpu.memory_space<vmem_shared>>
          tpu.enqueue_indirect_dma source(%arg10 : memref<128x128xf32, #tpu.memory_space<vmem>>) target(%dma_start3A_390 : memref<10240x128xf32, #tpu.memory_space<vmem_shared>>) offsets(%dma_start3A_387 : memref<128xi32, #tpu.memory_space<vmem>>) semaphore(%arg15 : memref<!tpu.dma_semaphore, #tpu.memory_space<semaphore_mem>>) {add = true}
        } else {
        }
        %add3A_295 = arith.constant 11 : i32
        %add3A_296 = arith.addi %add3A_31, %add3A_295 : i32
        %lt3A_297 = arith.constant 2500 : i32
        %lt3A_298 = arith.cmpi slt, %add3A_296, %lt3A_297 : i32
        %convert_element_type3A_299 = arith.extui %lt3A_298 : i1 to i32
        %cond3A_300 = arith.constant 0 : i32
        %cond3A_301 = arith.cmpi ne, %convert_element_type3A_299, %cond3A_300 : i32
        scf.if %cond3A_301 {
          %dma_wait3A = arith.constant 11 : i32
          %dma_wait3A_379 = arith.constant 0 : i32
          %dma_wait3A_380 = tpu.memref_slice %arg8[%dma_wait3A, %dma_wait3A_379] : memref<16x128xi32, #tpu.memory_space<vmem>> -> memref<1x128xi32, #tpu.memory_space<vmem>>
          %dma_wait3A_381 = tpu.memref_squeeze %dma_wait3A_380 : memref<1x128xi32, #tpu.memory_space<vmem>> -> memref<128xi32, #tpu.memory_space<vmem>>
          %dma_wait3A_382 = arith.constant 0 : i32
          %dma_wait3A_383 = arith.constant 0 : i32
          %dma_wait3A_384 = tpu.memref_slice %arg11[%dma_wait3A_382, %dma_wait3A_383] : memref<10240x128xf32, #tpu.memory_space<vmem_shared>> -> memref<10240x128xf32, #tpu.memory_space<vmem_shared>>
          tpu.wait_indirect_dma semaphore(%arg15 : memref<!tpu.dma_semaphore, #tpu.memory_space<semaphore_mem>>) src(%arg10 : memref<128x128xf32, #tpu.memory_space<vmem>>) dst(%dma_wait3A_384 : memref<10240x128xf32, #tpu.memory_space<vmem_shared>>)
        } else {
        }
        %add3A_302 = arith.constant 13 : i32
        %add3A_303 = arith.addi %add3A_31, %add3A_302 : i32
        %lt3A_304 = arith.constant 2500 : i32
        %lt3A_305 = arith.cmpi slt, %add3A_303, %lt3A_304 : i32
        %convert_element_type3A_306 = arith.extui %lt3A_305 : i1 to i32
        %cond3A_307 = arith.constant 0 : i32
        %cond3A_308 = arith.cmpi ne, %convert_element_type3A_306, %cond3A_307 : i32
        scf.if %cond3A_308 {
          %dma_start3A = arith.constant 13 : i32
          %dma_start3A_379 = arith.constant 0 : i32
          %dma_start3A_380 = tpu.memref_slice %arg7[%dma_start3A, %dma_start3A_379] : memref<16x128xi32, #tpu.memory_space<vmem>> -> memref<1x128xi32, #tpu.memory_space<vmem>>
          %dma_start3A_381 = tpu.memref_squeeze %dma_start3A_380 : memref<1x128xi32, #tpu.memory_space<vmem>> -> memref<128xi32, #tpu.memory_space<vmem>>
          %dma_start3A_382 = arith.constant 0 : i32
          %dma_start3A_383 = arith.constant 0 : i32
          %dma_start3A_384 = tpu.memref_slice %arg2[%dma_start3A_382, %dma_start3A_383] : memref<20000x128xf32, #tpu.memory_space<hbm>> -> memref<20000x128xf32, #tpu.memory_space<hbm>>
          tpu.enqueue_indirect_dma source(%dma_start3A_384 : memref<20000x128xf32, #tpu.memory_space<hbm>>) target(%arg10 : memref<128x128xf32, #tpu.memory_space<vmem>>) offsets(%dma_start3A_381 : memref<128xi32, #tpu.memory_space<vmem>>) semaphore(%arg13 : memref<!tpu.dma_semaphore, #tpu.memory_space<semaphore_mem>>)
        } else {
        }
        %add3A_309 = arith.constant 12 : i32
        %add3A_310 = arith.addi %add3A_31, %add3A_309 : i32
        %lt3A_311 = arith.constant 2500 : i32
        %lt3A_312 = arith.cmpi slt, %add3A_310, %lt3A_311 : i32
        %convert_element_type3A_313 = arith.extui %lt3A_312 : i1 to i32
        %cond3A_314 = arith.constant 0 : i32
        %cond3A_315 = arith.cmpi ne, %convert_element_type3A_313, %cond3A_314 : i32
        scf.if %cond3A_315 {
          %dma_wait3A = arith.constant 12 : i32
          %dma_wait3A_379 = arith.constant 0 : i32
          %dma_wait3A_380 = tpu.memref_slice %arg7[%dma_wait3A, %dma_wait3A_379] : memref<16x128xi32, #tpu.memory_space<vmem>> -> memref<1x128xi32, #tpu.memory_space<vmem>>
          %dma_wait3A_381 = tpu.memref_squeeze %dma_wait3A_380 : memref<1x128xi32, #tpu.memory_space<vmem>> -> memref<128xi32, #tpu.memory_space<vmem>>
          %dma_wait3A_382 = arith.constant 0 : i32
          %dma_wait3A_383 = arith.constant 0 : i32
          %dma_wait3A_384 = tpu.memref_slice %arg2[%dma_wait3A_382, %dma_wait3A_383] : memref<20000x128xf32, #tpu.memory_space<hbm>> -> memref<20000x128xf32, #tpu.memory_space<hbm>>
          tpu.wait_indirect_dma semaphore(%arg12 : memref<!tpu.dma_semaphore, #tpu.memory_space<semaphore_mem>>) src(%dma_wait3A_384 : memref<20000x128xf32, #tpu.memory_space<hbm>>) dst(%arg9 : memref<128x128xf32, #tpu.memory_space<vmem>>)
          %dma_start3A = arith.constant 12 : i32
          %dma_start3A_385 = arith.constant 0 : i32
          %dma_start3A_386 = tpu.memref_slice %arg8[%dma_start3A, %dma_start3A_385] : memref<16x128xi32, #tpu.memory_space<vmem>> -> memref<1x128xi32, #tpu.memory_space<vmem>>
          %dma_start3A_387 = tpu.memref_squeeze %dma_start3A_386 : memref<1x128xi32, #tpu.memory_space<vmem>> -> memref<128xi32, #tpu.memory_space<vmem>>
          %dma_start3A_388 = arith.constant 0 : i32
          %dma_start3A_389 = arith.constant 0 : i32
          %dma_start3A_390 = tpu.memref_slice %arg11[%dma_start3A_388, %dma_start3A_389] : memref<10240x128xf32, #tpu.memory_space<vmem_shared>> -> memref<10240x128xf32, #tpu.memory_space<vmem_shared>>
          tpu.enqueue_indirect_dma source(%arg9 : memref<128x128xf32, #tpu.memory_space<vmem>>) target(%dma_start3A_390 : memref<10240x128xf32, #tpu.memory_space<vmem_shared>>) offsets(%dma_start3A_387 : memref<128xi32, #tpu.memory_space<vmem>>) semaphore(%arg14 : memref<!tpu.dma_semaphore, #tpu.memory_space<semaphore_mem>>) {add = true}
        } else {
        }
        %add3A_316 = arith.constant 12 : i32
        %add3A_317 = arith.addi %add3A_31, %add3A_316 : i32
        %lt3A_318 = arith.constant 2500 : i32
        %lt3A_319 = arith.cmpi slt, %add3A_317, %lt3A_318 : i32
        %convert_element_type3A_320 = arith.extui %lt3A_319 : i1 to i32
        %cond3A_321 = arith.constant 0 : i32
        %cond3A_322 = arith.cmpi ne, %convert_element_type3A_320, %cond3A_321 : i32
        scf.if %cond3A_322 {
          %dma_wait3A = arith.constant 12 : i32
          %dma_wait3A_379 = arith.constant 0 : i32
          %dma_wait3A_380 = tpu.memref_slice %arg8[%dma_wait3A, %dma_wait3A_379] : memref<16x128xi32, #tpu.memory_space<vmem>> -> memref<1x128xi32, #tpu.memory_space<vmem>>
          %dma_wait3A_381 = tpu.memref_squeeze %dma_wait3A_380 : memref<1x128xi32, #tpu.memory_space<vmem>> -> memref<128xi32, #tpu.memory_space<vmem>>
          %dma_wait3A_382 = arith.constant 0 : i32
          %dma_wait3A_383 = arith.constant 0 : i32
          %dma_wait3A_384 = tpu.memref_slice %arg11[%dma_wait3A_382, %dma_wait3A_383] : memref<10240x128xf32, #tpu.memory_space<vmem_shared>> -> memref<10240x128xf32, #tpu.memory_space<vmem_shared>>
          tpu.wait_indirect_dma semaphore(%arg14 : memref<!tpu.dma_semaphore, #tpu.memory_space<semaphore_mem>>) src(%arg9 : memref<128x128xf32, #tpu.memory_space<vmem>>) dst(%dma_wait3A_384 : memref<10240x128xf32, #tpu.memory_space<vmem_shared>>)
        } else {
        }
        %add3A_323 = arith.constant 14 : i32
        %add3A_324 = arith.addi %add3A_31, %add3A_323 : i32
        %lt3A_325 = arith.constant 2500 : i32
        %lt3A_326 = arith.cmpi slt, %add3A_324, %lt3A_325 : i32
        %convert_element_type3A_327 = arith.extui %lt3A_326 : i1 to i32
        %cond3A_328 = arith.constant 0 : i32
        %cond3A_329 = arith.cmpi ne, %convert_element_type3A_327, %cond3A_328 : i32
        scf.if %cond3A_329 {
          %dma_start3A = arith.constant 14 : i32
          %dma_start3A_379 = arith.constant 0 : i32
          %dma_start3A_380 = tpu.memref_slice %arg7[%dma_start3A, %dma_start3A_379] : memref<16x128xi32, #tpu.memory_space<vmem>> -> memref<1x128xi32, #tpu.memory_space<vmem>>
          %dma_start3A_381 = tpu.memref_squeeze %dma_start3A_380 : memref<1x128xi32, #tpu.memory_space<vmem>> -> memref<128xi32, #tpu.memory_space<vmem>>
          %dma_start3A_382 = arith.constant 0 : i32
          %dma_start3A_383 = arith.constant 0 : i32
          %dma_start3A_384 = tpu.memref_slice %arg2[%dma_start3A_382, %dma_start3A_383] : memref<20000x128xf32, #tpu.memory_space<hbm>> -> memref<20000x128xf32, #tpu.memory_space<hbm>>
          tpu.enqueue_indirect_dma source(%dma_start3A_384 : memref<20000x128xf32, #tpu.memory_space<hbm>>) target(%arg9 : memref<128x128xf32, #tpu.memory_space<vmem>>) offsets(%dma_start3A_381 : memref<128xi32, #tpu.memory_space<vmem>>) semaphore(%arg12 : memref<!tpu.dma_semaphore, #tpu.memory_space<semaphore_mem>>)
        } else {
        }
        %add3A_330 = arith.constant 13 : i32
        %add3A_331 = arith.addi %add3A_31, %add3A_330 : i32
        %lt3A_332 = arith.constant 2500 : i32
        %lt3A_333 = arith.cmpi slt, %add3A_331, %lt3A_332 : i32
        %convert_element_type3A_334 = arith.extui %lt3A_333 : i1 to i32
        %cond3A_335 = arith.constant 0 : i32
        %cond3A_336 = arith.cmpi ne, %convert_element_type3A_334, %cond3A_335 : i32
        scf.if %cond3A_336 {
          %dma_wait3A = arith.constant 13 : i32
          %dma_wait3A_379 = arith.constant 0 : i32
          %dma_wait3A_380 = tpu.memref_slice %arg7[%dma_wait3A, %dma_wait3A_379] : memref<16x128xi32, #tpu.memory_space<vmem>> -> memref<1x128xi32, #tpu.memory_space<vmem>>
          %dma_wait3A_381 = tpu.memref_squeeze %dma_wait3A_380 : memref<1x128xi32, #tpu.memory_space<vmem>> -> memref<128xi32, #tpu.memory_space<vmem>>
          %dma_wait3A_382 = arith.constant 0 : i32
          %dma_wait3A_383 = arith.constant 0 : i32
          %dma_wait3A_384 = tpu.memref_slice %arg2[%dma_wait3A_382, %dma_wait3A_383] : memref<20000x128xf32, #tpu.memory_space<hbm>> -> memref<20000x128xf32, #tpu.memory_space<hbm>>
          tpu.wait_indirect_dma semaphore(%arg13 : memref<!tpu.dma_semaphore, #tpu.memory_space<semaphore_mem>>) src(%dma_wait3A_384 : memref<20000x128xf32, #tpu.memory_space<hbm>>) dst(%arg10 : memref<128x128xf32, #tpu.memory_space<vmem>>)
          %dma_start3A = arith.constant 13 : i32
          %dma_start3A_385 = arith.constant 0 : i32
          %dma_start3A_386 = tpu.memref_slice %arg8[%dma_start3A, %dma_start3A_385] : memref<16x128xi32, #tpu.memory_space<vmem>> -> memref<1x128xi32, #tpu.memory_space<vmem>>
          %dma_start3A_387 = tpu.memref_squeeze %dma_start3A_386 : memref<1x128xi32, #tpu.memory_space<vmem>> -> memref<128xi32, #tpu.memory_space<vmem>>
          %dma_start3A_388 = arith.constant 0 : i32
          %dma_start3A_389 = arith.constant 0 : i32
          %dma_start3A_390 = tpu.memref_slice %arg11[%dma_start3A_388, %dma_start3A_389] : memref<10240x128xf32, #tpu.memory_space<vmem_shared>> -> memref<10240x128xf32, #tpu.memory_space<vmem_shared>>
          tpu.enqueue_indirect_dma source(%arg10 : memref<128x128xf32, #tpu.memory_space<vmem>>) target(%dma_start3A_390 : memref<10240x128xf32, #tpu.memory_space<vmem_shared>>) offsets(%dma_start3A_387 : memref<128xi32, #tpu.memory_space<vmem>>) semaphore(%arg15 : memref<!tpu.dma_semaphore, #tpu.memory_space<semaphore_mem>>) {add = true}
        } else {
        }
        %add3A_337 = arith.constant 13 : i32
        %add3A_338 = arith.addi %add3A_31, %add3A_337 : i32
        %lt3A_339 = arith.constant 2500 : i32
        %lt3A_340 = arith.cmpi slt, %add3A_338, %lt3A_339 : i32
        %convert_element_type3A_341 = arith.extui %lt3A_340 : i1 to i32
        %cond3A_342 = arith.constant 0 : i32
        %cond3A_343 = arith.cmpi ne, %convert_element_type3A_341, %cond3A_342 : i32
        scf.if %cond3A_343 {
          %dma_wait3A = arith.constant 13 : i32
          %dma_wait3A_379 = arith.constant 0 : i32
          %dma_wait3A_380 = tpu.memref_slice %arg8[%dma_wait3A, %dma_wait3A_379] : memref<16x128xi32, #tpu.memory_space<vmem>> -> memref<1x128xi32, #tpu.memory_space<vmem>>
          %dma_wait3A_381 = tpu.memref_squeeze %dma_wait3A_380 : memref<1x128xi32, #tpu.memory_space<vmem>> -> memref<128xi32, #tpu.memory_space<vmem>>
          %dma_wait3A_382 = arith.constant 0 : i32
          %dma_wait3A_383 = arith.constant 0 : i32
          %dma_wait3A_384 = tpu.memref_slice %arg11[%dma_wait3A_382, %dma_wait3A_383] : memref<10240x128xf32, #tpu.memory_space<vmem_shared>> -> memref<10240x128xf32, #tpu.memory_space<vmem_shared>>
          tpu.wait_indirect_dma semaphore(%arg15 : memref<!tpu.dma_semaphore, #tpu.memory_space<semaphore_mem>>) src(%arg10 : memref<128x128xf32, #tpu.memory_space<vmem>>) dst(%dma_wait3A_384 : memref<10240x128xf32, #tpu.memory_space<vmem_shared>>)
        } else {
        }
        %add3A_344 = arith.constant 15 : i32
        %add3A_345 = arith.addi %add3A_31, %add3A_344 : i32
        %lt3A_346 = arith.constant 2500 : i32
        %lt3A_347 = arith.cmpi slt, %add3A_345, %lt3A_346 : i32
        %convert_element_type3A_348 = arith.extui %lt3A_347 : i1 to i32
        %cond3A_349 = arith.constant 0 : i32
        %cond3A_350 = arith.cmpi ne, %convert_element_type3A_348, %cond3A_349 : i32
        scf.if %cond3A_350 {
          %dma_start3A = arith.constant 15 : i32
          %dma_start3A_379 = arith.constant 0 : i32
          %dma_start3A_380 = tpu.memref_slice %arg7[%dma_start3A, %dma_start3A_379] : memref<16x128xi32, #tpu.memory_space<vmem>> -> memref<1x128xi32, #tpu.memory_space<vmem>>
          %dma_start3A_381 = tpu.memref_squeeze %dma_start3A_380 : memref<1x128xi32, #tpu.memory_space<vmem>> -> memref<128xi32, #tpu.memory_space<vmem>>
          %dma_start3A_382 = arith.constant 0 : i32
          %dma_start3A_383 = arith.constant 0 : i32
          %dma_start3A_384 = tpu.memref_slice %arg2[%dma_start3A_382, %dma_start3A_383] : memref<20000x128xf32, #tpu.memory_space<hbm>> -> memref<20000x128xf32, #tpu.memory_space<hbm>>
          tpu.enqueue_indirect_dma source(%dma_start3A_384 : memref<20000x128xf32, #tpu.memory_space<hbm>>) target(%arg10 : memref<128x128xf32, #tpu.memory_space<vmem>>) offsets(%dma_start3A_381 : memref<128xi32, #tpu.memory_space<vmem>>) semaphore(%arg13 : memref<!tpu.dma_semaphore, #tpu.memory_space<semaphore_mem>>)
        } else {
        }
        %add3A_351 = arith.constant 14 : i32
        %add3A_352 = arith.addi %add3A_31, %add3A_351 : i32
        %lt3A_353 = arith.constant 2500 : i32
        %lt3A_354 = arith.cmpi slt, %add3A_352, %lt3A_353 : i32
        %convert_element_type3A_355 = arith.extui %lt3A_354 : i1 to i32
        %cond3A_356 = arith.constant 0 : i32
        %cond3A_357 = arith.cmpi ne, %convert_element_type3A_355, %cond3A_356 : i32
        scf.if %cond3A_357 {
          %dma_wait3A = arith.constant 14 : i32
          %dma_wait3A_379 = arith.constant 0 : i32
          %dma_wait3A_380 = tpu.memref_slice %arg7[%dma_wait3A, %dma_wait3A_379] : memref<16x128xi32, #tpu.memory_space<vmem>> -> memref<1x128xi32, #tpu.memory_space<vmem>>
          %dma_wait3A_381 = tpu.memref_squeeze %dma_wait3A_380 : memref<1x128xi32, #tpu.memory_space<vmem>> -> memref<128xi32, #tpu.memory_space<vmem>>
          %dma_wait3A_382 = arith.constant 0 : i32
          %dma_wait3A_383 = arith.constant 0 : i32
          %dma_wait3A_384 = tpu.memref_slice %arg2[%dma_wait3A_382, %dma_wait3A_383] : memref<20000x128xf32, #tpu.memory_space<hbm>> -> memref<20000x128xf32, #tpu.memory_space<hbm>>
          tpu.wait_indirect_dma semaphore(%arg12 : memref<!tpu.dma_semaphore, #tpu.memory_space<semaphore_mem>>) src(%dma_wait3A_384 : memref<20000x128xf32, #tpu.memory_space<hbm>>) dst(%arg9 : memref<128x128xf32, #tpu.memory_space<vmem>>)
          %dma_start3A = arith.constant 14 : i32
          %dma_start3A_385 = arith.constant 0 : i32
          %dma_start3A_386 = tpu.memref_slice %arg8[%dma_start3A, %dma_start3A_385] : memref<16x128xi32, #tpu.memory_space<vmem>> -> memref<1x128xi32, #tpu.memory_space<vmem>>
          %dma_start3A_387 = tpu.memref_squeeze %dma_start3A_386 : memref<1x128xi32, #tpu.memory_space<vmem>> -> memref<128xi32, #tpu.memory_space<vmem>>
          %dma_start3A_388 = arith.constant 0 : i32
          %dma_start3A_389 = arith.constant 0 : i32
          %dma_start3A_390 = tpu.memref_slice %arg11[%dma_start3A_388, %dma_start3A_389] : memref<10240x128xf32, #tpu.memory_space<vmem_shared>> -> memref<10240x128xf32, #tpu.memory_space<vmem_shared>>
          tpu.enqueue_indirect_dma source(%arg9 : memref<128x128xf32, #tpu.memory_space<vmem>>) target(%dma_start3A_390 : memref<10240x128xf32, #tpu.memory_space<vmem_shared>>) offsets(%dma_start3A_387 : memref<128xi32, #tpu.memory_space<vmem>>) semaphore(%arg14 : memref<!tpu.dma_semaphore, #tpu.memory_space<semaphore_mem>>) {add = true}
        } else {
        }
        %add3A_358 = arith.constant 15 : i32
        %add3A_359 = arith.addi %add3A_31, %add3A_358 : i32
        %lt3A_360 = arith.constant 2500 : i32
        %lt3A_361 = arith.cmpi slt, %add3A_359, %lt3A_360 : i32
        %convert_element_type3A_362 = arith.extui %lt3A_361 : i1 to i32
        %cond3A_363 = arith.constant 0 : i32
        %cond3A_364 = arith.cmpi ne, %convert_element_type3A_362, %cond3A_363 : i32
        scf.if %cond3A_364 {
          %dma_wait3A = arith.constant 15 : i32
          %dma_wait3A_379 = arith.constant 0 : i32
          %dma_wait3A_380 = tpu.memref_slice %arg7[%dma_wait3A, %dma_wait3A_379] : memref<16x128xi32, #tpu.memory_space<vmem>> -> memref<1x128xi32, #tpu.memory_space<vmem>>
          %dma_wait3A_381 = tpu.memref_squeeze %dma_wait3A_380 : memref<1x128xi32, #tpu.memory_space<vmem>> -> memref<128xi32, #tpu.memory_space<vmem>>
          %dma_wait3A_382 = arith.constant 0 : i32
          %dma_wait3A_383 = arith.constant 0 : i32
          %dma_wait3A_384 = tpu.memref_slice %arg2[%dma_wait3A_382, %dma_wait3A_383] : memref<20000x128xf32, #tpu.memory_space<hbm>> -> memref<20000x128xf32, #tpu.memory_space<hbm>>
          tpu.wait_indirect_dma semaphore(%arg13 : memref<!tpu.dma_semaphore, #tpu.memory_space<semaphore_mem>>) src(%dma_wait3A_384 : memref<20000x128xf32, #tpu.memory_space<hbm>>) dst(%arg10 : memref<128x128xf32, #tpu.memory_space<vmem>>)
          %dma_start3A = arith.constant 15 : i32
          %dma_start3A_385 = arith.constant 0 : i32
          %dma_start3A_386 = tpu.memref_slice %arg8[%dma_start3A, %dma_start3A_385] : memref<16x128xi32, #tpu.memory_space<vmem>> -> memref<1x128xi32, #tpu.memory_space<vmem>>
          %dma_start3A_387 = tpu.memref_squeeze %dma_start3A_386 : memref<1x128xi32, #tpu.memory_space<vmem>> -> memref<128xi32, #tpu.memory_space<vmem>>
          %dma_start3A_388 = arith.constant 0 : i32
          %dma_start3A_389 = arith.constant 0 : i32
          %dma_start3A_390 = tpu.memref_slice %arg11[%dma_start3A_388, %dma_start3A_389] : memref<10240x128xf32, #tpu.memory_space<vmem_shared>> -> memref<10240x128xf32, #tpu.memory_space<vmem_shared>>
          tpu.enqueue_indirect_dma source(%arg10 : memref<128x128xf32, #tpu.memory_space<vmem>>) target(%dma_start3A_390 : memref<10240x128xf32, #tpu.memory_space<vmem_shared>>) offsets(%dma_start3A_387 : memref<128xi32, #tpu.memory_space<vmem>>) semaphore(%arg15 : memref<!tpu.dma_semaphore, #tpu.memory_space<semaphore_mem>>) {add = true}
        } else {
        }
        %add3A_365 = arith.constant 14 : i32
        %add3A_366 = arith.addi %add3A_31, %add3A_365 : i32
        %lt3A_367 = arith.constant 2500 : i32
        %lt3A_368 = arith.cmpi slt, %add3A_366, %lt3A_367 : i32
        %convert_element_type3A_369 = arith.extui %lt3A_368 : i1 to i32
        %cond3A_370 = arith.constant 0 : i32
        %cond3A_371 = arith.cmpi ne, %convert_element_type3A_369, %cond3A_370 : i32
        scf.if %cond3A_371 {
          %dma_wait3A = arith.constant 14 : i32
          %dma_wait3A_379 = arith.constant 0 : i32
          %dma_wait3A_380 = tpu.memref_slice %arg8[%dma_wait3A, %dma_wait3A_379] : memref<16x128xi32, #tpu.memory_space<vmem>> -> memref<1x128xi32, #tpu.memory_space<vmem>>
          %dma_wait3A_381 = tpu.memref_squeeze %dma_wait3A_380 : memref<1x128xi32, #tpu.memory_space<vmem>> -> memref<128xi32, #tpu.memory_space<vmem>>
          %dma_wait3A_382 = arith.constant 0 : i32
          %dma_wait3A_383 = arith.constant 0 : i32
          %dma_wait3A_384 = tpu.memref_slice %arg11[%dma_wait3A_382, %dma_wait3A_383] : memref<10240x128xf32, #tpu.memory_space<vmem_shared>> -> memref<10240x128xf32, #tpu.memory_space<vmem_shared>>
          tpu.wait_indirect_dma semaphore(%arg14 : memref<!tpu.dma_semaphore, #tpu.memory_space<semaphore_mem>>) src(%arg9 : memref<128x128xf32, #tpu.memory_space<vmem>>) dst(%dma_wait3A_384 : memref<10240x128xf32, #tpu.memory_space<vmem_shared>>)
        } else {
        }
        %add3A_372 = arith.constant 15 : i32
        %add3A_373 = arith.addi %add3A_31, %add3A_372 : i32
        %lt3A_374 = arith.constant 2500 : i32
        %lt3A_375 = arith.cmpi slt, %add3A_373, %lt3A_374 : i32
        %convert_element_type3A_376 = arith.extui %lt3A_375 : i1 to i32
        %cond3A_377 = arith.constant 0 : i32
        %cond3A_378 = arith.cmpi ne, %convert_element_type3A_376, %cond3A_377 : i32
        scf.if %cond3A_378 {
          %dma_wait3A = arith.constant 15 : i32
          %dma_wait3A_379 = arith.constant 0 : i32
          %dma_wait3A_380 = tpu.memref_slice %arg8[%dma_wait3A, %dma_wait3A_379] : memref<16x128xi32, #tpu.memory_space<vmem>> -> memref<1x128xi32, #tpu.memory_space<vmem>>
          %dma_wait3A_381 = tpu.memref_squeeze %dma_wait3A_380 : memref<1x128xi32, #tpu.memory_space<vmem>> -> memref<128xi32, #tpu.memory_space<vmem>>
          %dma_wait3A_382 = arith.constant 0 : i32
          %dma_wait3A_383 = arith.constant 0 : i32
          %dma_wait3A_384 = tpu.memref_slice %arg11[%dma_wait3A_382, %dma_wait3A_383] : memref<10240x128xf32, #tpu.memory_space<vmem_shared>> -> memref<10240x128xf32, #tpu.memory_space<vmem_shared>>
          tpu.wait_indirect_dma semaphore(%arg15 : memref<!tpu.dma_semaphore, #tpu.memory_space<semaphore_mem>>) src(%arg10 : memref<128x128xf32, #tpu.memory_space<vmem>>) dst(%dma_wait3A_384 : memref<10240x128xf32, #tpu.memory_space<vmem_shared>>)
        } else {
        }
      } else {
      }
    }
    %scan3A_16 = arith.constant 10 : i32
    %barrier3A_17 = arith.constant 0 : index
    tpu.barrier barrier_id(%barrier3A_17)
    %mul3A_18 = arith.constant 640 : i32
    %mul3A_19 = arith.muli %arg1, %mul3A_18 : i32
    %mul3A_20 = arith.constant 10240 : i32
    %mul3A_21 = arith.muli %arg0, %mul3A_20 : i32
    %mul3A_22 = arith.constant 640 : i32
    %mul3A_23 = arith.muli %arg1, %mul3A_22 : i32
    %add3A = arith.addi %mul3A_21, %mul3A_23 : i32
    "tpu.region"() ({
      %run_scoped3A = tpu.sem_alloc : memref<!tpu.dma_semaphore, #tpu.memory_space<semaphore_mem>>
      %dma_start3A = arith.constant 0 : i32
      %dma_start3A_24 = tpu.memref_slice %arg6[%add3A, %dma_start3A] : memref<20480x128xf32, #tpu.memory_space<hbm>> -> memref<640x128xf32, #tpu.memory_space<hbm>>
      %dma_start3A_25 = arith.constant 0 : i32
      %dma_start3A_26 = tpu.memref_slice %arg11[%mul3A_19, %dma_start3A_25] : memref<10240x128xf32, #tpu.memory_space<vmem_shared>> -> memref<640x128xf32, #tpu.memory_space<vmem_shared>>
      tpu.enqueue_dma source(%dma_start3A_26 : memref<640x128xf32, #tpu.memory_space<vmem_shared>>) target(%dma_start3A_24 : memref<640x128xf32, #tpu.memory_space<hbm>>) target_semaphore(%run_scoped3A : memref<!tpu.dma_semaphore, #tpu.memory_space<semaphore_mem>>)
      %dma_wait3A = arith.constant 0 : i32
      %dma_wait3A_27 = tpu.memref_slice %arg6[%add3A, %dma_wait3A] : memref<20480x128xf32, #tpu.memory_space<hbm>> -> memref<640x128xf32, #tpu.memory_space<hbm>>
      %dma_wait3A_28 = arith.constant 0 : i32
      %dma_wait3A_29 = tpu.memref_slice %arg11[%mul3A_19, %dma_wait3A_28] : memref<10240x128xf32, #tpu.memory_space<vmem_shared>> -> memref<640x128xf32, #tpu.memory_space<vmem_shared>>
      tpu.wait_dma2 semaphore(%run_scoped3A : memref<!tpu.dma_semaphore, #tpu.memory_space<semaphore_mem>>) src(%dma_wait3A_29 : memref<640x128xf32, #tpu.memory_space<vmem_shared>>) dst(%dma_wait3A_27 : memref<640x128xf32, #tpu.memory_space<hbm>>)
      tpu.yield
    }) : () -> ()
    return
  }
}

#map = affine_map<(d0, d1) -> (0, 0)>
module attributes {stable_mosaic.version = 14 : i64} {
  func.func @k(%arg0: i32, %arg1: i32, %arg2: memref<10000x128xf32, #tpu.memory_space<hbm>>, %arg3: memref<2560x128xi32, #tpu.memory_space<hbm>>, %arg4: memref<2560x128xi32, #tpu.memory_space<hbm>>, %arg5: memref<2560x128xi32, #tpu.memory_space<hbm>>, %arg6: memref<20480x128xf32, #tpu.memory_space<hbm>>, %arg7: memref<16x128xi32, #tpu.memory_space<vmem>>, %arg8: memref<16x128xi32, #tpu.memory_space<vmem>>, %arg9: memref<128x128xf32, #tpu.memory_space<vmem>>, %arg10: memref<128x128xf32, #tpu.memory_space<vmem>>, %arg11: memref<10240x128xf32, #tpu.memory_space<vmem_shared>>, %arg12: memref<!tpu.dma_semaphore, #tpu.memory_space<semaphore_mem>>, %arg13: memref<!tpu.dma_semaphore, #tpu.memory_space<semaphore_mem>>, %arg14: memref<!tpu.dma_semaphore, #tpu.memory_space<semaphore_mem>>, %arg15: memref<!tpu.dma_semaphore, #tpu.memory_space<semaphore_mem>>) attributes {dimension_semantics = [#tpu.dimension_semantics<core_parallel>, #tpu.dimension_semantics<subcore_parallel>], iteration_bounds = array<i64: 2, 16>, scalar_prefetch = 0 : i64, scratch_operands = 9 : i64, tpu.core_type = #tpu.core_type<sc_vector_subcore>, window_params = [{transform_indices = #map}, {transform_indices = #map}, {transform_indices = #map}, {transform_indices = #map}, {transform_indices = #map}]} {
    %scan3A = arith.constant 0 : i32
    %scan3A_0 = arith.constant 128 : i32
    %scan3A_1 = arith.addi %scan3A, %scan3A_0 : i32
    %scan3A_2 = arith.constant 1 : i32
    scf.for %scan3A_27 = %scan3A to %scan3A_1 step %scan3A_2  : i32 {
      %mul3A_28 = arith.constant 1 : i32
      %mul3A_29 = arith.muli %scan3A_27, %mul3A_28 : i32
      %add3A_30 = arith.constant 0 : i32
      %add3A_31 = arith.addi %add3A_30, %mul3A_29 : i32
      %scan3A_32 = arith.constant 0 : i32
      %scan3A_33 = arith.constant 8 : i32
      %scan3A_34 = arith.addi %scan3A_32, %scan3A_33 : i32
      %scan3A_35 = arith.constant 1 : i32
      scf.for %scan3A_37 = %scan3A_32 to %scan3A_34 step %scan3A_35  : i32 {
        %mul3A_38 = arith.constant 1 : i32
        %mul3A_39 = arith.muli %scan3A_37, %mul3A_38 : i32
        %add3A_40 = arith.constant 0 : i32
        %add3A_41 = arith.addi %add3A_40, %mul3A_39 : i32
        %broadcast_in_dim3A = arith.constant 0.000000e+00 : f32
        %broadcast_in_dim3A_42 = vector.broadcast %broadcast_in_dim3A : f32 to vector<16xf32>
        %mul3A_43 = arith.constant 16 : i32
        %mul3A_44 = arith.muli %add3A_41, %mul3A_43 : i32
        %swap3A = arith.index_cast %add3A_31 : i32 to index
        %swap3A_45 = arith.index_cast %mul3A_44 : i32 to index
        %swap3A_46 = tpu.vector_load %arg9[%swap3A, %swap3A_45] {strides = array<i32>} : memref<128x128xf32, #tpu.memory_space<vmem>>, vector<16xf32>,
        tpu.vector_store %arg9[%swap3A, %swap3A_45], %broadcast_in_dim3A_42 {strides = array<i32>} : memref<128x128xf32, #tpu.memory_space<vmem>>, vector<16xf32>,
      }
      %scan3A_36 = arith.constant 8 : i32
    }
    %scan3A_3 = arith.constant 128 : i32
    %mul3A = arith.constant 640 : i32
    %mul3A_4 = arith.muli %arg1, %mul3A : i32
    %scan3A_5 = arith.constant 0 : i32
    %scan3A_6 = arith.constant 5 : i32
    %scan3A_7 = arith.addi %scan3A_5, %scan3A_6 : i32
    %scan3A_8 = arith.constant 1 : i32
    scf.for %scan3A_27 = %scan3A_5 to %scan3A_7 step %scan3A_8  : i32 {
      %mul3A_28 = arith.constant 1 : i32
      %mul3A_29 = arith.muli %scan3A_27, %mul3A_28 : i32
      %add3A_30 = arith.constant 0 : i32
      %add3A_31 = arith.addi %add3A_30, %mul3A_29 : i32
      %mul3A_32 = arith.constant 128 : i32
      %mul3A_33 = arith.muli %add3A_31, %mul3A_32 : i32
      %add3A_34 = arith.addi %mul3A_4, %mul3A_33 : i32
      "tpu.region"() ({
        %run_scoped3A = tpu.sem_alloc : memref<!tpu.dma_semaphore, #tpu.memory_space<semaphore_mem>>
        %dma_start3A = arith.constant 0 : i32
        %dma_start3A_35 = tpu.memref_slice %arg11[%add3A_34, %dma_start3A] : memref<10240x128xf32, #tpu.memory_space<vmem_shared>> -> memref<128x128xf32, #tpu.memory_space<vmem_shared>>
        %dma_start3A_36 = arith.constant 0 : i32
        %dma_start3A_37 = tpu.memref_slice %arg11[%add3A_34, %dma_start3A_36] : memref<10240x128xf32, #tpu.memory_space<vmem_shared>> -> memref<128x128xf32, #tpu.memory_space<vmem_shared>>
        tpu.enqueue_dma source(%arg9 : memref<128x128xf32, #tpu.memory_space<vmem>>) target(%dma_start3A_37 : memref<128x128xf32, #tpu.memory_space<vmem_shared>>) target_semaphore(%run_scoped3A : memref<!tpu.dma_semaphore, #tpu.memory_space<semaphore_mem>>)
        %dma_wait3A = arith.constant 0 : i32
        %dma_wait3A_38 = tpu.memref_slice %arg11[%add3A_34, %dma_wait3A] : memref<10240x128xf32, #tpu.memory_space<vmem_shared>> -> memref<128x128xf32, #tpu.memory_space<vmem_shared>>
        %dma_wait3A_39 = arith.constant 0 : i32
        %dma_wait3A_40 = tpu.memref_slice %arg11[%add3A_34, %dma_wait3A_39] : memref<10240x128xf32, #tpu.memory_space<vmem_shared>> -> memref<128x128xf32, #tpu.memory_space<vmem_shared>>
        tpu.wait_dma2 semaphore(%run_scoped3A : memref<!tpu.dma_semaphore, #tpu.memory_space<semaphore_mem>>) src(%arg9 : memref<128x128xf32, #tpu.memory_space<vmem>>) dst(%dma_wait3A_40 : memref<128x128xf32, #tpu.memory_space<vmem_shared>>)
        tpu.yield
      }) : () -> ()
    }
    %scan3A_9 = arith.constant 5 : i32
    %barrier3A = arith.constant 0 : index
    tpu.barrier barrier_id(%barrier3A)
    %mul3A_10 = arith.constant 16 : i32
    %mul3A_11 = arith.muli %arg0, %mul3A_10 : i32
    %add3A = arith.addi %mul3A_11, %arg1 : i32
    %mul3A_12 = arith.constant 80 : i32
    %mul3A_13 = arith.muli %add3A, %mul3A_12 : i32
    %scan3A_14 = arith.constant 0 : i32
    %scan3A_15 = arith.constant 5 : i32
    %scan3A_16 = arith.addi %scan3A_14, %scan3A_15 : i32
    %scan3A_17 = arith.constant 1 : i32
    scf.for %scan3A_27 = %scan3A_14 to %scan3A_16 step %scan3A_17  : i32 {
      %mul3A_28 = arith.constant 1 : i32
      %mul3A_29 = arith.muli %scan3A_27, %mul3A_28 : i32
      %add3A_30 = arith.constant 0 : i32
      %add3A_31 = arith.addi %add3A_30, %mul3A_29 : i32
      %mul3A_32 = arith.constant 16 : i32
      %mul3A_33 = arith.muli %add3A_31, %mul3A_32 : i32
      %add3A_34 = arith.addi %mul3A_13, %mul3A_33 : i32
      %lt3A = arith.constant 2500 : i32
      %lt3A_35 = arith.cmpi slt, %add3A_34, %lt3A : i32
      %convert_element_type3A = arith.extui %lt3A_35 : i1 to i32
      %cond3A = arith.constant 0 : i32
      %cond3A_36 = arith.cmpi ne, %convert_element_type3A, %cond3A : i32
      scf.if %cond3A_36 {
        %eq3A = arith.constant 0 : i32
        %eq3A_37 = arith.cmpi eq, %arg0, %eq3A : i32
        %convert_element_type3A_38 = arith.extui %eq3A_37 : i1 to i32
        %cond3A_39 = arith.constant 0 : i32
        %cond3A_40 = arith.cmpi ne, %convert_element_type3A_38, %cond3A_39 : i32
        scf.if %cond3A_40 {
          "tpu.region"() ({
            %run_scoped3A = tpu.sem_alloc : memref<!tpu.dma_semaphore, #tpu.memory_space<semaphore_mem>>
            %dma_start3A = arith.constant 0 : i32
            %dma_start3A_382 = tpu.memref_slice %arg3[%add3A_34, %dma_start3A] : memref<2560x128xi32, #tpu.memory_space<hbm>> -> memref<16x128xi32, #tpu.memory_space<hbm>>
            %dma_start3A_383 = arith.constant 0 : i32
            %dma_start3A_384 = tpu.memref_slice %arg3[%add3A_34, %dma_start3A_383] : memref<2560x128xi32, #tpu.memory_space<hbm>> -> memref<16x128xi32, #tpu.memory_space<hbm>>
            tpu.enqueue_dma source(%dma_start3A_384 : memref<16x128xi32, #tpu.memory_space<hbm>>) target(%arg7 : memref<16x128xi32, #tpu.memory_space<vmem>>) target_semaphore(%run_scoped3A : memref<!tpu.dma_semaphore, #tpu.memory_space<semaphore_mem>>)
            %dma_wait3A = arith.constant 0 : i32
            %dma_wait3A_385 = tpu.memref_slice %arg3[%add3A_34, %dma_wait3A] : memref<2560x128xi32, #tpu.memory_space<hbm>> -> memref<16x128xi32, #tpu.memory_space<hbm>>
            %dma_wait3A_386 = arith.constant 0 : i32
            %dma_wait3A_387 = tpu.memref_slice %arg3[%add3A_34, %dma_wait3A_386] : memref<2560x128xi32, #tpu.memory_space<hbm>> -> memref<16x128xi32, #tpu.memory_space<hbm>>
            tpu.wait_dma2 semaphore(%run_scoped3A : memref<!tpu.dma_semaphore, #tpu.memory_space<semaphore_mem>>) src(%dma_wait3A_387 : memref<16x128xi32, #tpu.memory_space<hbm>>) dst(%arg7 : memref<16x128xi32, #tpu.memory_space<vmem>>)
            tpu.yield
          }) : () -> ()
        } else {
        }
        %eq3A_41 = arith.constant 1 : i32
        %eq3A_42 = arith.cmpi eq, %arg0, %eq3A_41 : i32
        %convert_element_type3A_43 = arith.extui %eq3A_42 : i1 to i32
        %cond3A_44 = arith.constant 0 : i32
        %cond3A_45 = arith.cmpi ne, %convert_element_type3A_43, %cond3A_44 : i32
        scf.if %cond3A_45 {
          "tpu.region"() ({
            %run_scoped3A = tpu.sem_alloc : memref<!tpu.dma_semaphore, #tpu.memory_space<semaphore_mem>>
            %dma_start3A = arith.constant 0 : i32
            %dma_start3A_382 = tpu.memref_slice %arg4[%add3A_34, %dma_start3A] : memref<2560x128xi32, #tpu.memory_space<hbm>> -> memref<16x128xi32, #tpu.memory_space<hbm>>
            %dma_start3A_383 = arith.constant 0 : i32
            %dma_start3A_384 = tpu.memref_slice %arg4[%add3A_34, %dma_start3A_383] : memref<2560x128xi32, #tpu.memory_space<hbm>> -> memref<16x128xi32, #tpu.memory_space<hbm>>
            tpu.enqueue_dma source(%dma_start3A_384 : memref<16x128xi32, #tpu.memory_space<hbm>>) target(%arg7 : memref<16x128xi32, #tpu.memory_space<vmem>>) target_semaphore(%run_scoped3A : memref<!tpu.dma_semaphore, #tpu.memory_space<semaphore_mem>>)
            %dma_wait3A = arith.constant 0 : i32
            %dma_wait3A_385 = tpu.memref_slice %arg4[%add3A_34, %dma_wait3A] : memref<2560x128xi32, #tpu.memory_space<hbm>> -> memref<16x128xi32, #tpu.memory_space<hbm>>
            %dma_wait3A_386 = arith.constant 0 : i32
            %dma_wait3A_387 = tpu.memref_slice %arg4[%add3A_34, %dma_wait3A_386] : memref<2560x128xi32, #tpu.memory_space<hbm>> -> memref<16x128xi32, #tpu.memory_space<hbm>>
            tpu.wait_dma2 semaphore(%run_scoped3A : memref<!tpu.dma_semaphore, #tpu.memory_space<semaphore_mem>>) src(%dma_wait3A_387 : memref<16x128xi32, #tpu.memory_space<hbm>>) dst(%arg7 : memref<16x128xi32, #tpu.memory_space<vmem>>)
            tpu.yield
          }) : () -> ()
        } else {
        }
        "tpu.region"() ({
          %run_scoped3A = tpu.sem_alloc : memref<!tpu.dma_semaphore, #tpu.memory_space<semaphore_mem>>
          %dma_start3A = arith.constant 0 : i32
          %dma_start3A_382 = tpu.memref_slice %arg5[%add3A_34, %dma_start3A] : memref<2560x128xi32, #tpu.memory_space<hbm>> -> memref<16x128xi32, #tpu.memory_space<hbm>>
          %dma_start3A_383 = arith.constant 0 : i32
          %dma_start3A_384 = tpu.memref_slice %arg5[%add3A_34, %dma_start3A_383] : memref<2560x128xi32, #tpu.memory_space<hbm>> -> memref<16x128xi32, #tpu.memory_space<hbm>>
          tpu.enqueue_dma source(%dma_start3A_384 : memref<16x128xi32, #tpu.memory_space<hbm>>) target(%arg8 : memref<16x128xi32, #tpu.memory_space<vmem>>) target_semaphore(%run_scoped3A : memref<!tpu.dma_semaphore, #tpu.memory_space<semaphore_mem>>)
          %dma_wait3A = arith.constant 0 : i32
          %dma_wait3A_385 = tpu.memref_slice %arg5[%add3A_34, %dma_wait3A] : memref<2560x128xi32, #tpu.memory_space<hbm>> -> memref<16x128xi32, #tpu.memory_space<hbm>>
          %dma_wait3A_386 = arith.constant 0 : i32
          %dma_wait3A_387 = tpu.memref_slice %arg5[%add3A_34, %dma_wait3A_386] : memref<2560x128xi32, #tpu.memory_space<hbm>> -> memref<16x128xi32, #tpu.memory_space<hbm>>
          tpu.wait_dma2 semaphore(%run_scoped3A : memref<!tpu.dma_semaphore, #tpu.memory_space<semaphore_mem>>) src(%dma_wait3A_387 : memref<16x128xi32, #tpu.memory_space<hbm>>) dst(%arg8 : memref<16x128xi32, #tpu.memory_space<vmem>>)
          tpu.yield
        }) : () -> ()
        %add3A_46 = arith.constant 0 : i32
        %add3A_47 = arith.addi %add3A_34, %add3A_46 : i32
        %lt3A_48 = arith.constant 2500 : i32
        %lt3A_49 = arith.cmpi slt, %add3A_47, %lt3A_48 : i32
        %convert_element_type3A_50 = arith.extui %lt3A_49 : i1 to i32
        %cond3A_51 = arith.constant 0 : i32
        %cond3A_52 = arith.cmpi ne, %convert_element_type3A_50, %cond3A_51 : i32
        scf.if %cond3A_52 {
          %dma_start3A = arith.constant 0 : i32
          %dma_start3A_382 = arith.constant 0 : i32
          %dma_start3A_383 = tpu.memref_slice %arg7[%dma_start3A, %dma_start3A_382] : memref<16x128xi32, #tpu.memory_space<vmem>> -> memref<1x128xi32, #tpu.memory_space<vmem>>
          %dma_start3A_384 = tpu.memref_squeeze %dma_start3A_383 : memref<1x128xi32, #tpu.memory_space<vmem>> -> memref<128xi32, #tpu.memory_space<vmem>>
          %dma_start3A_385 = arith.constant 0 : i32
          %dma_start3A_386 = arith.constant 0 : i32
          %dma_start3A_387 = tpu.memref_slice %arg2[%dma_start3A_385, %dma_start3A_386] : memref<10000x128xf32, #tpu.memory_space<hbm>> -> memref<10000x128xf32, #tpu.memory_space<hbm>>
          tpu.enqueue_indirect_dma source(%dma_start3A_387 : memref<10000x128xf32, #tpu.memory_space<hbm>>) target(%arg9 : memref<128x128xf32, #tpu.memory_space<vmem>>) offsets(%dma_start3A_384 : memref<128xi32, #tpu.memory_space<vmem>>) semaphore(%arg12 : memref<!tpu.dma_semaphore, #tpu.memory_space<semaphore_mem>>)
        } else {
        }
        %add3A_53 = arith.constant 1 : i32
        %add3A_54 = arith.addi %add3A_34, %add3A_53 : i32
        %lt3A_55 = arith.constant 2500 : i32
        %lt3A_56 = arith.cmpi slt, %add3A_54, %lt3A_55 : i32
        %convert_element_type3A_57 = arith.extui %lt3A_56 : i1 to i32
        %cond3A_58 = arith.constant 0 : i32
        %cond3A_59 = arith.cmpi ne, %convert_element_type3A_57, %cond3A_58 : i32
        scf.if %cond3A_59 {
          %dma_start3A = arith.constant 1 : i32
          %dma_start3A_382 = arith.constant 0 : i32
          %dma_start3A_383 = tpu.memref_slice %arg7[%dma_start3A, %dma_start3A_382] : memref<16x128xi32, #tpu.memory_space<vmem>> -> memref<1x128xi32, #tpu.memory_space<vmem>>
          %dma_start3A_384 = tpu.memref_squeeze %dma_start3A_383 : memref<1x128xi32, #tpu.memory_space<vmem>> -> memref<128xi32, #tpu.memory_space<vmem>>
          %dma_start3A_385 = arith.constant 0 : i32
          %dma_start3A_386 = arith.constant 0 : i32
          %dma_start3A_387 = tpu.memref_slice %arg2[%dma_start3A_385, %dma_start3A_386] : memref<10000x128xf32, #tpu.memory_space<hbm>> -> memref<10000x128xf32, #tpu.memory_space<hbm>>
          tpu.enqueue_indirect_dma source(%dma_start3A_387 : memref<10000x128xf32, #tpu.memory_space<hbm>>) target(%arg10 : memref<128x128xf32, #tpu.memory_space<vmem>>) offsets(%dma_start3A_384 : memref<128xi32, #tpu.memory_space<vmem>>) semaphore(%arg13 : memref<!tpu.dma_semaphore, #tpu.memory_space<semaphore_mem>>)
        } else {
        }
        %add3A_60 = arith.constant 0 : i32
        %add3A_61 = arith.addi %add3A_34, %add3A_60 : i32
        %lt3A_62 = arith.constant 2500 : i32
        %lt3A_63 = arith.cmpi slt, %add3A_61, %lt3A_62 : i32
        %convert_element_type3A_64 = arith.extui %lt3A_63 : i1 to i32
        %cond3A_65 = arith.constant 0 : i32
        %cond3A_66 = arith.cmpi ne, %convert_element_type3A_64, %cond3A_65 : i32
        scf.if %cond3A_66 {
          %dma_wait3A = arith.constant 0 : i32
          %dma_wait3A_382 = arith.constant 0 : i32
          %dma_wait3A_383 = tpu.memref_slice %arg7[%dma_wait3A, %dma_wait3A_382] : memref<16x128xi32, #tpu.memory_space<vmem>> -> memref<1x128xi32, #tpu.memory_space<vmem>>
          %dma_wait3A_384 = tpu.memref_squeeze %dma_wait3A_383 : memref<1x128xi32, #tpu.memory_space<vmem>> -> memref<128xi32, #tpu.memory_space<vmem>>
          %dma_wait3A_385 = arith.constant 0 : i32
          %dma_wait3A_386 = arith.constant 0 : i32
          %dma_wait3A_387 = tpu.memref_slice %arg2[%dma_wait3A_385, %dma_wait3A_386] : memref<10000x128xf32, #tpu.memory_space<hbm>> -> memref<10000x128xf32, #tpu.memory_space<hbm>>
          tpu.wait_indirect_dma semaphore(%arg12 : memref<!tpu.dma_semaphore, #tpu.memory_space<semaphore_mem>>) src(%dma_wait3A_387 : memref<10000x128xf32, #tpu.memory_space<hbm>>) dst(%arg9 : memref<128x128xf32, #tpu.memory_space<vmem>>)
          %dma_start3A = arith.constant 0 : i32
          %dma_start3A_388 = arith.constant 0 : i32
          %dma_start3A_389 = tpu.memref_slice %arg8[%dma_start3A, %dma_start3A_388] : memref<16x128xi32, #tpu.memory_space<vmem>> -> memref<1x128xi32, #tpu.memory_space<vmem>>
          %dma_start3A_390 = tpu.memref_squeeze %dma_start3A_389 : memref<1x128xi32, #tpu.memory_space<vmem>> -> memref<128xi32, #tpu.memory_space<vmem>>
          %dma_start3A_391 = arith.constant 0 : i32
          %dma_start3A_392 = arith.constant 0 : i32
          %dma_start3A_393 = tpu.memref_slice %arg11[%dma_start3A_391, %dma_start3A_392] : memref<10240x128xf32, #tpu.memory_space<vmem_shared>> -> memref<10240x128xf32, #tpu.memory_space<vmem_shared>>
          tpu.enqueue_indirect_dma source(%arg9 : memref<128x128xf32, #tpu.memory_space<vmem>>) target(%dma_start3A_393 : memref<10240x128xf32, #tpu.memory_space<vmem_shared>>) offsets(%dma_start3A_390 : memref<128xi32, #tpu.memory_space<vmem>>) semaphore(%arg14 : memref<!tpu.dma_semaphore, #tpu.memory_space<semaphore_mem>>) {add = true}
        } else {
        }
        %add3A_67 = arith.constant 0 : i32
        %add3A_68 = arith.addi %add3A_34, %add3A_67 : i32
        %lt3A_69 = arith.constant 2500 : i32
        %lt3A_70 = arith.cmpi slt, %add3A_68, %lt3A_69 : i32
        %convert_element_type3A_71 = arith.extui %lt3A_70 : i1 to i32
        %cond3A_72 = arith.constant 0 : i32
        %cond3A_73 = arith.cmpi ne, %convert_element_type3A_71, %cond3A_72 : i32
        scf.if %cond3A_73 {
          %dma_wait3A = arith.constant 0 : i32
          %dma_wait3A_382 = arith.constant 0 : i32
          %dma_wait3A_383 = tpu.memref_slice %arg8[%dma_wait3A, %dma_wait3A_382] : memref<16x128xi32, #tpu.memory_space<vmem>> -> memref<1x128xi32, #tpu.memory_space<vmem>>
          %dma_wait3A_384 = tpu.memref_squeeze %dma_wait3A_383 : memref<1x128xi32, #tpu.memory_space<vmem>> -> memref<128xi32, #tpu.memory_space<vmem>>
          %dma_wait3A_385 = arith.constant 0 : i32
          %dma_wait3A_386 = arith.constant 0 : i32
          %dma_wait3A_387 = tpu.memref_slice %arg11[%dma_wait3A_385, %dma_wait3A_386] : memref<10240x128xf32, #tpu.memory_space<vmem_shared>> -> memref<10240x128xf32, #tpu.memory_space<vmem_shared>>
          tpu.wait_indirect_dma semaphore(%arg14 : memref<!tpu.dma_semaphore, #tpu.memory_space<semaphore_mem>>) src(%arg9 : memref<128x128xf32, #tpu.memory_space<vmem>>) dst(%dma_wait3A_387 : memref<10240x128xf32, #tpu.memory_space<vmem_shared>>)
        } else {
        }
        %add3A_74 = arith.constant 2 : i32
        %add3A_75 = arith.addi %add3A_34, %add3A_74 : i32
        %lt3A_76 = arith.constant 2500 : i32
        %lt3A_77 = arith.cmpi slt, %add3A_75, %lt3A_76 : i32
        %convert_element_type3A_78 = arith.extui %lt3A_77 : i1 to i32
        %cond3A_79 = arith.constant 0 : i32
        %cond3A_80 = arith.cmpi ne, %convert_element_type3A_78, %cond3A_79 : i32
        scf.if %cond3A_80 {
          %dma_start3A = arith.constant 2 : i32
          %dma_start3A_382 = arith.constant 0 : i32
          %dma_start3A_383 = tpu.memref_slice %arg7[%dma_start3A, %dma_start3A_382] : memref<16x128xi32, #tpu.memory_space<vmem>> -> memref<1x128xi32, #tpu.memory_space<vmem>>
          %dma_start3A_384 = tpu.memref_squeeze %dma_start3A_383 : memref<1x128xi32, #tpu.memory_space<vmem>> -> memref<128xi32, #tpu.memory_space<vmem>>
          %dma_start3A_385 = arith.constant 0 : i32
          %dma_start3A_386 = arith.constant 0 : i32
          %dma_start3A_387 = tpu.memref_slice %arg2[%dma_start3A_385, %dma_start3A_386] : memref<10000x128xf32, #tpu.memory_space<hbm>> -> memref<10000x128xf32, #tpu.memory_space<hbm>>
          tpu.enqueue_indirect_dma source(%dma_start3A_387 : memref<10000x128xf32, #tpu.memory_space<hbm>>) target(%arg9 : memref<128x128xf32, #tpu.memory_space<vmem>>) offsets(%dma_start3A_384 : memref<128xi32, #tpu.memory_space<vmem>>) semaphore(%arg12 : memref<!tpu.dma_semaphore, #tpu.memory_space<semaphore_mem>>)
        } else {
        }
        %add3A_81 = arith.constant 1 : i32
        %add3A_82 = arith.addi %add3A_34, %add3A_81 : i32
        %lt3A_83 = arith.constant 2500 : i32
        %lt3A_84 = arith.cmpi slt, %add3A_82, %lt3A_83 : i32
        %convert_element_type3A_85 = arith.extui %lt3A_84 : i1 to i32
        %cond3A_86 = arith.constant 0 : i32
        %cond3A_87 = arith.cmpi ne, %convert_element_type3A_85, %cond3A_86 : i32
        scf.if %cond3A_87 {
          %dma_wait3A = arith.constant 1 : i32
          %dma_wait3A_382 = arith.constant 0 : i32
          %dma_wait3A_383 = tpu.memref_slice %arg7[%dma_wait3A, %dma_wait3A_382] : memref<16x128xi32, #tpu.memory_space<vmem>> -> memref<1x128xi32, #tpu.memory_space<vmem>>
          %dma_wait3A_384 = tpu.memref_squeeze %dma_wait3A_383 : memref<1x128xi32, #tpu.memory_space<vmem>> -> memref<128xi32, #tpu.memory_space<vmem>>
          %dma_wait3A_385 = arith.constant 0 : i32
          %dma_wait3A_386 = arith.constant 0 : i32
          %dma_wait3A_387 = tpu.memref_slice %arg2[%dma_wait3A_385, %dma_wait3A_386] : memref<10000x128xf32, #tpu.memory_space<hbm>> -> memref<10000x128xf32, #tpu.memory_space<hbm>>
          tpu.wait_indirect_dma semaphore(%arg13 : memref<!tpu.dma_semaphore, #tpu.memory_space<semaphore_mem>>) src(%dma_wait3A_387 : memref<10000x128xf32, #tpu.memory_space<hbm>>) dst(%arg10 : memref<128x128xf32, #tpu.memory_space<vmem>>)
          %dma_start3A = arith.constant 1 : i32
          %dma_start3A_388 = arith.constant 0 : i32
          %dma_start3A_389 = tpu.memref_slice %arg8[%dma_start3A, %dma_start3A_388] : memref<16x128xi32, #tpu.memory_space<vmem>> -> memref<1x128xi32, #tpu.memory_space<vmem>>
          %dma_start3A_390 = tpu.memref_squeeze %dma_start3A_389 : memref<1x128xi32, #tpu.memory_space<vmem>> -> memref<128xi32, #tpu.memory_space<vmem>>
          %dma_start3A_391 = arith.constant 0 : i32
          %dma_start3A_392 = arith.constant 0 : i32
          %dma_start3A_393 = tpu.memref_slice %arg11[%dma_start3A_391, %dma_start3A_392] : memref<10240x128xf32, #tpu.memory_space<vmem_shared>> -> memref<10240x128xf32, #tpu.memory_space<vmem_shared>>
          tpu.enqueue_indirect_dma source(%arg10 : memref<128x128xf32, #tpu.memory_space<vmem>>) target(%dma_start3A_393 : memref<10240x128xf32, #tpu.memory_space<vmem_shared>>) offsets(%dma_start3A_390 : memref<128xi32, #tpu.memory_space<vmem>>) semaphore(%arg15 : memref<!tpu.dma_semaphore, #tpu.memory_space<semaphore_mem>>) {add = true}
        } else {
        }
        %add3A_88 = arith.constant 1 : i32
        %add3A_89 = arith.addi %add3A_34, %add3A_88 : i32
        %lt3A_90 = arith.constant 2500 : i32
        %lt3A_91 = arith.cmpi slt, %add3A_89, %lt3A_90 : i32
        %convert_element_type3A_92 = arith.extui %lt3A_91 : i1 to i32
        %cond3A_93 = arith.constant 0 : i32
        %cond3A_94 = arith.cmpi ne, %convert_element_type3A_92, %cond3A_93 : i32
        scf.if %cond3A_94 {
          %dma_wait3A = arith.constant 1 : i32
          %dma_wait3A_382 = arith.constant 0 : i32
          %dma_wait3A_383 = tpu.memref_slice %arg8[%dma_wait3A, %dma_wait3A_382] : memref<16x128xi32, #tpu.memory_space<vmem>> -> memref<1x128xi32, #tpu.memory_space<vmem>>
          %dma_wait3A_384 = tpu.memref_squeeze %dma_wait3A_383 : memref<1x128xi32, #tpu.memory_space<vmem>> -> memref<128xi32, #tpu.memory_space<vmem>>
          %dma_wait3A_385 = arith.constant 0 : i32
          %dma_wait3A_386 = arith.constant 0 : i32
          %dma_wait3A_387 = tpu.memref_slice %arg11[%dma_wait3A_385, %dma_wait3A_386] : memref<10240x128xf32, #tpu.memory_space<vmem_shared>> -> memref<10240x128xf32, #tpu.memory_space<vmem_shared>>
          tpu.wait_indirect_dma semaphore(%arg15 : memref<!tpu.dma_semaphore, #tpu.memory_space<semaphore_mem>>) src(%arg10 : memref<128x128xf32, #tpu.memory_space<vmem>>) dst(%dma_wait3A_387 : memref<10240x128xf32, #tpu.memory_space<vmem_shared>>)
        } else {
        }
        %add3A_95 = arith.constant 3 : i32
        %add3A_96 = arith.addi %add3A_34, %add3A_95 : i32
        %lt3A_97 = arith.constant 2500 : i32
        %lt3A_98 = arith.cmpi slt, %add3A_96, %lt3A_97 : i32
        %convert_element_type3A_99 = arith.extui %lt3A_98 : i1 to i32
        %cond3A_100 = arith.constant 0 : i32
        %cond3A_101 = arith.cmpi ne, %convert_element_type3A_99, %cond3A_100 : i32
        scf.if %cond3A_101 {
          %dma_start3A = arith.constant 3 : i32
          %dma_start3A_382 = arith.constant 0 : i32
          %dma_start3A_383 = tpu.memref_slice %arg7[%dma_start3A, %dma_start3A_382] : memref<16x128xi32, #tpu.memory_space<vmem>> -> memref<1x128xi32, #tpu.memory_space<vmem>>
          %dma_start3A_384 = tpu.memref_squeeze %dma_start3A_383 : memref<1x128xi32, #tpu.memory_space<vmem>> -> memref<128xi32, #tpu.memory_space<vmem>>
          %dma_start3A_385 = arith.constant 0 : i32
          %dma_start3A_386 = arith.constant 0 : i32
          %dma_start3A_387 = tpu.memref_slice %arg2[%dma_start3A_385, %dma_start3A_386] : memref<10000x128xf32, #tpu.memory_space<hbm>> -> memref<10000x128xf32, #tpu.memory_space<hbm>>
          tpu.enqueue_indirect_dma source(%dma_start3A_387 : memref<10000x128xf32, #tpu.memory_space<hbm>>) target(%arg10 : memref<128x128xf32, #tpu.memory_space<vmem>>) offsets(%dma_start3A_384 : memref<128xi32, #tpu.memory_space<vmem>>) semaphore(%arg13 : memref<!tpu.dma_semaphore, #tpu.memory_space<semaphore_mem>>)
        } else {
        }
        %add3A_102 = arith.constant 2 : i32
        %add3A_103 = arith.addi %add3A_34, %add3A_102 : i32
        %lt3A_104 = arith.constant 2500 : i32
        %lt3A_105 = arith.cmpi slt, %add3A_103, %lt3A_104 : i32
        %convert_element_type3A_106 = arith.extui %lt3A_105 : i1 to i32
        %cond3A_107 = arith.constant 0 : i32
        %cond3A_108 = arith.cmpi ne, %convert_element_type3A_106, %cond3A_107 : i32
        scf.if %cond3A_108 {
          %dma_wait3A = arith.constant 2 : i32
          %dma_wait3A_382 = arith.constant 0 : i32
          %dma_wait3A_383 = tpu.memref_slice %arg7[%dma_wait3A, %dma_wait3A_382] : memref<16x128xi32, #tpu.memory_space<vmem>> -> memref<1x128xi32, #tpu.memory_space<vmem>>
          %dma_wait3A_384 = tpu.memref_squeeze %dma_wait3A_383 : memref<1x128xi32, #tpu.memory_space<vmem>> -> memref<128xi32, #tpu.memory_space<vmem>>
          %dma_wait3A_385 = arith.constant 0 : i32
          %dma_wait3A_386 = arith.constant 0 : i32
          %dma_wait3A_387 = tpu.memref_slice %arg2[%dma_wait3A_385, %dma_wait3A_386] : memref<10000x128xf32, #tpu.memory_space<hbm>> -> memref<10000x128xf32, #tpu.memory_space<hbm>>
          tpu.wait_indirect_dma semaphore(%arg12 : memref<!tpu.dma_semaphore, #tpu.memory_space<semaphore_mem>>) src(%dma_wait3A_387 : memref<10000x128xf32, #tpu.memory_space<hbm>>) dst(%arg9 : memref<128x128xf32, #tpu.memory_space<vmem>>)
          %dma_start3A = arith.constant 2 : i32
          %dma_start3A_388 = arith.constant 0 : i32
          %dma_start3A_389 = tpu.memref_slice %arg8[%dma_start3A, %dma_start3A_388] : memref<16x128xi32, #tpu.memory_space<vmem>> -> memref<1x128xi32, #tpu.memory_space<vmem>>
          %dma_start3A_390 = tpu.memref_squeeze %dma_start3A_389 : memref<1x128xi32, #tpu.memory_space<vmem>> -> memref<128xi32, #tpu.memory_space<vmem>>
          %dma_start3A_391 = arith.constant 0 : i32
          %dma_start3A_392 = arith.constant 0 : i32
          %dma_start3A_393 = tpu.memref_slice %arg11[%dma_start3A_391, %dma_start3A_392] : memref<10240x128xf32, #tpu.memory_space<vmem_shared>> -> memref<10240x128xf32, #tpu.memory_space<vmem_shared>>
          tpu.enqueue_indirect_dma source(%arg9 : memref<128x128xf32, #tpu.memory_space<vmem>>) target(%dma_start3A_393 : memref<10240x128xf32, #tpu.memory_space<vmem_shared>>) offsets(%dma_start3A_390 : memref<128xi32, #tpu.memory_space<vmem>>) semaphore(%arg14 : memref<!tpu.dma_semaphore, #tpu.memory_space<semaphore_mem>>) {add = true}
        } else {
        }
        %add3A_109 = arith.constant 2 : i32
        %add3A_110 = arith.addi %add3A_34, %add3A_109 : i32
        %lt3A_111 = arith.constant 2500 : i32
        %lt3A_112 = arith.cmpi slt, %add3A_110, %lt3A_111 : i32
        %convert_element_type3A_113 = arith.extui %lt3A_112 : i1 to i32
        %cond3A_114 = arith.constant 0 : i32
        %cond3A_115 = arith.cmpi ne, %convert_element_type3A_113, %cond3A_114 : i32
        scf.if %cond3A_115 {
          %dma_wait3A = arith.constant 2 : i32
          %dma_wait3A_382 = arith.constant 0 : i32
          %dma_wait3A_383 = tpu.memref_slice %arg8[%dma_wait3A, %dma_wait3A_382] : memref<16x128xi32, #tpu.memory_space<vmem>> -> memref<1x128xi32, #tpu.memory_space<vmem>>
          %dma_wait3A_384 = tpu.memref_squeeze %dma_wait3A_383 : memref<1x128xi32, #tpu.memory_space<vmem>> -> memref<128xi32, #tpu.memory_space<vmem>>
          %dma_wait3A_385 = arith.constant 0 : i32
          %dma_wait3A_386 = arith.constant 0 : i32
          %dma_wait3A_387 = tpu.memref_slice %arg11[%dma_wait3A_385, %dma_wait3A_386] : memref<10240x128xf32, #tpu.memory_space<vmem_shared>> -> memref<10240x128xf32, #tpu.memory_space<vmem_shared>>
          tpu.wait_indirect_dma semaphore(%arg14 : memref<!tpu.dma_semaphore, #tpu.memory_space<semaphore_mem>>) src(%arg9 : memref<128x128xf32, #tpu.memory_space<vmem>>) dst(%dma_wait3A_387 : memref<10240x128xf32, #tpu.memory_space<vmem_shared>>)
        } else {
        }
        %add3A_116 = arith.constant 4 : i32
        %add3A_117 = arith.addi %add3A_34, %add3A_116 : i32
        %lt3A_118 = arith.constant 2500 : i32
        %lt3A_119 = arith.cmpi slt, %add3A_117, %lt3A_118 : i32
        %convert_element_type3A_120 = arith.extui %lt3A_119 : i1 to i32
        %cond3A_121 = arith.constant 0 : i32
        %cond3A_122 = arith.cmpi ne, %convert_element_type3A_120, %cond3A_121 : i32
        scf.if %cond3A_122 {
          %dma_start3A = arith.constant 4 : i32
          %dma_start3A_382 = arith.constant 0 : i32
          %dma_start3A_383 = tpu.memref_slice %arg7[%dma_start3A, %dma_start3A_382] : memref<16x128xi32, #tpu.memory_space<vmem>> -> memref<1x128xi32, #tpu.memory_space<vmem>>
          %dma_start3A_384 = tpu.memref_squeeze %dma_start3A_383 : memref<1x128xi32, #tpu.memory_space<vmem>> -> memref<128xi32, #tpu.memory_space<vmem>>
          %dma_start3A_385 = arith.constant 0 : i32
          %dma_start3A_386 = arith.constant 0 : i32
          %dma_start3A_387 = tpu.memref_slice %arg2[%dma_start3A_385, %dma_start3A_386] : memref<10000x128xf32, #tpu.memory_space<hbm>> -> memref<10000x128xf32, #tpu.memory_space<hbm>>
          tpu.enqueue_indirect_dma source(%dma_start3A_387 : memref<10000x128xf32, #tpu.memory_space<hbm>>) target(%arg9 : memref<128x128xf32, #tpu.memory_space<vmem>>) offsets(%dma_start3A_384 : memref<128xi32, #tpu.memory_space<vmem>>) semaphore(%arg12 : memref<!tpu.dma_semaphore, #tpu.memory_space<semaphore_mem>>)
        } else {
        }
        %add3A_123 = arith.constant 3 : i32
        %add3A_124 = arith.addi %add3A_34, %add3A_123 : i32
        %lt3A_125 = arith.constant 2500 : i32
        %lt3A_126 = arith.cmpi slt, %add3A_124, %lt3A_125 : i32
        %convert_element_type3A_127 = arith.extui %lt3A_126 : i1 to i32
        %cond3A_128 = arith.constant 0 : i32
        %cond3A_129 = arith.cmpi ne, %convert_element_type3A_127, %cond3A_128 : i32
        scf.if %cond3A_129 {
          %dma_wait3A = arith.constant 3 : i32
          %dma_wait3A_382 = arith.constant 0 : i32
          %dma_wait3A_383 = tpu.memref_slice %arg7[%dma_wait3A, %dma_wait3A_382] : memref<16x128xi32, #tpu.memory_space<vmem>> -> memref<1x128xi32, #tpu.memory_space<vmem>>
          %dma_wait3A_384 = tpu.memref_squeeze %dma_wait3A_383 : memref<1x128xi32, #tpu.memory_space<vmem>> -> memref<128xi32, #tpu.memory_space<vmem>>
          %dma_wait3A_385 = arith.constant 0 : i32
          %dma_wait3A_386 = arith.constant 0 : i32
          %dma_wait3A_387 = tpu.memref_slice %arg2[%dma_wait3A_385, %dma_wait3A_386] : memref<10000x128xf32, #tpu.memory_space<hbm>> -> memref<10000x128xf32, #tpu.memory_space<hbm>>
          tpu.wait_indirect_dma semaphore(%arg13 : memref<!tpu.dma_semaphore, #tpu.memory_space<semaphore_mem>>) src(%dma_wait3A_387 : memref<10000x128xf32, #tpu.memory_space<hbm>>) dst(%arg10 : memref<128x128xf32, #tpu.memory_space<vmem>>)
          %dma_start3A = arith.constant 3 : i32
          %dma_start3A_388 = arith.constant 0 : i32
          %dma_start3A_389 = tpu.memref_slice %arg8[%dma_start3A, %dma_start3A_388] : memref<16x128xi32, #tpu.memory_space<vmem>> -> memref<1x128xi32, #tpu.memory_space<vmem>>
          %dma_start3A_390 = tpu.memref_squeeze %dma_start3A_389 : memref<1x128xi32, #tpu.memory_space<vmem>> -> memref<128xi32, #tpu.memory_space<vmem>>
          %dma_start3A_391 = arith.constant 0 : i32
          %dma_start3A_392 = arith.constant 0 : i32
          %dma_start3A_393 = tpu.memref_slice %arg11[%dma_start3A_391, %dma_start3A_392] : memref<10240x128xf32, #tpu.memory_space<vmem_shared>> -> memref<10240x128xf32, #tpu.memory_space<vmem_shared>>
          tpu.enqueue_indirect_dma source(%arg10 : memref<128x128xf32, #tpu.memory_space<vmem>>) target(%dma_start3A_393 : memref<10240x128xf32, #tpu.memory_space<vmem_shared>>) offsets(%dma_start3A_390 : memref<128xi32, #tpu.memory_space<vmem>>) semaphore(%arg15 : memref<!tpu.dma_semaphore, #tpu.memory_space<semaphore_mem>>) {add = true}
        } else {
        }
        %add3A_130 = arith.constant 3 : i32
        %add3A_131 = arith.addi %add3A_34, %add3A_130 : i32
        %lt3A_132 = arith.constant 2500 : i32
        %lt3A_133 = arith.cmpi slt, %add3A_131, %lt3A_132 : i32
        %convert_element_type3A_134 = arith.extui %lt3A_133 : i1 to i32
        %cond3A_135 = arith.constant 0 : i32
        %cond3A_136 = arith.cmpi ne, %convert_element_type3A_134, %cond3A_135 : i32
        scf.if %cond3A_136 {
          %dma_wait3A = arith.constant 3 : i32
          %dma_wait3A_382 = arith.constant 0 : i32
          %dma_wait3A_383 = tpu.memref_slice %arg8[%dma_wait3A, %dma_wait3A_382] : memref<16x128xi32, #tpu.memory_space<vmem>> -> memref<1x128xi32, #tpu.memory_space<vmem>>
          %dma_wait3A_384 = tpu.memref_squeeze %dma_wait3A_383 : memref<1x128xi32, #tpu.memory_space<vmem>> -> memref<128xi32, #tpu.memory_space<vmem>>
          %dma_wait3A_385 = arith.constant 0 : i32
          %dma_wait3A_386 = arith.constant 0 : i32
          %dma_wait3A_387 = tpu.memref_slice %arg11[%dma_wait3A_385, %dma_wait3A_386] : memref<10240x128xf32, #tpu.memory_space<vmem_shared>> -> memref<10240x128xf32, #tpu.memory_space<vmem_shared>>
          tpu.wait_indirect_dma semaphore(%arg15 : memref<!tpu.dma_semaphore, #tpu.memory_space<semaphore_mem>>) src(%arg10 : memref<128x128xf32, #tpu.memory_space<vmem>>) dst(%dma_wait3A_387 : memref<10240x128xf32, #tpu.memory_space<vmem_shared>>)
        } else {
        }
        %add3A_137 = arith.constant 5 : i32
        %add3A_138 = arith.addi %add3A_34, %add3A_137 : i32
        %lt3A_139 = arith.constant 2500 : i32
        %lt3A_140 = arith.cmpi slt, %add3A_138, %lt3A_139 : i32
        %convert_element_type3A_141 = arith.extui %lt3A_140 : i1 to i32
        %cond3A_142 = arith.constant 0 : i32
        %cond3A_143 = arith.cmpi ne, %convert_element_type3A_141, %cond3A_142 : i32
        scf.if %cond3A_143 {
          %dma_start3A = arith.constant 5 : i32
          %dma_start3A_382 = arith.constant 0 : i32
          %dma_start3A_383 = tpu.memref_slice %arg7[%dma_start3A, %dma_start3A_382] : memref<16x128xi32, #tpu.memory_space<vmem>> -> memref<1x128xi32, #tpu.memory_space<vmem>>
          %dma_start3A_384 = tpu.memref_squeeze %dma_start3A_383 : memref<1x128xi32, #tpu.memory_space<vmem>> -> memref<128xi32, #tpu.memory_space<vmem>>
          %dma_start3A_385 = arith.constant 0 : i32
          %dma_start3A_386 = arith.constant 0 : i32
          %dma_start3A_387 = tpu.memref_slice %arg2[%dma_start3A_385, %dma_start3A_386] : memref<10000x128xf32, #tpu.memory_space<hbm>> -> memref<10000x128xf32, #tpu.memory_space<hbm>>
          tpu.enqueue_indirect_dma source(%dma_start3A_387 : memref<10000x128xf32, #tpu.memory_space<hbm>>) target(%arg10 : memref<128x128xf32, #tpu.memory_space<vmem>>) offsets(%dma_start3A_384 : memref<128xi32, #tpu.memory_space<vmem>>) semaphore(%arg13 : memref<!tpu.dma_semaphore, #tpu.memory_space<semaphore_mem>>)
        } else {
        }
        %add3A_144 = arith.constant 4 : i32
        %add3A_145 = arith.addi %add3A_34, %add3A_144 : i32
        %lt3A_146 = arith.constant 2500 : i32
        %lt3A_147 = arith.cmpi slt, %add3A_145, %lt3A_146 : i32
        %convert_element_type3A_148 = arith.extui %lt3A_147 : i1 to i32
        %cond3A_149 = arith.constant 0 : i32
        %cond3A_150 = arith.cmpi ne, %convert_element_type3A_148, %cond3A_149 : i32
        scf.if %cond3A_150 {
          %dma_wait3A = arith.constant 4 : i32
          %dma_wait3A_382 = arith.constant 0 : i32
          %dma_wait3A_383 = tpu.memref_slice %arg7[%dma_wait3A, %dma_wait3A_382] : memref<16x128xi32, #tpu.memory_space<vmem>> -> memref<1x128xi32, #tpu.memory_space<vmem>>
          %dma_wait3A_384 = tpu.memref_squeeze %dma_wait3A_383 : memref<1x128xi32, #tpu.memory_space<vmem>> -> memref<128xi32, #tpu.memory_space<vmem>>
          %dma_wait3A_385 = arith.constant 0 : i32
          %dma_wait3A_386 = arith.constant 0 : i32
          %dma_wait3A_387 = tpu.memref_slice %arg2[%dma_wait3A_385, %dma_wait3A_386] : memref<10000x128xf32, #tpu.memory_space<hbm>> -> memref<10000x128xf32, #tpu.memory_space<hbm>>
          tpu.wait_indirect_dma semaphore(%arg12 : memref<!tpu.dma_semaphore, #tpu.memory_space<semaphore_mem>>) src(%dma_wait3A_387 : memref<10000x128xf32, #tpu.memory_space<hbm>>) dst(%arg9 : memref<128x128xf32, #tpu.memory_space<vmem>>)
          %dma_start3A = arith.constant 4 : i32
          %dma_start3A_388 = arith.constant 0 : i32
          %dma_start3A_389 = tpu.memref_slice %arg8[%dma_start3A, %dma_start3A_388] : memref<16x128xi32, #tpu.memory_space<vmem>> -> memref<1x128xi32, #tpu.memory_space<vmem>>
          %dma_start3A_390 = tpu.memref_squeeze %dma_start3A_389 : memref<1x128xi32, #tpu.memory_space<vmem>> -> memref<128xi32, #tpu.memory_space<vmem>>
          %dma_start3A_391 = arith.constant 0 : i32
          %dma_start3A_392 = arith.constant 0 : i32
          %dma_start3A_393 = tpu.memref_slice %arg11[%dma_start3A_391, %dma_start3A_392] : memref<10240x128xf32, #tpu.memory_space<vmem_shared>> -> memref<10240x128xf32, #tpu.memory_space<vmem_shared>>
          tpu.enqueue_indirect_dma source(%arg9 : memref<128x128xf32, #tpu.memory_space<vmem>>) target(%dma_start3A_393 : memref<10240x128xf32, #tpu.memory_space<vmem_shared>>) offsets(%dma_start3A_390 : memref<128xi32, #tpu.memory_space<vmem>>) semaphore(%arg14 : memref<!tpu.dma_semaphore, #tpu.memory_space<semaphore_mem>>) {add = true}
        } else {
        }
        %add3A_151 = arith.constant 4 : i32
        %add3A_152 = arith.addi %add3A_34, %add3A_151 : i32
        %lt3A_153 = arith.constant 2500 : i32
        %lt3A_154 = arith.cmpi slt, %add3A_152, %lt3A_153 : i32
        %convert_element_type3A_155 = arith.extui %lt3A_154 : i1 to i32
        %cond3A_156 = arith.constant 0 : i32
        %cond3A_157 = arith.cmpi ne, %convert_element_type3A_155, %cond3A_156 : i32
        scf.if %cond3A_157 {
          %dma_wait3A = arith.constant 4 : i32
          %dma_wait3A_382 = arith.constant 0 : i32
          %dma_wait3A_383 = tpu.memref_slice %arg8[%dma_wait3A, %dma_wait3A_382] : memref<16x128xi32, #tpu.memory_space<vmem>> -> memref<1x128xi32, #tpu.memory_space<vmem>>
          %dma_wait3A_384 = tpu.memref_squeeze %dma_wait3A_383 : memref<1x128xi32, #tpu.memory_space<vmem>> -> memref<128xi32, #tpu.memory_space<vmem>>
          %dma_wait3A_385 = arith.constant 0 : i32
          %dma_wait3A_386 = arith.constant 0 : i32
          %dma_wait3A_387 = tpu.memref_slice %arg11[%dma_wait3A_385, %dma_wait3A_386] : memref<10240x128xf32, #tpu.memory_space<vmem_shared>> -> memref<10240x128xf32, #tpu.memory_space<vmem_shared>>
          tpu.wait_indirect_dma semaphore(%arg14 : memref<!tpu.dma_semaphore, #tpu.memory_space<semaphore_mem>>) src(%arg9 : memref<128x128xf32, #tpu.memory_space<vmem>>) dst(%dma_wait3A_387 : memref<10240x128xf32, #tpu.memory_space<vmem_shared>>)
        } else {
        }
        %add3A_158 = arith.constant 6 : i32
        %add3A_159 = arith.addi %add3A_34, %add3A_158 : i32
        %lt3A_160 = arith.constant 2500 : i32
        %lt3A_161 = arith.cmpi slt, %add3A_159, %lt3A_160 : i32
        %convert_element_type3A_162 = arith.extui %lt3A_161 : i1 to i32
        %cond3A_163 = arith.constant 0 : i32
        %cond3A_164 = arith.cmpi ne, %convert_element_type3A_162, %cond3A_163 : i32
        scf.if %cond3A_164 {
          %dma_start3A = arith.constant 6 : i32
          %dma_start3A_382 = arith.constant 0 : i32
          %dma_start3A_383 = tpu.memref_slice %arg7[%dma_start3A, %dma_start3A_382] : memref<16x128xi32, #tpu.memory_space<vmem>> -> memref<1x128xi32, #tpu.memory_space<vmem>>
          %dma_start3A_384 = tpu.memref_squeeze %dma_start3A_383 : memref<1x128xi32, #tpu.memory_space<vmem>> -> memref<128xi32, #tpu.memory_space<vmem>>
          %dma_start3A_385 = arith.constant 0 : i32
          %dma_start3A_386 = arith.constant 0 : i32
          %dma_start3A_387 = tpu.memref_slice %arg2[%dma_start3A_385, %dma_start3A_386] : memref<10000x128xf32, #tpu.memory_space<hbm>> -> memref<10000x128xf32, #tpu.memory_space<hbm>>
          tpu.enqueue_indirect_dma source(%dma_start3A_387 : memref<10000x128xf32, #tpu.memory_space<hbm>>) target(%arg9 : memref<128x128xf32, #tpu.memory_space<vmem>>) offsets(%dma_start3A_384 : memref<128xi32, #tpu.memory_space<vmem>>) semaphore(%arg12 : memref<!tpu.dma_semaphore, #tpu.memory_space<semaphore_mem>>)
        } else {
        }
        %add3A_165 = arith.constant 5 : i32
        %add3A_166 = arith.addi %add3A_34, %add3A_165 : i32
        %lt3A_167 = arith.constant 2500 : i32
        %lt3A_168 = arith.cmpi slt, %add3A_166, %lt3A_167 : i32
        %convert_element_type3A_169 = arith.extui %lt3A_168 : i1 to i32
        %cond3A_170 = arith.constant 0 : i32
        %cond3A_171 = arith.cmpi ne, %convert_element_type3A_169, %cond3A_170 : i32
        scf.if %cond3A_171 {
          %dma_wait3A = arith.constant 5 : i32
          %dma_wait3A_382 = arith.constant 0 : i32
          %dma_wait3A_383 = tpu.memref_slice %arg7[%dma_wait3A, %dma_wait3A_382] : memref<16x128xi32, #tpu.memory_space<vmem>> -> memref<1x128xi32, #tpu.memory_space<vmem>>
          %dma_wait3A_384 = tpu.memref_squeeze %dma_wait3A_383 : memref<1x128xi32, #tpu.memory_space<vmem>> -> memref<128xi32, #tpu.memory_space<vmem>>
          %dma_wait3A_385 = arith.constant 0 : i32
          %dma_wait3A_386 = arith.constant 0 : i32
          %dma_wait3A_387 = tpu.memref_slice %arg2[%dma_wait3A_385, %dma_wait3A_386] : memref<10000x128xf32, #tpu.memory_space<hbm>> -> memref<10000x128xf32, #tpu.memory_space<hbm>>
          tpu.wait_indirect_dma semaphore(%arg13 : memref<!tpu.dma_semaphore, #tpu.memory_space<semaphore_mem>>) src(%dma_wait3A_387 : memref<10000x128xf32, #tpu.memory_space<hbm>>) dst(%arg10 : memref<128x128xf32, #tpu.memory_space<vmem>>)
          %dma_start3A = arith.constant 5 : i32
          %dma_start3A_388 = arith.constant 0 : i32
          %dma_start3A_389 = tpu.memref_slice %arg8[%dma_start3A, %dma_start3A_388] : memref<16x128xi32, #tpu.memory_space<vmem>> -> memref<1x128xi32, #tpu.memory_space<vmem>>
          %dma_start3A_390 = tpu.memref_squeeze %dma_start3A_389 : memref<1x128xi32, #tpu.memory_space<vmem>> -> memref<128xi32, #tpu.memory_space<vmem>>
          %dma_start3A_391 = arith.constant 0 : i32
          %dma_start3A_392 = arith.constant 0 : i32
          %dma_start3A_393 = tpu.memref_slice %arg11[%dma_start3A_391, %dma_start3A_392] : memref<10240x128xf32, #tpu.memory_space<vmem_shared>> -> memref<10240x128xf32, #tpu.memory_space<vmem_shared>>
          tpu.enqueue_indirect_dma source(%arg10 : memref<128x128xf32, #tpu.memory_space<vmem>>) target(%dma_start3A_393 : memref<10240x128xf32, #tpu.memory_space<vmem_shared>>) offsets(%dma_start3A_390 : memref<128xi32, #tpu.memory_space<vmem>>) semaphore(%arg15 : memref<!tpu.dma_semaphore, #tpu.memory_space<semaphore_mem>>) {add = true}
        } else {
        }
        %add3A_172 = arith.constant 5 : i32
        %add3A_173 = arith.addi %add3A_34, %add3A_172 : i32
        %lt3A_174 = arith.constant 2500 : i32
        %lt3A_175 = arith.cmpi slt, %add3A_173, %lt3A_174 : i32
        %convert_element_type3A_176 = arith.extui %lt3A_175 : i1 to i32
        %cond3A_177 = arith.constant 0 : i32
        %cond3A_178 = arith.cmpi ne, %convert_element_type3A_176, %cond3A_177 : i32
        scf.if %cond3A_178 {
          %dma_wait3A = arith.constant 5 : i32
          %dma_wait3A_382 = arith.constant 0 : i32
          %dma_wait3A_383 = tpu.memref_slice %arg8[%dma_wait3A, %dma_wait3A_382] : memref<16x128xi32, #tpu.memory_space<vmem>> -> memref<1x128xi32, #tpu.memory_space<vmem>>
          %dma_wait3A_384 = tpu.memref_squeeze %dma_wait3A_383 : memref<1x128xi32, #tpu.memory_space<vmem>> -> memref<128xi32, #tpu.memory_space<vmem>>
          %dma_wait3A_385 = arith.constant 0 : i32
          %dma_wait3A_386 = arith.constant 0 : i32
          %dma_wait3A_387 = tpu.memref_slice %arg11[%dma_wait3A_385, %dma_wait3A_386] : memref<10240x128xf32, #tpu.memory_space<vmem_shared>> -> memref<10240x128xf32, #tpu.memory_space<vmem_shared>>
          tpu.wait_indirect_dma semaphore(%arg15 : memref<!tpu.dma_semaphore, #tpu.memory_space<semaphore_mem>>) src(%arg10 : memref<128x128xf32, #tpu.memory_space<vmem>>) dst(%dma_wait3A_387 : memref<10240x128xf32, #tpu.memory_space<vmem_shared>>)
        } else {
        }
        %add3A_179 = arith.constant 7 : i32
        %add3A_180 = arith.addi %add3A_34, %add3A_179 : i32
        %lt3A_181 = arith.constant 2500 : i32
        %lt3A_182 = arith.cmpi slt, %add3A_180, %lt3A_181 : i32
        %convert_element_type3A_183 = arith.extui %lt3A_182 : i1 to i32
        %cond3A_184 = arith.constant 0 : i32
        %cond3A_185 = arith.cmpi ne, %convert_element_type3A_183, %cond3A_184 : i32
        scf.if %cond3A_185 {
          %dma_start3A = arith.constant 7 : i32
          %dma_start3A_382 = arith.constant 0 : i32
          %dma_start3A_383 = tpu.memref_slice %arg7[%dma_start3A, %dma_start3A_382] : memref<16x128xi32, #tpu.memory_space<vmem>> -> memref<1x128xi32, #tpu.memory_space<vmem>>
          %dma_start3A_384 = tpu.memref_squeeze %dma_start3A_383 : memref<1x128xi32, #tpu.memory_space<vmem>> -> memref<128xi32, #tpu.memory_space<vmem>>
          %dma_start3A_385 = arith.constant 0 : i32
          %dma_start3A_386 = arith.constant 0 : i32
          %dma_start3A_387 = tpu.memref_slice %arg2[%dma_start3A_385, %dma_start3A_386] : memref<10000x128xf32, #tpu.memory_space<hbm>> -> memref<10000x128xf32, #tpu.memory_space<hbm>>
          tpu.enqueue_indirect_dma source(%dma_start3A_387 : memref<10000x128xf32, #tpu.memory_space<hbm>>) target(%arg10 : memref<128x128xf32, #tpu.memory_space<vmem>>) offsets(%dma_start3A_384 : memref<128xi32, #tpu.memory_space<vmem>>) semaphore(%arg13 : memref<!tpu.dma_semaphore, #tpu.memory_space<semaphore_mem>>)
        } else {
        }
        %add3A_186 = arith.constant 6 : i32
        %add3A_187 = arith.addi %add3A_34, %add3A_186 : i32
        %lt3A_188 = arith.constant 2500 : i32
        %lt3A_189 = arith.cmpi slt, %add3A_187, %lt3A_188 : i32
        %convert_element_type3A_190 = arith.extui %lt3A_189 : i1 to i32
        %cond3A_191 = arith.constant 0 : i32
        %cond3A_192 = arith.cmpi ne, %convert_element_type3A_190, %cond3A_191 : i32
        scf.if %cond3A_192 {
          %dma_wait3A = arith.constant 6 : i32
          %dma_wait3A_382 = arith.constant 0 : i32
          %dma_wait3A_383 = tpu.memref_slice %arg7[%dma_wait3A, %dma_wait3A_382] : memref<16x128xi32, #tpu.memory_space<vmem>> -> memref<1x128xi32, #tpu.memory_space<vmem>>
          %dma_wait3A_384 = tpu.memref_squeeze %dma_wait3A_383 : memref<1x128xi32, #tpu.memory_space<vmem>> -> memref<128xi32, #tpu.memory_space<vmem>>
          %dma_wait3A_385 = arith.constant 0 : i32
          %dma_wait3A_386 = arith.constant 0 : i32
          %dma_wait3A_387 = tpu.memref_slice %arg2[%dma_wait3A_385, %dma_wait3A_386] : memref<10000x128xf32, #tpu.memory_space<hbm>> -> memref<10000x128xf32, #tpu.memory_space<hbm>>
          tpu.wait_indirect_dma semaphore(%arg12 : memref<!tpu.dma_semaphore, #tpu.memory_space<semaphore_mem>>) src(%dma_wait3A_387 : memref<10000x128xf32, #tpu.memory_space<hbm>>) dst(%arg9 : memref<128x128xf32, #tpu.memory_space<vmem>>)
          %dma_start3A = arith.constant 6 : i32
          %dma_start3A_388 = arith.constant 0 : i32
          %dma_start3A_389 = tpu.memref_slice %arg8[%dma_start3A, %dma_start3A_388] : memref<16x128xi32, #tpu.memory_space<vmem>> -> memref<1x128xi32, #tpu.memory_space<vmem>>
          %dma_start3A_390 = tpu.memref_squeeze %dma_start3A_389 : memref<1x128xi32, #tpu.memory_space<vmem>> -> memref<128xi32, #tpu.memory_space<vmem>>
          %dma_start3A_391 = arith.constant 0 : i32
          %dma_start3A_392 = arith.constant 0 : i32
          %dma_start3A_393 = tpu.memref_slice %arg11[%dma_start3A_391, %dma_start3A_392] : memref<10240x128xf32, #tpu.memory_space<vmem_shared>> -> memref<10240x128xf32, #tpu.memory_space<vmem_shared>>
          tpu.enqueue_indirect_dma source(%arg9 : memref<128x128xf32, #tpu.memory_space<vmem>>) target(%dma_start3A_393 : memref<10240x128xf32, #tpu.memory_space<vmem_shared>>) offsets(%dma_start3A_390 : memref<128xi32, #tpu.memory_space<vmem>>) semaphore(%arg14 : memref<!tpu.dma_semaphore, #tpu.memory_space<semaphore_mem>>) {add = true}
        } else {
        }
        %add3A_193 = arith.constant 6 : i32
        %add3A_194 = arith.addi %add3A_34, %add3A_193 : i32
        %lt3A_195 = arith.constant 2500 : i32
        %lt3A_196 = arith.cmpi slt, %add3A_194, %lt3A_195 : i32
        %convert_element_type3A_197 = arith.extui %lt3A_196 : i1 to i32
        %cond3A_198 = arith.constant 0 : i32
        %cond3A_199 = arith.cmpi ne, %convert_element_type3A_197, %cond3A_198 : i32
        scf.if %cond3A_199 {
          %dma_wait3A = arith.constant 6 : i32
          %dma_wait3A_382 = arith.constant 0 : i32
          %dma_wait3A_383 = tpu.memref_slice %arg8[%dma_wait3A, %dma_wait3A_382] : memref<16x128xi32, #tpu.memory_space<vmem>> -> memref<1x128xi32, #tpu.memory_space<vmem>>
          %dma_wait3A_384 = tpu.memref_squeeze %dma_wait3A_383 : memref<1x128xi32, #tpu.memory_space<vmem>> -> memref<128xi32, #tpu.memory_space<vmem>>
          %dma_wait3A_385 = arith.constant 0 : i32
          %dma_wait3A_386 = arith.constant 0 : i32
          %dma_wait3A_387 = tpu.memref_slice %arg11[%dma_wait3A_385, %dma_wait3A_386] : memref<10240x128xf32, #tpu.memory_space<vmem_shared>> -> memref<10240x128xf32, #tpu.memory_space<vmem_shared>>
          tpu.wait_indirect_dma semaphore(%arg14 : memref<!tpu.dma_semaphore, #tpu.memory_space<semaphore_mem>>) src(%arg9 : memref<128x128xf32, #tpu.memory_space<vmem>>) dst(%dma_wait3A_387 : memref<10240x128xf32, #tpu.memory_space<vmem_shared>>)
        } else {
        }
        %add3A_200 = arith.constant 8 : i32
        %add3A_201 = arith.addi %add3A_34, %add3A_200 : i32
        %lt3A_202 = arith.constant 2500 : i32
        %lt3A_203 = arith.cmpi slt, %add3A_201, %lt3A_202 : i32
        %convert_element_type3A_204 = arith.extui %lt3A_203 : i1 to i32
        %cond3A_205 = arith.constant 0 : i32
        %cond3A_206 = arith.cmpi ne, %convert_element_type3A_204, %cond3A_205 : i32
        scf.if %cond3A_206 {
          %dma_start3A = arith.constant 8 : i32
          %dma_start3A_382 = arith.constant 0 : i32
          %dma_start3A_383 = tpu.memref_slice %arg7[%dma_start3A, %dma_start3A_382] : memref<16x128xi32, #tpu.memory_space<vmem>> -> memref<1x128xi32, #tpu.memory_space<vmem>>
          %dma_start3A_384 = tpu.memref_squeeze %dma_start3A_383 : memref<1x128xi32, #tpu.memory_space<vmem>> -> memref<128xi32, #tpu.memory_space<vmem>>
          %dma_start3A_385 = arith.constant 0 : i32
          %dma_start3A_386 = arith.constant 0 : i32
          %dma_start3A_387 = tpu.memref_slice %arg2[%dma_start3A_385, %dma_start3A_386] : memref<10000x128xf32, #tpu.memory_space<hbm>> -> memref<10000x128xf32, #tpu.memory_space<hbm>>
          tpu.enqueue_indirect_dma source(%dma_start3A_387 : memref<10000x128xf32, #tpu.memory_space<hbm>>) target(%arg9 : memref<128x128xf32, #tpu.memory_space<vmem>>) offsets(%dma_start3A_384 : memref<128xi32, #tpu.memory_space<vmem>>) semaphore(%arg12 : memref<!tpu.dma_semaphore, #tpu.memory_space<semaphore_mem>>)
        } else {
        }
        %add3A_207 = arith.constant 7 : i32
        %add3A_208 = arith.addi %add3A_34, %add3A_207 : i32
        %lt3A_209 = arith.constant 2500 : i32
        %lt3A_210 = arith.cmpi slt, %add3A_208, %lt3A_209 : i32
        %convert_element_type3A_211 = arith.extui %lt3A_210 : i1 to i32
        %cond3A_212 = arith.constant 0 : i32
        %cond3A_213 = arith.cmpi ne, %convert_element_type3A_211, %cond3A_212 : i32
        scf.if %cond3A_213 {
          %dma_wait3A = arith.constant 7 : i32
          %dma_wait3A_382 = arith.constant 0 : i32
          %dma_wait3A_383 = tpu.memref_slice %arg7[%dma_wait3A, %dma_wait3A_382] : memref<16x128xi32, #tpu.memory_space<vmem>> -> memref<1x128xi32, #tpu.memory_space<vmem>>
          %dma_wait3A_384 = tpu.memref_squeeze %dma_wait3A_383 : memref<1x128xi32, #tpu.memory_space<vmem>> -> memref<128xi32, #tpu.memory_space<vmem>>
          %dma_wait3A_385 = arith.constant 0 : i32
          %dma_wait3A_386 = arith.constant 0 : i32
          %dma_wait3A_387 = tpu.memref_slice %arg2[%dma_wait3A_385, %dma_wait3A_386] : memref<10000x128xf32, #tpu.memory_space<hbm>> -> memref<10000x128xf32, #tpu.memory_space<hbm>>
          tpu.wait_indirect_dma semaphore(%arg13 : memref<!tpu.dma_semaphore, #tpu.memory_space<semaphore_mem>>) src(%dma_wait3A_387 : memref<10000x128xf32, #tpu.memory_space<hbm>>) dst(%arg10 : memref<128x128xf32, #tpu.memory_space<vmem>>)
          %dma_start3A = arith.constant 7 : i32
          %dma_start3A_388 = arith.constant 0 : i32
          %dma_start3A_389 = tpu.memref_slice %arg8[%dma_start3A, %dma_start3A_388] : memref<16x128xi32, #tpu.memory_space<vmem>> -> memref<1x128xi32, #tpu.memory_space<vmem>>
          %dma_start3A_390 = tpu.memref_squeeze %dma_start3A_389 : memref<1x128xi32, #tpu.memory_space<vmem>> -> memref<128xi32, #tpu.memory_space<vmem>>
          %dma_start3A_391 = arith.constant 0 : i32
          %dma_start3A_392 = arith.constant 0 : i32
          %dma_start3A_393 = tpu.memref_slice %arg11[%dma_start3A_391, %dma_start3A_392] : memref<10240x128xf32, #tpu.memory_space<vmem_shared>> -> memref<10240x128xf32, #tpu.memory_space<vmem_shared>>
          tpu.enqueue_indirect_dma source(%arg10 : memref<128x128xf32, #tpu.memory_space<vmem>>) target(%dma_start3A_393 : memref<10240x128xf32, #tpu.memory_space<vmem_shared>>) offsets(%dma_start3A_390 : memref<128xi32, #tpu.memory_space<vmem>>) semaphore(%arg15 : memref<!tpu.dma_semaphore, #tpu.memory_space<semaphore_mem>>) {add = true}
        } else {
        }
        %add3A_214 = arith.constant 7 : i32
        %add3A_215 = arith.addi %add3A_34, %add3A_214 : i32
        %lt3A_216 = arith.constant 2500 : i32
        %lt3A_217 = arith.cmpi slt, %add3A_215, %lt3A_216 : i32
        %convert_element_type3A_218 = arith.extui %lt3A_217 : i1 to i32
        %cond3A_219 = arith.constant 0 : i32
        %cond3A_220 = arith.cmpi ne, %convert_element_type3A_218, %cond3A_219 : i32
        scf.if %cond3A_220 {
          %dma_wait3A = arith.constant 7 : i32
          %dma_wait3A_382 = arith.constant 0 : i32
          %dma_wait3A_383 = tpu.memref_slice %arg8[%dma_wait3A, %dma_wait3A_382] : memref<16x128xi32, #tpu.memory_space<vmem>> -> memref<1x128xi32, #tpu.memory_space<vmem>>
          %dma_wait3A_384 = tpu.memref_squeeze %dma_wait3A_383 : memref<1x128xi32, #tpu.memory_space<vmem>> -> memref<128xi32, #tpu.memory_space<vmem>>
          %dma_wait3A_385 = arith.constant 0 : i32
          %dma_wait3A_386 = arith.constant 0 : i32
          %dma_wait3A_387 = tpu.memref_slice %arg11[%dma_wait3A_385, %dma_wait3A_386] : memref<10240x128xf32, #tpu.memory_space<vmem_shared>> -> memref<10240x128xf32, #tpu.memory_space<vmem_shared>>
          tpu.wait_indirect_dma semaphore(%arg15 : memref<!tpu.dma_semaphore, #tpu.memory_space<semaphore_mem>>) src(%arg10 : memref<128x128xf32, #tpu.memory_space<vmem>>) dst(%dma_wait3A_387 : memref<10240x128xf32, #tpu.memory_space<vmem_shared>>)
        } else {
        }
        %add3A_221 = arith.constant 9 : i32
        %add3A_222 = arith.addi %add3A_34, %add3A_221 : i32
        %lt3A_223 = arith.constant 2500 : i32
        %lt3A_224 = arith.cmpi slt, %add3A_222, %lt3A_223 : i32
        %convert_element_type3A_225 = arith.extui %lt3A_224 : i1 to i32
        %cond3A_226 = arith.constant 0 : i32
        %cond3A_227 = arith.cmpi ne, %convert_element_type3A_225, %cond3A_226 : i32
        scf.if %cond3A_227 {
          %dma_start3A = arith.constant 9 : i32
          %dma_start3A_382 = arith.constant 0 : i32
          %dma_start3A_383 = tpu.memref_slice %arg7[%dma_start3A, %dma_start3A_382] : memref<16x128xi32, #tpu.memory_space<vmem>> -> memref<1x128xi32, #tpu.memory_space<vmem>>
          %dma_start3A_384 = tpu.memref_squeeze %dma_start3A_383 : memref<1x128xi32, #tpu.memory_space<vmem>> -> memref<128xi32, #tpu.memory_space<vmem>>
          %dma_start3A_385 = arith.constant 0 : i32
          %dma_start3A_386 = arith.constant 0 : i32
          %dma_start3A_387 = tpu.memref_slice %arg2[%dma_start3A_385, %dma_start3A_386] : memref<10000x128xf32, #tpu.memory_space<hbm>> -> memref<10000x128xf32, #tpu.memory_space<hbm>>
          tpu.enqueue_indirect_dma source(%dma_start3A_387 : memref<10000x128xf32, #tpu.memory_space<hbm>>) target(%arg10 : memref<128x128xf32, #tpu.memory_space<vmem>>) offsets(%dma_start3A_384 : memref<128xi32, #tpu.memory_space<vmem>>) semaphore(%arg13 : memref<!tpu.dma_semaphore, #tpu.memory_space<semaphore_mem>>)
        } else {
        }
        %add3A_228 = arith.constant 8 : i32
        %add3A_229 = arith.addi %add3A_34, %add3A_228 : i32
        %lt3A_230 = arith.constant 2500 : i32
        %lt3A_231 = arith.cmpi slt, %add3A_229, %lt3A_230 : i32
        %convert_element_type3A_232 = arith.extui %lt3A_231 : i1 to i32
        %cond3A_233 = arith.constant 0 : i32
        %cond3A_234 = arith.cmpi ne, %convert_element_type3A_232, %cond3A_233 : i32
        scf.if %cond3A_234 {
          %dma_wait3A = arith.constant 8 : i32
          %dma_wait3A_382 = arith.constant 0 : i32
          %dma_wait3A_383 = tpu.memref_slice %arg7[%dma_wait3A, %dma_wait3A_382] : memref<16x128xi32, #tpu.memory_space<vmem>> -> memref<1x128xi32, #tpu.memory_space<vmem>>
          %dma_wait3A_384 = tpu.memref_squeeze %dma_wait3A_383 : memref<1x128xi32, #tpu.memory_space<vmem>> -> memref<128xi32, #tpu.memory_space<vmem>>
          %dma_wait3A_385 = arith.constant 0 : i32
          %dma_wait3A_386 = arith.constant 0 : i32
          %dma_wait3A_387 = tpu.memref_slice %arg2[%dma_wait3A_385, %dma_wait3A_386] : memref<10000x128xf32, #tpu.memory_space<hbm>> -> memref<10000x128xf32, #tpu.memory_space<hbm>>
          tpu.wait_indirect_dma semaphore(%arg12 : memref<!tpu.dma_semaphore, #tpu.memory_space<semaphore_mem>>) src(%dma_wait3A_387 : memref<10000x128xf32, #tpu.memory_space<hbm>>) dst(%arg9 : memref<128x128xf32, #tpu.memory_space<vmem>>)
          %dma_start3A = arith.constant 8 : i32
          %dma_start3A_388 = arith.constant 0 : i32
          %dma_start3A_389 = tpu.memref_slice %arg8[%dma_start3A, %dma_start3A_388] : memref<16x128xi32, #tpu.memory_space<vmem>> -> memref<1x128xi32, #tpu.memory_space<vmem>>
          %dma_start3A_390 = tpu.memref_squeeze %dma_start3A_389 : memref<1x128xi32, #tpu.memory_space<vmem>> -> memref<128xi32, #tpu.memory_space<vmem>>
          %dma_start3A_391 = arith.constant 0 : i32
          %dma_start3A_392 = arith.constant 0 : i32
          %dma_start3A_393 = tpu.memref_slice %arg11[%dma_start3A_391, %dma_start3A_392] : memref<10240x128xf32, #tpu.memory_space<vmem_shared>> -> memref<10240x128xf32, #tpu.memory_space<vmem_shared>>
          tpu.enqueue_indirect_dma source(%arg9 : memref<128x128xf32, #tpu.memory_space<vmem>>) target(%dma_start3A_393 : memref<10240x128xf32, #tpu.memory_space<vmem_shared>>) offsets(%dma_start3A_390 : memref<128xi32, #tpu.memory_space<vmem>>) semaphore(%arg14 : memref<!tpu.dma_semaphore, #tpu.memory_space<semaphore_mem>>) {add = true}
        } else {
        }
        %add3A_235 = arith.constant 8 : i32
        %add3A_236 = arith.addi %add3A_34, %add3A_235 : i32
        %lt3A_237 = arith.constant 2500 : i32
        %lt3A_238 = arith.cmpi slt, %add3A_236, %lt3A_237 : i32
        %convert_element_type3A_239 = arith.extui %lt3A_238 : i1 to i32
        %cond3A_240 = arith.constant 0 : i32
        %cond3A_241 = arith.cmpi ne, %convert_element_type3A_239, %cond3A_240 : i32
        scf.if %cond3A_241 {
          %dma_wait3A = arith.constant 8 : i32
          %dma_wait3A_382 = arith.constant 0 : i32
          %dma_wait3A_383 = tpu.memref_slice %arg8[%dma_wait3A, %dma_wait3A_382] : memref<16x128xi32, #tpu.memory_space<vmem>> -> memref<1x128xi32, #tpu.memory_space<vmem>>
          %dma_wait3A_384 = tpu.memref_squeeze %dma_wait3A_383 : memref<1x128xi32, #tpu.memory_space<vmem>> -> memref<128xi32, #tpu.memory_space<vmem>>
          %dma_wait3A_385 = arith.constant 0 : i32
          %dma_wait3A_386 = arith.constant 0 : i32
          %dma_wait3A_387 = tpu.memref_slice %arg11[%dma_wait3A_385, %dma_wait3A_386] : memref<10240x128xf32, #tpu.memory_space<vmem_shared>> -> memref<10240x128xf32, #tpu.memory_space<vmem_shared>>
          tpu.wait_indirect_dma semaphore(%arg14 : memref<!tpu.dma_semaphore, #tpu.memory_space<semaphore_mem>>) src(%arg9 : memref<128x128xf32, #tpu.memory_space<vmem>>) dst(%dma_wait3A_387 : memref<10240x128xf32, #tpu.memory_space<vmem_shared>>)
        } else {
        }
        %add3A_242 = arith.constant 10 : i32
        %add3A_243 = arith.addi %add3A_34, %add3A_242 : i32
        %lt3A_244 = arith.constant 2500 : i32
        %lt3A_245 = arith.cmpi slt, %add3A_243, %lt3A_244 : i32
        %convert_element_type3A_246 = arith.extui %lt3A_245 : i1 to i32
        %cond3A_247 = arith.constant 0 : i32
        %cond3A_248 = arith.cmpi ne, %convert_element_type3A_246, %cond3A_247 : i32
        scf.if %cond3A_248 {
          %dma_start3A = arith.constant 10 : i32
          %dma_start3A_382 = arith.constant 0 : i32
          %dma_start3A_383 = tpu.memref_slice %arg7[%dma_start3A, %dma_start3A_382] : memref<16x128xi32, #tpu.memory_space<vmem>> -> memref<1x128xi32, #tpu.memory_space<vmem>>
          %dma_start3A_384 = tpu.memref_squeeze %dma_start3A_383 : memref<1x128xi32, #tpu.memory_space<vmem>> -> memref<128xi32, #tpu.memory_space<vmem>>
          %dma_start3A_385 = arith.constant 0 : i32
          %dma_start3A_386 = arith.constant 0 : i32
          %dma_start3A_387 = tpu.memref_slice %arg2[%dma_start3A_385, %dma_start3A_386] : memref<10000x128xf32, #tpu.memory_space<hbm>> -> memref<10000x128xf32, #tpu.memory_space<hbm>>
          tpu.enqueue_indirect_dma source(%dma_start3A_387 : memref<10000x128xf32, #tpu.memory_space<hbm>>) target(%arg9 : memref<128x128xf32, #tpu.memory_space<vmem>>) offsets(%dma_start3A_384 : memref<128xi32, #tpu.memory_space<vmem>>) semaphore(%arg12 : memref<!tpu.dma_semaphore, #tpu.memory_space<semaphore_mem>>)
        } else {
        }
        %add3A_249 = arith.constant 9 : i32
        %add3A_250 = arith.addi %add3A_34, %add3A_249 : i32
        %lt3A_251 = arith.constant 2500 : i32
        %lt3A_252 = arith.cmpi slt, %add3A_250, %lt3A_251 : i32
        %convert_element_type3A_253 = arith.extui %lt3A_252 : i1 to i32
        %cond3A_254 = arith.constant 0 : i32
        %cond3A_255 = arith.cmpi ne, %convert_element_type3A_253, %cond3A_254 : i32
        scf.if %cond3A_255 {
          %dma_wait3A = arith.constant 9 : i32
          %dma_wait3A_382 = arith.constant 0 : i32
          %dma_wait3A_383 = tpu.memref_slice %arg7[%dma_wait3A, %dma_wait3A_382] : memref<16x128xi32, #tpu.memory_space<vmem>> -> memref<1x128xi32, #tpu.memory_space<vmem>>
          %dma_wait3A_384 = tpu.memref_squeeze %dma_wait3A_383 : memref<1x128xi32, #tpu.memory_space<vmem>> -> memref<128xi32, #tpu.memory_space<vmem>>
          %dma_wait3A_385 = arith.constant 0 : i32
          %dma_wait3A_386 = arith.constant 0 : i32
          %dma_wait3A_387 = tpu.memref_slice %arg2[%dma_wait3A_385, %dma_wait3A_386] : memref<10000x128xf32, #tpu.memory_space<hbm>> -> memref<10000x128xf32, #tpu.memory_space<hbm>>
          tpu.wait_indirect_dma semaphore(%arg13 : memref<!tpu.dma_semaphore, #tpu.memory_space<semaphore_mem>>) src(%dma_wait3A_387 : memref<10000x128xf32, #tpu.memory_space<hbm>>) dst(%arg10 : memref<128x128xf32, #tpu.memory_space<vmem>>)
          %dma_start3A = arith.constant 9 : i32
          %dma_start3A_388 = arith.constant 0 : i32
          %dma_start3A_389 = tpu.memref_slice %arg8[%dma_start3A, %dma_start3A_388] : memref<16x128xi32, #tpu.memory_space<vmem>> -> memref<1x128xi32, #tpu.memory_space<vmem>>
          %dma_start3A_390 = tpu.memref_squeeze %dma_start3A_389 : memref<1x128xi32, #tpu.memory_space<vmem>> -> memref<128xi32, #tpu.memory_space<vmem>>
          %dma_start3A_391 = arith.constant 0 : i32
          %dma_start3A_392 = arith.constant 0 : i32
          %dma_start3A_393 = tpu.memref_slice %arg11[%dma_start3A_391, %dma_start3A_392] : memref<10240x128xf32, #tpu.memory_space<vmem_shared>> -> memref<10240x128xf32, #tpu.memory_space<vmem_shared>>
          tpu.enqueue_indirect_dma source(%arg10 : memref<128x128xf32, #tpu.memory_space<vmem>>) target(%dma_start3A_393 : memref<10240x128xf32, #tpu.memory_space<vmem_shared>>) offsets(%dma_start3A_390 : memref<128xi32, #tpu.memory_space<vmem>>) semaphore(%arg15 : memref<!tpu.dma_semaphore, #tpu.memory_space<semaphore_mem>>) {add = true}
        } else {
        }
        %add3A_256 = arith.constant 9 : i32
        %add3A_257 = arith.addi %add3A_34, %add3A_256 : i32
        %lt3A_258 = arith.constant 2500 : i32
        %lt3A_259 = arith.cmpi slt, %add3A_257, %lt3A_258 : i32
        %convert_element_type3A_260 = arith.extui %lt3A_259 : i1 to i32
        %cond3A_261 = arith.constant 0 : i32
        %cond3A_262 = arith.cmpi ne, %convert_element_type3A_260, %cond3A_261 : i32
        scf.if %cond3A_262 {
          %dma_wait3A = arith.constant 9 : i32
          %dma_wait3A_382 = arith.constant 0 : i32
          %dma_wait3A_383 = tpu.memref_slice %arg8[%dma_wait3A, %dma_wait3A_382] : memref<16x128xi32, #tpu.memory_space<vmem>> -> memref<1x128xi32, #tpu.memory_space<vmem>>
          %dma_wait3A_384 = tpu.memref_squeeze %dma_wait3A_383 : memref<1x128xi32, #tpu.memory_space<vmem>> -> memref<128xi32, #tpu.memory_space<vmem>>
          %dma_wait3A_385 = arith.constant 0 : i32
          %dma_wait3A_386 = arith.constant 0 : i32
          %dma_wait3A_387 = tpu.memref_slice %arg11[%dma_wait3A_385, %dma_wait3A_386] : memref<10240x128xf32, #tpu.memory_space<vmem_shared>> -> memref<10240x128xf32, #tpu.memory_space<vmem_shared>>
          tpu.wait_indirect_dma semaphore(%arg15 : memref<!tpu.dma_semaphore, #tpu.memory_space<semaphore_mem>>) src(%arg10 : memref<128x128xf32, #tpu.memory_space<vmem>>) dst(%dma_wait3A_387 : memref<10240x128xf32, #tpu.memory_space<vmem_shared>>)
        } else {
        }
        %add3A_263 = arith.constant 11 : i32
        %add3A_264 = arith.addi %add3A_34, %add3A_263 : i32
        %lt3A_265 = arith.constant 2500 : i32
        %lt3A_266 = arith.cmpi slt, %add3A_264, %lt3A_265 : i32
        %convert_element_type3A_267 = arith.extui %lt3A_266 : i1 to i32
        %cond3A_268 = arith.constant 0 : i32
        %cond3A_269 = arith.cmpi ne, %convert_element_type3A_267, %cond3A_268 : i32
        scf.if %cond3A_269 {
          %dma_start3A = arith.constant 11 : i32
          %dma_start3A_382 = arith.constant 0 : i32
          %dma_start3A_383 = tpu.memref_slice %arg7[%dma_start3A, %dma_start3A_382] : memref<16x128xi32, #tpu.memory_space<vmem>> -> memref<1x128xi32, #tpu.memory_space<vmem>>
          %dma_start3A_384 = tpu.memref_squeeze %dma_start3A_383 : memref<1x128xi32, #tpu.memory_space<vmem>> -> memref<128xi32, #tpu.memory_space<vmem>>
          %dma_start3A_385 = arith.constant 0 : i32
          %dma_start3A_386 = arith.constant 0 : i32
          %dma_start3A_387 = tpu.memref_slice %arg2[%dma_start3A_385, %dma_start3A_386] : memref<10000x128xf32, #tpu.memory_space<hbm>> -> memref<10000x128xf32, #tpu.memory_space<hbm>>
          tpu.enqueue_indirect_dma source(%dma_start3A_387 : memref<10000x128xf32, #tpu.memory_space<hbm>>) target(%arg10 : memref<128x128xf32, #tpu.memory_space<vmem>>) offsets(%dma_start3A_384 : memref<128xi32, #tpu.memory_space<vmem>>) semaphore(%arg13 : memref<!tpu.dma_semaphore, #tpu.memory_space<semaphore_mem>>)
        } else {
        }
        %add3A_270 = arith.constant 10 : i32
        %add3A_271 = arith.addi %add3A_34, %add3A_270 : i32
        %lt3A_272 = arith.constant 2500 : i32
        %lt3A_273 = arith.cmpi slt, %add3A_271, %lt3A_272 : i32
        %convert_element_type3A_274 = arith.extui %lt3A_273 : i1 to i32
        %cond3A_275 = arith.constant 0 : i32
        %cond3A_276 = arith.cmpi ne, %convert_element_type3A_274, %cond3A_275 : i32
        scf.if %cond3A_276 {
          %dma_wait3A = arith.constant 10 : i32
          %dma_wait3A_382 = arith.constant 0 : i32
          %dma_wait3A_383 = tpu.memref_slice %arg7[%dma_wait3A, %dma_wait3A_382] : memref<16x128xi32, #tpu.memory_space<vmem>> -> memref<1x128xi32, #tpu.memory_space<vmem>>
          %dma_wait3A_384 = tpu.memref_squeeze %dma_wait3A_383 : memref<1x128xi32, #tpu.memory_space<vmem>> -> memref<128xi32, #tpu.memory_space<vmem>>
          %dma_wait3A_385 = arith.constant 0 : i32
          %dma_wait3A_386 = arith.constant 0 : i32
          %dma_wait3A_387 = tpu.memref_slice %arg2[%dma_wait3A_385, %dma_wait3A_386] : memref<10000x128xf32, #tpu.memory_space<hbm>> -> memref<10000x128xf32, #tpu.memory_space<hbm>>
          tpu.wait_indirect_dma semaphore(%arg12 : memref<!tpu.dma_semaphore, #tpu.memory_space<semaphore_mem>>) src(%dma_wait3A_387 : memref<10000x128xf32, #tpu.memory_space<hbm>>) dst(%arg9 : memref<128x128xf32, #tpu.memory_space<vmem>>)
          %dma_start3A = arith.constant 10 : i32
          %dma_start3A_388 = arith.constant 0 : i32
          %dma_start3A_389 = tpu.memref_slice %arg8[%dma_start3A, %dma_start3A_388] : memref<16x128xi32, #tpu.memory_space<vmem>> -> memref<1x128xi32, #tpu.memory_space<vmem>>
          %dma_start3A_390 = tpu.memref_squeeze %dma_start3A_389 : memref<1x128xi32, #tpu.memory_space<vmem>> -> memref<128xi32, #tpu.memory_space<vmem>>
          %dma_start3A_391 = arith.constant 0 : i32
          %dma_start3A_392 = arith.constant 0 : i32
          %dma_start3A_393 = tpu.memref_slice %arg11[%dma_start3A_391, %dma_start3A_392] : memref<10240x128xf32, #tpu.memory_space<vmem_shared>> -> memref<10240x128xf32, #tpu.memory_space<vmem_shared>>
          tpu.enqueue_indirect_dma source(%arg9 : memref<128x128xf32, #tpu.memory_space<vmem>>) target(%dma_start3A_393 : memref<10240x128xf32, #tpu.memory_space<vmem_shared>>) offsets(%dma_start3A_390 : memref<128xi32, #tpu.memory_space<vmem>>) semaphore(%arg14 : memref<!tpu.dma_semaphore, #tpu.memory_space<semaphore_mem>>) {add = true}
        } else {
        }
        %add3A_277 = arith.constant 10 : i32
        %add3A_278 = arith.addi %add3A_34, %add3A_277 : i32
        %lt3A_279 = arith.constant 2500 : i32
        %lt3A_280 = arith.cmpi slt, %add3A_278, %lt3A_279 : i32
        %convert_element_type3A_281 = arith.extui %lt3A_280 : i1 to i32
        %cond3A_282 = arith.constant 0 : i32
        %cond3A_283 = arith.cmpi ne, %convert_element_type3A_281, %cond3A_282 : i32
        scf.if %cond3A_283 {
          %dma_wait3A = arith.constant 10 : i32
          %dma_wait3A_382 = arith.constant 0 : i32
          %dma_wait3A_383 = tpu.memref_slice %arg8[%dma_wait3A, %dma_wait3A_382] : memref<16x128xi32, #tpu.memory_space<vmem>> -> memref<1x128xi32, #tpu.memory_space<vmem>>
          %dma_wait3A_384 = tpu.memref_squeeze %dma_wait3A_383 : memref<1x128xi32, #tpu.memory_space<vmem>> -> memref<128xi32, #tpu.memory_space<vmem>>
          %dma_wait3A_385 = arith.constant 0 : i32
          %dma_wait3A_386 = arith.constant 0 : i32
          %dma_wait3A_387 = tpu.memref_slice %arg11[%dma_wait3A_385, %dma_wait3A_386] : memref<10240x128xf32, #tpu.memory_space<vmem_shared>> -> memref<10240x128xf32, #tpu.memory_space<vmem_shared>>
          tpu.wait_indirect_dma semaphore(%arg14 : memref<!tpu.dma_semaphore, #tpu.memory_space<semaphore_mem>>) src(%arg9 : memref<128x128xf32, #tpu.memory_space<vmem>>) dst(%dma_wait3A_387 : memref<10240x128xf32, #tpu.memory_space<vmem_shared>>)
        } else {
        }
        %add3A_284 = arith.constant 12 : i32
        %add3A_285 = arith.addi %add3A_34, %add3A_284 : i32
        %lt3A_286 = arith.constant 2500 : i32
        %lt3A_287 = arith.cmpi slt, %add3A_285, %lt3A_286 : i32
        %convert_element_type3A_288 = arith.extui %lt3A_287 : i1 to i32
        %cond3A_289 = arith.constant 0 : i32
        %cond3A_290 = arith.cmpi ne, %convert_element_type3A_288, %cond3A_289 : i32
        scf.if %cond3A_290 {
          %dma_start3A = arith.constant 12 : i32
          %dma_start3A_382 = arith.constant 0 : i32
          %dma_start3A_383 = tpu.memref_slice %arg7[%dma_start3A, %dma_start3A_382] : memref<16x128xi32, #tpu.memory_space<vmem>> -> memref<1x128xi32, #tpu.memory_space<vmem>>
          %dma_start3A_384 = tpu.memref_squeeze %dma_start3A_383 : memref<1x128xi32, #tpu.memory_space<vmem>> -> memref<128xi32, #tpu.memory_space<vmem>>
          %dma_start3A_385 = arith.constant 0 : i32
          %dma_start3A_386 = arith.constant 0 : i32
          %dma_start3A_387 = tpu.memref_slice %arg2[%dma_start3A_385, %dma_start3A_386] : memref<10000x128xf32, #tpu.memory_space<hbm>> -> memref<10000x128xf32, #tpu.memory_space<hbm>>
          tpu.enqueue_indirect_dma source(%dma_start3A_387 : memref<10000x128xf32, #tpu.memory_space<hbm>>) target(%arg9 : memref<128x128xf32, #tpu.memory_space<vmem>>) offsets(%dma_start3A_384 : memref<128xi32, #tpu.memory_space<vmem>>) semaphore(%arg12 : memref<!tpu.dma_semaphore, #tpu.memory_space<semaphore_mem>>)
        } else {
        }
        %add3A_291 = arith.constant 11 : i32
        %add3A_292 = arith.addi %add3A_34, %add3A_291 : i32
        %lt3A_293 = arith.constant 2500 : i32
        %lt3A_294 = arith.cmpi slt, %add3A_292, %lt3A_293 : i32
        %convert_element_type3A_295 = arith.extui %lt3A_294 : i1 to i32
        %cond3A_296 = arith.constant 0 : i32
        %cond3A_297 = arith.cmpi ne, %convert_element_type3A_295, %cond3A_296 : i32
        scf.if %cond3A_297 {
          %dma_wait3A = arith.constant 11 : i32
          %dma_wait3A_382 = arith.constant 0 : i32
          %dma_wait3A_383 = tpu.memref_slice %arg7[%dma_wait3A, %dma_wait3A_382] : memref<16x128xi32, #tpu.memory_space<vmem>> -> memref<1x128xi32, #tpu.memory_space<vmem>>
          %dma_wait3A_384 = tpu.memref_squeeze %dma_wait3A_383 : memref<1x128xi32, #tpu.memory_space<vmem>> -> memref<128xi32, #tpu.memory_space<vmem>>
          %dma_wait3A_385 = arith.constant 0 : i32
          %dma_wait3A_386 = arith.constant 0 : i32
          %dma_wait3A_387 = tpu.memref_slice %arg2[%dma_wait3A_385, %dma_wait3A_386] : memref<10000x128xf32, #tpu.memory_space<hbm>> -> memref<10000x128xf32, #tpu.memory_space<hbm>>
          tpu.wait_indirect_dma semaphore(%arg13 : memref<!tpu.dma_semaphore, #tpu.memory_space<semaphore_mem>>) src(%dma_wait3A_387 : memref<10000x128xf32, #tpu.memory_space<hbm>>) dst(%arg10 : memref<128x128xf32, #tpu.memory_space<vmem>>)
          %dma_start3A = arith.constant 11 : i32
          %dma_start3A_388 = arith.constant 0 : i32
          %dma_start3A_389 = tpu.memref_slice %arg8[%dma_start3A, %dma_start3A_388] : memref<16x128xi32, #tpu.memory_space<vmem>> -> memref<1x128xi32, #tpu.memory_space<vmem>>
          %dma_start3A_390 = tpu.memref_squeeze %dma_start3A_389 : memref<1x128xi32, #tpu.memory_space<vmem>> -> memref<128xi32, #tpu.memory_space<vmem>>
          %dma_start3A_391 = arith.constant 0 : i32
          %dma_start3A_392 = arith.constant 0 : i32
          %dma_start3A_393 = tpu.memref_slice %arg11[%dma_start3A_391, %dma_start3A_392] : memref<10240x128xf32, #tpu.memory_space<vmem_shared>> -> memref<10240x128xf32, #tpu.memory_space<vmem_shared>>
          tpu.enqueue_indirect_dma source(%arg10 : memref<128x128xf32, #tpu.memory_space<vmem>>) target(%dma_start3A_393 : memref<10240x128xf32, #tpu.memory_space<vmem_shared>>) offsets(%dma_start3A_390 : memref<128xi32, #tpu.memory_space<vmem>>) semaphore(%arg15 : memref<!tpu.dma_semaphore, #tpu.memory_space<semaphore_mem>>) {add = true}
        } else {
        }
        %add3A_298 = arith.constant 11 : i32
        %add3A_299 = arith.addi %add3A_34, %add3A_298 : i32
        %lt3A_300 = arith.constant 2500 : i32
        %lt3A_301 = arith.cmpi slt, %add3A_299, %lt3A_300 : i32
        %convert_element_type3A_302 = arith.extui %lt3A_301 : i1 to i32
        %cond3A_303 = arith.constant 0 : i32
        %cond3A_304 = arith.cmpi ne, %convert_element_type3A_302, %cond3A_303 : i32
        scf.if %cond3A_304 {
          %dma_wait3A = arith.constant 11 : i32
          %dma_wait3A_382 = arith.constant 0 : i32
          %dma_wait3A_383 = tpu.memref_slice %arg8[%dma_wait3A, %dma_wait3A_382] : memref<16x128xi32, #tpu.memory_space<vmem>> -> memref<1x128xi32, #tpu.memory_space<vmem>>
          %dma_wait3A_384 = tpu.memref_squeeze %dma_wait3A_383 : memref<1x128xi32, #tpu.memory_space<vmem>> -> memref<128xi32, #tpu.memory_space<vmem>>
          %dma_wait3A_385 = arith.constant 0 : i32
          %dma_wait3A_386 = arith.constant 0 : i32
          %dma_wait3A_387 = tpu.memref_slice %arg11[%dma_wait3A_385, %dma_wait3A_386] : memref<10240x128xf32, #tpu.memory_space<vmem_shared>> -> memref<10240x128xf32, #tpu.memory_space<vmem_shared>>
          tpu.wait_indirect_dma semaphore(%arg15 : memref<!tpu.dma_semaphore, #tpu.memory_space<semaphore_mem>>) src(%arg10 : memref<128x128xf32, #tpu.memory_space<vmem>>) dst(%dma_wait3A_387 : memref<10240x128xf32, #tpu.memory_space<vmem_shared>>)
        } else {
        }
        %add3A_305 = arith.constant 13 : i32
        %add3A_306 = arith.addi %add3A_34, %add3A_305 : i32
        %lt3A_307 = arith.constant 2500 : i32
        %lt3A_308 = arith.cmpi slt, %add3A_306, %lt3A_307 : i32
        %convert_element_type3A_309 = arith.extui %lt3A_308 : i1 to i32
        %cond3A_310 = arith.constant 0 : i32
        %cond3A_311 = arith.cmpi ne, %convert_element_type3A_309, %cond3A_310 : i32
        scf.if %cond3A_311 {
          %dma_start3A = arith.constant 13 : i32
          %dma_start3A_382 = arith.constant 0 : i32
          %dma_start3A_383 = tpu.memref_slice %arg7[%dma_start3A, %dma_start3A_382] : memref<16x128xi32, #tpu.memory_space<vmem>> -> memref<1x128xi32, #tpu.memory_space<vmem>>
          %dma_start3A_384 = tpu.memref_squeeze %dma_start3A_383 : memref<1x128xi32, #tpu.memory_space<vmem>> -> memref<128xi32, #tpu.memory_space<vmem>>
          %dma_start3A_385 = arith.constant 0 : i32
          %dma_start3A_386 = arith.constant 0 : i32
          %dma_start3A_387 = tpu.memref_slice %arg2[%dma_start3A_385, %dma_start3A_386] : memref<10000x128xf32, #tpu.memory_space<hbm>> -> memref<10000x128xf32, #tpu.memory_space<hbm>>
          tpu.enqueue_indirect_dma source(%dma_start3A_387 : memref<10000x128xf32, #tpu.memory_space<hbm>>) target(%arg10 : memref<128x128xf32, #tpu.memory_space<vmem>>) offsets(%dma_start3A_384 : memref<128xi32, #tpu.memory_space<vmem>>) semaphore(%arg13 : memref<!tpu.dma_semaphore, #tpu.memory_space<semaphore_mem>>)
        } else {
        }
        %add3A_312 = arith.constant 12 : i32
        %add3A_313 = arith.addi %add3A_34, %add3A_312 : i32
        %lt3A_314 = arith.constant 2500 : i32
        %lt3A_315 = arith.cmpi slt, %add3A_313, %lt3A_314 : i32
        %convert_element_type3A_316 = arith.extui %lt3A_315 : i1 to i32
        %cond3A_317 = arith.constant 0 : i32
        %cond3A_318 = arith.cmpi ne, %convert_element_type3A_316, %cond3A_317 : i32
        scf.if %cond3A_318 {
          %dma_wait3A = arith.constant 12 : i32
          %dma_wait3A_382 = arith.constant 0 : i32
          %dma_wait3A_383 = tpu.memref_slice %arg7[%dma_wait3A, %dma_wait3A_382] : memref<16x128xi32, #tpu.memory_space<vmem>> -> memref<1x128xi32, #tpu.memory_space<vmem>>
          %dma_wait3A_384 = tpu.memref_squeeze %dma_wait3A_383 : memref<1x128xi32, #tpu.memory_space<vmem>> -> memref<128xi32, #tpu.memory_space<vmem>>
          %dma_wait3A_385 = arith.constant 0 : i32
          %dma_wait3A_386 = arith.constant 0 : i32
          %dma_wait3A_387 = tpu.memref_slice %arg2[%dma_wait3A_385, %dma_wait3A_386] : memref<10000x128xf32, #tpu.memory_space<hbm>> -> memref<10000x128xf32, #tpu.memory_space<hbm>>
          tpu.wait_indirect_dma semaphore(%arg12 : memref<!tpu.dma_semaphore, #tpu.memory_space<semaphore_mem>>) src(%dma_wait3A_387 : memref<10000x128xf32, #tpu.memory_space<hbm>>) dst(%arg9 : memref<128x128xf32, #tpu.memory_space<vmem>>)
          %dma_start3A = arith.constant 12 : i32
          %dma_start3A_388 = arith.constant 0 : i32
          %dma_start3A_389 = tpu.memref_slice %arg8[%dma_start3A, %dma_start3A_388] : memref<16x128xi32, #tpu.memory_space<vmem>> -> memref<1x128xi32, #tpu.memory_space<vmem>>
          %dma_start3A_390 = tpu.memref_squeeze %dma_start3A_389 : memref<1x128xi32, #tpu.memory_space<vmem>> -> memref<128xi32, #tpu.memory_space<vmem>>
          %dma_start3A_391 = arith.constant 0 : i32
          %dma_start3A_392 = arith.constant 0 : i32
          %dma_start3A_393 = tpu.memref_slice %arg11[%dma_start3A_391, %dma_start3A_392] : memref<10240x128xf32, #tpu.memory_space<vmem_shared>> -> memref<10240x128xf32, #tpu.memory_space<vmem_shared>>
          tpu.enqueue_indirect_dma source(%arg9 : memref<128x128xf32, #tpu.memory_space<vmem>>) target(%dma_start3A_393 : memref<10240x128xf32, #tpu.memory_space<vmem_shared>>) offsets(%dma_start3A_390 : memref<128xi32, #tpu.memory_space<vmem>>) semaphore(%arg14 : memref<!tpu.dma_semaphore, #tpu.memory_space<semaphore_mem>>) {add = true}
        } else {
        }
        %add3A_319 = arith.constant 12 : i32
        %add3A_320 = arith.addi %add3A_34, %add3A_319 : i32
        %lt3A_321 = arith.constant 2500 : i32
        %lt3A_322 = arith.cmpi slt, %add3A_320, %lt3A_321 : i32
        %convert_element_type3A_323 = arith.extui %lt3A_322 : i1 to i32
        %cond3A_324 = arith.constant 0 : i32
        %cond3A_325 = arith.cmpi ne, %convert_element_type3A_323, %cond3A_324 : i32
        scf.if %cond3A_325 {
          %dma_wait3A = arith.constant 12 : i32
          %dma_wait3A_382 = arith.constant 0 : i32
          %dma_wait3A_383 = tpu.memref_slice %arg8[%dma_wait3A, %dma_wait3A_382] : memref<16x128xi32, #tpu.memory_space<vmem>> -> memref<1x128xi32, #tpu.memory_space<vmem>>
          %dma_wait3A_384 = tpu.memref_squeeze %dma_wait3A_383 : memref<1x128xi32, #tpu.memory_space<vmem>> -> memref<128xi32, #tpu.memory_space<vmem>>
          %dma_wait3A_385 = arith.constant 0 : i32
          %dma_wait3A_386 = arith.constant 0 : i32
          %dma_wait3A_387 = tpu.memref_slice %arg11[%dma_wait3A_385, %dma_wait3A_386] : memref<10240x128xf32, #tpu.memory_space<vmem_shared>> -> memref<10240x128xf32, #tpu.memory_space<vmem_shared>>
          tpu.wait_indirect_dma semaphore(%arg14 : memref<!tpu.dma_semaphore, #tpu.memory_space<semaphore_mem>>) src(%arg9 : memref<128x128xf32, #tpu.memory_space<vmem>>) dst(%dma_wait3A_387 : memref<10240x128xf32, #tpu.memory_space<vmem_shared>>)
        } else {
        }
        %add3A_326 = arith.constant 14 : i32
        %add3A_327 = arith.addi %add3A_34, %add3A_326 : i32
        %lt3A_328 = arith.constant 2500 : i32
        %lt3A_329 = arith.cmpi slt, %add3A_327, %lt3A_328 : i32
        %convert_element_type3A_330 = arith.extui %lt3A_329 : i1 to i32
        %cond3A_331 = arith.constant 0 : i32
        %cond3A_332 = arith.cmpi ne, %convert_element_type3A_330, %cond3A_331 : i32
        scf.if %cond3A_332 {
          %dma_start3A = arith.constant 14 : i32
          %dma_start3A_382 = arith.constant 0 : i32
          %dma_start3A_383 = tpu.memref_slice %arg7[%dma_start3A, %dma_start3A_382] : memref<16x128xi32, #tpu.memory_space<vmem>> -> memref<1x128xi32, #tpu.memory_space<vmem>>
          %dma_start3A_384 = tpu.memref_squeeze %dma_start3A_383 : memref<1x128xi32, #tpu.memory_space<vmem>> -> memref<128xi32, #tpu.memory_space<vmem>>
          %dma_start3A_385 = arith.constant 0 : i32
          %dma_start3A_386 = arith.constant 0 : i32
          %dma_start3A_387 = tpu.memref_slice %arg2[%dma_start3A_385, %dma_start3A_386] : memref<10000x128xf32, #tpu.memory_space<hbm>> -> memref<10000x128xf32, #tpu.memory_space<hbm>>
          tpu.enqueue_indirect_dma source(%dma_start3A_387 : memref<10000x128xf32, #tpu.memory_space<hbm>>) target(%arg9 : memref<128x128xf32, #tpu.memory_space<vmem>>) offsets(%dma_start3A_384 : memref<128xi32, #tpu.memory_space<vmem>>) semaphore(%arg12 : memref<!tpu.dma_semaphore, #tpu.memory_space<semaphore_mem>>)
        } else {
        }
        %add3A_333 = arith.constant 13 : i32
        %add3A_334 = arith.addi %add3A_34, %add3A_333 : i32
        %lt3A_335 = arith.constant 2500 : i32
        %lt3A_336 = arith.cmpi slt, %add3A_334, %lt3A_335 : i32
        %convert_element_type3A_337 = arith.extui %lt3A_336 : i1 to i32
        %cond3A_338 = arith.constant 0 : i32
        %cond3A_339 = arith.cmpi ne, %convert_element_type3A_337, %cond3A_338 : i32
        scf.if %cond3A_339 {
          %dma_wait3A = arith.constant 13 : i32
          %dma_wait3A_382 = arith.constant 0 : i32
          %dma_wait3A_383 = tpu.memref_slice %arg7[%dma_wait3A, %dma_wait3A_382] : memref<16x128xi32, #tpu.memory_space<vmem>> -> memref<1x128xi32, #tpu.memory_space<vmem>>
          %dma_wait3A_384 = tpu.memref_squeeze %dma_wait3A_383 : memref<1x128xi32, #tpu.memory_space<vmem>> -> memref<128xi32, #tpu.memory_space<vmem>>
          %dma_wait3A_385 = arith.constant 0 : i32
          %dma_wait3A_386 = arith.constant 0 : i32
          %dma_wait3A_387 = tpu.memref_slice %arg2[%dma_wait3A_385, %dma_wait3A_386] : memref<10000x128xf32, #tpu.memory_space<hbm>> -> memref<10000x128xf32, #tpu.memory_space<hbm>>
          tpu.wait_indirect_dma semaphore(%arg13 : memref<!tpu.dma_semaphore, #tpu.memory_space<semaphore_mem>>) src(%dma_wait3A_387 : memref<10000x128xf32, #tpu.memory_space<hbm>>) dst(%arg10 : memref<128x128xf32, #tpu.memory_space<vmem>>)
          %dma_start3A = arith.constant 13 : i32
          %dma_start3A_388 = arith.constant 0 : i32
          %dma_start3A_389 = tpu.memref_slice %arg8[%dma_start3A, %dma_start3A_388] : memref<16x128xi32, #tpu.memory_space<vmem>> -> memref<1x128xi32, #tpu.memory_space<vmem>>
          %dma_start3A_390 = tpu.memref_squeeze %dma_start3A_389 : memref<1x128xi32, #tpu.memory_space<vmem>> -> memref<128xi32, #tpu.memory_space<vmem>>
          %dma_start3A_391 = arith.constant 0 : i32
          %dma_start3A_392 = arith.constant 0 : i32
          %dma_start3A_393 = tpu.memref_slice %arg11[%dma_start3A_391, %dma_start3A_392] : memref<10240x128xf32, #tpu.memory_space<vmem_shared>> -> memref<10240x128xf32, #tpu.memory_space<vmem_shared>>
          tpu.enqueue_indirect_dma source(%arg10 : memref<128x128xf32, #tpu.memory_space<vmem>>) target(%dma_start3A_393 : memref<10240x128xf32, #tpu.memory_space<vmem_shared>>) offsets(%dma_start3A_390 : memref<128xi32, #tpu.memory_space<vmem>>) semaphore(%arg15 : memref<!tpu.dma_semaphore, #tpu.memory_space<semaphore_mem>>) {add = true}
        } else {
        }
        %add3A_340 = arith.constant 13 : i32
        %add3A_341 = arith.addi %add3A_34, %add3A_340 : i32
        %lt3A_342 = arith.constant 2500 : i32
        %lt3A_343 = arith.cmpi slt, %add3A_341, %lt3A_342 : i32
        %convert_element_type3A_344 = arith.extui %lt3A_343 : i1 to i32
        %cond3A_345 = arith.constant 0 : i32
        %cond3A_346 = arith.cmpi ne, %convert_element_type3A_344, %cond3A_345 : i32
        scf.if %cond3A_346 {
          %dma_wait3A = arith.constant 13 : i32
          %dma_wait3A_382 = arith.constant 0 : i32
          %dma_wait3A_383 = tpu.memref_slice %arg8[%dma_wait3A, %dma_wait3A_382] : memref<16x128xi32, #tpu.memory_space<vmem>> -> memref<1x128xi32, #tpu.memory_space<vmem>>
          %dma_wait3A_384 = tpu.memref_squeeze %dma_wait3A_383 : memref<1x128xi32, #tpu.memory_space<vmem>> -> memref<128xi32, #tpu.memory_space<vmem>>
          %dma_wait3A_385 = arith.constant 0 : i32
          %dma_wait3A_386 = arith.constant 0 : i32
          %dma_wait3A_387 = tpu.memref_slice %arg11[%dma_wait3A_385, %dma_wait3A_386] : memref<10240x128xf32, #tpu.memory_space<vmem_shared>> -> memref<10240x128xf32, #tpu.memory_space<vmem_shared>>
          tpu.wait_indirect_dma semaphore(%arg15 : memref<!tpu.dma_semaphore, #tpu.memory_space<semaphore_mem>>) src(%arg10 : memref<128x128xf32, #tpu.memory_space<vmem>>) dst(%dma_wait3A_387 : memref<10240x128xf32, #tpu.memory_space<vmem_shared>>)
        } else {
        }
        %add3A_347 = arith.constant 15 : i32
        %add3A_348 = arith.addi %add3A_34, %add3A_347 : i32
        %lt3A_349 = arith.constant 2500 : i32
        %lt3A_350 = arith.cmpi slt, %add3A_348, %lt3A_349 : i32
        %convert_element_type3A_351 = arith.extui %lt3A_350 : i1 to i32
        %cond3A_352 = arith.constant 0 : i32
        %cond3A_353 = arith.cmpi ne, %convert_element_type3A_351, %cond3A_352 : i32
        scf.if %cond3A_353 {
          %dma_start3A = arith.constant 15 : i32
          %dma_start3A_382 = arith.constant 0 : i32
          %dma_start3A_383 = tpu.memref_slice %arg7[%dma_start3A, %dma_start3A_382] : memref<16x128xi32, #tpu.memory_space<vmem>> -> memref<1x128xi32, #tpu.memory_space<vmem>>
          %dma_start3A_384 = tpu.memref_squeeze %dma_start3A_383 : memref<1x128xi32, #tpu.memory_space<vmem>> -> memref<128xi32, #tpu.memory_space<vmem>>
          %dma_start3A_385 = arith.constant 0 : i32
          %dma_start3A_386 = arith.constant 0 : i32
          %dma_start3A_387 = tpu.memref_slice %arg2[%dma_start3A_385, %dma_start3A_386] : memref<10000x128xf32, #tpu.memory_space<hbm>> -> memref<10000x128xf32, #tpu.memory_space<hbm>>
          tpu.enqueue_indirect_dma source(%dma_start3A_387 : memref<10000x128xf32, #tpu.memory_space<hbm>>) target(%arg10 : memref<128x128xf32, #tpu.memory_space<vmem>>) offsets(%dma_start3A_384 : memref<128xi32, #tpu.memory_space<vmem>>) semaphore(%arg13 : memref<!tpu.dma_semaphore, #tpu.memory_space<semaphore_mem>>)
        } else {
        }
        %add3A_354 = arith.constant 14 : i32
        %add3A_355 = arith.addi %add3A_34, %add3A_354 : i32
        %lt3A_356 = arith.constant 2500 : i32
        %lt3A_357 = arith.cmpi slt, %add3A_355, %lt3A_356 : i32
        %convert_element_type3A_358 = arith.extui %lt3A_357 : i1 to i32
        %cond3A_359 = arith.constant 0 : i32
        %cond3A_360 = arith.cmpi ne, %convert_element_type3A_358, %cond3A_359 : i32
        scf.if %cond3A_360 {
          %dma_wait3A = arith.constant 14 : i32
          %dma_wait3A_382 = arith.constant 0 : i32
          %dma_wait3A_383 = tpu.memref_slice %arg7[%dma_wait3A, %dma_wait3A_382] : memref<16x128xi32, #tpu.memory_space<vmem>> -> memref<1x128xi32, #tpu.memory_space<vmem>>
          %dma_wait3A_384 = tpu.memref_squeeze %dma_wait3A_383 : memref<1x128xi32, #tpu.memory_space<vmem>> -> memref<128xi32, #tpu.memory_space<vmem>>
          %dma_wait3A_385 = arith.constant 0 : i32
          %dma_wait3A_386 = arith.constant 0 : i32
          %dma_wait3A_387 = tpu.memref_slice %arg2[%dma_wait3A_385, %dma_wait3A_386] : memref<10000x128xf32, #tpu.memory_space<hbm>> -> memref<10000x128xf32, #tpu.memory_space<hbm>>
          tpu.wait_indirect_dma semaphore(%arg12 : memref<!tpu.dma_semaphore, #tpu.memory_space<semaphore_mem>>) src(%dma_wait3A_387 : memref<10000x128xf32, #tpu.memory_space<hbm>>) dst(%arg9 : memref<128x128xf32, #tpu.memory_space<vmem>>)
          %dma_start3A = arith.constant 14 : i32
          %dma_start3A_388 = arith.constant 0 : i32
          %dma_start3A_389 = tpu.memref_slice %arg8[%dma_start3A, %dma_start3A_388] : memref<16x128xi32, #tpu.memory_space<vmem>> -> memref<1x128xi32, #tpu.memory_space<vmem>>
          %dma_start3A_390 = tpu.memref_squeeze %dma_start3A_389 : memref<1x128xi32, #tpu.memory_space<vmem>> -> memref<128xi32, #tpu.memory_space<vmem>>
          %dma_start3A_391 = arith.constant 0 : i32
          %dma_start3A_392 = arith.constant 0 : i32
          %dma_start3A_393 = tpu.memref_slice %arg11[%dma_start3A_391, %dma_start3A_392] : memref<10240x128xf32, #tpu.memory_space<vmem_shared>> -> memref<10240x128xf32, #tpu.memory_space<vmem_shared>>
          tpu.enqueue_indirect_dma source(%arg9 : memref<128x128xf32, #tpu.memory_space<vmem>>) target(%dma_start3A_393 : memref<10240x128xf32, #tpu.memory_space<vmem_shared>>) offsets(%dma_start3A_390 : memref<128xi32, #tpu.memory_space<vmem>>) semaphore(%arg14 : memref<!tpu.dma_semaphore, #tpu.memory_space<semaphore_mem>>) {add = true}
        } else {
        }
        %add3A_361 = arith.constant 15 : i32
        %add3A_362 = arith.addi %add3A_34, %add3A_361 : i32
        %lt3A_363 = arith.constant 2500 : i32
        %lt3A_364 = arith.cmpi slt, %add3A_362, %lt3A_363 : i32
        %convert_element_type3A_365 = arith.extui %lt3A_364 : i1 to i32
        %cond3A_366 = arith.constant 0 : i32
        %cond3A_367 = arith.cmpi ne, %convert_element_type3A_365, %cond3A_366 : i32
        scf.if %cond3A_367 {
          %dma_wait3A = arith.constant 15 : i32
          %dma_wait3A_382 = arith.constant 0 : i32
          %dma_wait3A_383 = tpu.memref_slice %arg7[%dma_wait3A, %dma_wait3A_382] : memref<16x128xi32, #tpu.memory_space<vmem>> -> memref<1x128xi32, #tpu.memory_space<vmem>>
          %dma_wait3A_384 = tpu.memref_squeeze %dma_wait3A_383 : memref<1x128xi32, #tpu.memory_space<vmem>> -> memref<128xi32, #tpu.memory_space<vmem>>
          %dma_wait3A_385 = arith.constant 0 : i32
          %dma_wait3A_386 = arith.constant 0 : i32
          %dma_wait3A_387 = tpu.memref_slice %arg2[%dma_wait3A_385, %dma_wait3A_386] : memref<10000x128xf32, #tpu.memory_space<hbm>> -> memref<10000x128xf32, #tpu.memory_space<hbm>>
          tpu.wait_indirect_dma semaphore(%arg13 : memref<!tpu.dma_semaphore, #tpu.memory_space<semaphore_mem>>) src(%dma_wait3A_387 : memref<10000x128xf32, #tpu.memory_space<hbm>>) dst(%arg10 : memref<128x128xf32, #tpu.memory_space<vmem>>)
          %dma_start3A = arith.constant 15 : i32
          %dma_start3A_388 = arith.constant 0 : i32
          %dma_start3A_389 = tpu.memref_slice %arg8[%dma_start3A, %dma_start3A_388] : memref<16x128xi32, #tpu.memory_space<vmem>> -> memref<1x128xi32, #tpu.memory_space<vmem>>
          %dma_start3A_390 = tpu.memref_squeeze %dma_start3A_389 : memref<1x128xi32, #tpu.memory_space<vmem>> -> memref<128xi32, #tpu.memory_space<vmem>>
          %dma_start3A_391 = arith.constant 0 : i32
          %dma_start3A_392 = arith.constant 0 : i32
          %dma_start3A_393 = tpu.memref_slice %arg11[%dma_start3A_391, %dma_start3A_392] : memref<10240x128xf32, #tpu.memory_space<vmem_shared>> -> memref<10240x128xf32, #tpu.memory_space<vmem_shared>>
          tpu.enqueue_indirect_dma source(%arg10 : memref<128x128xf32, #tpu.memory_space<vmem>>) target(%dma_start3A_393 : memref<10240x128xf32, #tpu.memory_space<vmem_shared>>) offsets(%dma_start3A_390 : memref<128xi32, #tpu.memory_space<vmem>>) semaphore(%arg15 : memref<!tpu.dma_semaphore, #tpu.memory_space<semaphore_mem>>) {add = true}
        } else {
        }
        %add3A_368 = arith.constant 14 : i32
        %add3A_369 = arith.addi %add3A_34, %add3A_368 : i32
        %lt3A_370 = arith.constant 2500 : i32
        %lt3A_371 = arith.cmpi slt, %add3A_369, %lt3A_370 : i32
        %convert_element_type3A_372 = arith.extui %lt3A_371 : i1 to i32
        %cond3A_373 = arith.constant 0 : i32
        %cond3A_374 = arith.cmpi ne, %convert_element_type3A_372, %cond3A_373 : i32
        scf.if %cond3A_374 {
          %dma_wait3A = arith.constant 14 : i32
          %dma_wait3A_382 = arith.constant 0 : i32
          %dma_wait3A_383 = tpu.memref_slice %arg8[%dma_wait3A, %dma_wait3A_382] : memref<16x128xi32, #tpu.memory_space<vmem>> -> memref<1x128xi32, #tpu.memory_space<vmem>>
          %dma_wait3A_384 = tpu.memref_squeeze %dma_wait3A_383 : memref<1x128xi32, #tpu.memory_space<vmem>> -> memref<128xi32, #tpu.memory_space<vmem>>
          %dma_wait3A_385 = arith.constant 0 : i32
          %dma_wait3A_386 = arith.constant 0 : i32
          %dma_wait3A_387 = tpu.memref_slice %arg11[%dma_wait3A_385, %dma_wait3A_386] : memref<10240x128xf32, #tpu.memory_space<vmem_shared>> -> memref<10240x128xf32, #tpu.memory_space<vmem_shared>>
          tpu.wait_indirect_dma semaphore(%arg14 : memref<!tpu.dma_semaphore, #tpu.memory_space<semaphore_mem>>) src(%arg9 : memref<128x128xf32, #tpu.memory_space<vmem>>) dst(%dma_wait3A_387 : memref<10240x128xf32, #tpu.memory_space<vmem_shared>>)
        } else {
        }
        %add3A_375 = arith.constant 15 : i32
        %add3A_376 = arith.addi %add3A_34, %add3A_375 : i32
        %lt3A_377 = arith.constant 2500 : i32
        %lt3A_378 = arith.cmpi slt, %add3A_376, %lt3A_377 : i32
        %convert_element_type3A_379 = arith.extui %lt3A_378 : i1 to i32
        %cond3A_380 = arith.constant 0 : i32
        %cond3A_381 = arith.cmpi ne, %convert_element_type3A_379, %cond3A_380 : i32
        scf.if %cond3A_381 {
          %dma_wait3A = arith.constant 15 : i32
          %dma_wait3A_382 = arith.constant 0 : i32
          %dma_wait3A_383 = tpu.memref_slice %arg8[%dma_wait3A, %dma_wait3A_382] : memref<16x128xi32, #tpu.memory_space<vmem>> -> memref<1x128xi32, #tpu.memory_space<vmem>>
          %dma_wait3A_384 = tpu.memref_squeeze %dma_wait3A_383 : memref<1x128xi32, #tpu.memory_space<vmem>> -> memref<128xi32, #tpu.memory_space<vmem>>
          %dma_wait3A_385 = arith.constant 0 : i32
          %dma_wait3A_386 = arith.constant 0 : i32
          %dma_wait3A_387 = tpu.memref_slice %arg11[%dma_wait3A_385, %dma_wait3A_386] : memref<10240x128xf32, #tpu.memory_space<vmem_shared>> -> memref<10240x128xf32, #tpu.memory_space<vmem_shared>>
          tpu.wait_indirect_dma semaphore(%arg15 : memref<!tpu.dma_semaphore, #tpu.memory_space<semaphore_mem>>) src(%arg10 : memref<128x128xf32, #tpu.memory_space<vmem>>) dst(%dma_wait3A_387 : memref<10240x128xf32, #tpu.memory_space<vmem_shared>>)
        } else {
        }
      } else {
      }
    }
    %scan3A_18 = arith.constant 5 : i32
    %barrier3A_19 = arith.constant 0 : index
    tpu.barrier barrier_id(%barrier3A_19)
    %mul3A_20 = arith.constant 640 : i32
    %mul3A_21 = arith.muli %arg1, %mul3A_20 : i32
    %mul3A_22 = arith.constant 10240 : i32
    %mul3A_23 = arith.muli %arg0, %mul3A_22 : i32
    %mul3A_24 = arith.constant 640 : i32
    %mul3A_25 = arith.muli %arg1, %mul3A_24 : i32
    %add3A_26 = arith.addi %mul3A_23, %mul3A_25 : i32
    "tpu.region"() ({
      %run_scoped3A = tpu.sem_alloc : memref<!tpu.dma_semaphore, #tpu.memory_space<semaphore_mem>>
      %dma_start3A = arith.constant 0 : i32
      %dma_start3A_27 = tpu.memref_slice %arg6[%add3A_26, %dma_start3A] : memref<20480x128xf32, #tpu.memory_space<hbm>> -> memref<640x128xf32, #tpu.memory_space<hbm>>
      %dma_start3A_28 = arith.constant 0 : i32
      %dma_start3A_29 = tpu.memref_slice %arg11[%mul3A_21, %dma_start3A_28] : memref<10240x128xf32, #tpu.memory_space<vmem_shared>> -> memref<640x128xf32, #tpu.memory_space<vmem_shared>>
      tpu.enqueue_dma source(%dma_start3A_29 : memref<640x128xf32, #tpu.memory_space<vmem_shared>>) target(%dma_start3A_27 : memref<640x128xf32, #tpu.memory_space<hbm>>) target_semaphore(%run_scoped3A : memref<!tpu.dma_semaphore, #tpu.memory_space<semaphore_mem>>)
      %dma_wait3A = arith.constant 0 : i32
      %dma_wait3A_30 = tpu.memref_slice %arg6[%add3A_26, %dma_wait3A] : memref<20480x128xf32, #tpu.memory_space<hbm>> -> memref<640x128xf32, #tpu.memory_space<hbm>>
      %dma_wait3A_31 = arith.constant 0 : i32
      %dma_wait3A_32 = tpu.memref_slice %arg11[%mul3A_21, %dma_wait3A_31] : memref<10240x128xf32, #tpu.memory_space<vmem_shared>> -> memref<640x128xf32, #tpu.memory_space<vmem_shared>>
      tpu.wait_dma2 semaphore(%run_scoped3A : memref<!tpu.dma_semaphore, #tpu.memory_space<semaphore_mem>>) src(%dma_wait3A_32 : memref<640x128xf32, #tpu.memory_space<vmem_shared>>) dst(%dma_wait3A_30 : memref<640x128xf32, #tpu.memory_space<hbm>>)
      tpu.yield
    }) : () -> ()
    return
  }
}

module attributes {stable_mosaic.version = 14 : i64} {
  func.func @body(%arg0: i32, %arg1: memref<1000x128xf32, #tpu.memory_space<vmem>>, %arg2: memref<128x256xf32, #tpu.memory_space<vmem>>, %arg3: memref<1000x256xf32, #tpu.memory_space<vmem>>) attributes {dimension_semantics = [#tpu.dimension_semantics<arbitrary>], iteration_bounds = array<i64: 10>, scalar_prefetch = 0 : i64, scratch_operands = 0 : i64, tpu.core_type = #tpu.core_type<tc>, window_params = [{transform_indices = @transform_0, window_bounds = array<i64: 1000, 128>}, {pipeline_mode = #tpu.pipeline_mode<synchronous>, transform_indices = @transform_1, window_bounds = array<i64: 128, 256>}, {transform_indices = @transform_2, window_bounds = array<i64: 1000, 256>}]} {
    %get3A = arith.constant 0 : index
    %get3A_0 = arith.constant 0 : index
    %get3A_1 = vector.load %arg1[%get3A, %get3A_0] : memref<1000x128xf32, #tpu.memory_space<vmem>>, vector<1000x128xf32>
    %get3A_2 = arith.constant 0 : index
    %get3A_3 = arith.constant 0 : index
    %get3A_4 = vector.load %arg2[%get3A_2, %get3A_3] : memref<128x256xf32, #tpu.memory_space<vmem>>, vector<128x256xf32>
    %dot_general3A = arith.constant dense<0.000000e+00> : vector<1000x256xf32>
    %dot_general3A_5 = tpu.matmul %get3A_1, %get3A_4, %dot_general3A {dimension_numbers = #tpu.dot_dimension_numbers<[1], [0], [0], [1], [0, 0, 1, 1], [], []>, transpose_lhs_hint = false} : vector<1000x128xf32>, vector<128x256xf32>, vector<1000x256xf32> -> vector<1000x256xf32>
    %swap3A = arith.constant 0 : index
    %swap3A_6 = arith.constant 0 : index
    %swap3A_7 = vector.load %arg3[%swap3A, %swap3A_6] : memref<1000x256xf32, #tpu.memory_space<vmem>>, vector<1000x256xf32>
    tpu.vector_store %arg3[%swap3A, %swap3A_6], %dot_general3A_5 {strides = array<i32>} : memref<1000x256xf32, #tpu.memory_space<vmem>>, vector<1000x256xf32>,
    return
  }
  func.func @transform_0(%arg0: i32) -> (i32, i32) {
    %c0_i32 = arith.constant 0 : i32
    %c0_i32_0 = arith.constant 0 : i32
    return %arg0, %c0_i32 : i32, i32
  }
  func.func @transform_1(%arg0: i32) -> (i32, i32) {
    %c0_i32 = arith.constant 0 : i32
    %c0_i32_0 = arith.constant 0 : i32
    %c0_i32_1 = arith.constant 0 : i32
    return %c0_i32, %c0_i32_0 : i32, i32
  }
  func.func @transform_2(%arg0: i32) -> (i32, i32) {
    %c0_i32 = arith.constant 0 : i32
    %c0_i32_0 = arith.constant 0 : i32
    return %arg0, %c0_i32 : i32, i32
  }
}

module attributes {stable_mosaic.version = 14 : i64} {
  func.func @body(%arg0: memref<32x10112xf32, #tpu.memory_space<vmem>>, %arg1: memref<10000x1xf32, #tpu.memory_space<vmem>>) attributes {dimension_semantics = [], scalar_prefetch = 0 : i64, scratch_operands = 0 : i64, tpu.core_type = #tpu.core_type<tc>} {
    %get3A = arith.constant 0 : index
    %get3A_0 = arith.constant 0 : index
    %get3A_1 = vector.load %arg0[%get3A, %get3A_0] : memref<32x10112xf32, #tpu.memory_space<vmem>>, vector<32x10112xf32>
    %reduce_sum3A = arith.constant dense<0.000000e+00> : vector<10112xf32>
    %reduce_sum3A_2 = vector.multi_reduction <add>, %get3A_1, %reduce_sum3A [0] : vector<32x10112xf32> to vector<10112xf32>
    %broadcast_in_dim3A = vector.shape_cast %reduce_sum3A_2 : vector<10112xf32> to vector<1x10112xf32>
    %add3A = arith.constant 1.000000e+00 : f32
    %add3A_3 = vector.broadcast %add3A : f32 to vector<1x10112xf32>
    %add3A_4 = arith.addf %broadcast_in_dim3A, %add3A_3 : vector<1x10112xf32>
    %rsqrt3A = math.rsqrt %add3A_4 : vector<1x10112xf32>
    %transpose3A = tpu.transpose %rsqrt3A, [1, 0] : vector<1x10112xf32> -> vector<10112x1xf32>
    %slice3A = vector.extract_strided_slice %transpose3A {offsets = [0, 0], sizes = [10000, 1], strides = [1, 1]} : vector<10112x1xf32> to vector<10000x1xf32>
    %swap3A = arith.constant 0 : index
    %swap3A_5 = arith.constant 0 : index
    %swap3A_6 = vector.load %arg1[%swap3A, %swap3A_5] : memref<10000x1xf32, #tpu.memory_space<vmem>>, vector<10000x1xf32>
    tpu.vector_store %arg1[%swap3A, %swap3A_5], %slice3A {strides = array<i32>} : memref<10000x1xf32, #tpu.memory_space<vmem>>, vector<10000x1xf32>,
    return
  }
}

module attributes {stable_mosaic.version = 14 : i64} {
  func.func @body(%arg0: i32, %arg1: memref<1000x256xf32, #tpu.memory_space<vmem>>, %arg2: memref<1000x1xf32, #tpu.memory_space<vmem>>, %arg3: memref<2x1000x128xf32, #tpu.memory_space<vmem>>) attributes {dimension_semantics = [#tpu.dimension_semantics<arbitrary>], iteration_bounds = array<i64: 10>, scalar_prefetch = 0 : i64, scratch_operands = 0 : i64, tpu.core_type = #tpu.core_type<tc>, window_params = [{transform_indices = @transform_0, window_bounds = array<i64: 1000, 256>}, {transform_indices = @transform_1, window_bounds = array<i64: 1000, 1>}, {transform_indices = @transform_2, window_bounds = array<i64: 2, 1000, 128>}]} {
    %get3A = arith.constant 0 : index
    %get3A_0 = arith.constant 0 : index
    %get3A_1 = vector.load %arg1[%get3A, %get3A_0] : memref<1000x256xf32, #tpu.memory_space<vmem>>, vector<1000x256xf32>
    %get3A_2 = arith.constant 0 : index
    %get3A_3 = arith.constant 0 : index
    %get3A_4 = vector.load %arg2[%get3A_2, %get3A_3] : memref<1000x1xf32, #tpu.memory_space<vmem>>, vector<1000x1xf32>
    %mul3A = vector.broadcast %get3A_4 : vector<1000x1xf32> to vector<1000x256xf32>
    %mul3A_5 = arith.mulf %get3A_1, %mul3A : vector<1000x256xf32>
    %slice3A = vector.extract_strided_slice %mul3A_5 {offsets = [0, 0], sizes = [1000, 128], strides = [1, 1]} : vector<1000x256xf32> to vector<1000x128xf32>
    %swap3A = arith.constant 0 : index
    %swap3A_6 = arith.constant 0 : index
    %swap3A_7 = arith.constant 0 : index
    %swap3A_8 = vector.load %arg3[%swap3A, %swap3A_6, %swap3A_7] : memref<2x1000x128xf32, #tpu.memory_space<vmem>>, vector<1x1000x128xf32>
    %swap3A_9 = vector.shape_cast %swap3A_8 : vector<1x1000x128xf32> to vector<1000x128xf32>
    %swap3A_10 = vector.shape_cast %slice3A : vector<1000x128xf32> to vector<1x1000x128xf32>
    tpu.vector_store %arg3[%swap3A, %swap3A_6, %swap3A_7], %swap3A_10 {strides = array<i32>} : memref<2x1000x128xf32, #tpu.memory_space<vmem>>, vector<1x1000x128xf32>,
    %slice3A_11 = vector.extract_strided_slice %mul3A_5 {offsets = [0, 128], sizes = [1000, 128], strides = [1, 1]} : vector<1000x256xf32> to vector<1000x128xf32>
    %swap3A_12 = arith.constant 1 : index
    %swap3A_13 = arith.constant 0 : index
    %swap3A_14 = arith.constant 0 : index
    %swap3A_15 = vector.load %arg3[%swap3A_12, %swap3A_13, %swap3A_14] : memref<2x1000x128xf32, #tpu.memory_space<vmem>>, vector<1x1000x128xf32>
    %swap3A_16 = vector.shape_cast %swap3A_15 : vector<1x1000x128xf32> to vector<1000x128xf32>
    %swap3A_17 = vector.shape_cast %slice3A_11 : vector<1000x128xf32> to vector<1x1000x128xf32>
    tpu.vector_store %arg3[%swap3A_12, %swap3A_13, %swap3A_14], %swap3A_17 {strides = array<i32>} : memref<2x1000x128xf32, #tpu.memory_space<vmem>>, vector<1x1000x128xf32>,
    return
  }
  func.func @transform_0(%arg0: i32) -> (i32, i32) {
    %c0_i32 = arith.constant 0 : i32
    %c0_i32_0 = arith.constant 0 : i32
    return %arg0, %c0_i32 : i32, i32
  }
  func.func @transform_1(%arg0: i32) -> (i32, i32) {
    %c0_i32 = arith.constant 0 : i32
    %c0_i32_0 = arith.constant 0 : i32
    return %arg0, %c0_i32 : i32, i32
  }
  func.func @transform_2(%arg0: i32) -> (i32, i32, i32) {
    %c0_i32 = arith.constant 0 : i32
    %c0_i32_0 = arith.constant 0 : i32
    %c0_i32_1 = arith.constant 0 : i32
    return %c0_i32, %arg0, %c0_i32_0 : i32, i32, i32
  }
}

module attributes {stable_mosaic.version = 14 : i64} {
  func.func @body(%arg0: i32, %arg1: memref<2x1000x128xf32, #tpu.memory_space<vmem>>, %arg2: memref<2x1000x128xf32, #tpu.memory_space<vmem>>, %arg3: memref<1000x1xf32, #tpu.memory_space<vmem>>, %arg4: memref<1x256xf32, #tpu.memory_space<vmem>>, %arg5: memref<256x128xf32, #tpu.memory_space<vmem>>, %arg6: memref<1000x256xf32, #tpu.memory_space<vmem>>, %arg7: memref<1000x128xf32, #tpu.memory_space<vmem>>) attributes {dimension_semantics = [#tpu.dimension_semantics<arbitrary>], iteration_bounds = array<i64: 10>, scalar_prefetch = 0 : i64, scratch_operands = 0 : i64, tpu.core_type = #tpu.core_type<tc>, window_params = [{transform_indices = @transform_0, window_bounds = array<i64: 2, 1000, 128>}, {transform_indices = @transform_1, window_bounds = array<i64: 2, 1000, 128>}, {transform_indices = @transform_2, window_bounds = array<i64: 1000, 1>}, {pipeline_mode = #tpu.pipeline_mode<synchronous>, transform_indices = @transform_3, window_bounds = array<i64: 1, 256>}, {pipeline_mode = #tpu.pipeline_mode<synchronous>, transform_indices = @transform_4, window_bounds = array<i64: 256, 128>}, {transform_indices = @transform_5, window_bounds = array<i64: 1000, 256>}, {transform_indices = @transform_6, window_bounds = array<i64: 1000, 128>}]} {
    %get3A = arith.constant 0 : index
    %get3A_0 = arith.constant 0 : index
    %get3A_1 = arith.constant 0 : index
    %get3A_2 = vector.load %arg1[%get3A, %get3A_0, %get3A_1] : memref<2x1000x128xf32, #tpu.memory_space<vmem>>, vector<1x1000x128xf32>
    %get3A_3 = vector.shape_cast %get3A_2 : vector<1x1000x128xf32> to vector<1000x128xf32>
    %get3A_4 = arith.constant 0 : index
    %get3A_5 = arith.constant 0 : index
    %get3A_6 = arith.constant 0 : index
    %get3A_7 = vector.load %arg2[%get3A_4, %get3A_5, %get3A_6] : memref<2x1000x128xf32, #tpu.memory_space<vmem>>, vector<1x1000x128xf32>
    %get3A_8 = vector.shape_cast %get3A_7 : vector<1x1000x128xf32> to vector<1000x128xf32>
    %add3A = arith.addf %get3A_3, %get3A_8 : vector<1000x128xf32>
    %get3A_9 = arith.constant 1 : index
    %get3A_10 = arith.constant 0 : index
    %get3A_11 = arith.constant 0 : index
    %get3A_12 = vector.load %arg1[%get3A_9, %get3A_10, %get3A_11] : memref<2x1000x128xf32, #tpu.memory_space<vmem>>, vector<1x1000x128xf32>
    %get3A_13 = vector.shape_cast %get3A_12 : vector<1x1000x128xf32> to vector<1000x128xf32>
    %get3A_14 = arith.constant 1 : index
    %get3A_15 = arith.constant 0 : index
    %get3A_16 = arith.constant 0 : index
    %get3A_17 = vector.load %arg2[%get3A_14, %get3A_15, %get3A_16] : memref<2x1000x128xf32, #tpu.memory_space<vmem>>, vector<1x1000x128xf32>
    %get3A_18 = vector.shape_cast %get3A_17 : vector<1x1000x128xf32> to vector<1000x128xf32>
    %add3A_19 = arith.addf %get3A_13, %get3A_18 : vector<1000x128xf32>
    %concatenate3A = tpu.concatenate %add3A, %add3A_19 in 1 : vector<1000x128xf32>, vector<1000x128xf32> -> vector<1000x256xf32>
    %get3A_20 = arith.constant 0 : index
    %get3A_21 = arith.constant 0 : index
    %get3A_22 = vector.load %arg3[%get3A_20, %get3A_21] : memref<1000x1xf32, #tpu.memory_space<vmem>>, vector<1000x1xf32>
    %mul3A = vector.broadcast %get3A_22 : vector<1000x1xf32> to vector<1000x256xf32>
    %mul3A_23 = arith.mulf %concatenate3A, %mul3A : vector<1000x256xf32>
    %get3A_24 = arith.constant 0 : index
    %get3A_25 = arith.constant 0 : index
    %get3A_26 = vector.load %arg4[%get3A_24, %get3A_25] : memref<1x256xf32, #tpu.memory_space<vmem>>, vector<1x256xf32>
    %add3A_27 = vector.broadcast %get3A_26 : vector<1x256xf32> to vector<1000x256xf32>
    %add3A_28 = arith.addf %mul3A_23, %add3A_27 : vector<1000x256xf32>
    %max3A = arith.constant 0.000000e+00 : f32
    %max3A_29 = vector.broadcast %max3A : f32 to vector<1000x256xf32>
    %max3A_30 = arith.maximumf %add3A_28, %max3A_29 : vector<1000x256xf32>
    %swap3A = arith.constant 0 : index
    %swap3A_31 = arith.constant 0 : index
    %swap3A_32 = vector.load %arg6[%swap3A, %swap3A_31] : memref<1000x256xf32, #tpu.memory_space<vmem>>, vector<1000x256xf32>
    tpu.vector_store %arg6[%swap3A, %swap3A_31], %max3A_30 {strides = array<i32>} : memref<1000x256xf32, #tpu.memory_space<vmem>>, vector<1000x256xf32>,
    %get3A_33 = arith.constant 0 : index
    %get3A_34 = arith.constant 0 : index
    %get3A_35 = vector.load %arg5[%get3A_33, %get3A_34] : memref<256x128xf32, #tpu.memory_space<vmem>>, vector<256x128xf32>
    %dot_general3A = arith.constant dense<0.000000e+00> : vector<1000x128xf32>
    %dot_general3A_36 = tpu.matmul %max3A_30, %get3A_35, %dot_general3A {dimension_numbers = #tpu.dot_dimension_numbers<[1], [0], [0], [1], [0, 0, 1, 1], [], []>, transpose_lhs_hint = false} : vector<1000x256xf32>, vector<256x128xf32>, vector<1000x128xf32> -> vector<1000x128xf32>
    %get3A_37 = arith.constant 0 : index
    %get3A_38 = arith.constant 0 : index
    %get3A_39 = vector.load %arg3[%get3A_37, %get3A_38] : memref<1000x1xf32, #tpu.memory_space<vmem>>, vector<1000x1xf32>
    %mul3A_40 = vector.broadcast %get3A_39 : vector<1000x1xf32> to vector<1000x128xf32>
    %mul3A_41 = arith.mulf %dot_general3A_36, %mul3A_40 : vector<1000x128xf32>
    %swap3A_42 = arith.constant 0 : index
    %swap3A_43 = arith.constant 0 : index
    %swap3A_44 = vector.load %arg7[%swap3A_42, %swap3A_43] : memref<1000x128xf32, #tpu.memory_space<vmem>>, vector<1000x128xf32>
    tpu.vector_store %arg7[%swap3A_42, %swap3A_43], %mul3A_41 {strides = array<i32>} : memref<1000x128xf32, #tpu.memory_space<vmem>>, vector<1000x128xf32>,
    return
  }
  func.func @transform_0(%arg0: i32) -> (i32, i32, i32) {
    %c0_i32 = arith.constant 0 : i32
    %c0_i32_0 = arith.constant 0 : i32
    %c0_i32_1 = arith.constant 0 : i32
    return %c0_i32, %arg0, %c0_i32_0 : i32, i32, i32
  }
  func.func @transform_1(%arg0: i32) -> (i32, i32, i32) {
    %c0_i32 = arith.constant 0 : i32
    %c0_i32_0 = arith.constant 0 : i32
    %c0_i32_1 = arith.constant 0 : i32
    return %c0_i32, %arg0, %c0_i32_0 : i32, i32, i32
  }
  func.func @transform_2(%arg0: i32) -> (i32, i32) {
    %c0_i32 = arith.constant 0 : i32
    %c0_i32_0 = arith.constant 0 : i32
    return %arg0, %c0_i32 : i32, i32
  }
  func.func @transform_3(%arg0: i32) -> (i32, i32) {
    %c0_i32 = arith.constant 0 : i32
    %c0_i32_0 = arith.constant 0 : i32
    %c0_i32_1 = arith.constant 0 : i32
    return %c0_i32, %c0_i32_0 : i32, i32
  }
  func.func @transform_4(%arg0: i32) -> (i32, i32) {
    %c0_i32 = arith.constant 0 : i32
    %c0_i32_0 = arith.constant 0 : i32
    %c0_i32_1 = arith.constant 0 : i32
    return %c0_i32, %c0_i32_0 : i32, i32
  }
  func.func @transform_5(%arg0: i32) -> (i32, i32) {
    %c0_i32 = arith.constant 0 : i32
    %c0_i32_0 = arith.constant 0 : i32
    return %arg0, %c0_i32 : i32, i32
  }
  func.func @transform_6(%arg0: i32) -> (i32, i32) {
    %c0_i32 = arith.constant 0 : i32
    %c0_i32_0 = arith.constant 0 : i32
    return %arg0, %c0_i32 : i32, i32
  }
}

module attributes {stable_mosaic.version = 14 : i64} {
  func.func @body(%arg0: i32, %arg1: memref<2x1000x128xf32, #tpu.memory_space<vmem>>, %arg2: memref<1000x128xf32, #tpu.memory_space<vmem>>, %arg3: memref<1000x1xf32, #tpu.memory_space<vmem>>, %arg4: memref<1x128xf32, #tpu.memory_space<vmem>>, %arg5: memref<1000x128xf32, #tpu.memory_space<vmem>>) attributes {dimension_semantics = [#tpu.dimension_semantics<arbitrary>], iteration_bounds = array<i64: 10>, scalar_prefetch = 0 : i64, scratch_operands = 0 : i64, tpu.core_type = #tpu.core_type<tc>, window_params = [{transform_indices = @transform_0, window_bounds = array<i64: 2, 1000, 128>}, {transform_indices = @transform_1, window_bounds = array<i64: 1000, 128>}, {transform_indices = @transform_2, window_bounds = array<i64: 1000, 1>}, {pipeline_mode = #tpu.pipeline_mode<synchronous>, transform_indices = @transform_3, window_bounds = array<i64: 1, 128>}, {transform_indices = @transform_4, window_bounds = array<i64: 1000, 128>}]} {
    %get3A = arith.constant 0 : index
    %get3A_0 = arith.constant 0 : index
    %get3A_1 = arith.constant 0 : index
    %get3A_2 = vector.load %arg1[%get3A, %get3A_0, %get3A_1] : memref<2x1000x128xf32, #tpu.memory_space<vmem>>, vector<1x1000x128xf32>
    %get3A_3 = vector.shape_cast %get3A_2 : vector<1x1000x128xf32> to vector<1000x128xf32>
    %get3A_4 = arith.constant 1 : index
    %get3A_5 = arith.constant 0 : index
    %get3A_6 = arith.constant 0 : index
    %get3A_7 = vector.load %arg1[%get3A_4, %get3A_5, %get3A_6] : memref<2x1000x128xf32, #tpu.memory_space<vmem>>, vector<1x1000x128xf32>
    %get3A_8 = vector.shape_cast %get3A_7 : vector<1x1000x128xf32> to vector<1000x128xf32>
    %add3A = arith.addf %get3A_3, %get3A_8 : vector<1000x128xf32>
    %get3A_9 = arith.constant 0 : index
    %get3A_10 = arith.constant 0 : index
    %get3A_11 = vector.load %arg2[%get3A_9, %get3A_10] : memref<1000x128xf32, #tpu.memory_space<vmem>>, vector<1000x128xf32>
    %add3A_12 = arith.addf %add3A, %get3A_11 : vector<1000x128xf32>
    %get3A_13 = arith.constant 0 : index
    %get3A_14 = arith.constant 0 : index
    %get3A_15 = vector.load %arg3[%get3A_13, %get3A_14] : memref<1000x1xf32, #tpu.memory_space<vmem>>, vector<1000x1xf32>
    %mul3A = vector.broadcast %get3A_15 : vector<1000x1xf32> to vector<1000x128xf32>
    %mul3A_16 = arith.mulf %add3A_12, %mul3A : vector<1000x128xf32>
    %get3A_17 = arith.constant 0 : index
    %get3A_18 = arith.constant 0 : index
    %get3A_19 = vector.load %arg4[%get3A_17, %get3A_18] : memref<1x128xf32, #tpu.memory_space<vmem>>, vector<1x128xf32>
    %add3A_20 = vector.broadcast %get3A_19 : vector<1x128xf32> to vector<1000x128xf32>
    %add3A_21 = arith.addf %mul3A_16, %add3A_20 : vector<1000x128xf32>
    %swap3A = arith.constant 0 : index
    %swap3A_22 = arith.constant 0 : index
    %swap3A_23 = vector.load %arg5[%swap3A, %swap3A_22] : memref<1000x128xf32, #tpu.memory_space<vmem>>, vector<1000x128xf32>
    tpu.vector_store %arg5[%swap3A, %swap3A_22], %add3A_21 {strides = array<i32>} : memref<1000x128xf32, #tpu.memory_space<vmem>>, vector<1000x128xf32>,
    return
  }
  func.func @transform_0(%arg0: i32) -> (i32, i32, i32) {
    %c0_i32 = arith.constant 0 : i32
    %c0_i32_0 = arith.constant 0 : i32
    %c0_i32_1 = arith.constant 0 : i32
    return %c0_i32, %arg0, %c0_i32_0 : i32, i32, i32
  }
  func.func @transform_1(%arg0: i32) -> (i32, i32) {
    %c0_i32 = arith.constant 0 : i32
    %c0_i32_0 = arith.constant 0 : i32
    return %arg0, %c0_i32 : i32, i32
  }
  func.func @transform_2(%arg0: i32) -> (i32, i32) {
    %c0_i32 = arith.constant 0 : i32
    %c0_i32_0 = arith.constant 0 : i32
    return %arg0, %c0_i32 : i32, i32
  }
  func.func @transform_3(%arg0: i32) -> (i32, i32) {
    %c0_i32 = arith.constant 0 : i32
    %c0_i32_0 = arith.constant 0 : i32
    %c0_i32_1 = arith.constant 0 : i32
    return %c0_i32, %c0_i32_0 : i32, i32
  }
  func.func @transform_4(%arg0: i32) -> (i32, i32) {
    %c0_i32 = arith.constant 0 : i32
    %c0_i32_0 = arith.constant 0 : i32
    return %arg0, %c0_i32 : i32, i32
  }
}

</mosaic_0001>

<sc_bundles>
// kernel: kernel.10.cloned.1.call-start
scs
__scs_entry_jumppad:
0x0: {  	(pc) =	sbr.rel $0x88, $3  }
0x1: {  	(tag) =	ssettag $0x0;
	lr =	simm.s32 $0x1  }
0x2: {  	[smem:$0x3F9B] =	sst lr;
	_ =	strace $0xD0000000  }
0x3: {  	_ = 	snop  }
0x4: {  	_ = 	snop  }
0x5: {  	_ = 	snop  }
0x6: {  	_ = 	snop  }
0x7: {  	_ = 	snop  }
__scs_overlays_trampoline_lowered:
0x8: {  	[smem:$0x3FAA] =	sst s0  }
0x9: {  	[smem:$0x3FAB] =	sst s1  }
0xa: {  	[smem:$0x3FAC] =	sst s2  }
0xb: {  	[smem:$0x3FAD] =	sst s3  }
0xc: {  	[smem:$0x3FAE] =	sst s4  }
0xd: {  	[smem:$0x3FAF] =	sst s5  }
0xe: {  	[smem:$0x3FB0] =	sst s6  }
0xf: {  	[smem:$0x3FB1] =	sst s7  }
0x10: {  	[smem:$0x3FB2] =	sst s8  }
0x11: {  	[smem:$0x3FB3] =	sst s9;
	s0 =	simm.s32 @!p0 $0x0  }
0x12: {  	s1 =	sld [smem:$0x3F99];
	s0 =	simm.s32 @p0 $0x1  }
0x13: {  	[smem:$0x3FB4] =	sst s0;
	s0 =	simm.s32 @!p1 $0x0  }
0x14: {  	s2 =	sld [smem:$0x3F98];
	s0 =	simm.s32 @p1 $0x1  }
0x15: {  	[smem:$0x3FB5] =	sst s0;
	s0 =	simm.s32 @!p2 $0x0  }
0x16: {  	s3 =	sld [smem:$0x3FDB];
	s0 =	simm.s32 @p2 $0x1  }
0x17: {  	s4 =	simm.s32 $0x1BF5;
	[smem:$0x3FB7] =	sst s0  }
0x18: {  	s0 =	sld [smem:$0x3F9A];
	_ =	swait.ge [sflag:s4], $0x0  }
0x19: {  	s7 =	sld [smem:$0x3F9B]  }
0x1a: {  	s8 =	sadd.s32 $0xFFFFE003, lr  }
0x1b: {  	s9 =	sadd.s32 $0xFFFFFEF7, lr;
	s5 =	simm.s32 $0xFFFFFFFF;
	p2 =	slt.u32 s8, $0xFFFFF086  }
0x1c: {  	p1 =	slt.u32 s9, $0xF7A;
	s5 =	simm.s32 @!p2 $0x0  }
0x1d: {  	s5 =	simm.s32 @p1 $0x1;
	p0 =	seq.s32 s7, s2  }
0x1e: {  	s7 =	smul.u32 @!p0 $0xF7A, s2;
	p2 =	seq.s32 @!p0 s5, $0x0  }
0x1f: {  	s9 =	smul.u32 $0xF7A, s1;
	s8 =	simm.s32 @!p0 $0x1BF5;
	p2 =	por !p2, p0  }
0x20: {  	[sflag:s8] =	ssyncset.s32 @!p0 $0xFFFFF086;
	s6 =	sadd.s32 @!p0 s3, s7;
	s7 =	simm.s32 @!p0 $0x108  }
0x21: {  	s3 =	sadd.s32 s3, s9;
	s6 =	sadd.s32 @!p0 $0x88, s6;
	s7 =	simm.s32 @p2 $0x1082  }
0x22: {  	[simem:s7], [sflag:s8] =	dma.local @!p0 [hbm:s6], $0xF7A  }
0x23: {  	s9 =	sor.u32 $0xD0000000, s2;
	s6 =	simm.s32 $0x108;
	_ =	swait.ge @!p0 [sflag:s8], $0x0  }
0x24: {  	s3 =	sadd.s32 $0x88, s3;
	s6 =	simm.s32 @!p1 $0x1082;
	[sflag:s4] =	ssyncset.s32 $0xFFFFF086  }
0x25: {  	[simem:s6], [sflag:s4] =	dma.local [hbm:s3], $0xF7A  }
0x26: {  	[smem:$0x3F9B] =	sst s1;
	(tag) =	ssettag s2;
	_ =	strace s9  }
0x27: {  	s1 =	sld [smem:$0x3FAB]  }
0x28: {  	s2 =	sld [smem:$0x3FAC]  }
0x29: {  	s4 =	sld [smem:$0x3FAE]  }
0x2a: {  	p0 =	seq.s32 s5, $0x0;
	s5 =	sld [smem:$0x3FAF]  }
0x2b: {  	s6 =	sld [smem:$0x3FB0]  }
0x2c: {  	s7 =	sld [smem:$0x3FB1]  }
0x2d: {  	s3 =	simm.s32 $0x108;
	s8 =	sld [smem:$0x3FB2]  }
0x2e: {  	s3 =	simm.s32 @!p0 $0x1082;
	s9 =	sld [smem:$0x3FB3]  }
0x2f: {  	lr =	sadd.s32 s0, s3;
	s0 =	sld [smem:$0x3FAA]  }
0x30: {  	s3 =	sld [smem:$0x3FAD]  }
0x31: {  	[smem:$0x3FB6] =	sst s10  }
0x32: {  	s10 =	sld [smem:$0x3FB4];
	_ =	sdelay $0x3  }
0x33: {  	p0 =	seq.s32 s10, $0x1;
	s10 =	sld [smem:$0x3FB6];
	_ =	sdelay $0x3  }
0x34: {  	[smem:$0x3FB6] =	sst s10  }
0x35: {  	s10 =	sld [smem:$0x3FB5];
	_ =	sdelay $0x3  }
0x36: {  	p1 =	seq.s32 s10, $0x1;
	s10 =	sld [smem:$0x3FB6];
	_ =	sdelay $0x3  }
0x37: {  	[smem:$0x3FB6] =	sst s10  }
0x38: {  	s10 =	sld [smem:$0x3FB7]  }
0x39: {  	_ = 	snop;
	(pc) =	sbr.ind lr, $3  }
0x3a: {  	_ = 	snop  }
0x3b: {  	_ = 	snop  }
0x3c: {  	p2 =	seq.s32 s10, $0x1;
	s10 =	sld [smem:$0x3FB6]  }
0x3d: {  	_ =	shalt  }
0x3e: {  	_ =	shalt  }
0x3f: {  	_ =	shalt  }
0x40: {  	_ =	shalt  }
0x41: {  	_ =	shalt  }
0x42: {  	_ =	shalt  }
0x43: {  	_ =	shalt  }
0x44: {  	_ =	shalt  }
0x45: {  	_ =	shalt  }
0x46: {  	_ =	shalt  }
0x47: {  	_ =	shalt  }
0x48: {  	_ =	shalt  }
0x49: {  	_ =	shalt  }
0x4a: {  	_ =	shalt  }
0x4b: {  	_ =	shalt  }
0x4c: {  	_ =	shalt  }
0x4d: {  	_ =	shalt  }
0x4e: {  	_ =	shalt  }
0x4f: {  	_ =	shalt  }
0x50: {  	_ =	shalt  }
0x51: {  	_ =	shalt  }
0x52: {  	_ =	shalt  }
0x53: {  	_ =	shalt  }
0x54: {  	_ =	shalt  }
0x55: {  	_ =	shalt  }
0x56: {  	_ =	shalt  }
0x57: {  	_ =	shalt  }
0x58: {  	_ =	shalt  }
0x59: {  	_ =	shalt  }
0x5a: {  	_ =	shalt  }
0x5b: {  	_ =	shalt  }
0x5c: {  	_ =	shalt  }
0x5d: {  	_ =	shalt  }
0x5e: {  	_ =	shalt  }
0x5f: {  	_ =	shalt  }
0x60: {  	_ =	shalt  }
0x61: {  	_ =	shalt  }
0x62: {  	_ =	shalt  }
0x63: {  	_ =	shalt  }
0x64: {  	_ =	shalt  }
0x65: {  	_ =	shalt  }
0x66: {  	_ =	shalt  }
0x67: {  	_ =	shalt  }
0x68: {  	_ =	shalt  }
0x69: {  	_ =	shalt  }
0x6a: {  	_ =	shalt  }
0x6b: {  	_ =	shalt  }
0x6c: {  	_ =	shalt  }
0x6d: {  	_ =	shalt  }
0x6e: {  	_ =	shalt  }
0x6f: {  	_ =	shalt  }
0x70: {  	_ =	shalt  }
0x71: {  	_ =	shalt  }
0x72: {  	_ =	shalt  }
0x73: {  	_ =	shalt  }
0x74: {  	_ =	shalt  }
0x75: {  	_ =	shalt  }
0x76: {  	_ =	shalt  }
0x77: {  	_ =	shalt  }
0x78: {  	_ =	shalt  }
0x79: {  	_ =	shalt  }
0x7a: {  	_ =	shalt  }
0x7b: {  	_ =	shalt  }
0x7c: {  	_ =	shalt  }
0x7d: {  	_ =	shalt  }
0x7e: {  	_ =	shalt  }
0x7f: {  	_ =	shalt  }
0x80: {  	_ =	shalt  }
0x81: {  	_ =	shalt  }
0x82: {  	_ =	shalt  }
0x83: {  	_ =	shalt  }
0x84: {  	_ =	shalt  }
0x85: {  	_ =	shalt  }
0x86: {  	_ =	shalt  }
0x87: {  	_ =	shalt  }
.Lfunc_end0:
.L_simem_size_0:
called_computation_lowered:
.L_overlay_start_0:
0x88: {  	s2 =	sld [smem:$0x3FD9]  }
0x89: {  	s3 =	sld [smem:$0x3FFE];
	_ =	sdelay $0x1  }
0x8a: {  	s1 =	srdreg.scid  }
0x8b: {  	s0 =	sand.u32 $0x1, s1  }
0x8c: {  	s16 =	sshll.u32 s0, $0xA;
	s2 =	sadd.s32 s3, s2  }
0x8d: {  	s2 =	sadd.s32 s2, s16  }
0x8e: {  	[smem:$0x3FC2] =	sst s2  }
0x8f: {  	_ = 	snop  }
0x90: {  	(tm) =	ssettm $0x1  }
0x91: {  	s17 =	sld [smem:$0x3FFB];
	_ =	sdelay $0x3  }
0x92: {  	_ =	strace s17  }
0x93: {  	s2 =	sld [smem:$0x3FFC];
	_ =	sdelay $0x3  }
0x94: {  	_ =	strace s2  }
0x95: {  	s2 =	sld [smem:$0x3FFD];
	_ =	sdelay $0x3  }
0x96: {  	_ =	strace s2  }
0x97: {  	_ =	strace $0x8FFFFFFF  }
0x98: {  	s18 =	sld [smem:$0x3FDB];
	_ =	sdelay $0x1  }
0x99: {  	s19 =	simm.s32 $_scs_section_size  }
0x9a: {  	s4 =	simm.s32 $_size__tile_overlayer_lowered;
	s5 =	simm.s32 $_tile_overlayer_lowered  }
0x9b: {  	s22 =	simm.s32 $0x1BFF;
	s21 =	sshll.u32 s5, $0x1;
	s2 =	sadd.s32 s19, s18  }
0x9c: {  	s6 =	simm.s32 $0x0;
	s20 =	sshll.u32 s4, $0x1;
	s4 =	sadd.s32 s21, s2  }
0x9d: {  	[timem:s6], [sflag:s22] =	dma.local [hbm:s4], s20  }
0x9e: {  	_ =	swait.ge [sflag:s22], s20  }
0x9f: {  	s3 =	ssub.s32 $0x0, s20;
	[sflag:s22] =	ssyncset.done $0x0  }
0xa0: {  	[sflag:s22] =	ssyncadd.s32 s3;
	_ =	sdelay $0x1  }
0xa1: {  	s23 =	simm.s32 $0x1B8B  }
0xa2: {  	_ =	swait.ge [sflag:s23], $0x1  }
0xa3: {  	[sflag:s23] =	ssyncset.done $0x0  }
0xa4: {  	s25 =	simm.s32 $0x1B8E;
	s24 =	sld [smem:$0x3FFE];
	[sflag:s23] =	ssyncadd.s32 $0xFFFFFFFF  }
0xa5: {  	s26 =	simm.s32 $execute0_lowered;
	[smem:$0x3FD2] =	sst s25  }
0xa6: {  	s4 =	sshll.u32 s26, $0x1;
	_ =	strace $0x80000046;
	[dreg:$0x1] =	wrdreg $0xFFFFFFFF  }
0xa7: {  	s28 =	simm.s32 $_size_execute0_lowered;
	s2 =	sadd.s32 s2, s4;
	[dreg:$0x0] =	wrdreg $0x0  }
0xa8: {  	s4 =	sshll.u32 s28, $0x1;
	[dreg:$0x2] =	wrdreg s2  }
0xa9: {  	[dreg:$0x3] =	wrdreg s4  }
0xaa: {  	[dreg:$0x4] =	wrdreg $0xC0  }
0xab: {  	_ =	task [dreg:s6], $0x5FFFF  }
0xac: {  	[dreg:$0x1] =	wrdreg $0xFFFFFFFF  }
0xad: {  	[dreg:$0x0] =	wrdreg $0x60  }
0xae: {  	[dreg:$0x2] =	wrdreg s24  }
0xaf: {  	[dreg:$0x3] =	wrdreg $0x9  }
0xb0: {  	_ =	task.clear_ibuf [dreg:s6], $0x4FFFF;
	_ =	strace $0x90000046  }
0xb1: {  	s29 =	simm.s32 $0x9;
	_ =	strace $0x80000048  }
0xb2: {  	_ =	swait.ge [sflag:s29], $0x1  }
0xb3: {  	[sflag:s29] =	ssyncadd.s32 $0xFFFFFFFF  }
0xb4: {  	_ =	strace $0x90000048  }
0xb5: {  	_ =	sfence  }
0xb6: {  	s30 =	sld [smem:$0x0];
	_ =	sdelay $0x2  }
0xb7: {  	s31 =	sshll.u32 s1, $0xD;
	s1 =	sshrl.u32 s1, $0x2  }
0xb8: {  	s3 =	sand.u32 $0x4000, s31;
	s1 =	sadd.s32 s1, s30  }
0xb9: {  	s0 =	sor.u32 s3, s0;
	s1 =	sshll.u32 s1, $0x11  }
0xba: {  	s0 =	sor.u32 s1, s0  }
0xbb: {  	s0 =	sadd.s32 $0x8F2B, s0  }
0xbc: {  	[sflag:s0] =	ssyncadd.remote.s32 $0x1  }
0xbd: {  	_ =	sfence.sel $0xFFFF  }
0xbe: {  	[dreg:$0x0] =	wrdreg $0xFFFFFFFF;
	(pc) =	sbr.abs _section_cstart, $3  }
0xbf: {  	[dreg:$0x1] =	wrdreg $0xFFFFFFFF  }
0xc0: {  	_ =	task.clear_ibuf [dreg:s6], $0x2FFFF;
	_ =	strace $0x9FFFFFFF  }
0xc1: {  	(tm) =	ssettm $0x7FFFFFFF  }
tec
execute0_lowered:
.L_overlay_start_1:
0x0: {  	(tag) =	ssettag $0x1  }
0x1: {  	s0 =	srdreg.scid;
	s1 =	stileid.u32  }
0x2: {  	s4 =	rddreg [dreg:$0x0];
	s10 =	simm.s32 $0x1;
	s9 =	smul.u32 $0x500, s1  }
0x3: {  	s3 =	sand.u32 $0x1, s0;
	s0 =	rddreg [dreg:$0x1];
	s31 =	smul.u32 $0x50, s1  }
0x4: {  	s7 =	sshll.u32 s1, $0x7;
	s2 =	sshll.u32 s3, $0x4;
	s6 =	smul.u32 $0x5000, s3  }
0x5: {  	s7 =	sand.u32 $0x380, s7;
	s26 =	ssub.s32 $0x2, s3;
	s5 =	sor.u32 s1, s2  }
0x6: {  	s8 =	smul.u32 $0x500, s3;
	s2 =	simm.s32 $0x0;
	s5 =	sshrl.u32 s5, $0x3  }
0x7: {  	s29 =	sshrl.u32 s26, $0x1;
	[smem:$0x7FF] =	sst s2;
	s5 =	smul.u32 $0x13C00, s5  }
.Ltmp0:
0x8: {  	s6 =	sadd.s32 s6, s4;
	s30 =	ssub.s32 s26, s29;
	(pc) =	sbr.rel .LBB2_1-.Ltmp0, $4  }
0x9: {  	_ =	strace $0x80000047;
	s6 =	sadd.s32 s9, s6;
	s5 =	sor.u32 s7, s5  }
0xa: {  	s9 =	simm.s32 $0x400;
	s6 =	sadd.s32 $0xD600, s6;
	s28 =	sshrl.u32 s5, $0x3  }
0xb: {  	s7 =	simm.s32 $0x800;
	s5 =	sadd.s32 s31, s8;
	s3 =	sadd.s32 s28, s4  }
0xc: {  	v0 =	vimm.f32 $0.0e+00;
	v1 =	vimm.f32 $1.000000000e+00;
	s8 =	simm.s32 $0x80;
	s4 =	smax.u32 s30, $0x1;
	s3 =	sadd.s32 $0x17600, s3  }
.LBB2_7:
0xd: {  	s2 =	sadd.s32 $0x1, s2  }
0xe: {  	p0 =	sne.s32 s2, s4  }
.Ltmp1:
0xf: {  	_ = 	snop;
	(pc) =	sbr.rel @!p0 .LBB2_8-.Ltmp1, $4  }
0x10: {  	[hbm4b:s3+s8] =	stream.strided.scatter [tilespmem:s7], [sflag:$0x1], $0x2780, s9, s8, $0x38;
	[tilespmem:$0x2F80] =	vst v63  }
0x11: {  	_ =	swait.ge [sflag:s10], $0x2780  }
0x12: {  	[sflag:s10] =	ssyncset.done $0x0  }
0x13: {  	[sflag:s10] =	ssyncadd.s32 $0xFFFFD880  }
.LBB2_1:
0x14: {  	s11 =	simm.s32 $0x0  }
.LBB2_2:
0x15: {  	p0 =	sne.s32 s11, $0x9DC0  }
.Ltmp2:
0x16: {  	_ = 	snop;
	(pc) =	sbr.rel @p0 .LBB2_2-.Ltmp2, $3  }
0x17: {  	_ =	sdelay $0x1  }
0x18: {  	s12 =	sshra.s32 s11, $0x2  }
0x19: {  	s11 =	sadd.s32 $0x40, s11;
	[tilespmem:s12+$0x800] =	vst v0  }
.Ltmp3:
0x1a: {  	(pc) =	sbr.rel .LBB2_4-.Ltmp3, $2  }
0x1b: {  	_ =	sdelay $0x2  }
0x1c: {  	s11 =	simm.s32 $0x0;
	s12 =	smov.u32 s6  }
.LBB2_6:
0x1d: {  	s11 =	sadd.s32 $0x10, s11  }
0x1e: {  	p0 =	sne.s32 s11, $0x50  }
.Ltmp4:
0x1f: {  	_ = 	snop;
	(pc) =	sbr.rel @!p0 .LBB2_7-.Ltmp4, $2  }
0x20: {  	_ =	sdelay $0x2  }
0x21: {  	s12 =	sadd.s32 $0x100, s12  }
.LBB2_4:
0x22: {  	s13 =	sadd.s32 s11, s5  }
0x23: {  	p0 =	sgt.u32 s13, $0x9C3  }
0x24: {  	s14 =	simm.s32 @!p0 $0x0  }
0x25: {  	[tilespmem:s14], [sflag:$0x1] =	stream.linear.gather @!p0 [hbm4b:s12+s14], $0x800, $0x38;
	[tilespmem:$0x2F80] =	vst v63  }
0x26: {  	s14 =	simm.s32 @!p0 $0x1  }
0x27: {  	_ =	swait.ge @!p0 [sflag:s14], $0x800  }
0x28: {  	[sflag:s14] =	ssyncset.done @!p0 $0x0  }
0x29: {  	[sflag:s14] =	ssyncadd.s32 @!p0 $0xFFFFF800  }
0x2a: {  	v2 =	vld @!p0 [tilespmem:$0x0];
	_ =	sdelay $0x6  }
0x2b: {  	v3 =	vimm.f32 @!p0 $1.000000000e+00;
	s14 =	simm.s32 @!p0 $0x800  }
0x2c: {  	[tilespmem:v2+s14+$0x0] =	vst.idx.add.f32.msk @!p0 $0xffff, v3  }
0x2d: {  	v2 =	vld @!p0 [tilespmem:$0x10];
	_ =	sdelay $0x7  }
0x2e: {  	[tilespmem:v2+s14+$0x0] =	vst.idx.add.f32.msk @!p0 $0xffff, v3  }
0x2f: {  	v2 =	vld @!p0 [tilespmem:$0x20];
	_ =	sdelay $0x7  }
0x30: {  	[tilespmem:v2+s14+$0x0] =	vst.idx.add.f32.msk @!p0 $0xffff, v3  }
0x31: {  	v2 =	vld @!p0 [tilespmem:$0x30];
	_ =	sdelay $0x7  }
0x32: {  	[tilespmem:v2+s14+$0x0] =	vst.idx.add.f32.msk @!p0 $0xffff, v3  }
0x33: {  	v2 =	vld @!p0 [tilespmem:$0x40];
	_ =	sdelay $0x7  }
0x34: {  	[tilespmem:v2+s14+$0x0] =	vst.idx.add.f32.msk @!p0 $0xffff, v3  }
0x35: {  	v2 =	vld @!p0 [tilespmem:$0x50];
	_ =	sdelay $0x7  }
0x36: {  	[tilespmem:v2+s14+$0x0] =	vst.idx.add.f32.msk @!p0 $0xffff, v3  }
0x37: {  	v2 =	vld @!p0 [tilespmem:$0x60];
	_ =	sdelay $0x7  }
0x38: {  	[tilespmem:v2+s14+$0x0] =	vst.idx.add.f32.msk @!p0 $0xffff, v3  }
0x39: {  	v2 =	vld @!p0 [tilespmem:$0x70];
	_ =	sdelay $0x7  }
0x3a: {  	[tilespmem:v2+s14+$0x0] =	vst.idx.add.f32.msk @!p0 $0xffff, v3  }
0x3b: {  	v2 =	vld @!p0 [tilespmem:$0x80];
	_ =	sdelay $0x7  }
0x3c: {  	[tilespmem:v2+s14+$0x0] =	vst.idx.add.f32.msk @!p0 $0xffff, v3  }
0x3d: {  	v2 =	vld @!p0 [tilespmem:$0x90];
	_ =	sdelay $0x7  }
0x3e: {  	[tilespmem:v2+s14+$0x0] =	vst.idx.add.f32.msk @!p0 $0xffff, v3  }
0x3f: {  	v2 =	vld @!p0 [tilespmem:$0xA0];
	_ =	sdelay $0x7  }
0x40: {  	[tilespmem:v2+s14+$0x0] =	vst.idx.add.f32.msk @!p0 $0xffff, v3  }
0x41: {  	v2 =	vld @!p0 [tilespmem:$0xB0];
	_ =	sdelay $0x7  }
0x42: {  	[tilespmem:v2+s14+$0x0] =	vst.idx.add.f32.msk @!p0 $0xffff, v3  }
0x43: {  	v2 =	vld @!p0 [tilespmem:$0xC0];
	_ =	sdelay $0x7  }
0x44: {  	[tilespmem:v2+s14+$0x0] =	vst.idx.add.f32.msk @!p0 $0xffff, v3  }
0x45: {  	v2 =	vld @!p0 [tilespmem:$0xD0];
	_ =	sdelay $0x7  }
0x46: {  	[tilespmem:v2+s14+$0x0] =	vst.idx.add.f32.msk @!p0 $0xffff, v3  }
0x47: {  	v2 =	vld @!p0 [tilespmem:$0xE0];
	_ =	sdelay $0x7  }
0x48: {  	[tilespmem:v2+s14+$0x0] =	vst.idx.add.f32.msk @!p0 $0xffff, v3  }
0x49: {  	v2 =	vld @!p0 [tilespmem:$0xF0];
	_ =	sdelay $0x6  }
0x4a: {  	p1 =	sgt.u32 @!p0 s13, $0x9C1  }
0x4b: {  	[tilespmem:v2+s14+$0x0] =	vst.idx.add.f32.msk @!p0 $0xffff, v3;
	p0 =	por p0, p1  }
0x4c: {  	v2 =	vld @!p0 [tilespmem:$0x100];
	_ =	sdelay $0x6  }
0x4d: {  	v3 =	vimm.f32 @!p0 $1.000000000e+00;
	s14 =	simm.s32 @!p0 $0x800  }
0x4e: {  	[tilespmem:v2+s14+$0x0] =	vst.idx.add.f32.msk @!p0 $0xffff, v3  }
0x4f: {  	v2 =	vld @!p0 [tilespmem:$0x110];
	_ =	sdelay $0x7  }
0x50: {  	[tilespmem:v2+s14+$0x0] =	vst.idx.add.f32.msk @!p0 $0xffff, v3  }
0x51: {  	v2 =	vld @!p0 [tilespmem:$0x120];
	_ =	sdelay $0x7  }
0x52: {  	[tilespmem:v2+s14+$0x0] =	vst.idx.add.f32.msk @!p0 $0xffff, v3  }
0x53: {  	v2 =	vld @!p0 [tilespmem:$0x130];
	_ =	sdelay $0x7  }
0x54: {  	[tilespmem:v2+s14+$0x0] =	vst.idx.add.f32.msk @!p0 $0xffff, v3  }
0x55: {  	v2 =	vld @!p0 [tilespmem:$0x140];
	_ =	sdelay $0x7  }
0x56: {  	[tilespmem:v2+s14+$0x0] =	vst.idx.add.f32.msk @!p0 $0xffff, v3  }
0x57: {  	v2 =	vld @!p0 [tilespmem:$0x150];
	_ =	sdelay $0x7  }
0x58: {  	[tilespmem:v2+s14+$0x0] =	vst.idx.add.f32.msk @!p0 $0xffff, v3  }
0x59: {  	v2 =	vld @!p0 [tilespmem:$0x160];
	_ =	sdelay $0x7  }
0x5a: {  	[tilespmem:v2+s14+$0x0] =	vst.idx.add.f32.msk @!p0 $0xffff, v3  }
0x5b: {  	v2 =	vld @!p0 [tilespmem:$0x170];
	_ =	sdelay $0x7  }
0x5c: {  	[tilespmem:v2+s14+$0x0] =	vst.idx.add.f32.msk @!p0 $0xffff, v3  }
0x5d: {  	v2 =	vld @!p0 [tilespmem:$0x180];
	_ =	sdelay $0x7  }
0x5e: {  	[tilespmem:v2+s14+$0x0] =	vst.idx.add.f32.msk @!p0 $0xffff, v3  }
0x5f: {  	v2 =	vld @!p0 [tilespmem:$0x190];
	_ =	sdelay $0x7  }
0x60: {  	[tilespmem:v2+s14+$0x0] =	vst.idx.add.f32.msk @!p0 $0xffff, v3  }
0x61: {  	v2 =	vld @!p0 [tilespmem:$0x1A0];
	_ =	sdelay $0x7  }
0x62: {  	[tilespmem:v2+s14+$0x0] =	vst.idx.add.f32.msk @!p0 $0xffff, v3  }
0x63: {  	v2 =	vld @!p0 [tilespmem:$0x1B0];
	_ =	sdelay $0x7  }
0x64: {  	[tilespmem:v2+s14+$0x0] =	vst.idx.add.f32.msk @!p0 $0xffff, v3  }
0x65: {  	v2 =	vld @!p0 [tilespmem:$0x1C0];
	_ =	sdelay $0x7  }
0x66: {  	[tilespmem:v2+s14+$0x0] =	vst.idx.add.f32.msk @!p0 $0xffff, v3  }
0x67: {  	v2 =	vld @!p0 [tilespmem:$0x1D0];
	_ =	sdelay $0x7  }
0x68: {  	[tilespmem:v2+s14+$0x0] =	vst.idx.add.f32.msk @!p0 $0xffff, v3  }
0x69: {  	v2 =	vld @!p0 [tilespmem:$0x1E0];
	_ =	sdelay $0x7  }
0x6a: {  	[tilespmem:v2+s14+$0x0] =	vst.idx.add.f32.msk @!p0 $0xffff, v3  }
0x6b: {  	v2 =	vld @!p0 [tilespmem:$0x1F0];
	_ =	sdelay $0x6  }
0x6c: {  	p1 =	sgt.u32 @!p0 s13, $0x9BF  }
0x6d: {  	[tilespmem:v2+s14+$0x0] =	vst.idx.add.f32.msk @!p0 $0xffff, v3;
	p0 =	por p0, p1  }
0x6e: {  	v2 =	vld @!p0 [tilespmem:$0x200];
	_ =	sdelay $0x6  }
0x6f: {  	v3 =	vimm.f32 @!p0 $1.000000000e+00;
	s14 =	simm.s32 @!p0 $0x800  }
0x70: {  	[tilespmem:v2+s14+$0x0] =	vst.idx.add.f32.msk @!p0 $0xffff, v3  }
0x71: {  	v2 =	vld @!p0 [tilespmem:$0x210];
	_ =	sdelay $0x7  }
0x72: {  	[tilespmem:v2+s14+$0x0] =	vst.idx.add.f32.msk @!p0 $0xffff, v3  }
0x73: {  	v2 =	vld @!p0 [tilespmem:$0x220];
	_ =	sdelay $0x7  }
0x74: {  	[tilespmem:v2+s14+$0x0] =	vst.idx.add.f32.msk @!p0 $0xffff, v3  }
0x75: {  	v2 =	vld @!p0 [tilespmem:$0x230];
	_ =	sdelay $0x7  }
0x76: {  	[tilespmem:v2+s14+$0x0] =	vst.idx.add.f32.msk @!p0 $0xffff, v3  }
0x77: {  	v2 =	vld @!p0 [tilespmem:$0x240];
	_ =	sdelay $0x7  }
0x78: {  	[tilespmem:v2+s14+$0x0] =	vst.idx.add.f32.msk @!p0 $0xffff, v3  }
0x79: {  	v2 =	vld @!p0 [tilespmem:$0x250];
	_ =	sdelay $0x7  }
0x7a: {  	[tilespmem:v2+s14+$0x0] =	vst.idx.add.f32.msk @!p0 $0xffff, v3  }
0x7b: {  	v2 =	vld @!p0 [tilespmem:$0x260];
	_ =	sdelay $0x7  }
0x7c: {  	[tilespmem:v2+s14+$0x0] =	vst.idx.add.f32.msk @!p0 $0xffff, v3  }
0x7d: {  	v2 =	vld @!p0 [tilespmem:$0x270];
	_ =	sdelay $0x7  }
0x7e: {  	[tilespmem:v2+s14+$0x0] =	vst.idx.add.f32.msk @!p0 $0xffff, v3  }
0x7f: {  	v2 =	vld @!p0 [tilespmem:$0x280];
	_ =	sdelay $0x7  }
0x80: {  	[tilespmem:v2+s14+$0x0] =	vst.idx.add.f32.msk @!p0 $0xffff, v3  }
0x81: {  	v2 =	vld @!p0 [tilespmem:$0x290];
	_ =	sdelay $0x7  }
0x82: {  	[tilespmem:v2+s14+$0x0] =	vst.idx.add.f32.msk @!p0 $0xffff, v3  }
0x83: {  	v2 =	vld @!p0 [tilespmem:$0x2A0];
	_ =	sdelay $0x7  }
0x84: {  	[tilespmem:v2+s14+$0x0] =	vst.idx.add.f32.msk @!p0 $0xffff, v3  }
0x85: {  	v2 =	vld @!p0 [tilespmem:$0x2B0];
	_ =	sdelay $0x7  }
0x86: {  	[tilespmem:v2+s14+$0x0] =	vst.idx.add.f32.msk @!p0 $0xffff, v3  }
0x87: {  	v2 =	vld @!p0 [tilespmem:$0x2C0];
	_ =	sdelay $0x7  }
0x88: {  	[tilespmem:v2+s14+$0x0] =	vst.idx.add.f32.msk @!p0 $0xffff, v3  }
0x89: {  	v2 =	vld @!p0 [tilespmem:$0x2D0];
	_ =	sdelay $0x7  }
0x8a: {  	[tilespmem:v2+s14+$0x0] =	vst.idx.add.f32.msk @!p0 $0xffff, v3  }
0x8b: {  	v2 =	vld @!p0 [tilespmem:$0x2E0];
	_ =	sdelay $0x7  }
0x8c: {  	[tilespmem:v2+s14+$0x0] =	vst.idx.add.f32.msk @!p0 $0xffff, v3  }
0x8d: {  	v2 =	vld @!p0 [tilespmem:$0x2F0];
	_ =	sdelay $0x6  }
0x8e: {  	p1 =	sgt.u32 @!p0 s13, $0x9BD  }
0x8f: {  	[tilespmem:v2+s14+$0x0] =	vst.idx.add.f32.msk @!p0 $0xffff, v3;
	p0 =	por p0, p1  }
0x90: {  	v2 =	vld @!p0 [tilespmem:$0x300];
	_ =	sdelay $0x6  }
0x91: {  	v3 =	vimm.f32 @!p0 $1.000000000e+00;
	s14 =	simm.s32 @!p0 $0x800  }
0x92: {  	[tilespmem:v2+s14+$0x0] =	vst.idx.add.f32.msk @!p0 $0xffff, v3  }
0x93: {  	v2 =	vld @!p0 [tilespmem:$0x310];
	_ =	sdelay $0x7  }
0x94: {  	[tilespmem:v2+s14+$0x0] =	vst.idx.add.f32.msk @!p0 $0xffff, v3  }
0x95: {  	v2 =	vld @!p0 [tilespmem:$0x320];
	_ =	sdelay $0x7  }
0x96: {  	[tilespmem:v2+s14+$0x0] =	vst.idx.add.f32.msk @!p0 $0xffff, v3  }
0x97: {  	v2 =	vld @!p0 [tilespmem:$0x330];
	_ =	sdelay $0x7  }
0x98: {  	[tilespmem:v2+s14+$0x0] =	vst.idx.add.f32.msk @!p0 $0xffff, v3  }
0x99: {  	v2 =	vld @!p0 [tilespmem:$0x340];
	_ =	sdelay $0x7  }
0x9a: {  	[tilespmem:v2+s14+$0x0] =	vst.idx.add.f32.msk @!p0 $0xffff, v3  }
0x9b: {  	v2 =	vld @!p0 [tilespmem:$0x350];
	_ =	sdelay $0x7  }
0x9c: {  	[tilespmem:v2+s14+$0x0] =	vst.idx.add.f32.msk @!p0 $0xffff, v3  }
0x9d: {  	v2 =	vld @!p0 [tilespmem:$0x360];
	_ =	sdelay $0x7  }
0x9e: {  	[tilespmem:v2+s14+$0x0] =	vst.idx.add.f32.msk @!p0 $0xffff, v3  }
0x9f: {  	v2 =	vld @!p0 [tilespmem:$0x370];
	_ =	sdelay $0x7  }
0xa0: {  	[tilespmem:v2+s14+$0x0] =	vst.idx.add.f32.msk @!p0 $0xffff, v3  }
0xa1: {  	v2 =	vld @!p0 [tilespmem:$0x380];
	_ =	sdelay $0x7  }
0xa2: {  	[tilespmem:v2+s14+$0x0] =	vst.idx.add.f32.msk @!p0 $0xffff, v3  }
0xa3: {  	v2 =	vld @!p0 [tilespmem:$0x390];
	_ =	sdelay $0x7  }
0xa4: {  	[tilespmem:v2+s14+$0x0] =	vst.idx.add.f32.msk @!p0 $0xffff, v3  }
0xa5: {  	v2 =	vld @!p0 [tilespmem:$0x3A0];
	_ =	sdelay $0x7  }
0xa6: {  	[tilespmem:v2+s14+$0x0] =	vst.idx.add.f32.msk @!p0 $0xffff, v3  }
0xa7: {  	v2 =	vld @!p0 [tilespmem:$0x3B0];
	_ =	sdelay $0x7  }
0xa8: {  	[tilespmem:v2+s14+$0x0] =	vst.idx.add.f32.msk @!p0 $0xffff, v3  }
0xa9: {  	v2 =	vld @!p0 [tilespmem:$0x3C0];
	_ =	sdelay $0x7  }
0xaa: {  	[tilespmem:v2+s14+$0x0] =	vst.idx.add.f32.msk @!p0 $0xffff, v3  }
0xab: {  	v2 =	vld @!p0 [tilespmem:$0x3D0];
	_ =	sdelay $0x7  }
0xac: {  	[tilespmem:v2+s14+$0x0] =	vst.idx.add.f32.msk @!p0 $0xffff, v3  }
0xad: {  	v2 =	vld @!p0 [tilespmem:$0x3E0];
	_ =	sdelay $0x7  }
0xae: {  	[tilespmem:v2+s14+$0x0] =	vst.idx.add.f32.msk @!p0 $0xffff, v3  }
0xaf: {  	v2 =	vld @!p0 [tilespmem:$0x3F0];
	_ =	sdelay $0x6  }
0xb0: {  	p1 =	sgt.u32 @!p0 s13, $0x9BB  }
0xb1: {  	[tilespmem:v2+s14+$0x0] =	vst.idx.add.f32.msk @!p0 $0xffff, v3;
	p0 =	por p0, p1  }
0xb2: {  	v2 =	vld @!p0 [tilespmem:$0x400];
	_ =	sdelay $0x6  }
0xb3: {  	v3 =	vimm.f32 @!p0 $1.000000000e+00;
	s14 =	simm.s32 @!p0 $0x800  }
0xb4: {  	[tilespmem:v2+s14+$0x0] =	vst.idx.add.f32.msk @!p0 $0xffff, v3  }
0xb5: {  	v2 =	vld @!p0 [tilespmem:$0x410];
	_ =	sdelay $0x7  }
0xb6: {  	[tilespmem:v2+s14+$0x0] =	vst.idx.add.f32.msk @!p0 $0xffff, v3  }
0xb7: {  	v2 =	vld @!p0 [tilespmem:$0x420];
	_ =	sdelay $0x7  }
0xb8: {  	[tilespmem:v2+s14+$0x0] =	vst.idx.add.f32.msk @!p0 $0xffff, v3  }
0xb9: {  	v2 =	vld @!p0 [tilespmem:$0x430];
	_ =	sdelay $0x7  }
0xba: {  	[tilespmem:v2+s14+$0x0] =	vst.idx.add.f32.msk @!p0 $0xffff, v3  }
0xbb: {  	v2 =	vld @!p0 [tilespmem:$0x440];
	_ =	sdelay $0x7  }
0xbc: {  	[tilespmem:v2+s14+$0x0] =	vst.idx.add.f32.msk @!p0 $0xffff, v3  }
0xbd: {  	v2 =	vld @!p0 [tilespmem:$0x450];
	_ =	sdelay $0x7  }
0xbe: {  	[tilespmem:v2+s14+$0x0] =	vst.idx.add.f32.msk @!p0 $0xffff, v3  }
0xbf: {  	v2 =	vld @!p0 [tilespmem:$0x460];
	_ =	sdelay $0x7  }
0xc0: {  	[tilespmem:v2+s14+$0x0] =	vst.idx.add.f32.msk @!p0 $0xffff, v3  }
0xc1: {  	v2 =	vld @!p0 [tilespmem:$0x470];
	_ =	sdelay $0x7  }
0xc2: {  	[tilespmem:v2+s14+$0x0] =	vst.idx.add.f32.msk @!p0 $0xffff, v3  }
0xc3: {  	v2 =	vld @!p0 [tilespmem:$0x480];
	_ =	sdelay $0x7  }
0xc4: {  	[tilespmem:v2+s14+$0x0] =	vst.idx.add.f32.msk @!p0 $0xffff, v3  }
0xc5: {  	v2 =	vld @!p0 [tilespmem:$0x490];
	_ =	sdelay $0x7  }
0xc6: {  	[tilespmem:v2+s14+$0x0] =	vst.idx.add.f32.msk @!p0 $0xffff, v3  }
0xc7: {  	v2 =	vld @!p0 [tilespmem:$0x4A0];
	_ =	sdelay $0x7  }
0xc8: {  	[tilespmem:v2+s14+$0x0] =	vst.idx.add.f32.msk @!p0 $0xffff, v3  }
0xc9: {  	v2 =	vld @!p0 [tilespmem:$0x4B0];
	_ =	sdelay $0x7  }
0xca: {  	[tilespmem:v2+s14+$0x0] =	vst.idx.add.f32.msk @!p0 $0xffff, v3  }
0xcb: {  	v2 =	vld @!p0 [tilespmem:$0x4C0];
	_ =	sdelay $0x7  }
0xcc: {  	[tilespmem:v2+s14+$0x0] =	vst.idx.add.f32.msk @!p0 $0xffff, v3  }
0xcd: {  	v2 =	vld @!p0 [tilespmem:$0x4D0];
	_ =	sdelay $0x7  }
0xce: {  	[tilespmem:v2+s14+$0x0] =	vst.idx.add.f32.msk @!p0 $0xffff, v3  }
0xcf: {  	v2 =	vld @!p0 [tilespmem:$0x4E0];
	_ =	sdelay $0x7  }
0xd0: {  	[tilespmem:v2+s14+$0x0] =	vst.idx.add.f32.msk @!p0 $0xffff, v3  }
0xd1: {  	v2 =	vld @!p0 [tilespmem:$0x4F0];
	_ =	sdelay $0x6  }
0xd2: {  	p1 =	sgt.u32 @!p0 s13, $0x9B9  }
0xd3: {  	[tilespmem:v2+s14+$0x0] =	vst.idx.add.f32.msk @!p0 $0xffff, v3;
	p0 =	por p0, p1  }
0xd4: {  	v2 =	vld @!p0 [tilespmem:$0x500];
	_ =	sdelay $0x6  }
0xd5: {  	v3 =	vimm.f32 @!p0 $1.000000000e+00;
	s14 =	simm.s32 @!p0 $0x800  }
0xd6: {  	[tilespmem:v2+s14+$0x0] =	vst.idx.add.f32.msk @!p0 $0xffff, v3  }
0xd7: {  	v2 =	vld @!p0 [tilespmem:$0x510];
	_ =	sdelay $0x7  }
0xd8: {  	[tilespmem:v2+s14+$0x0] =	vst.idx.add.f32.msk @!p0 $0xffff, v3  }
0xd9: {  	v2 =	vld @!p0 [tilespmem:$0x520];
	_ =	sdelay $0x7  }
0xda: {  	[tilespmem:v2+s14+$0x0] =	vst.idx.add.f32.msk @!p0 $0xffff, v3  }
0xdb: {  	v2 =	vld @!p0 [tilespmem:$0x530];
	_ =	sdelay $0x7  }
0xdc: {  	[tilespmem:v2+s14+$0x0] =	vst.idx.add.f32.msk @!p0 $0xffff, v3  }
0xdd: {  	v2 =	vld @!p0 [tilespmem:$0x540];
	_ =	sdelay $0x7  }
0xde: {  	[tilespmem:v2+s14+$0x0] =	vst.idx.add.f32.msk @!p0 $0xffff, v3  }
0xdf: {  	v2 =	vld @!p0 [tilespmem:$0x550];
	_ =	sdelay $0x7  }
0xe0: {  	[tilespmem:v2+s14+$0x0] =	vst.idx.add.f32.msk @!p0 $0xffff, v3  }
0xe1: {  	v2 =	vld @!p0 [tilespmem:$0x560];
	_ =	sdelay $0x7  }
0xe2: {  	[tilespmem:v2+s14+$0x0] =	vst.idx.add.f32.msk @!p0 $0xffff, v3  }
0xe3: {  	v2 =	vld @!p0 [tilespmem:$0x570];
	_ =	sdelay $0x7  }
0xe4: {  	[tilespmem:v2+s14+$0x0] =	vst.idx.add.f32.msk @!p0 $0xffff, v3  }
0xe5: {  	v2 =	vld @!p0 [tilespmem:$0x580];
	_ =	sdelay $0x7  }
0xe6: {  	[tilespmem:v2+s14+$0x0] =	vst.idx.add.f32.msk @!p0 $0xffff, v3  }
0xe7: {  	v2 =	vld @!p0 [tilespmem:$0x590];
	_ =	sdelay $0x7  }
0xe8: {  	[tilespmem:v2+s14+$0x0] =	vst.idx.add.f32.msk @!p0 $0xffff, v3  }
0xe9: {  	v2 =	vld @!p0 [tilespmem:$0x5A0];
	_ =	sdelay $0x7  }
0xea: {  	[tilespmem:v2+s14+$0x0] =	vst.idx.add.f32.msk @!p0 $0xffff, v3  }
0xeb: {  	v2 =	vld @!p0 [tilespmem:$0x5B0];
	_ =	sdelay $0x7  }
0xec: {  	[tilespmem:v2+s14+$0x0] =	vst.idx.add.f32.msk @!p0 $0xffff, v3  }
0xed: {  	v2 =	vld @!p0 [tilespmem:$0x5C0];
	_ =	sdelay $0x7  }
0xee: {  	[tilespmem:v2+s14+$0x0] =	vst.idx.add.f32.msk @!p0 $0xffff, v3  }
0xef: {  	v2 =	vld @!p0 [tilespmem:$0x5D0];
	_ =	sdelay $0x7  }
0xf0: {  	[tilespmem:v2+s14+$0x0] =	vst.idx.add.f32.msk @!p0 $0xffff, v3  }
0xf1: {  	v2 =	vld @!p0 [tilespmem:$0x5E0];
	_ =	sdelay $0x7  }
0xf2: {  	[tilespmem:v2+s14+$0x0] =	vst.idx.add.f32.msk @!p0 $0xffff, v3  }
0xf3: {  	v2 =	vld @!p0 [tilespmem:$0x5F0];
	_ =	sdelay $0x1  }
0xf4: {  	p1 =	sgt.u32 @!p0 s13, $0x9B7  }
0xf5: {  	p1 =	por p0, p1  }
.Ltmp5:
0xf6: {  	_ = 	snop;
	(pc) =	sbr.rel @p1 .LBB2_6-.Ltmp5, $2  }
0xf7: {  	_ =	sdelay $0x2  }
0xf8: {  	[tilespmem:v2+s14+$0x0] =	vst.idx.add.f32.msk @!p0 $0xffff, v3  }
0xf9: {  	v2 =	vld [tilespmem:$0x600];
	_ =	sdelay $0x7  }
0xfa: {  	[tilespmem:v2+s7+$0x0] =	vst.idx.add.f32.msk $0xffff, v1  }
0xfb: {  	v2 =	vld [tilespmem:$0x610];
	_ =	sdelay $0x7  }
0xfc: {  	[tilespmem:v2+s7+$0x0] =	vst.idx.add.f32.msk $0xffff, v1  }
0xfd: {  	v2 =	vld [tilespmem:$0x620];
	_ =	sdelay $0x7  }
0xfe: {  	[tilespmem:v2+s7+$0x0] =	vst.idx.add.f32.msk $0xffff, v1  }
0xff: {  	v2 =	vld [tilespmem:$0x630];
	_ =	sdelay $0x7  }
0x100: {  	[tilespmem:v2+s7+$0x0] =	vst.idx.add.f32.msk $0xffff, v1  }
0x101: {  	v2 =	vld [tilespmem:$0x640];
	_ =	sdelay $0x7  }
0x102: {  	[tilespmem:v2+s7+$0x0] =	vst.idx.add.f32.msk $0xffff, v1  }
0x103: {  	v2 =	vld [tilespmem:$0x650];
	_ =	sdelay $0x7  }
0x104: {  	[tilespmem:v2+s7+$0x0] =	vst.idx.add.f32.msk $0xffff, v1  }
0x105: {  	v2 =	vld [tilespmem:$0x660];
	_ =	sdelay $0x7  }
0x106: {  	[tilespmem:v2+s7+$0x0] =	vst.idx.add.f32.msk $0xffff, v1  }
0x107: {  	v2 =	vld [tilespmem:$0x670];
	_ =	sdelay $0x7  }
0x108: {  	[tilespmem:v2+s7+$0x0] =	vst.idx.add.f32.msk $0xffff, v1  }
0x109: {  	v2 =	vld [tilespmem:$0x680];
	_ =	sdelay $0x7  }
0x10a: {  	[tilespmem:v2+s7+$0x0] =	vst.idx.add.f32.msk $0xffff, v1  }
0x10b: {  	v2 =	vld [tilespmem:$0x690];
	_ =	sdelay $0x7  }
0x10c: {  	[tilespmem:v2+s7+$0x0] =	vst.idx.add.f32.msk $0xffff, v1  }
0x10d: {  	v2 =	vld [tilespmem:$0x6A0];
	_ =	sdelay $0x7  }
0x10e: {  	[tilespmem:v2+s7+$0x0] =	vst.idx.add.f32.msk $0xffff, v1  }
0x10f: {  	v2 =	vld [tilespmem:$0x6B0];
	_ =	sdelay $0x7  }
0x110: {  	[tilespmem:v2+s7+$0x0] =	vst.idx.add.f32.msk $0xffff, v1  }
0x111: {  	v2 =	vld [tilespmem:$0x6C0];
	_ =	sdelay $0x7  }
0x112: {  	[tilespmem:v2+s7+$0x0] =	vst.idx.add.f32.msk $0xffff, v1  }
0x113: {  	v2 =	vld [tilespmem:$0x6D0];
	_ =	sdelay $0x7  }
0x114: {  	[tilespmem:v2+s7+$0x0] =	vst.idx.add.f32.msk $0xffff, v1  }
0x115: {  	v2 =	vld [tilespmem:$0x6E0];
	_ =	sdelay $0x7  }
0x116: {  	[tilespmem:v2+s7+$0x0] =	vst.idx.add.f32.msk $0xffff, v1  }
0x117: {  	v2 =	vld [tilespmem:$0x6F0];
	_ =	sdelay $0x7  }
0x118: {  	p0 =	sgt.u32 s13, $0x9B5;
	[tilespmem:v2+s7+$0x0] =	vst.idx.add.f32.msk $0xffff, v1  }
0x119: {  	v2 =	vld @!p0 [tilespmem:$0x700];
	_ =	sdelay $0x6  }
0x11a: {  	v3 =	vimm.f32 @!p0 $1.000000000e+00;
	s13 =	simm.s32 @!p0 $0x800  }
0x11b: {  	[tilespmem:v2+s13+$0x0] =	vst.idx.add.f32.msk @!p0 $0xffff, v3  }
0x11c: {  	v2 =	vld @!p0 [tilespmem:$0x710];
	_ =	sdelay $0x7  }
0x11d: {  	[tilespmem:v2+s13+$0x0] =	vst.idx.add.f32.msk @!p0 $0xffff, v3  }
0x11e: {  	v2 =	vld @!p0 [tilespmem:$0x720];
	_ =	sdelay $0x7  }
0x11f: {  	[tilespmem:v2+s13+$0x0] =	vst.idx.add.f32.msk @!p0 $0xffff, v3  }
0x120: {  	v2 =	vld @!p0 [tilespmem:$0x730];
	_ =	sdelay $0x7  }
0x121: {  	[tilespmem:v2+s13+$0x0] =	vst.idx.add.f32.msk @!p0 $0xffff, v3  }
0x122: {  	v2 =	vld @!p0 [tilespmem:$0x740];
	_ =	sdelay $0x7  }
0x123: {  	[tilespmem:v2+s13+$0x0] =	vst.idx.add.f32.msk @!p0 $0xffff, v3  }
0x124: {  	v2 =	vld @!p0 [tilespmem:$0x750];
	_ =	sdelay $0x7  }
0x125: {  	[tilespmem:v2+s13+$0x0] =	vst.idx.add.f32.msk @!p0 $0xffff, v3  }
0x126: {  	v2 =	vld @!p0 [tilespmem:$0x760];
	_ =	sdelay $0x7  }
0x127: {  	[tilespmem:v2+s13+$0x0] =	vst.idx.add.f32.msk @!p0 $0xffff, v3  }
0x128: {  	v2 =	vld @!p0 [tilespmem:$0x770];
	_ =	sdelay $0x7  }
0x129: {  	[tilespmem:v2+s13+$0x0] =	vst.idx.add.f32.msk @!p0 $0xffff, v3  }
0x12a: {  	v2 =	vld @!p0 [tilespmem:$0x780];
	_ =	sdelay $0x7  }
0x12b: {  	[tilespmem:v2+s13+$0x0] =	vst.idx.add.f32.msk @!p0 $0xffff, v3  }
0x12c: {  	v2 =	vld @!p0 [tilespmem:$0x790];
	_ =	sdelay $0x7  }
0x12d: {  	[tilespmem:v2+s13+$0x0] =	vst.idx.add.f32.msk @!p0 $0xffff, v3  }
0x12e: {  	v2 =	vld @!p0 [tilespmem:$0x7A0];
	_ =	sdelay $0x7  }
0x12f: {  	[tilespmem:v2+s13+$0x0] =	vst.idx.add.f32.msk @!p0 $0xffff, v3  }
0x130: {  	v2 =	vld @!p0 [tilespmem:$0x7B0];
	_ =	sdelay $0x7  }
0x131: {  	[tilespmem:v2+s13+$0x0] =	vst.idx.add.f32.msk @!p0 $0xffff, v3  }
0x132: {  	v2 =	vld @!p0 [tilespmem:$0x7C0];
	_ =	sdelay $0x7  }
0x133: {  	[tilespmem:v2+s13+$0x0] =	vst.idx.add.f32.msk @!p0 $0xffff, v3  }
0x134: {  	v2 =	vld @!p0 [tilespmem:$0x7D0];
	_ =	sdelay $0x7  }
0x135: {  	[tilespmem:v2+s13+$0x0] =	vst.idx.add.f32.msk @!p0 $0xffff, v3  }
0x136: {  	v2 =	vld @!p0 [tilespmem:$0x7E0];
	_ =	sdelay $0x7  }
0x137: {  	[tilespmem:v2+s13+$0x0] =	vst.idx.add.f32.msk @!p0 $0xffff, v3  }
0x138: {  	v2 =	vld @!p0 [tilespmem:$0x7F0];
	_ =	sdelay $0x3  }
.Ltmp6:
0x139: {  	_ = 	snop;
	(pc) =	sbr.rel .LBB2_6-.Ltmp6, $2  }
0x13a: {  	_ =	sdelay $0x2  }
0x13b: {  	[tilespmem:v2+s13+$0x0] =	vst.idx.add.f32.msk @!p0 $0xffff, v3  }
.LBB2_8:
0x13c: {  	_ =	sfence.sel $0x180000  }
0x13d: {  	[bflag:$0x0] =	sbarrier.arrive $0xFFFF  }
0x13e: {  	p0 =	sne.s32 s1, $0x0;
	_ =	strace $0x90000047  }
0x13f: {  	s0 =	sadd.s32 @!p0 $0x100000, s0;
	[bflag:$0x2] =	sbarrier.arrive $0xFFFF  }
0x140: {  	[sflag:s0] =	ssyncadd.tile.s32 @!p0 $0x1;
	_ =	shalt  }
.Lfunc_end2:
_tile_overlayer_lowered:
.L_overlay_start_2:
0x141: {  	(tag) =	ssettag $0x2  }
0x142: {  	s0 =	rddreg [dreg:$0x0];
	s2 =	stileid.u32  }
0x143: {  	s1 =	rddreg [dreg:$0x1];
	p0 =	sne.s32 s2, $0x0  }
0x144: {  	s3 =	rddreg [dreg:$0x2];
	[bflag:$0x3] =	sbarrier.arrive $0xFFFF;
	s2 =	simm.s32 @!p0 $0x1C01  }
0x145: {  	[timem:s3], [sflag:s2] =	dma.local @!p0 [hbm:s0], s1  }
0x146: {  	s0 =	simm.s32 @!p0 $0x1  }
0x147: {  	_ =	swait.ge @!p0 [sflag:s0], s1  }
0x148: {  	s1 =	ssub.s32 @!p0 $0x0, s1;
	[sflag:s0] =	ssyncset.done @!p0 $0x0  }
0x149: {  	[sflag:s0] =	ssyncadd.s32 @!p0 s1  }
0x14a: {  	[bflag:$0x3] =	sbarrier.arrive $0xFFFF  }
0x14b: {  	_ =	shalt  }

// kernel: kernel.13.cloned.1.call-start
scs
__scs_entry_jumppad:
0x0: {  	(pc) =	sbr.rel $0x88, $3  }
0x1: {  	(tag) =	ssettag $0x0;
	lr =	simm.s32 $0x1  }
0x2: {  	[smem:$0x3F9B] =	sst lr;
	_ =	strace $0xD0000000  }
0x3: {  	_ = 	snop  }
0x4: {  	_ = 	snop  }
0x5: {  	_ = 	snop  }
0x6: {  	_ = 	snop  }
0x7: {  	_ = 	snop  }
__scs_overlays_trampoline_lowered:
0x8: {  	[smem:$0x3FAA] =	sst s0  }
0x9: {  	[smem:$0x3FAB] =	sst s1  }
0xa: {  	[smem:$0x3FAC] =	sst s2  }
0xb: {  	[smem:$0x3FAD] =	sst s3  }
0xc: {  	[smem:$0x3FAE] =	sst s4  }
0xd: {  	[smem:$0x3FAF] =	sst s5  }
0xe: {  	[smem:$0x3FB0] =	sst s6  }
0xf: {  	[smem:$0x3FB1] =	sst s7  }
0x10: {  	[smem:$0x3FB2] =	sst s8  }
0x11: {  	[smem:$0x3FB3] =	sst s9;
	s0 =	simm.s32 @!p0 $0x0  }
0x12: {  	s1 =	sld [smem:$0x3F99];
	s0 =	simm.s32 @p0 $0x1  }
0x13: {  	[smem:$0x3FB4] =	sst s0;
	s0 =	simm.s32 @!p1 $0x0  }
0x14: {  	s2 =	sld [smem:$0x3F98];
	s0 =	simm.s32 @p1 $0x1  }
0x15: {  	[smem:$0x3FB5] =	sst s0;
	s0 =	simm.s32 @!p2 $0x0  }
0x16: {  	s3 =	sld [smem:$0x3FDB];
	s0 =	simm.s32 @p2 $0x1  }
0x17: {  	s4 =	simm.s32 $0x1BF5;
	[smem:$0x3FB7] =	sst s0  }
0x18: {  	s0 =	sld [smem:$0x3F9A];
	_ =	swait.ge [sflag:s4], $0x0  }
0x19: {  	s7 =	sld [smem:$0x3F9B]  }
0x1a: {  	s8 =	sadd.s32 $0xFFFFE003, lr  }
0x1b: {  	s9 =	sadd.s32 $0xFFFFFEF7, lr;
	s5 =	simm.s32 $0xFFFFFFFF;
	p2 =	slt.u32 s8, $0xFFFFF086  }
0x1c: {  	p1 =	slt.u32 s9, $0xF7A;
	s5 =	simm.s32 @!p2 $0x0  }
0x1d: {  	s5 =	simm.s32 @p1 $0x1;
	p0 =	seq.s32 s7, s2  }
0x1e: {  	s7 =	smul.u32 @!p0 $0xF7A, s2;
	p2 =	seq.s32 @!p0 s5, $0x0  }
0x1f: {  	s9 =	smul.u32 $0xF7A, s1;
	s8 =	simm.s32 @!p0 $0x1BF5;
	p2 =	por !p2, p0  }
0x20: {  	[sflag:s8] =	ssyncset.s32 @!p0 $0xFFFFF086;
	s6 =	sadd.s32 @!p0 s3, s7;
	s7 =	simm.s32 @!p0 $0x108  }
0x21: {  	s3 =	sadd.s32 s3, s9;
	s6 =	sadd.s32 @!p0 $0x88, s6;
	s7 =	simm.s32 @p2 $0x1082  }
0x22: {  	[simem:s7], [sflag:s8] =	dma.local @!p0 [hbm:s6], $0xF7A  }
0x23: {  	s9 =	sor.u32 $0xD0000000, s2;
	s6 =	simm.s32 $0x108;
	_ =	swait.ge @!p0 [sflag:s8], $0x0  }
0x24: {  	s3 =	sadd.s32 $0x88, s3;
	s6 =	simm.s32 @!p1 $0x1082;
	[sflag:s4] =	ssyncset.s32 $0xFFFFF086  }
0x25: {  	[simem:s6], [sflag:s4] =	dma.local [hbm:s3], $0xF7A  }
0x26: {  	[smem:$0x3F9B] =	sst s1;
	(tag) =	ssettag s2;
	_ =	strace s9  }
0x27: {  	s1 =	sld [smem:$0x3FAB]  }
0x28: {  	s2 =	sld [smem:$0x3FAC]  }
0x29: {  	s4 =	sld [smem:$0x3FAE]  }
0x2a: {  	p0 =	seq.s32 s5, $0x0;
	s5 =	sld [smem:$0x3FAF]  }
0x2b: {  	s6 =	sld [smem:$0x3FB0]  }
0x2c: {  	s7 =	sld [smem:$0x3FB1]  }
0x2d: {  	s3 =	simm.s32 $0x108;
	s8 =	sld [smem:$0x3FB2]  }
0x2e: {  	s3 =	simm.s32 @!p0 $0x1082;
	s9 =	sld [smem:$0x3FB3]  }
0x2f: {  	lr =	sadd.s32 s0, s3;
	s0 =	sld [smem:$0x3FAA]  }
0x30: {  	s3 =	sld [smem:$0x3FAD]  }
0x31: {  	[smem:$0x3FB6] =	sst s10  }
0x32: {  	s10 =	sld [smem:$0x3FB4];
	_ =	sdelay $0x3  }
0x33: {  	p0 =	seq.s32 s10, $0x1;
	s10 =	sld [smem:$0x3FB6];
	_ =	sdelay $0x3  }
0x34: {  	[smem:$0x3FB6] =	sst s10  }
0x35: {  	s10 =	sld [smem:$0x3FB5];
	_ =	sdelay $0x3  }
0x36: {  	p1 =	seq.s32 s10, $0x1;
	s10 =	sld [smem:$0x3FB6];
	_ =	sdelay $0x3  }
0x37: {  	[smem:$0x3FB6] =	sst s10  }
0x38: {  	s10 =	sld [smem:$0x3FB7]  }
0x39: {  	_ = 	snop;
	(pc) =	sbr.ind lr, $3  }
0x3a: {  	_ = 	snop  }
0x3b: {  	_ = 	snop  }
0x3c: {  	p2 =	seq.s32 s10, $0x1;
	s10 =	sld [smem:$0x3FB6]  }
0x3d: {  	_ =	shalt  }
0x3e: {  	_ =	shalt  }
0x3f: {  	_ =	shalt  }
0x40: {  	_ =	shalt  }
0x41: {  	_ =	shalt  }
0x42: {  	_ =	shalt  }
0x43: {  	_ =	shalt  }
0x44: {  	_ =	shalt  }
0x45: {  	_ =	shalt  }
0x46: {  	_ =	shalt  }
0x47: {  	_ =	shalt  }
0x48: {  	_ =	shalt  }
0x49: {  	_ =	shalt  }
0x4a: {  	_ =	shalt  }
0x4b: {  	_ =	shalt  }
0x4c: {  	_ =	shalt  }
0x4d: {  	_ =	shalt  }
0x4e: {  	_ =	shalt  }
0x4f: {  	_ =	shalt  }
0x50: {  	_ =	shalt  }
0x51: {  	_ =	shalt  }
0x52: {  	_ =	shalt  }
0x53: {  	_ =	shalt  }
0x54: {  	_ =	shalt  }
0x55: {  	_ =	shalt  }
0x56: {  	_ =	shalt  }
0x57: {  	_ =	shalt  }
0x58: {  	_ =	shalt  }
0x59: {  	_ =	shalt  }
0x5a: {  	_ =	shalt  }
0x5b: {  	_ =	shalt  }
0x5c: {  	_ =	shalt  }
0x5d: {  	_ =	shalt  }
0x5e: {  	_ =	shalt  }
0x5f: {  	_ =	shalt  }
0x60: {  	_ =	shalt  }
0x61: {  	_ =	shalt  }
0x62: {  	_ =	shalt  }
0x63: {  	_ =	shalt  }
0x64: {  	_ =	shalt  }
0x65: {  	_ =	shalt  }
0x66: {  	_ =	shalt  }
0x67: {  	_ =	shalt  }
0x68: {  	_ =	shalt  }
0x69: {  	_ =	shalt  }
0x6a: {  	_ =	shalt  }
0x6b: {  	_ =	shalt  }
0x6c: {  	_ =	shalt  }
0x6d: {  	_ =	shalt  }
0x6e: {  	_ =	shalt  }
0x6f: {  	_ =	shalt  }
0x70: {  	_ =	shalt  }
0x71: {  	_ =	shalt  }
0x72: {  	_ =	shalt  }
0x73: {  	_ =	shalt  }
0x74: {  	_ =	shalt  }
0x75: {  	_ =	shalt  }
0x76: {  	_ =	shalt  }
0x77: {  	_ =	shalt  }
0x78: {  	_ =	shalt  }
0x79: {  	_ =	shalt  }
0x7a: {  	_ =	shalt  }
0x7b: {  	_ =	shalt  }
0x7c: {  	_ =	shalt  }
0x7d: {  	_ =	shalt  }
0x7e: {  	_ =	shalt  }
0x7f: {  	_ =	shalt  }
0x80: {  	_ =	shalt  }
0x81: {  	_ =	shalt  }
0x82: {  	_ =	shalt  }
0x83: {  	_ =	shalt  }
0x84: {  	_ =	shalt  }
0x85: {  	_ =	shalt  }
0x86: {  	_ =	shalt  }
0x87: {  	_ =	shalt  }
.Lfunc_end0:
.L_simem_size_0:
called_computation.1_lowered:
.L_overlay_start_0:
0x88: {  	s2 =	sld [smem:$0x3FD9]  }
0x89: {  	s3 =	sld [smem:$0x3FFE];
	_ =	sdelay $0x1  }
0x8a: {  	s1 =	srdreg.scid  }
0x8b: {  	s0 =	sand.u32 $0x1, s1  }
0x8c: {  	s14 =	sshll.u32 s0, $0xA;
	s2 =	sadd.s32 s3, s2  }
0x8d: {  	s2 =	sadd.s32 s2, s14  }
0x8e: {  	[smem:$0x3FC2] =	sst s2  }
0x8f: {  	_ = 	snop  }
0x90: {  	s2 =	sld [smem:$0x3FD0];
	_ =	sdelay $0x2  }
0x91: {  	s15 =	simm.s32 $0xA;
	s4 =	simm.s32 $0x10  }
0x92: {  	[smem:s4], [sflag:s15] =	dma.local [hbm:s2], $0x1  }
0x93: {  	_ =	swait.eq [sflag:s15], $0x1  }
0x94: {  	[sflag:s15] =	ssyncset.done $0x0  }
0x95: {  	s16 =	sld [smem:$0x10];
	[sflag:s15] =	ssyncadd.s32 $0xFFFFFFFF  }
0x96: {  	s17 =	sld [smem:$0x11];
	(tm) =	ssettm $0x1  }
0x97: {  	s18 =	sld [smem:$0x3FFB];
	_ =	sdelay $0x3  }
0x98: {  	_ =	strace s18  }
0x99: {  	s4 =	sld [smem:$0x3FFC];
	_ =	sdelay $0x3  }
0x9a: {  	_ =	strace s4  }
0x9b: {  	s4 =	sld [smem:$0x3FFD];
	_ =	sdelay $0x3  }
0x9c: {  	_ =	strace s4  }
0x9d: {  	_ =	strace $0x8FFFFFFF  }
0x9e: {  	s19 =	sld [smem:$0x3FDB];
	_ =	sdelay $0x1  }
0x9f: {  	s5 =	simm.s32 $_scs_section_size  }
0xa0: {  	s6 =	simm.s32 $_size__tile_overlayer_lowered;
	s7 =	simm.s32 $_tile_overlayer_lowered  }
0xa1: {  	s22 =	simm.s32 $0x1BFF;
	s21 =	sshll.u32 s7, $0x1;
	s4 =	sadd.s32 s5, s19  }
0xa2: {  	s8 =	simm.s32 $0x0;
	s20 =	sshll.u32 s6, $0x1;
	s6 =	sadd.s32 s21, s4  }
0xa3: {  	[timem:s8], [sflag:s22] =	dma.local [hbm:s6], s20  }
0xa4: {  	_ =	swait.ge [sflag:s22], s20  }
0xa5: {  	s5 =	ssub.s32 $0x0, s20;
	[sflag:s22] =	ssyncset.done $0x0  }
0xa6: {  	[sflag:s22] =	ssyncadd.s32 s5;
	_ =	sdelay $0x1  }
0xa7: {  	s23 =	simm.s32 $0x1B8B  }
0xa8: {  	_ =	swait.ge [sflag:s23], $0x1  }
0xa9: {  	[sflag:s23] =	ssyncset.done $0x0  }
0xaa: {  	s25 =	simm.s32 $0x1B8E;
	s24 =	sld [smem:$0x3FFE];
	[sflag:s23] =	ssyncadd.s32 $0xFFFFFFFF  }
0xab: {  	s26 =	simm.s32 $execute0_lowered;
	[smem:$0x3FD2] =	sst s25  }
0xac: {  	s6 =	sshll.u32 s26, $0x1;
	_ =	strace $0x80000049;
	[dreg:$0x1] =	wrdreg $0xFFFFFFFF  }
0xad: {  	s28 =	simm.s32 $_size_execute0_lowered;
	s4 =	sadd.s32 s4, s6;
	[dreg:$0x0] =	wrdreg $0x0  }
0xae: {  	s6 =	sshll.u32 s28, $0x1;
	[dreg:$0x2] =	wrdreg s4  }
0xaf: {  	[dreg:$0x3] =	wrdreg s6  }
0xb0: {  	[dreg:$0x4] =	wrdreg $0xC0  }
0xb1: {  	_ =	task [dreg:s8], $0x5FFFF  }
0xb2: {  	[dreg:$0x1] =	wrdreg $0xFFFFFFFF  }
0xb3: {  	[dreg:$0x0] =	wrdreg $0x60  }
0xb4: {  	[dreg:$0x2] =	wrdreg s17  }
0xb5: {  	[dreg:$0x3] =	wrdreg s24  }
0xb6: {  	[dreg:$0x4] =	wrdreg s16  }
0xb7: {  	[dreg:$0x5] =	wrdreg $0x90000  }
0xb8: {  	[dreg:$0x6] =	wrdreg $0x9  }
0xb9: {  	_ =	task.clear_ibuf [dreg:s8], $0x7FFFF;
	_ =	strace $0x90000049  }
0xba: {  	s29 =	simm.s32 $0x9;
	_ =	strace $0x8000004B  }
0xbb: {  	_ =	swait.ge [sflag:s29], $0x1  }
0xbc: {  	[sflag:s29] =	ssyncadd.s32 $0xFFFFFFFF  }
0xbd: {  	_ =	strace $0x9000004B  }
0xbe: {  	_ =	sfence  }
0xbf: {  	s30 =	sld [smem:$0x0];
	_ =	sdelay $0x2  }
0xc0: {  	s31 =	sshll.u32 s1, $0xD;
	s1 =	sshrl.u32 s1, $0x2  }
0xc1: {  	s3 =	sand.u32 $0x4000, s31;
	s1 =	sadd.s32 s1, s30  }
0xc2: {  	s0 =	sor.u32 s3, s0;
	s1 =	sshll.u32 s1, $0x11  }
0xc3: {  	s0 =	sor.u32 s1, s0  }
0xc4: {  	s0 =	sadd.s32 $0x8F2B, s0  }
0xc5: {  	[sflag:s0] =	ssyncadd.remote.s32 $0x1  }
0xc6: {  	_ =	sfence.sel $0xFFFF  }
0xc7: {  	[dreg:$0x0] =	wrdreg $0xFFFFFFFF;
	(pc) =	sbr.abs _section_cstart, $3  }
0xc8: {  	[dreg:$0x1] =	wrdreg $0xFFFFFFFF  }
0xc9: {  	_ =	task.clear_ibuf [dreg:s8], $0x2FFFF;
	_ =	strace $0x9FFFFFFF  }
0xca: {  	(tm) =	ssettm $0x7FFFFFFF  }
0xcb: {  	_ =	shalt  }
tec
execute0_lowered:
.L_overlay_start_1:
0x0: {  	(tag) =	ssettag $0x1  }
0x1: {  	s1 =	rddreg [dreg:$0x0]  }
0x2: {  	s0 =	rddreg [dreg:$0x1]  }
0x3: {  	s2 =	rddreg [dreg:$0x2]  }
0x4: {  	s3 =	rddreg [dreg:$0x3];
	s12 =	stileid.u32  }
0x5: {  	s5 =	srdreg.scid;
	s4 =	simm.s32 $0x0;
	s15 =	simm.s32 $0x1000  }
0x6: {  	s16 =	simm.s32 $0x5;
	s17 =	simm.s32 $0x800;
	s6 =	smul.u32 $0xA00, s12  }
0x7: {  	s28 =	simm.s32 $0x200;
	s29 =	simm.s32 $0x980;
	s18 =	smul.u32 $0x2800, s12  }
0x8: {  	s30 =	simm.s32 $0x280;
	s31 =	simm.s32 $0xA00;
	s10 =	smul.u32 $0x50000, s12  }
0x9: {  	s7 =	sand.u32 $0x1, s5;
	[smem:$0x7FF] =	sst s4;
	s21 =	smul.u32 $0xA0, s12  }
0xa: {  	s9 =	sadd.s32 $0x3600, s0;
	s8 =	smul.u32 $0x28000, s7;
	_ =	strace $0x8000004A  }
0xb: {  	s19 =	ssub.s32 $0x2, s7;
	p0 =	seq.s32 s7, $0x1;
	s11 =	sadd.s32 s6, s0  }
0xc: {  	s20 =	sshrl.u32 s19, $0x1;
	s10 =	sshrl.u32 s10, $0x2;
	[dreg:$0x5] =	wrdreg s21  }
0xd: {  	s9 =	smov.u32 @p0 s2;
	s21 =	simm.s32 $0x3;
	s2 =	simm.s32 $0xA80  }
0xe: {  	s5 =	sadd.s32 s18, s8;
	s8 =	ssub.s32 s19, s20;
	s13 =	sadd.s32 $0xD600, s11  }
0xf: {  	s14 =	sadd.s32 s6, s9;
	s18 =	simm.s32 $0x80;
	s19 =	simm.s32 $0x5000  }
0x10: {  	s20 =	simm.s32 $0x1;
	s0 =	sadd.s32 s5, s0;
	s22 =	smax.u32 s8, $0x1  }
0x11: {  	s5 =	sadd.s32 s10, s3;
	s0 =	sadd.s32 $0x17600, s0;
	[dreg:$0x7] =	wrdreg s22  }
0x12: {  	s8 =	simm.s32 $0xB00;
	s23 =	sadd.s32 $0x4000, s5;
	[dreg:$0x6] =	wrdreg s0  }
.Ltmp0:
0x13: {  	s24 =	sadd.s32 $0x8000, s5;
	[dreg:$0x8] =	wrdreg s23;
	(pc) =	sbr.rel .LBB2_1-.Ltmp0, $4  }
0x14: {  	s10 =	simm.s32 $0x0;
	s25 =	sadd.s32 $0xC000, s5;
	[dreg:$0x9] =	wrdreg s24  }
0x15: {  	s26 =	sadd.s32 $0x10000, s5;
	s22 =	simm.s32 $0x2;
	[dreg:$0xa] =	wrdreg s25  }
0x16: {  	[dreg:$0xb] =	wrdreg s26;
	s23 =	simm.s32 $0x880;
	s24 =	simm.s32 $0x4  }
0x17: {  	v0 =	vimm.f32 $0.0e+00;
	s25 =	simm.s32 $0x180;
	s26 =	simm.s32 $0x900;
	s0 =	simm.s32 $0x300  }
.LBB2_47:
0x18: {  	s6 =	stileid.u32  }
0x19: {  	[bflag:$0x0] =	sbarrier.arrive $0xFFFF;
	s6 =	sshll.u32 s6, $0x6  }
0x1a: {  	s7 =	sshrl.u32 s5, $0x3;
	s9 =	rddreg [dreg:$0x6];
	s6 =	sor.u32 $0x1C05, s6  }
0x1b: {  	[hbm:s9], [sflag:s6] =	dma.local [spmem:s7], $0x2800  }
0x1c: {  	_ =	swait.ge [sflag:s16], $0x2800  }
0x1d: {  	s10 =	sadd.s32 $0x1, s10;
	s12 =	rddreg [dreg:$0x7]  }
0x1e: {  	p0 =	sne.s32 s10, s12  }
.Ltmp1:
0x1f: {  	_ = 	snop;
	(pc) =	sbr.rel @!p0 .LBB2_48-.Ltmp1, $3  }
0x20: {  	_ =	sdelay $0x1  }
0x21: {  	[sflag:s16] =	ssyncset.done $0x0  }
0x22: {  	[sflag:s16] =	ssyncadd.s32 $0xFFFFD800  }
.LBB2_1:
0x23: {  	s11 =	simm.s32 $0x0;
	s12 =	simm.s32 $0x200  }
.LBB2_2:
0x24: {  	p0 =	sne.s32 s12, $0xFE00;
	[tilespmem:s11+$0x1070] =	vst v0  }
0x25: {  	[tilespmem:s11+$0x1000] =	vst v0  }
0x26: {  	[tilespmem:s11+$0x1010] =	vst v0  }
.Ltmp2:
0x27: {  	[tilespmem:s11+$0x1020] =	vst v0;
	(pc) =	sbr.rel @p0 .LBB2_2-.Ltmp2, $4  }
0x28: {  	[tilespmem:s11+$0x1030] =	vst v0  }
0x29: {  	[tilespmem:s11+$0x1040] =	vst v0  }
0x2a: {  	[tilespmem:s11+$0x1050] =	vst v0  }
0x2b: {  	[tilespmem:s11+$0x1060] =	vst v0;
	s11 =	sshra.s32 s12, $0x2;
	s12 =	sadd.s32 $0x200, s12  }
0x2c: {  	[tilespmem:s11+$0x1070] =	vst v0  }
0x2d: {  	[tilespmem:s11+$0x1000] =	vst v0  }
0x2e: {  	[tilespmem:s11+$0x1010] =	vst v0  }
0x2f: {  	[tilespmem:s11+$0x1020] =	vst v0  }
0x30: {  	[tilespmem:s11+$0x1030] =	vst v0  }
0x31: {  	[tilespmem:s11+$0x1040] =	vst v0  }
0x32: {  	[tilespmem:s11+$0x1050] =	vst v0  }
0x33: {  	[tilespmem:s11+$0x1060] =	vst v0  }
0x34: {  	[spmem:s5] =	stream.linear.scatter [tilespmem:s15], [sflag:$0x5], $0x4000, $0x38;
	[tilespmem:$0x1D000] =	vst v63  }
0x35: {  	_ =	swait.ge [sflag:s16], $0x4000  }
0x36: {  	[sflag:s16] =	ssyncset.done $0x0  }
0x37: {  	s6 =	rddreg [dreg:$0x8];
	[sflag:s16] =	ssyncadd.s32 $0xFFFFC000  }
0x38: {  	[spmem:s6] =	stream.linear.scatter [tilespmem:s15], [sflag:$0x5], $0x4000, $0x38;
	[tilespmem:$0x1D000] =	vst v63  }
0x39: {  	_ =	swait.ge [sflag:s16], $0x4000  }
0x3a: {  	[sflag:s16] =	ssyncset.done $0x0  }
0x3b: {  	s9 =	rddreg [dreg:$0x9];
	[sflag:s16] =	ssyncadd.s32 $0xFFFFC000  }
0x3c: {  	[spmem:s9] =	stream.linear.scatter [tilespmem:s15], [sflag:$0x5], $0x4000, $0x38;
	[tilespmem:$0x1D000] =	vst v63  }
0x3d: {  	_ =	swait.ge [sflag:s16], $0x4000  }
0x3e: {  	[sflag:s16] =	ssyncset.done $0x0  }
0x3f: {  	s11 =	rddreg [dreg:$0xa];
	[sflag:s16] =	ssyncadd.s32 $0xFFFFC000  }
0x40: {  	[spmem:s11] =	stream.linear.scatter [tilespmem:s15], [sflag:$0x5], $0x4000, $0x38;
	[tilespmem:$0x1D000] =	vst v63  }
0x41: {  	_ =	swait.ge [sflag:s16], $0x4000  }
0x42: {  	[sflag:s16] =	ssyncset.done $0x0  }
0x43: {  	s12 =	rddreg [dreg:$0xb];
	[sflag:s16] =	ssyncadd.s32 $0xFFFFC000  }
0x44: {  	[spmem:s12] =	stream.linear.scatter [tilespmem:s15], [sflag:$0x5], $0x4000, $0x38;
	[tilespmem:$0x1D000] =	vst v63  }
.Ltmp3:
0x45: {  	_ =	swait.ge [sflag:s16], $0x4000;
	(pc) =	sbr.rel .LBB2_4-.Ltmp3, $4  }
0x46: {  	[sflag:s16] =	ssyncset.done $0x0  }
0x47: {  	[sflag:s16] =	ssyncadd.s32 $0xFFFFC000  }
0x48: {  	[bflag:$0x0] =	sbarrier.arrive $0xFFFF  }
0x49: {  	s11 =	simm.s32 $0x0;
	s12 =	rddreg [dreg:$0x5]  }
.LBB2_42:
0x4a: {  	s6 =	simm.s32 $0x780  }
0x4b: {  	[tilespmem:s19], [sflag:$0x2] =	stream.indirect.gather [hbm4b:s1+s18], $0x80, s6, s18, $0xb8;
	[tilespmem:$0x1D000] =	vst v63  }
0x4c: {  	_ =	swait.ge [sflag:s20], $0x4000  }
0x4d: {  	[sflag:s20] =	ssyncset.done $0x0  }
0x4e: {  	s7 =	simm.s32 $0xF00;
	[sflag:s20] =	ssyncadd.s32 $0xFFFFC000  }
0x4f: {  	[spmem:s3] =	stream.indirect.scatter.add.f32 [tilespmem:s15], [sflag:$0x3], $0x80, s7, s18, $0xb8;
	[tilespmem:$0x1D000] =	vst v63  }
0x50: {  	_ =	swait.ge [sflag:s22], $0x4000  }
0x51: {  	[sflag:s22] =	ssyncset.done $0x0  }
0x52: {  	s9 =	simm.s32 $0xF80;
	[sflag:s22] =	ssyncadd.s32 $0xFFFFC000  }
0x53: {  	[spmem:s3] =	stream.indirect.scatter.add.f32 [tilespmem:s19], [sflag:$0x4], $0x80, s9, s18, $0xb8;
	[tilespmem:$0x1D000] =	vst v63  }
0x54: {  	_ =	swait.ge [sflag:s21], $0x4000  }
0x55: {  	[sflag:s21] =	ssyncset.done $0x0  }
0x56: {  	s6 =	simm.s32 $0x4;
	[sflag:s21] =	ssyncadd.s32 $0xFFFFC000  }
.LBB2_45:
0x57: {  	_ =	swait.ge [sflag:s6], $0x4000  }
0x58: {  	[sflag:s6] =	ssyncset.done $0x0  }
0x59: {  	[sflag:s6] =	ssyncadd.s32 $0xFFFFC000  }
.LBB2_46:
0x5a: {  	s11 =	sadd.s32 $0x100, s11  }
0x5b: {  	p0 =	sne.s32 s11, $0xA00  }
.Ltmp4:
0x5c: {  	_ = 	snop;
	(pc) =	sbr.rel @!p0 .LBB2_47-.Ltmp4, $2  }
0x5d: {  	_ =	sdelay $0x2  }
0x5e: {  	s12 =	sadd.s32 $0x10, s12  }
.LBB2_4:
0x5f: {  	p0 =	sgt.u32 s12, $0x9C3  }
.Ltmp5:
0x60: {  	_ = 	snop;
	(pc) =	sbr.rel @p0 .LBB2_46-.Ltmp5, $1  }
0x61: {  	_ =	sdelay $0x3  }
0x62: {  	s6 =	sadd.s32 s11, s14  }
0x63: {  	[tilespmem:s4], [sflag:$0x5] =	stream.linear.gather [hbm4b:s6+s4], $0x800, $0x38;
	[tilespmem:$0x1D000] =	vst v63  }
0x64: {  	_ =	swait.ge [sflag:s16], $0x800  }
0x65: {  	[sflag:s16] =	ssyncset.done $0x0  }
0x66: {  	s9 =	sadd.s32 s11, s13;
	[sflag:s16] =	ssyncadd.s32 $0xFFFFF800  }
0x67: {  	[tilespmem:s17], [sflag:$0x5] =	stream.linear.gather [hbm4b:s9+s4], $0x800, $0x38;
	[tilespmem:$0x1D000] =	vst v63  }
0x68: {  	_ =	swait.ge [sflag:s16], $0x800  }
0x69: {  	[sflag:s16] =	ssyncset.done $0x0  }
0x6a: {  	[sflag:s16] =	ssyncadd.s32 $0xFFFFF800  }
0x6b: {  	[tilespmem:s15], [sflag:$0x1] =	stream.indirect.gather [hbm4b:s1+s18], $0x80, s4, s18, $0xb8;
	[tilespmem:$0x1D000] =	vst v63  }
0x6c: {  	_ = 	snop  }
0x6d: {  	[tilespmem:s19], [sflag:$0x2] =	stream.indirect.gather [hbm4b:s1+s18], $0x80, s18, s18, $0xb8;
	[tilespmem:$0x1D000] =	vst v63  }
0x6e: {  	_ =	swait.ge [sflag:s20], $0x4000  }
0x6f: {  	[sflag:s20] =	ssyncset.done $0x0  }
0x70: {  	[sflag:s20] =	ssyncadd.s32 $0xFFFFC000  }
0x71: {  	[spmem:s3] =	stream.indirect.scatter.add.f32 [tilespmem:s15], [sflag:$0x3], $0x80, s17, s18, $0xb8;
	[tilespmem:$0x1D000] =	vst v63  }
0x72: {  	p1 =	sgt.u32 s12, $0x9C1;
	_ =	swait.ge [sflag:s21], $0x4000  }
0x73: {  	s6 =	simm.s32 @!p1 $0x80;
	[sflag:s21] =	ssyncset.done $0x0  }
0x74: {  	s7 =	simm.s32 @!p1 $0x100;
	s9 =	simm.s32 @!p1 $0x1000;
	[sflag:s21] =	ssyncadd.s32 $0xFFFFC000  }
0x75: {  	[tilespmem:s9], [sflag:$0x1] =	stream.indirect.gather @!p1 [hbm4b:s1+s6], $0x80, s7, s6, $0xb8;
	[tilespmem:$0x1D000] =	vst v63  }
0x76: {  	_ =	swait.ge [sflag:s22], $0x4000  }
0x77: {  	p0 =	sgt.u32 s12, $0x9C0;
	[sflag:s22] =	ssyncset.done $0x0  }
.Ltmp6:
0x78: {  	[sflag:s22] =	ssyncadd.s32 $0xFFFFC000;
	(pc) =	sbr.rel @p0 .LBB2_7-.Ltmp6, $4  }
0x79: {  	[spmem:s3] =	stream.indirect.scatter.add.f32 [tilespmem:s19], [sflag:$0x4], $0x80, s23, s18, $0xb8;
	[tilespmem:$0x1D000] =	vst v63  }
0x7a: {  	_ =	swait.ge [sflag:s24], $0x4000  }
0x7b: {  	[sflag:s24] =	ssyncset.done $0x0  }
0x7c: {  	[sflag:s24] =	ssyncadd.s32 $0xFFFFC000  }
.Ltmp7:
0x7d: {  	(pc) =	sbr.rel .LBB2_8-.Ltmp7, $2  }
0x7e: {  	_ =	sdelay $0x2  }
0x7f: {  	[tilespmem:s19], [sflag:$0x2] =	stream.indirect.gather [hbm4b:s1+s18], $0x80, s25, s18, $0xb8;
	[tilespmem:$0x1D000] =	vst v63  }
.LBB2_7:
.Ltmp8:
0x80: {  	(pc) =	sbr.rel @p1 .LBB2_46-.Ltmp8, $1  }
0x81: {  	_ =	sdelay $0x3  }
.LBB2_8:
0x82: {  	_ =	swait.ge [sflag:s20], $0x4000  }
0x83: {  	p1 =	sgt.u32 s12, $0x9BF;
	[sflag:s20] =	ssyncset.done $0x0  }
.Ltmp9:
0x84: {  	[sflag:s20] =	ssyncadd.s32 $0xFFFFC000;
	(pc) =	sbr.rel @p1 .LBB2_10-.Ltmp9, $4  }
0x85: {  	[spmem:s3] =	stream.indirect.scatter.add.f32 [tilespmem:s15], [sflag:$0x3], $0x80, s26, s18, $0xb8;
	[tilespmem:$0x1D000] =	vst v63  }
0x86: {  	_ =	swait.ge [sflag:s21], $0x4000  }
0x87: {  	[sflag:s21] =	ssyncset.done $0x0  }
0x88: {  	[sflag:s21] =	ssyncadd.s32 $0xFFFFC000  }
.Ltmp10:
0x89: {  	(pc) =	sbr.rel .LBB2_11-.Ltmp10, $2  }
0x8a: {  	_ =	sdelay $0x2  }
0x8b: {  	[tilespmem:s15], [sflag:$0x1] =	stream.indirect.gather [hbm4b:s1+s18], $0x80, s28, s18, $0xb8;
	[tilespmem:$0x1D000] =	vst v63  }
.LBB2_10:
.Ltmp11:
0x8c: {  	(pc) =	sbr.rel @p0 .LBB2_46-.Ltmp11, $1  }
0x8d: {  	_ =	sdelay $0x3  }
.LBB2_11:
0x8e: {  	_ =	swait.ge [sflag:s22], $0x4000  }
0x8f: {  	p0 =	sgt.u32 s12, $0x9BE;
	[sflag:s22] =	ssyncset.done $0x0  }
.Ltmp12:
0x90: {  	[sflag:s22] =	ssyncadd.s32 $0xFFFFC000;
	(pc) =	sbr.rel @p0 .LBB2_13-.Ltmp12, $4  }
0x91: {  	[spmem:s3] =	stream.indirect.scatter.add.f32 [tilespmem:s19], [sflag:$0x4], $0x80, s29, s18, $0xb8;
	[tilespmem:$0x1D000] =	vst v63  }
0x92: {  	_ =	swait.ge [sflag:s24], $0x4000  }
0x93: {  	[sflag:s24] =	ssyncset.done $0x0  }
0x94: {  	[sflag:s24] =	ssyncadd.s32 $0xFFFFC000  }
.Ltmp13:
0x95: {  	(pc) =	sbr.rel .LBB2_14-.Ltmp13, $2  }
0x96: {  	_ =	sdelay $0x2  }
0x97: {  	[tilespmem:s19], [sflag:$0x2] =	stream.indirect.gather [hbm4b:s1+s18], $0x80, s30, s18, $0xb8;
	[tilespmem:$0x1D000] =	vst v63  }
.LBB2_13:
.Ltmp14:
0x98: {  	(pc) =	sbr.rel @p1 .LBB2_46-.Ltmp14, $1  }
0x99: {  	_ =	sdelay $0x3  }
.LBB2_14:
0x9a: {  	_ =	swait.ge [sflag:s20], $0x4000  }
0x9b: {  	p1 =	sgt.u32 s12, $0x9BD;
	[sflag:s20] =	ssyncset.done $0x0  }
.Ltmp15:
0x9c: {  	[sflag:s20] =	ssyncadd.s32 $0xFFFFC000;
	(pc) =	sbr.rel @p1 .LBB2_16-.Ltmp15, $4  }
0x9d: {  	[spmem:s3] =	stream.indirect.scatter.add.f32 [tilespmem:s15], [sflag:$0x3], $0x80, s31, s18, $0xb8;
	[tilespmem:$0x1D000] =	vst v63  }
0x9e: {  	_ =	swait.ge [sflag:s21], $0x4000  }
0x9f: {  	[sflag:s21] =	ssyncset.done $0x0  }
0xa0: {  	[sflag:s21] =	ssyncadd.s32 $0xFFFFC000  }
.Ltmp16:
0xa1: {  	(pc) =	sbr.rel .LBB2_17-.Ltmp16, $2  }
0xa2: {  	_ =	sdelay $0x2  }
0xa3: {  	[tilespmem:s15], [sflag:$0x1] =	stream.indirect.gather [hbm4b:s1+s18], $0x80, s0, s18, $0xb8;
	[tilespmem:$0x1D000] =	vst v63  }
.LBB2_16:
.Ltmp17:
0xa4: {  	(pc) =	sbr.rel @p0 .LBB2_46-.Ltmp17, $1  }
0xa5: {  	_ =	sdelay $0x3  }
.LBB2_17:
0xa6: {  	_ =	swait.ge [sflag:s22], $0x4000  }
0xa7: {  	p0 =	sgt.u32 s12, $0x9BC;
	[sflag:s22] =	ssyncset.done $0x0  }
.Ltmp18:
0xa8: {  	[sflag:s22] =	ssyncadd.s32 $0xFFFFC000;
	(pc) =	sbr.rel @p0 .LBB2_19-.Ltmp18, $4  }
0xa9: {  	[spmem:s3] =	stream.indirect.scatter.add.f32 [tilespmem:s19], [sflag:$0x4], $0x80, s2, s18, $0xb8;
	[tilespmem:$0x1D000] =	vst v63  }
0xaa: {  	_ =	swait.ge [sflag:s24], $0x4000  }
0xab: {  	[sflag:s24] =	ssyncset.done $0x0  }
0xac: {  	[sflag:s24] =	ssyncadd.s32 $0xFFFFC000  }
.Ltmp19:
0xad: {  	(pc) =	sbr.rel .LBB2_20-.Ltmp19, $3  }
0xae: {  	_ =	sdelay $0x1  }
0xaf: {  	s6 =	simm.s32 $0x380  }
0xb0: {  	[tilespmem:s19], [sflag:$0x2] =	stream.indirect.gather [hbm4b:s1+s18], $0x80, s6, s18, $0xb8;
	[tilespmem:$0x1D000] =	vst v63  }
.LBB2_19:
.Ltmp20:
0xb1: {  	(pc) =	sbr.rel @p1 .LBB2_46-.Ltmp20, $1  }
0xb2: {  	_ =	sdelay $0x3  }
.LBB2_20:
0xb3: {  	_ =	swait.ge [sflag:s20], $0x4000  }
0xb4: {  	p1 =	sgt.u32 s12, $0x9BB;
	[sflag:s20] =	ssyncset.done $0x0  }
.Ltmp21:
0xb5: {  	[sflag:s20] =	ssyncadd.s32 $0xFFFFC000;
	(pc) =	sbr.rel @p1 .LBB2_22-.Ltmp21, $4  }
0xb6: {  	[spmem:s3] =	stream.indirect.scatter.add.f32 [tilespmem:s15], [sflag:$0x3], $0x80, s8, s18, $0xb8;
	[tilespmem:$0x1D000] =	vst v63  }
0xb7: {  	_ =	swait.ge [sflag:s21], $0x4000  }
0xb8: {  	[sflag:s21] =	ssyncset.done $0x0  }
0xb9: {  	[sflag:s21] =	ssyncadd.s32 $0xFFFFC000  }
.Ltmp22:
0xba: {  	(pc) =	sbr.rel .LBB2_23-.Ltmp22, $3  }
0xbb: {  	_ =	sdelay $0x1  }
0xbc: {  	s6 =	simm.s32 $0x400  }
0xbd: {  	[tilespmem:s15], [sflag:$0x1] =	stream.indirect.gather [hbm4b:s1+s18], $0x80, s6, s18, $0xb8;
	[tilespmem:$0x1D000] =	vst v63  }
.LBB2_22:
.Ltmp23:
0xbe: {  	(pc) =	sbr.rel @p0 .LBB2_46-.Ltmp23, $1  }
0xbf: {  	_ =	sdelay $0x3  }
.LBB2_23:
0xc0: {  	_ =	swait.ge [sflag:s22], $0x4000  }
0xc1: {  	p0 =	sgt.u32 s12, $0x9BA;
	[sflag:s22] =	ssyncset.done $0x0  }
.Ltmp24:
0xc2: {  	s6 =	simm.s32 $0xB80;
	[sflag:s22] =	ssyncadd.s32 $0xFFFFC000;
	(pc) =	sbr.rel @p0 .LBB2_25-.Ltmp24, $4  }
0xc3: {  	[spmem:s3] =	stream.indirect.scatter.add.f32 [tilespmem:s19], [sflag:$0x4], $0x80, s6, s18, $0xb8;
	[tilespmem:$0x1D000] =	vst v63  }
0xc4: {  	_ =	swait.ge [sflag:s24], $0x4000  }
0xc5: {  	[sflag:s24] =	ssyncset.done $0x0  }
0xc6: {  	[sflag:s24] =	ssyncadd.s32 $0xFFFFC000  }
.Ltmp25:
0xc7: {  	(pc) =	sbr.rel .LBB2_26-.Ltmp25, $3  }
0xc8: {  	_ =	sdelay $0x1  }
0xc9: {  	s6 =	simm.s32 $0x480  }
0xca: {  	[tilespmem:s19], [sflag:$0x2] =	stream.indirect.gather [hbm4b:s1+s18], $0x80, s6, s18, $0xb8;
	[tilespmem:$0x1D000] =	vst v63  }
.LBB2_25:
.Ltmp26:
0xcb: {  	(pc) =	sbr.rel @p1 .LBB2_46-.Ltmp26, $1  }
0xcc: {  	_ =	sdelay $0x3  }
.LBB2_26:
0xcd: {  	_ =	swait.ge [sflag:s20], $0x4000  }
0xce: {  	p1 =	sgt.u32 s12, $0x9B9;
	[sflag:s20] =	ssyncset.done $0x0  }
.Ltmp27:
0xcf: {  	s6 =	simm.s32 $0xC00;
	[sflag:s20] =	ssyncadd.s32 $0xFFFFC000;
	(pc) =	sbr.rel @p1 .LBB2_28-.Ltmp27, $4  }
0xd0: {  	[spmem:s3] =	stream.indirect.scatter.add.f32 [tilespmem:s15], [sflag:$0x3], $0x80, s6, s18, $0xb8;
	[tilespmem:$0x1D000] =	vst v63  }
0xd1: {  	_ =	swait.ge [sflag:s21], $0x4000  }
0xd2: {  	[sflag:s21] =	ssyncset.done $0x0  }
0xd3: {  	[sflag:s21] =	ssyncadd.s32 $0xFFFFC000  }
.Ltmp28:
0xd4: {  	(pc) =	sbr.rel .LBB2_29-.Ltmp28, $3  }
0xd5: {  	_ =	sdelay $0x1  }
0xd6: {  	s6 =	simm.s32 $0x500  }
0xd7: {  	[tilespmem:s15], [sflag:$0x1] =	stream.indirect.gather [hbm4b:s1+s18], $0x80, s6, s18, $0xb8;
	[tilespmem:$0x1D000] =	vst v63  }
.LBB2_28:
.Ltmp29:
0xd8: {  	(pc) =	sbr.rel @p0 .LBB2_46-.Ltmp29, $1  }
0xd9: {  	_ =	sdelay $0x3  }
.LBB2_29:
0xda: {  	_ =	swait.ge [sflag:s22], $0x4000  }
0xdb: {  	p0 =	sgt.u32 s12, $0x9B8;
	[sflag:s22] =	ssyncset.done $0x0  }
.Ltmp30:
0xdc: {  	s6 =	simm.s32 $0xC80;
	[sflag:s22] =	ssyncadd.s32 $0xFFFFC000;
	(pc) =	sbr.rel @p0 .LBB2_31-.Ltmp30, $4  }
0xdd: {  	[spmem:s3] =	stream.indirect.scatter.add.f32 [tilespmem:s19], [sflag:$0x4], $0x80, s6, s18, $0xb8;
	[tilespmem:$0x1D000] =	vst v63  }
0xde: {  	_ =	swait.ge [sflag:s24], $0x4000  }
0xdf: {  	[sflag:s24] =	ssyncset.done $0x0  }
0xe0: {  	[sflag:s24] =	ssyncadd.s32 $0xFFFFC000  }
.Ltmp31:
0xe1: {  	(pc) =	sbr.rel .LBB2_32-.Ltmp31, $3  }
0xe2: {  	_ =	sdelay $0x1  }
0xe3: {  	s6 =	simm.s32 $0x580  }
0xe4: {  	[tilespmem:s19], [sflag:$0x2] =	stream.indirect.gather [hbm4b:s1+s18], $0x80, s6, s18, $0xb8;
	[tilespmem:$0x1D000] =	vst v63  }
.LBB2_31:
.Ltmp32:
0xe5: {  	(pc) =	sbr.rel @p1 .LBB2_46-.Ltmp32, $1  }
0xe6: {  	_ =	sdelay $0x3  }
.LBB2_32:
0xe7: {  	_ =	swait.ge [sflag:s20], $0x4000  }
0xe8: {  	p1 =	sgt.u32 s12, $0x9B7;
	[sflag:s20] =	ssyncset.done $0x0  }
.Ltmp33:
0xe9: {  	s6 =	simm.s32 $0xD00;
	[sflag:s20] =	ssyncadd.s32 $0xFFFFC000;
	(pc) =	sbr.rel @p1 .LBB2_34-.Ltmp33, $4  }
0xea: {  	[spmem:s3] =	stream.indirect.scatter.add.f32 [tilespmem:s15], [sflag:$0x3], $0x80, s6, s18, $0xb8;
	[tilespmem:$0x1D000] =	vst v63  }
0xeb: {  	_ =	swait.ge [sflag:s21], $0x4000  }
0xec: {  	[sflag:s21] =	ssyncset.done $0x0  }
0xed: {  	[sflag:s21] =	ssyncadd.s32 $0xFFFFC000  }
.Ltmp34:
0xee: {  	(pc) =	sbr.rel .LBB2_35-.Ltmp34, $3  }
0xef: {  	_ =	sdelay $0x1  }
0xf0: {  	s6 =	simm.s32 $0x600  }
0xf1: {  	[tilespmem:s15], [sflag:$0x1] =	stream.indirect.gather [hbm4b:s1+s18], $0x80, s6, s18, $0xb8;
	[tilespmem:$0x1D000] =	vst v63  }
.LBB2_34:
.Ltmp35:
0xf2: {  	(pc) =	sbr.rel @p0 .LBB2_46-.Ltmp35, $1  }
0xf3: {  	_ =	sdelay $0x3  }
.LBB2_35:
0xf4: {  	_ =	swait.ge [sflag:s22], $0x4000  }
0xf5: {  	p0 =	sgt.u32 s12, $0x9B6;
	[sflag:s22] =	ssyncset.done $0x0  }
.Ltmp36:
0xf6: {  	s6 =	simm.s32 $0xD80;
	[sflag:s22] =	ssyncadd.s32 $0xFFFFC000;
	(pc) =	sbr.rel @p0 .LBB2_37-.Ltmp36, $4  }
0xf7: {  	[spmem:s3] =	stream.indirect.scatter.add.f32 [tilespmem:s19], [sflag:$0x4], $0x80, s6, s18, $0xb8;
	[tilespmem:$0x1D000] =	vst v63  }
0xf8: {  	_ =	swait.ge [sflag:s24], $0x4000  }
0xf9: {  	[sflag:s24] =	ssyncset.done $0x0  }
0xfa: {  	[sflag:s24] =	ssyncadd.s32 $0xFFFFC000  }
.Ltmp37:
0xfb: {  	(pc) =	sbr.rel .LBB2_38-.Ltmp37, $3  }
0xfc: {  	_ =	sdelay $0x1  }
0xfd: {  	s6 =	simm.s32 $0x680  }
0xfe: {  	[tilespmem:s19], [sflag:$0x2] =	stream.indirect.gather [hbm4b:s1+s18], $0x80, s6, s18, $0xb8;
	[tilespmem:$0x1D000] =	vst v63  }
.LBB2_37:
.Ltmp38:
0xff: {  	(pc) =	sbr.rel @p1 .LBB2_46-.Ltmp38, $1  }
0x100: {  	_ =	sdelay $0x3  }
.LBB2_38:
0x101: {  	_ =	swait.ge [sflag:s20], $0x4000  }
0x102: {  	p1 =	sgt.u32 s12, $0x9B5;
	[sflag:s20] =	ssyncset.done $0x0  }
.Ltmp39:
0x103: {  	s6 =	simm.s32 $0xE00;
	[sflag:s20] =	ssyncadd.s32 $0xFFFFC000;
	(pc) =	sbr.rel @p1 .LBB2_40-.Ltmp39, $4  }
0x104: {  	[spmem:s3] =	stream.indirect.scatter.add.f32 [tilespmem:s15], [sflag:$0x3], $0x80, s6, s18, $0xb8;
	[tilespmem:$0x1D000] =	vst v63  }
0x105: {  	_ =	swait.ge [sflag:s21], $0x4000  }
0x106: {  	[sflag:s21] =	ssyncset.done $0x0  }
0x107: {  	[sflag:s21] =	ssyncadd.s32 $0xFFFFC000  }
.Ltmp40:
0x108: {  	(pc) =	sbr.rel .LBB2_41-.Ltmp40, $3  }
0x109: {  	_ =	sdelay $0x1  }
0x10a: {  	s6 =	simm.s32 $0x700  }
0x10b: {  	[tilespmem:s15], [sflag:$0x1] =	stream.indirect.gather [hbm4b:s1+s18], $0x80, s6, s18, $0xb8;
	[tilespmem:$0x1D000] =	vst v63  }
.LBB2_40:
.Ltmp41:
0x10c: {  	(pc) =	sbr.rel @p0 .LBB2_46-.Ltmp41, $1  }
0x10d: {  	_ =	sdelay $0x3  }
.LBB2_41:
0x10e: {  	_ =	swait.ge [sflag:s22], $0x4000  }
0x10f: {  	p0 =	sgt.u32 s12, $0x9B4;
	[sflag:s22] =	ssyncset.done $0x0  }
.Ltmp42:
0x110: {  	s6 =	simm.s32 $0xE80;
	[sflag:s22] =	ssyncadd.s32 $0xFFFFC000;
	(pc) =	sbr.rel @!p0 .LBB2_42-.Ltmp42, $4  }
0x111: {  	[spmem:s3] =	stream.indirect.scatter.add.f32 [tilespmem:s19], [sflag:$0x4], $0x80, s6, s18, $0xb8;
	[tilespmem:$0x1D000] =	vst v63  }
0x112: {  	_ =	swait.ge [sflag:s24], $0x4000  }
0x113: {  	[sflag:s24] =	ssyncset.done $0x0  }
0x114: {  	[sflag:s24] =	ssyncadd.s32 $0xFFFFC000  }
.Ltmp43:
0x115: {  	(pc) =	sbr.rel @p1 .LBB2_46-.Ltmp43, $1  }
0x116: {  	_ =	sdelay $0x3  }
.Ltmp44:
0x117: {  	_ =	swait.ge [sflag:s20], $0x4000;
	(pc) =	sbr.rel .LBB2_45-.Ltmp44, $4  }
0x118: {  	[sflag:s20] =	ssyncset.done $0x0  }
0x119: {  	s6 =	simm.s32 $0xF00;
	[sflag:s20] =	ssyncadd.s32 $0xFFFFC000  }
0x11a: {  	[spmem:s3] =	stream.indirect.scatter.add.f32 [tilespmem:s15], [sflag:$0x3], $0x80, s6, s18, $0xb8;
	[tilespmem:$0x1D000] =	vst v63  }
0x11b: {  	s6 =	simm.s32 $0x3  }
.LBB2_48:
0x11c: {  	_ =	sfence.sel $0x180000  }
0x11d: {  	[bflag:$0x0] =	sbarrier.arrive $0xFFFF  }
0x11e: {  	_ =	strace $0x9000004A  }
0x11f: {  	s0 =	stileid.u32;
	[bflag:$0x2] =	sbarrier.arrive $0xFFFF  }
0x120: {  	p0 =	sne.s32 s0, $0x0;
	s0 =	rddreg [dreg:$0x4]  }
0x121: {  	s0 =	sadd.s32 @!p0 $0x100000, s0  }
0x122: {  	[sflag:s0] =	ssyncadd.tile.s32 @!p0 $0x1;
	_ =	shalt  }
.Lfunc_end2:
_tile_overlayer_lowered:
.L_overlay_start_2:
0x123: {  	(tag) =	ssettag $0x2  }
0x124: {  	s0 =	rddreg [dreg:$0x0];
	s2 =	stileid.u32  }
0x125: {  	s1 =	rddreg [dreg:$0x1];
	p0 =	sne.s32 s2, $0x0  }
0x126: {  	s3 =	rddreg [dreg:$0x2];
	[bflag:$0x3] =	sbarrier.arrive $0xFFFF;
	s2 =	simm.s32 @!p0 $0x1C05  }
0x127: {  	[timem:s3], [sflag:s2] =	dma.local @!p0 [hbm:s0], s1  }
0x128: {  	s0 =	simm.s32 @!p0 $0x5  }
0x129: {  	_ =	swait.ge @!p0 [sflag:s0], s1  }
0x12a: {  	s1 =	ssub.s32 @!p0 $0x0, s1;
	[sflag:s0] =	ssyncset.done @!p0 $0x0  }
0x12b: {  	[sflag:s0] =	ssyncadd.s32 @!p0 s1  }
0x12c: {  	[bflag:$0x3] =	sbarrier.arrive $0xFFFF  }
0x12d: {  	_ =	shalt  }

// kernel: kernel.16.cloned.1.call-start
scs
__scs_entry_jumppad:
0x0: {  	(pc) =	sbr.rel $0x88, $3  }
0x1: {  	(tag) =	ssettag $0x0;
	lr =	simm.s32 $0x1  }
0x2: {  	[smem:$0x3F9B] =	sst lr;
	_ =	strace $0xD0000000  }
0x3: {  	_ = 	snop  }
0x4: {  	_ = 	snop  }
0x5: {  	_ = 	snop  }
0x6: {  	_ = 	snop  }
0x7: {  	_ = 	snop  }
__scs_overlays_trampoline_lowered:
0x8: {  	[smem:$0x3FAA] =	sst s0  }
0x9: {  	[smem:$0x3FAB] =	sst s1  }
0xa: {  	[smem:$0x3FAC] =	sst s2  }
0xb: {  	[smem:$0x3FAD] =	sst s3  }
0xc: {  	[smem:$0x3FAE] =	sst s4  }
0xd: {  	[smem:$0x3FAF] =	sst s5  }
0xe: {  	[smem:$0x3FB0] =	sst s6  }
0xf: {  	[smem:$0x3FB1] =	sst s7  }
0x10: {  	[smem:$0x3FB2] =	sst s8  }
0x11: {  	[smem:$0x3FB3] =	sst s9;
	s0 =	simm.s32 @!p0 $0x0  }
0x12: {  	s1 =	sld [smem:$0x3F99];
	s0 =	simm.s32 @p0 $0x1  }
0x13: {  	[smem:$0x3FB4] =	sst s0;
	s0 =	simm.s32 @!p1 $0x0  }
0x14: {  	s2 =	sld [smem:$0x3F98];
	s0 =	simm.s32 @p1 $0x1  }
0x15: {  	[smem:$0x3FB5] =	sst s0;
	s0 =	simm.s32 @!p2 $0x0  }
0x16: {  	s3 =	sld [smem:$0x3FDB];
	s0 =	simm.s32 @p2 $0x1  }
0x17: {  	s4 =	simm.s32 $0x1BF5;
	[smem:$0x3FB7] =	sst s0  }
0x18: {  	s0 =	sld [smem:$0x3F9A];
	_ =	swait.ge [sflag:s4], $0x0  }
0x19: {  	s7 =	sld [smem:$0x3F9B]  }
0x1a: {  	s8 =	sadd.s32 $0xFFFFE003, lr  }
0x1b: {  	s9 =	sadd.s32 $0xFFFFFEF7, lr;
	s5 =	simm.s32 $0xFFFFFFFF;
	p2 =	slt.u32 s8, $0xFFFFF086  }
0x1c: {  	p1 =	slt.u32 s9, $0xF7A;
	s5 =	simm.s32 @!p2 $0x0  }
0x1d: {  	s5 =	simm.s32 @p1 $0x1;
	p0 =	seq.s32 s7, s2  }
0x1e: {  	s7 =	smul.u32 @!p0 $0xF7A, s2;
	p2 =	seq.s32 @!p0 s5, $0x0  }
0x1f: {  	s9 =	smul.u32 $0xF7A, s1;
	s8 =	simm.s32 @!p0 $0x1BF5;
	p2 =	por !p2, p0  }
0x20: {  	[sflag:s8] =	ssyncset.s32 @!p0 $0xFFFFF086;
	s6 =	sadd.s32 @!p0 s3, s7;
	s7 =	simm.s32 @!p0 $0x108  }
0x21: {  	s3 =	sadd.s32 s3, s9;
	s6 =	sadd.s32 @!p0 $0x88, s6;
	s7 =	simm.s32 @p2 $0x1082  }
0x22: {  	[simem:s7], [sflag:s8] =	dma.local @!p0 [hbm:s6], $0xF7A  }
0x23: {  	s9 =	sor.u32 $0xD0000000, s2;
	s6 =	simm.s32 $0x108;
	_ =	swait.ge @!p0 [sflag:s8], $0x0  }
0x24: {  	s3 =	sadd.s32 $0x88, s3;
	s6 =	simm.s32 @!p1 $0x1082;
	[sflag:s4] =	ssyncset.s32 $0xFFFFF086  }
0x25: {  	[simem:s6], [sflag:s4] =	dma.local [hbm:s3], $0xF7A  }
0x26: {  	[smem:$0x3F9B] =	sst s1;
	(tag) =	ssettag s2;
	_ =	strace s9  }
0x27: {  	s1 =	sld [smem:$0x3FAB]  }
0x28: {  	s2 =	sld [smem:$0x3FAC]  }
0x29: {  	s4 =	sld [smem:$0x3FAE]  }
0x2a: {  	p0 =	seq.s32 s5, $0x0;
	s5 =	sld [smem:$0x3FAF]  }
0x2b: {  	s6 =	sld [smem:$0x3FB0]  }
0x2c: {  	s7 =	sld [smem:$0x3FB1]  }
0x2d: {  	s3 =	simm.s32 $0x108;
	s8 =	sld [smem:$0x3FB2]  }
0x2e: {  	s3 =	simm.s32 @!p0 $0x1082;
	s9 =	sld [smem:$0x3FB3]  }
0x2f: {  	lr =	sadd.s32 s0, s3;
	s0 =	sld [smem:$0x3FAA]  }
0x30: {  	s3 =	sld [smem:$0x3FAD]  }
0x31: {  	[smem:$0x3FB6] =	sst s10  }
0x32: {  	s10 =	sld [smem:$0x3FB4];
	_ =	sdelay $0x3  }
0x33: {  	p0 =	seq.s32 s10, $0x1;
	s10 =	sld [smem:$0x3FB6];
	_ =	sdelay $0x3  }
0x34: {  	[smem:$0x3FB6] =	sst s10  }
0x35: {  	s10 =	sld [smem:$0x3FB5];
	_ =	sdelay $0x3  }
0x36: {  	p1 =	seq.s32 s10, $0x1;
	s10 =	sld [smem:$0x3FB6];
	_ =	sdelay $0x3  }
0x37: {  	[smem:$0x3FB6] =	sst s10  }
0x38: {  	s10 =	sld [smem:$0x3FB7]  }
0x39: {  	_ = 	snop;
	(pc) =	sbr.ind lr, $3  }
0x3a: {  	_ = 	snop  }
0x3b: {  	_ = 	snop  }
0x3c: {  	p2 =	seq.s32 s10, $0x1;
	s10 =	sld [smem:$0x3FB6]  }
0x3d: {  	_ =	shalt  }
0x3e: {  	_ =	shalt  }
0x3f: {  	_ =	shalt  }
0x40: {  	_ =	shalt  }
0x41: {  	_ =	shalt  }
0x42: {  	_ =	shalt  }
0x43: {  	_ =	shalt  }
0x44: {  	_ =	shalt  }
0x45: {  	_ =	shalt  }
0x46: {  	_ =	shalt  }
0x47: {  	_ =	shalt  }
0x48: {  	_ =	shalt  }
0x49: {  	_ =	shalt  }
0x4a: {  	_ =	shalt  }
0x4b: {  	_ =	shalt  }
0x4c: {  	_ =	shalt  }
0x4d: {  	_ =	shalt  }
0x4e: {  	_ =	shalt  }
0x4f: {  	_ =	shalt  }
0x50: {  	_ =	shalt  }
0x51: {  	_ =	shalt  }
0x52: {  	_ =	shalt  }
0x53: {  	_ =	shalt  }
0x54: {  	_ =	shalt  }
0x55: {  	_ =	shalt  }
0x56: {  	_ =	shalt  }
0x57: {  	_ =	shalt  }
0x58: {  	_ =	shalt  }
0x59: {  	_ =	shalt  }
0x5a: {  	_ =	shalt  }
0x5b: {  	_ =	shalt  }
0x5c: {  	_ =	shalt  }
0x5d: {  	_ =	shalt  }
0x5e: {  	_ =	shalt  }
0x5f: {  	_ =	shalt  }
0x60: {  	_ =	shalt  }
0x61: {  	_ =	shalt  }
0x62: {  	_ =	shalt  }
0x63: {  	_ =	shalt  }
0x64: {  	_ =	shalt  }
0x65: {  	_ =	shalt  }
0x66: {  	_ =	shalt  }
0x67: {  	_ =	shalt  }
0x68: {  	_ =	shalt  }
0x69: {  	_ =	shalt  }
0x6a: {  	_ =	shalt  }
0x6b: {  	_ =	shalt  }
0x6c: {  	_ =	shalt  }
0x6d: {  	_ =	shalt  }
0x6e: {  	_ =	shalt  }
0x6f: {  	_ =	shalt  }
0x70: {  	_ =	shalt  }
0x71: {  	_ =	shalt  }
0x72: {  	_ =	shalt  }
0x73: {  	_ =	shalt  }
0x74: {  	_ =	shalt  }
0x75: {  	_ =	shalt  }
0x76: {  	_ =	shalt  }
0x77: {  	_ =	shalt  }
0x78: {  	_ =	shalt  }
0x79: {  	_ =	shalt  }
0x7a: {  	_ =	shalt  }
0x7b: {  	_ =	shalt  }
0x7c: {  	_ =	shalt  }
0x7d: {  	_ =	shalt  }
0x7e: {  	_ =	shalt  }
0x7f: {  	_ =	shalt  }
0x80: {  	_ =	shalt  }
0x81: {  	_ =	shalt  }
0x82: {  	_ =	shalt  }
0x83: {  	_ =	shalt  }
0x84: {  	_ =	shalt  }
0x85: {  	_ =	shalt  }
0x86: {  	_ =	shalt  }
0x87: {  	_ =	shalt  }
.Lfunc_end0:
.L_simem_size_0:
called_computation.2_lowered:
.L_overlay_start_0:
0x88: {  	s2 =	sld [smem:$0x3FD9]  }
0x89: {  	s3 =	sld [smem:$0x3FFE];
	_ =	sdelay $0x1  }
0x8a: {  	s1 =	srdreg.scid  }
0x8b: {  	s0 =	sand.u32 $0x1, s1  }
0x8c: {  	s14 =	sshll.u32 s0, $0xA;
	s2 =	sadd.s32 s3, s2  }
0x8d: {  	s2 =	sadd.s32 s2, s14  }
0x8e: {  	[smem:$0x3FC2] =	sst s2  }
0x8f: {  	_ = 	snop  }
0x90: {  	s2 =	sld [smem:$0x3FD0];
	_ =	sdelay $0x2  }
0x91: {  	s15 =	simm.s32 $0xA;
	s4 =	simm.s32 $0x10  }
0x92: {  	[smem:s4], [sflag:s15] =	dma.local [hbm:s2], $0x1  }
0x93: {  	_ =	swait.eq [sflag:s15], $0x1  }
0x94: {  	[sflag:s15] =	ssyncset.done $0x0  }
0x95: {  	[sflag:s15] =	ssyncadd.s32 $0xFFFFFFFF  }
0x96: {  	s16 =	sld [smem:$0x10];
	(tm) =	ssettm $0x1  }
0x97: {  	s17 =	sld [smem:$0x3FFB];
	_ =	sdelay $0x3  }
0x98: {  	_ =	strace s17  }
0x99: {  	s3 =	sld [smem:$0x3FFC];
	_ =	sdelay $0x3  }
0x9a: {  	_ =	strace s3  }
0x9b: {  	s3 =	sld [smem:$0x3FFD];
	_ =	sdelay $0x3  }
0x9c: {  	_ =	strace s3  }
0x9d: {  	_ =	strace $0x8FFFFFFF  }
0x9e: {  	s18 =	sld [smem:$0x3FDB];
	_ =	sdelay $0x1  }
0x9f: {  	s19 =	simm.s32 $_scs_section_size  }
0xa0: {  	s5 =	simm.s32 $_size__tile_overlayer_lowered;
	s6 =	simm.s32 $_tile_overlayer_lowered  }
0xa1: {  	s22 =	simm.s32 $0x1BFF;
	s21 =	sshll.u32 s6, $0x1;
	s3 =	sadd.s32 s19, s18  }
0xa2: {  	s7 =	simm.s32 $0x0;
	s20 =	sshll.u32 s5, $0x1;
	s5 =	sadd.s32 s21, s3  }
0xa3: {  	[timem:s7], [sflag:s22] =	dma.local [hbm:s5], s20  }
0xa4: {  	_ =	swait.ge [sflag:s22], s20  }
0xa5: {  	s4 =	ssub.s32 $0x0, s20;
	[sflag:s22] =	ssyncset.done $0x0  }
0xa6: {  	[sflag:s22] =	ssyncadd.s32 s4;
	_ =	sdelay $0x1  }
0xa7: {  	s23 =	simm.s32 $0x1B8B  }
0xa8: {  	_ =	swait.ge [sflag:s23], $0x1  }
0xa9: {  	[sflag:s23] =	ssyncset.done $0x0  }
0xaa: {  	s25 =	simm.s32 $0x1B8E;
	s24 =	sld [smem:$0x3FFE];
	[sflag:s23] =	ssyncadd.s32 $0xFFFFFFFF  }
0xab: {  	s26 =	simm.s32 $execute0_lowered;
	[smem:$0x3FD2] =	sst s25  }
0xac: {  	s5 =	sshll.u32 s26, $0x1;
	_ =	strace $0x8000004C;
	[dreg:$0x1] =	wrdreg $0xFFFFFFFF  }
0xad: {  	s28 =	simm.s32 $_size_execute0_lowered;
	s3 =	sadd.s32 s3, s5;
	[dreg:$0x0] =	wrdreg $0x0  }
0xae: {  	s5 =	sshll.u32 s28, $0x1;
	[dreg:$0x2] =	wrdreg s3  }
0xaf: {  	[dreg:$0x3] =	wrdreg s5  }
0xb0: {  	[dreg:$0x4] =	wrdreg $0xC0  }
0xb1: {  	_ =	task [dreg:s7], $0x5FFFF  }
0xb2: {  	[dreg:$0x1] =	wrdreg $0xFFFFFFFF  }
0xb3: {  	[dreg:$0x0] =	wrdreg $0x60  }
0xb4: {  	[dreg:$0x2] =	wrdreg s16  }
0xb5: {  	[dreg:$0x3] =	wrdreg s24  }
0xb6: {  	[dreg:$0x4] =	wrdreg $0x90000  }
0xb7: {  	[dreg:$0x5] =	wrdreg $0x9  }
0xb8: {  	_ =	task.clear_ibuf [dreg:s7], $0x6FFFF;
	_ =	strace $0x9000004C  }
0xb9: {  	s29 =	simm.s32 $0x9;
	_ =	strace $0x8000004E  }
0xba: {  	_ =	swait.ge [sflag:s29], $0x1  }
0xbb: {  	[sflag:s29] =	ssyncadd.s32 $0xFFFFFFFF  }
0xbc: {  	_ =	strace $0x9000004E  }
0xbd: {  	_ =	sfence  }
0xbe: {  	s30 =	sld [smem:$0x0];
	_ =	sdelay $0x2  }
0xbf: {  	s31 =	sshll.u32 s1, $0xD;
	s1 =	sshrl.u32 s1, $0x2  }
0xc0: {  	s3 =	sand.u32 $0x4000, s31;
	s1 =	sadd.s32 s1, s30  }
0xc1: {  	s0 =	sor.u32 s3, s0;
	s1 =	sshll.u32 s1, $0x11  }
0xc2: {  	s0 =	sor.u32 s1, s0  }
0xc3: {  	s0 =	sadd.s32 $0x8F2B, s0  }
0xc4: {  	[sflag:s0] =	ssyncadd.remote.s32 $0x1  }
0xc5: {  	_ =	sfence.sel $0xFFFF  }
0xc6: {  	[dreg:$0x0] =	wrdreg $0xFFFFFFFF;
	(pc) =	sbr.abs _section_cstart, $3  }
0xc7: {  	[dreg:$0x1] =	wrdreg $0xFFFFFFFF  }
0xc8: {  	_ =	task.clear_ibuf [dreg:s7], $0x2FFFF;
	_ =	strace $0x9FFFFFFF  }
0xc9: {  	(tm) =	ssettm $0x7FFFFFFF  }
tec
execute0_lowered:
.L_overlay_start_1:
0x0: {  	(tag) =	ssettag $0x1  }
0x1: {  	s0 =	rddreg [dreg:$0x0]  }
0x2: {  	s1 =	srdreg.scid;
	s10 =	stileid.u32  }
0x3: {  	s2 =	rddreg [dreg:$0x1];
	s6 =	smul.u32 $0x2800, s10  }
0x4: {  	s3 =	rddreg [dreg:$0x2];
	s4 =	simm.s32 $0x0;
	s8 =	smul.u32 $0x50000, s10  }
0x5: {  	s15 =	simm.s32 $0x1000;
	s16 =	simm.s32 $0x5;
	s21 =	smul.u32 $0x500, s10  }
0x6: {  	s28 =	simm.s32 $0x200;
	s1 =	sand.u32 $0x1, s1;
	s25 =	smul.u32 $0x50, s10  }
0x7: {  	s29 =	simm.s32 $0x980;
	s30 =	simm.s32 $0x280;
	s5 =	smul.u32 $0x5000, s1  }
0x8: {  	s31 =	simm.s32 $0xA00;
	[smem:$0x7FF] =	sst s4;
	s7 =	smul.u32 $0x28000, s1  }
0x9: {  	_ =	strace $0x8000004D;
	s17 =	ssub.s32 $0x2, s1;
	s1 =	smul.u32 $0x500, s1  }
0xa: {  	s18 =	sshrl.u32 s17, $0x1;
	s8 =	sshrl.u32 s8, $0x2;
	s9 =	sadd.s32 s5, s2  }
0xb: {  	s6 =	sadd.s32 s6, s7;
	s19 =	ssub.s32 s17, s18;
	s5 =	sadd.s32 s8, s3  }
0xc: {  	s1 =	sadd.s32 s25, s1;
	s17 =	simm.s32 $0x800;
	s18 =	simm.s32 $0x80  }
0xd: {  	s25 =	simm.s32 $0x180;
	s7 =	simm.s32 $0xB00;
	s8 =	simm.s32 $0x0  }
0xe: {  	s2 =	sadd.s32 s6, s2;
	s20 =	smax.u32 s19, $0x1;
	[dreg:$0xa] =	wrdreg s1  }
0xf: {  	s22 =	sadd.s32 $0x4000, s5;
	s23 =	sadd.s32 $0x8000, s5;
	[dreg:$0x5] =	wrdreg s20  }
0x10: {  	s24 =	sadd.s32 $0xC000, s5;
	s26 =	sadd.s32 $0x10000, s5;
	[dreg:$0x6] =	wrdreg s22  }
0x11: {  	s19 =	simm.s32 $0x5000;
	s1 =	simm.s32 $0xA80;
	[dreg:$0x7] =	wrdreg s23  }
.Ltmp0:
0x12: {  	s2 =	sadd.s32 $0x17600, s2;
	[dreg:$0x8] =	wrdreg s24;
	(pc) =	sbr.rel .LBB2_1-.Ltmp0, $4  }
0x13: {  	[dreg:$0x9] =	wrdreg s26;
	s20 =	simm.s32 $0x1;
	s22 =	simm.s32 $0x2  }
0x14: {  	s23 =	simm.s32 $0x880;
	s24 =	simm.s32 $0x4;
	s26 =	simm.s32 $0x900  }
0x15: {  	[dreg:$0x4] =	wrdreg s2;
	s2 =	sadd.s32 s21, s9;
	s21 =	simm.s32 $0x3  }
0x16: {  	v0 =	vimm.f32 $0.0e+00;
	s12 =	sadd.s32 $0xD600, s2;
	s13 =	sadd.s32 $0x3600, s2;
	s2 =	simm.s32 $0x300  }
.LBB2_47:
0x17: {  	s6 =	stileid.u32  }
0x18: {  	[bflag:$0x0] =	sbarrier.arrive $0xFFFF;
	s6 =	sshll.u32 s6, $0x6  }
0x19: {  	s9 =	sshrl.u32 s5, $0x3;
	s10 =	rddreg [dreg:$0x4];
	s6 =	sor.u32 $0x1C05, s6  }
0x1a: {  	[hbm:s10], [sflag:s6] =	dma.local [spmem:s9], $0x2800  }
0x1b: {  	_ =	swait.ge [sflag:s16], $0x2800  }
0x1c: {  	s8 =	sadd.s32 $0x1, s8;
	s14 =	rddreg [dreg:$0x5]  }
0x1d: {  	p0 =	sne.s32 s8, s14  }
.Ltmp1:
0x1e: {  	_ = 	snop;
	(pc) =	sbr.rel @!p0 .LBB2_48-.Ltmp1, $3  }
0x1f: {  	_ =	sdelay $0x1  }
0x20: {  	[sflag:s16] =	ssyncset.done $0x0  }
0x21: {  	[sflag:s16] =	ssyncadd.s32 $0xFFFFD800  }
.LBB2_1:
0x22: {  	s11 =	simm.s32 $0x0;
	s14 =	simm.s32 $0x200  }
.LBB2_2:
0x23: {  	p0 =	sne.s32 s14, $0xFE00;
	[tilespmem:s11+$0x1070] =	vst v0  }
0x24: {  	[tilespmem:s11+$0x1000] =	vst v0  }
0x25: {  	[tilespmem:s11+$0x1010] =	vst v0  }
.Ltmp2:
0x26: {  	[tilespmem:s11+$0x1020] =	vst v0;
	(pc) =	sbr.rel @p0 .LBB2_2-.Ltmp2, $4  }
0x27: {  	[tilespmem:s11+$0x1030] =	vst v0  }
0x28: {  	[tilespmem:s11+$0x1040] =	vst v0  }
0x29: {  	[tilespmem:s11+$0x1050] =	vst v0  }
0x2a: {  	[tilespmem:s11+$0x1060] =	vst v0;
	s11 =	sshra.s32 s14, $0x2;
	s14 =	sadd.s32 $0x200, s14  }
0x2b: {  	[tilespmem:s11+$0x1070] =	vst v0  }
0x2c: {  	[tilespmem:s11+$0x1000] =	vst v0  }
0x2d: {  	[tilespmem:s11+$0x1010] =	vst v0  }
0x2e: {  	[tilespmem:s11+$0x1020] =	vst v0  }
0x2f: {  	[tilespmem:s11+$0x1030] =	vst v0  }
0x30: {  	[tilespmem:s11+$0x1040] =	vst v0  }
0x31: {  	[tilespmem:s11+$0x1050] =	vst v0  }
0x32: {  	[tilespmem:s11+$0x1060] =	vst v0  }
0x33: {  	[spmem:s5] =	stream.linear.scatter [tilespmem:s15], [sflag:$0x5], $0x4000, $0x38;
	[tilespmem:$0x1D000] =	vst v63  }
0x34: {  	_ =	swait.ge [sflag:s16], $0x4000  }
0x35: {  	[sflag:s16] =	ssyncset.done $0x0  }
0x36: {  	s6 =	rddreg [dreg:$0x6];
	[sflag:s16] =	ssyncadd.s32 $0xFFFFC000  }
0x37: {  	[spmem:s6] =	stream.linear.scatter [tilespmem:s15], [sflag:$0x5], $0x4000, $0x38;
	[tilespmem:$0x1D000] =	vst v63  }
0x38: {  	_ =	swait.ge [sflag:s16], $0x4000  }
0x39: {  	[sflag:s16] =	ssyncset.done $0x0  }
0x3a: {  	s10 =	rddreg [dreg:$0x7];
	[sflag:s16] =	ssyncadd.s32 $0xFFFFC000  }
0x3b: {  	[spmem:s10] =	stream.linear.scatter [tilespmem:s15], [sflag:$0x5], $0x4000, $0x38;
	[tilespmem:$0x1D000] =	vst v63  }
0x3c: {  	_ =	swait.ge [sflag:s16], $0x4000  }
0x3d: {  	[sflag:s16] =	ssyncset.done $0x0  }
0x3e: {  	s11 =	rddreg [dreg:$0x8];
	[sflag:s16] =	ssyncadd.s32 $0xFFFFC000  }
0x3f: {  	[spmem:s11] =	stream.linear.scatter [tilespmem:s15], [sflag:$0x5], $0x4000, $0x38;
	[tilespmem:$0x1D000] =	vst v63  }
0x40: {  	_ =	swait.ge [sflag:s16], $0x4000  }
0x41: {  	[sflag:s16] =	ssyncset.done $0x0  }
0x42: {  	s14 =	rddreg [dreg:$0x9];
	[sflag:s16] =	ssyncadd.s32 $0xFFFFC000  }
0x43: {  	[spmem:s14] =	stream.linear.scatter [tilespmem:s15], [sflag:$0x5], $0x4000, $0x38;
	[tilespmem:$0x1D000] =	vst v63  }
.Ltmp3:
0x44: {  	_ =	swait.ge [sflag:s16], $0x4000;
	(pc) =	sbr.rel .LBB2_4-.Ltmp3, $4  }
0x45: {  	[sflag:s16] =	ssyncset.done $0x0  }
0x46: {  	[sflag:s16] =	ssyncadd.s32 $0xFFFFC000  }
0x47: {  	[bflag:$0x0] =	sbarrier.arrive $0xFFFF  }
0x48: {  	s11 =	simm.s32 $0x0;
	s14 =	rddreg [dreg:$0xa]  }
.LBB2_42:
0x49: {  	s6 =	simm.s32 $0x780  }
0x4a: {  	[tilespmem:s19], [sflag:$0x2] =	stream.indirect.gather [hbm4b:s0+s18], $0x80, s6, s18, $0xb8;
	[tilespmem:$0x1D000] =	vst v63  }
0x4b: {  	_ =	swait.ge [sflag:s20], $0x4000  }
0x4c: {  	[sflag:s20] =	ssyncset.done $0x0  }
0x4d: {  	s9 =	simm.s32 $0xF00;
	[sflag:s20] =	ssyncadd.s32 $0xFFFFC000  }
0x4e: {  	[spmem:s3] =	stream.indirect.scatter.add.f32 [tilespmem:s15], [sflag:$0x3], $0x80, s9, s18, $0xb8;
	[tilespmem:$0x1D000] =	vst v63  }
0x4f: {  	_ =	swait.ge [sflag:s22], $0x4000  }
0x50: {  	[sflag:s22] =	ssyncset.done $0x0  }
0x51: {  	s10 =	simm.s32 $0xF80;
	[sflag:s22] =	ssyncadd.s32 $0xFFFFC000  }
0x52: {  	[spmem:s3] =	stream.indirect.scatter.add.f32 [tilespmem:s19], [sflag:$0x4], $0x80, s10, s18, $0xb8;
	[tilespmem:$0x1D000] =	vst v63  }
0x53: {  	_ =	swait.ge [sflag:s21], $0x4000  }
0x54: {  	[sflag:s21] =	ssyncset.done $0x0  }
0x55: {  	s10 =	simm.s32 $0x4;
	[sflag:s21] =	ssyncadd.s32 $0xFFFFC000  }
.LBB2_45:
0x56: {  	_ =	swait.ge [sflag:s10], $0x4000  }
0x57: {  	[sflag:s10] =	ssyncset.done $0x0  }
0x58: {  	[sflag:s10] =	ssyncadd.s32 $0xFFFFC000  }
.LBB2_46:
0x59: {  	s11 =	sadd.s32 $0x100, s11  }
0x5a: {  	p0 =	sne.s32 s11, $0x500  }
.Ltmp4:
0x5b: {  	_ = 	snop;
	(pc) =	sbr.rel @!p0 .LBB2_47-.Ltmp4, $2  }
0x5c: {  	_ =	sdelay $0x2  }
0x5d: {  	s14 =	sadd.s32 $0x10, s14  }
.LBB2_4:
0x5e: {  	p0 =	sgt.u32 s14, $0x9C3  }
.Ltmp5:
0x5f: {  	_ = 	snop;
	(pc) =	sbr.rel @p0 .LBB2_46-.Ltmp5, $1  }
0x60: {  	_ =	sdelay $0x3  }
0x61: {  	s10 =	sadd.s32 s11, s13  }
0x62: {  	[tilespmem:s4], [sflag:$0x5] =	stream.linear.gather [hbm4b:s10+s4], $0x800, $0x38;
	[tilespmem:$0x1D000] =	vst v63  }
0x63: {  	_ =	swait.ge [sflag:s16], $0x800  }
0x64: {  	[sflag:s16] =	ssyncset.done $0x0  }
0x65: {  	s9 =	sadd.s32 s11, s12;
	[sflag:s16] =	ssyncadd.s32 $0xFFFFF800  }
0x66: {  	[tilespmem:s17], [sflag:$0x5] =	stream.linear.gather [hbm4b:s9+s4], $0x800, $0x38;
	[tilespmem:$0x1D000] =	vst v63  }
0x67: {  	_ =	swait.ge [sflag:s16], $0x800  }
0x68: {  	[sflag:s16] =	ssyncset.done $0x0  }
0x69: {  	[sflag:s16] =	ssyncadd.s32 $0xFFFFF800  }
0x6a: {  	[tilespmem:s15], [sflag:$0x1] =	stream.indirect.gather [hbm4b:s0+s18], $0x80, s4, s18, $0xb8;
	[tilespmem:$0x1D000] =	vst v63  }
0x6b: {  	_ = 	snop  }
0x6c: {  	[tilespmem:s19], [sflag:$0x2] =	stream.indirect.gather [hbm4b:s0+s18], $0x80, s18, s18, $0xb8;
	[tilespmem:$0x1D000] =	vst v63  }
0x6d: {  	_ =	swait.ge [sflag:s20], $0x4000  }
0x6e: {  	[sflag:s20] =	ssyncset.done $0x0  }
0x6f: {  	[sflag:s20] =	ssyncadd.s32 $0xFFFFC000  }
0x70: {  	[spmem:s3] =	stream.indirect.scatter.add.f32 [tilespmem:s15], [sflag:$0x3], $0x80, s17, s18, $0xb8;
	[tilespmem:$0x1D000] =	vst v63  }
0x71: {  	p1 =	sgt.u32 s14, $0x9C1;
	_ =	swait.ge [sflag:s21], $0x4000  }
0x72: {  	s10 =	simm.s32 @!p1 $0x80;
	[sflag:s21] =	ssyncset.done $0x0  }
0x73: {  	s6 =	simm.s32 @!p1 $0x100;
	s9 =	simm.s32 @!p1 $0x1000;
	[sflag:s21] =	ssyncadd.s32 $0xFFFFC000  }
0x74: {  	[tilespmem:s9], [sflag:$0x1] =	stream.indirect.gather @!p1 [hbm4b:s0+s10], $0x80, s6, s10, $0xb8;
	[tilespmem:$0x1D000] =	vst v63  }
0x75: {  	_ =	swait.ge [sflag:s22], $0x4000  }
0x76: {  	p0 =	sgt.u32 s14, $0x9C0;
	[sflag:s22] =	ssyncset.done $0x0  }
.Ltmp6:
0x77: {  	[sflag:s22] =	ssyncadd.s32 $0xFFFFC000;
	(pc) =	sbr.rel @p0 .LBB2_7-.Ltmp6, $4  }
0x78: {  	[spmem:s3] =	stream.indirect.scatter.add.f32 [tilespmem:s19], [sflag:$0x4], $0x80, s23, s18, $0xb8;
	[tilespmem:$0x1D000] =	vst v63  }
0x79: {  	_ =	swait.ge [sflag:s24], $0x4000  }
0x7a: {  	[sflag:s24] =	ssyncset.done $0x0  }
0x7b: {  	[sflag:s24] =	ssyncadd.s32 $0xFFFFC000  }
.Ltmp7:
0x7c: {  	(pc) =	sbr.rel .LBB2_8-.Ltmp7, $2  }
0x7d: {  	_ =	sdelay $0x2  }
0x7e: {  	[tilespmem:s19], [sflag:$0x2] =	stream.indirect.gather [hbm4b:s0+s18], $0x80, s25, s18, $0xb8;
	[tilespmem:$0x1D000] =	vst v63  }
.LBB2_7:
.Ltmp8:
0x7f: {  	(pc) =	sbr.rel @p1 .LBB2_46-.Ltmp8, $1  }
0x80: {  	_ =	sdelay $0x3  }
.LBB2_8:
0x81: {  	_ =	swait.ge [sflag:s20], $0x4000  }
0x82: {  	p1 =	sgt.u32 s14, $0x9BF;
	[sflag:s20] =	ssyncset.done $0x0  }
.Ltmp9:
0x83: {  	[sflag:s20] =	ssyncadd.s32 $0xFFFFC000;
	(pc) =	sbr.rel @p1 .LBB2_10-.Ltmp9, $4  }
0x84: {  	[spmem:s3] =	stream.indirect.scatter.add.f32 [tilespmem:s15], [sflag:$0x3], $0x80, s26, s18, $0xb8;
	[tilespmem:$0x1D000] =	vst v63  }
0x85: {  	_ =	swait.ge [sflag:s21], $0x4000  }
0x86: {  	[sflag:s21] =	ssyncset.done $0x0  }
0x87: {  	[sflag:s21] =	ssyncadd.s32 $0xFFFFC000  }
.Ltmp10:
0x88: {  	(pc) =	sbr.rel .LBB2_11-.Ltmp10, $2  }
0x89: {  	_ =	sdelay $0x2  }
0x8a: {  	[tilespmem:s15], [sflag:$0x1] =	stream.indirect.gather [hbm4b:s0+s18], $0x80, s28, s18, $0xb8;
	[tilespmem:$0x1D000] =	vst v63  }
.LBB2_10:
.Ltmp11:
0x8b: {  	(pc) =	sbr.rel @p0 .LBB2_46-.Ltmp11, $1  }
0x8c: {  	_ =	sdelay $0x3  }
.LBB2_11:
0x8d: {  	_ =	swait.ge [sflag:s22], $0x4000  }
0x8e: {  	p0 =	sgt.u32 s14, $0x9BE;
	[sflag:s22] =	ssyncset.done $0x0  }
.Ltmp12:
0x8f: {  	[sflag:s22] =	ssyncadd.s32 $0xFFFFC000;
	(pc) =	sbr.rel @p0 .LBB2_13-.Ltmp12, $4  }
0x90: {  	[spmem:s3] =	stream.indirect.scatter.add.f32 [tilespmem:s19], [sflag:$0x4], $0x80, s29, s18, $0xb8;
	[tilespmem:$0x1D000] =	vst v63  }
0x91: {  	_ =	swait.ge [sflag:s24], $0x4000  }
0x92: {  	[sflag:s24] =	ssyncset.done $0x0  }
0x93: {  	[sflag:s24] =	ssyncadd.s32 $0xFFFFC000  }
.Ltmp13:
0x94: {  	(pc) =	sbr.rel .LBB2_14-.Ltmp13, $2  }
0x95: {  	_ =	sdelay $0x2  }
0x96: {  	[tilespmem:s19], [sflag:$0x2] =	stream.indirect.gather [hbm4b:s0+s18], $0x80, s30, s18, $0xb8;
	[tilespmem:$0x1D000] =	vst v63  }
.LBB2_13:
.Ltmp14:
0x97: {  	(pc) =	sbr.rel @p1 .LBB2_46-.Ltmp14, $1  }
0x98: {  	_ =	sdelay $0x3  }
.LBB2_14:
0x99: {  	_ =	swait.ge [sflag:s20], $0x4000  }
0x9a: {  	p1 =	sgt.u32 s14, $0x9BD;
	[sflag:s20] =	ssyncset.done $0x0  }
.Ltmp15:
0x9b: {  	[sflag:s20] =	ssyncadd.s32 $0xFFFFC000;
	(pc) =	sbr.rel @p1 .LBB2_16-.Ltmp15, $4  }
0x9c: {  	[spmem:s3] =	stream.indirect.scatter.add.f32 [tilespmem:s15], [sflag:$0x3], $0x80, s31, s18, $0xb8;
	[tilespmem:$0x1D000] =	vst v63  }
0x9d: {  	_ =	swait.ge [sflag:s21], $0x4000  }
0x9e: {  	[sflag:s21] =	ssyncset.done $0x0  }
0x9f: {  	[sflag:s21] =	ssyncadd.s32 $0xFFFFC000  }
.Ltmp16:
0xa0: {  	(pc) =	sbr.rel .LBB2_17-.Ltmp16, $2  }
0xa1: {  	_ =	sdelay $0x2  }
0xa2: {  	[tilespmem:s15], [sflag:$0x1] =	stream.indirect.gather [hbm4b:s0+s18], $0x80, s2, s18, $0xb8;
	[tilespmem:$0x1D000] =	vst v63  }
.LBB2_16:
.Ltmp17:
0xa3: {  	(pc) =	sbr.rel @p0 .LBB2_46-.Ltmp17, $1  }
0xa4: {  	_ =	sdelay $0x3  }
.LBB2_17:
0xa5: {  	_ =	swait.ge [sflag:s22], $0x4000  }
0xa6: {  	p0 =	sgt.u32 s14, $0x9BC;
	[sflag:s22] =	ssyncset.done $0x0  }
.Ltmp18:
0xa7: {  	[sflag:s22] =	ssyncadd.s32 $0xFFFFC000;
	(pc) =	sbr.rel @p0 .LBB2_19-.Ltmp18, $4  }
0xa8: {  	[spmem:s3] =	stream.indirect.scatter.add.f32 [tilespmem:s19], [sflag:$0x4], $0x80, s1, s18, $0xb8;
	[tilespmem:$0x1D000] =	vst v63  }
0xa9: {  	_ =	swait.ge [sflag:s24], $0x4000  }
0xaa: {  	[sflag:s24] =	ssyncset.done $0x0  }
0xab: {  	[sflag:s24] =	ssyncadd.s32 $0xFFFFC000  }
.Ltmp19:
0xac: {  	(pc) =	sbr.rel .LBB2_20-.Ltmp19, $3  }
0xad: {  	_ =	sdelay $0x1  }
0xae: {  	s6 =	simm.s32 $0x380  }
0xaf: {  	[tilespmem:s19], [sflag:$0x2] =	stream.indirect.gather [hbm4b:s0+s18], $0x80, s6, s18, $0xb8;
	[tilespmem:$0x1D000] =	vst v63  }
.LBB2_19:
.Ltmp20:
0xb0: {  	(pc) =	sbr.rel @p1 .LBB2_46-.Ltmp20, $1  }
0xb1: {  	_ =	sdelay $0x3  }
.LBB2_20:
0xb2: {  	_ =	swait.ge [sflag:s20], $0x4000  }
0xb3: {  	p1 =	sgt.u32 s14, $0x9BB;
	[sflag:s20] =	ssyncset.done $0x0  }
.Ltmp21:
0xb4: {  	[sflag:s20] =	ssyncadd.s32 $0xFFFFC000;
	(pc) =	sbr.rel @p1 .LBB2_22-.Ltmp21, $4  }
0xb5: {  	[spmem:s3] =	stream.indirect.scatter.add.f32 [tilespmem:s15], [sflag:$0x3], $0x80, s7, s18, $0xb8;
	[tilespmem:$0x1D000] =	vst v63  }
0xb6: {  	_ =	swait.ge [sflag:s21], $0x4000  }
0xb7: {  	[sflag:s21] =	ssyncset.done $0x0  }
0xb8: {  	[sflag:s21] =	ssyncadd.s32 $0xFFFFC000  }
.Ltmp22:
0xb9: {  	(pc) =	sbr.rel .LBB2_23-.Ltmp22, $3  }
0xba: {  	_ =	sdelay $0x1  }
0xbb: {  	s6 =	simm.s32 $0x400  }
0xbc: {  	[tilespmem:s15], [sflag:$0x1] =	stream.indirect.gather [hbm4b:s0+s18], $0x80, s6, s18, $0xb8;
	[tilespmem:$0x1D000] =	vst v63  }
.LBB2_22:
.Ltmp23:
0xbd: {  	(pc) =	sbr.rel @p0 .LBB2_46-.Ltmp23, $1  }
0xbe: {  	_ =	sdelay $0x3  }
.LBB2_23:
0xbf: {  	_ =	swait.ge [sflag:s22], $0x4000  }
0xc0: {  	p0 =	sgt.u32 s14, $0x9BA;
	[sflag:s22] =	ssyncset.done $0x0  }
.Ltmp24:
0xc1: {  	s6 =	simm.s32 $0xB80;
	[sflag:s22] =	ssyncadd.s32 $0xFFFFC000;
	(pc) =	sbr.rel @p0 .LBB2_25-.Ltmp24, $4  }
0xc2: {  	[spmem:s3] =	stream.indirect.scatter.add.f32 [tilespmem:s19], [sflag:$0x4], $0x80, s6, s18, $0xb8;
	[tilespmem:$0x1D000] =	vst v63  }
0xc3: {  	_ =	swait.ge [sflag:s24], $0x4000  }
0xc4: {  	[sflag:s24] =	ssyncset.done $0x0  }
0xc5: {  	[sflag:s24] =	ssyncadd.s32 $0xFFFFC000  }
.Ltmp25:
0xc6: {  	(pc) =	sbr.rel .LBB2_26-.Ltmp25, $3  }
0xc7: {  	_ =	sdelay $0x1  }
0xc8: {  	s6 =	simm.s32 $0x480  }
0xc9: {  	[tilespmem:s19], [sflag:$0x2] =	stream.indirect.gather [hbm4b:s0+s18], $0x80, s6, s18, $0xb8;
	[tilespmem:$0x1D000] =	vst v63  }
.LBB2_25:
.Ltmp26:
0xca: {  	(pc) =	sbr.rel @p1 .LBB2_46-.Ltmp26, $1  }
0xcb: {  	_ =	sdelay $0x3  }
.LBB2_26:
0xcc: {  	_ =	swait.ge [sflag:s20], $0x4000  }
0xcd: {  	p1 =	sgt.u32 s14, $0x9B9;
	[sflag:s20] =	ssyncset.done $0x0  }
.Ltmp27:
0xce: {  	s6 =	simm.s32 $0xC00;
	[sflag:s20] =	ssyncadd.s32 $0xFFFFC000;
	(pc) =	sbr.rel @p1 .LBB2_28-.Ltmp27, $4  }
0xcf: {  	[spmem:s3] =	stream.indirect.scatter.add.f32 [tilespmem:s15], [sflag:$0x3], $0x80, s6, s18, $0xb8;
	[tilespmem:$0x1D000] =	vst v63  }
0xd0: {  	_ =	swait.ge [sflag:s21], $0x4000  }
0xd1: {  	[sflag:s21] =	ssyncset.done $0x0  }
0xd2: {  	[sflag:s21] =	ssyncadd.s32 $0xFFFFC000  }
.Ltmp28:
0xd3: {  	(pc) =	sbr.rel .LBB2_29-.Ltmp28, $3  }
0xd4: {  	_ =	sdelay $0x1  }
0xd5: {  	s6 =	simm.s32 $0x500  }
0xd6: {  	[tilespmem:s15], [sflag:$0x1] =	stream.indirect.gather [hbm4b:s0+s18], $0x80, s6, s18, $0xb8;
	[tilespmem:$0x1D000] =	vst v63  }
.LBB2_28:
.Ltmp29:
0xd7: {  	(pc) =	sbr.rel @p0 .LBB2_46-.Ltmp29, $1  }
0xd8: {  	_ =	sdelay $0x3  }
.LBB2_29:
0xd9: {  	_ =	swait.ge [sflag:s22], $0x4000  }
0xda: {  	p0 =	sgt.u32 s14, $0x9B8;
	[sflag:s22] =	ssyncset.done $0x0  }
.Ltmp30:
0xdb: {  	s6 =	simm.s32 $0xC80;
	[sflag:s22] =	ssyncadd.s32 $0xFFFFC000;
	(pc) =	sbr.rel @p0 .LBB2_31-.Ltmp30, $4  }
0xdc: {  	[spmem:s3] =	stream.indirect.scatter.add.f32 [tilespmem:s19], [sflag:$0x4], $0x80, s6, s18, $0xb8;
	[tilespmem:$0x1D000] =	vst v63  }
0xdd: {  	_ =	swait.ge [sflag:s24], $0x4000  }
0xde: {  	[sflag:s24] =	ssyncset.done $0x0  }
0xdf: {  	[sflag:s24] =	ssyncadd.s32 $0xFFFFC000  }
.Ltmp31:
0xe0: {  	(pc) =	sbr.rel .LBB2_32-.Ltmp31, $3  }
0xe1: {  	_ =	sdelay $0x1  }
0xe2: {  	s6 =	simm.s32 $0x580  }
0xe3: {  	[tilespmem:s19], [sflag:$0x2] =	stream.indirect.gather [hbm4b:s0+s18], $0x80, s6, s18, $0xb8;
	[tilespmem:$0x1D000] =	vst v63  }
.LBB2_31:
.Ltmp32:
0xe4: {  	(pc) =	sbr.rel @p1 .LBB2_46-.Ltmp32, $1  }
0xe5: {  	_ =	sdelay $0x3  }
.LBB2_32:
0xe6: {  	_ =	swait.ge [sflag:s20], $0x4000  }
0xe7: {  	p1 =	sgt.u32 s14, $0x9B7;
	[sflag:s20] =	ssyncset.done $0x0  }
.Ltmp33:
0xe8: {  	s6 =	simm.s32 $0xD00;
	[sflag:s20] =	ssyncadd.s32 $0xFFFFC000;
	(pc) =	sbr.rel @p1 .LBB2_34-.Ltmp33, $4  }
0xe9: {  	[spmem:s3] =	stream.indirect.scatter.add.f32 [tilespmem:s15], [sflag:$0x3], $0x80, s6, s18, $0xb8;
	[tilespmem:$0x1D000] =	vst v63  }
0xea: {  	_ =	swait.ge [sflag:s21], $0x4000  }
0xeb: {  	[sflag:s21] =	ssyncset.done $0x0  }
0xec: {  	[sflag:s21] =	ssyncadd.s32 $0xFFFFC000  }
.Ltmp34:
0xed: {  	(pc) =	sbr.rel .LBB2_35-.Ltmp34, $3  }
0xee: {  	_ =	sdelay $0x1  }
0xef: {  	s6 =	simm.s32 $0x600  }
0xf0: {  	[tilespmem:s15], [sflag:$0x1] =	stream.indirect.gather [hbm4b:s0+s18], $0x80, s6, s18, $0xb8;
	[tilespmem:$0x1D000] =	vst v63  }
.LBB2_34:
.Ltmp35:
0xf1: {  	(pc) =	sbr.rel @p0 .LBB2_46-.Ltmp35, $1  }
0xf2: {  	_ =	sdelay $0x3  }
.LBB2_35:
0xf3: {  	_ =	swait.ge [sflag:s22], $0x4000  }
0xf4: {  	p0 =	sgt.u32 s14, $0x9B6;
	[sflag:s22] =	ssyncset.done $0x0  }
.Ltmp36:
0xf5: {  	s6 =	simm.s32 $0xD80;
	[sflag:s22] =	ssyncadd.s32 $0xFFFFC000;
	(pc) =	sbr.rel @p0 .LBB2_37-.Ltmp36, $4  }
0xf6: {  	[spmem:s3] =	stream.indirect.scatter.add.f32 [tilespmem:s19], [sflag:$0x4], $0x80, s6, s18, $0xb8;
	[tilespmem:$0x1D000] =	vst v63  }
0xf7: {  	_ =	swait.ge [sflag:s24], $0x4000  }
0xf8: {  	[sflag:s24] =	ssyncset.done $0x0  }
0xf9: {  	[sflag:s24] =	ssyncadd.s32 $0xFFFFC000  }
.Ltmp37:
0xfa: {  	(pc) =	sbr.rel .LBB2_38-.Ltmp37, $3  }
0xfb: {  	_ =	sdelay $0x1  }
0xfc: {  	s6 =	simm.s32 $0x680  }
0xfd: {  	[tilespmem:s19], [sflag:$0x2] =	stream.indirect.gather [hbm4b:s0+s18], $0x80, s6, s18, $0xb8;
	[tilespmem:$0x1D000] =	vst v63  }
.LBB2_37:
.Ltmp38:
0xfe: {  	(pc) =	sbr.rel @p1 .LBB2_46-.Ltmp38, $1  }
0xff: {  	_ =	sdelay $0x3  }
.LBB2_38:
0x100: {  	_ =	swait.ge [sflag:s20], $0x4000  }
0x101: {  	p1 =	sgt.u32 s14, $0x9B5;
	[sflag:s20] =	ssyncset.done $0x0  }
.Ltmp39:
0x102: {  	s6 =	simm.s32 $0xE00;
	[sflag:s20] =	ssyncadd.s32 $0xFFFFC000;
	(pc) =	sbr.rel @p1 .LBB2_40-.Ltmp39, $4  }
0x103: {  	[spmem:s3] =	stream.indirect.scatter.add.f32 [tilespmem:s15], [sflag:$0x3], $0x80, s6, s18, $0xb8;
	[tilespmem:$0x1D000] =	vst v63  }
0x104: {  	_ =	swait.ge [sflag:s21], $0x4000  }
0x105: {  	[sflag:s21] =	ssyncset.done $0x0  }
0x106: {  	[sflag:s21] =	ssyncadd.s32 $0xFFFFC000  }
.Ltmp40:
0x107: {  	(pc) =	sbr.rel .LBB2_41-.Ltmp40, $3  }
0x108: {  	_ =	sdelay $0x1  }
0x109: {  	s6 =	simm.s32 $0x700  }
0x10a: {  	[tilespmem:s15], [sflag:$0x1] =	stream.indirect.gather [hbm4b:s0+s18], $0x80, s6, s18, $0xb8;
	[tilespmem:$0x1D000] =	vst v63  }
.LBB2_40:
.Ltmp41:
0x10b: {  	(pc) =	sbr.rel @p0 .LBB2_46-.Ltmp41, $1  }
0x10c: {  	_ =	sdelay $0x3  }
.LBB2_41:
0x10d: {  	_ =	swait.ge [sflag:s22], $0x4000  }
0x10e: {  	p0 =	sgt.u32 s14, $0x9B4;
	[sflag:s22] =	ssyncset.done $0x0  }
.Ltmp42:
0x10f: {  	s6 =	simm.s32 $0xE80;
	[sflag:s22] =	ssyncadd.s32 $0xFFFFC000;
	(pc) =	sbr.rel @!p0 .LBB2_42-.Ltmp42, $4  }
0x110: {  	[spmem:s3] =	stream.indirect.scatter.add.f32 [tilespmem:s19], [sflag:$0x4], $0x80, s6, s18, $0xb8;
	[tilespmem:$0x1D000] =	vst v63  }
0x111: {  	_ =	swait.ge [sflag:s24], $0x4000  }
0x112: {  	[sflag:s24] =	ssyncset.done $0x0  }
0x113: {  	[sflag:s24] =	ssyncadd.s32 $0xFFFFC000  }
.Ltmp43:
0x114: {  	(pc) =	sbr.rel @p1 .LBB2_46-.Ltmp43, $1  }
0x115: {  	_ =	sdelay $0x3  }
.Ltmp44:
0x116: {  	(pc) =	sbr.rel .LBB2_45-.Ltmp44, $4  }
0x117: {  	_ =	swait.ge [sflag:s20], $0x4000  }
0x118: {  	[sflag:s20] =	ssyncset.done $0x0  }
0x119: {  	s6 =	simm.s32 $0xF00;
	s10 =	simm.s32 $0x3;
	[sflag:s20] =	ssyncadd.s32 $0xFFFFC000  }
0x11a: {  	[spmem:s3] =	stream.indirect.scatter.add.f32 [tilespmem:s15], [sflag:$0x3], $0x80, s6, s18, $0xb8;
	[tilespmem:$0x1D000] =	vst v63  }
.LBB2_48:
0x11b: {  	_ =	sfence.sel $0x180000  }
0x11c: {  	[bflag:$0x0] =	sbarrier.arrive $0xFFFF  }
0x11d: {  	_ =	strace $0x9000004D  }
0x11e: {  	s0 =	stileid.u32;
	[bflag:$0x2] =	sbarrier.arrive $0xFFFF  }
0x11f: {  	p0 =	sne.s32 s0, $0x0;
	s0 =	rddreg [dreg:$0x3]  }
0x120: {  	s0 =	sadd.s32 @!p0 $0x100000, s0  }
0x121: {  	[sflag:s0] =	ssyncadd.tile.s32 @!p0 $0x1;
	_ =	shalt  }
.Lfunc_end2:
_tile_overlayer_lowered:
.L_overlay_start_2:
0x122: {  	(tag) =	ssettag $0x2  }
0x123: {  	s0 =	rddreg [dreg:$0x0];
	s2 =	stileid.u32  }
0x124: {  	s1 =	rddreg [dreg:$0x1];
	p0 =	sne.s32 s2, $0x0  }
0x125: {  	s3 =	rddreg [dreg:$0x2];
	[bflag:$0x3] =	sbarrier.arrive $0xFFFF;
	s2 =	simm.s32 @!p0 $0x1C05  }
0x126: {  	[timem:s3], [sflag:s2] =	dma.local @!p0 [hbm:s0], s1  }
0x127: {  	s0 =	simm.s32 @!p0 $0x5  }
0x128: {  	_ =	swait.ge @!p0 [sflag:s0], s1  }
0x129: {  	s1 =	ssub.s32 @!p0 $0x0, s1;
	[sflag:s0] =	ssyncset.done @!p0 $0x0  }
0x12a: {  	[sflag:s0] =	ssyncadd.s32 @!p0 s1  }
0x12b: {  	[bflag:$0x3] =	sbarrier.arrive $0xFFFF  }
0x12c: {  	_ =	shalt  }

</sc_bundles>
